<compile_context>
chip_gen: v7x
topology: tpu7x:2x2x1
jax: 0.10.2.dev20260603
libtpu: 0.0.44.dev20260713+nightly
codegen_flags: <defaults>
</compile_context>

<pallas_src>
import jax
import jax.numpy as jnp
from jax import lax
from jax.experimental import pallas as pl
from jax.experimental.pallas import tpu as pltpu
from jax.experimental.pallas import tpu_sc as plsc

_BINS = 2048
_NC = 2
_NS = 16
_NW = _NC * _NS
_L = 16
_CHUNK = 32768
_U = 8
_STRIDE = _BINS + 2


def _mesh():
    return plsc.VectorSubcoreMesh(core_axis_name="c", subcore_axis_name="s",
                                  num_cores=_NC, num_subcores=_NS)


def _tc_minmax_body(x_ref, mn_ref, mx_ref, acc):
    i = pl.program_id(0)
    blk = x_ref[...]
    bmn = jnp.min(blk)
    bmx = jnp.max(blk)

    @pl.when(i == 0)
    def _():
        acc[0] = bmn
        acc[1] = bmx

    @pl.when(i > 0)
    def _():
        acc[0] = jnp.minimum(acc[0], bmn)
        acc[1] = jnp.maximum(acc[1], bmx)

    @pl.when(i == pl.num_programs(0) - 1)
    def _():
        mn_ref[...] = jnp.full((8, 128), acc[0], jnp.float32)
        mx_ref[...] = jnp.full((8, 128), acc[1], jnp.float32)


def _tc_minmax(x2d):
    nrows = x2d.shape[0]
    br = 512
    f = pl.pallas_call(
        _tc_minmax_body,
        grid=(nrows // br,),
        in_specs=[pl.BlockSpec((br, 2048), lambda i: (i, 0))],
        out_specs=[pl.BlockSpec((8, 128), lambda i: (0, 0)),
                   pl.BlockSpec((8, 128), lambda i: (0, 0))],
        out_shape=(jax.ShapeDtypeStruct((8, 128), jnp.float32),
                   jax.ShapeDtypeStruct((8, 128), jnp.float32)),
        scratch_shapes=[pltpu.SMEM((2,), jnp.float32)],
        compiler_params=pltpu.CompilerParams(
            dimension_semantics=("arbitrary",)),
    )
    return f(x2d)


def _hist_body(x_hbm, pmn_hbm, pmx_hbm, xout_hbm, phist_hbm,
               buf0, buf1, mn_v, mx_v, hist, out_slot,
               lsem0, lsem1, ssem0, ssem1):
    wid = lax.axis_index("c") * _NS + lax.axis_index("s")
    nrows = x_hbm.shape[0]
    rows_w = nrows // _NW
    rows_c = _CHUNK // 2048
    base = wid * rows_w
    n_chunks = rows_w // rows_c
    lsem = (lsem0, lsem1)
    ssem = (ssem0, ssem1)
    bufs = (buf0, buf1)

    def load(ci, s):
        sl = pl.ds(base + ci * rows_c, rows_c)
        return pltpu.make_async_copy(x_hbm.at[sl, :], bufs[s], lsem[s])

    def store(ci, s):
        sl = pl.ds(base + ci * rows_c, rows_c)
        return pltpu.make_async_copy(bufs[s], xout_hbm.at[sl, :], ssem[s])

    load(0, 0).start()

    pltpu.sync_copy(pmn_hbm, mn_v)
    pltpu.sync_copy(pmx_hbm, mx_v)
    xmin = mn_v[0, pl.ds(0, _L)][0]
    xmax = mx_v[0, pl.ds(0, _L)][0]
    rng = jnp.where(xmax > xmin, xmax - xmin, jnp.float32(1.0))
    rngv = jnp.full((_L,), 1.0, jnp.float32) * rng
    scale = jnp.full((_L,), float(_BINS), jnp.float32) / rngv
    noff = -(xmin * scale)

    def zstep(i, _):
        hist[pl.ds(i * _L, _L)] = jnp.zeros((_L,), jnp.float32)
        return 0

    lax.fori_loop(0, _L * _STRIDE // _L, zstep, 0)

    ones = jnp.ones((_L,), jnp.float32)
    lane_base = lax.broadcasted_iota(jnp.int32, (_L,), 0) * _STRIDE + 1

    for ci in range(n_chunks):
        s = ci & 1
        load(ci, s).wait()
        store(ci, s).start()
        if ci + 1 < n_chunks:
            if ci >= 1:
                store(ci - 1, 1 - s).wait()
            load(ci + 1, 1 - s).start()

        @plsc.parallel_loop(0, _CHUNK // _L, 1, unroll=_U)
        def _sc(i):
            v = bufs[s][i >> 7, pl.ds((i & 127) * _L, _L)]
            t = v * scale + noff
            idx = t.astype(jnp.int32) + lane_base
            plsc.addupdate_scatter(hist, [idx], ones)

    rowv = lax.broadcasted_iota(jnp.int32, (_L,), 0) * _STRIDE
    gv = plsc.load_gather(hist, [rowv])
    plsc.addupdate_scatter(hist, [rowv + 1], gv)
    ov = plsc.load_gather(hist, [rowv + _BINS + 1])
    plsc.addupdate_scatter(hist, [rowv + _BINS], ov)

    def rstep(k, _):
        acc = hist[pl.ds(1 + k * _L, _L)]
        for l in range(1, _L):
            acc = acc + hist[pl.ds(l * _STRIDE + 1 + k * _L, _L)]
        out_slot[pl.ds(k * _L, _L)] = acc
        return 0

    store(n_chunks - 1, (n_chunks - 1) & 1).wait()
    store(n_chunks - 2, (n_chunks - 2) & 1).wait()
    lax.fori_loop(0, _BINS // _L, rstep, 0)
    pltpu.sync_copy(out_slot, phist_hbm.at[wid])


def _sc_hist(x_flat, pmn, pmx):
    f = pl.kernel(
        _hist_body,
        out_type=(jax.ShapeDtypeStruct(x_flat.shape, jnp.float32),
                  jax.ShapeDtypeStruct((_NW, _BINS), jnp.float32)),
        mesh=_mesh(),
        scratch_types=[pltpu.VMEM((_CHUNK // 2048, 2048), jnp.float32),
                       pltpu.VMEM((_CHUNK // 2048, 2048), jnp.float32),
                       pltpu.VMEM((8, 128), jnp.float32),
                       pltpu.VMEM((8, 128), jnp.float32),
                       pltpu.VMEM((_L * _STRIDE,), jnp.float32),
                       pltpu.VMEM((_BINS,), jnp.float32),
                       pltpu.SemaphoreType.DMA,
                       pltpu.SemaphoreType.DMA,
                       pltpu.SemaphoreType.DMA,
                       pltpu.SemaphoreType.DMA],
        compiler_params=pltpu.CompilerParams(needs_layout_passes=False, use_tc_tiling_on_sc=True),
    )
    return f(x_flat, pmn, pmx)


def kernel(x):
    x_flat = x.reshape(-1, x.shape[-1])
    pmn, pmx = _tc_minmax(x_flat)
    x_out, phist = _sc_hist(x_flat, pmn, pmx)
    hist = jnp.sum(phist, axis=0)
    return (x_out.reshape(x.shape), pmn[0, 0], pmx[0, 0], hist)

# --- scband reference (transcript-rebuilt; emitter-appended) ---
"""Pipeline reference for scband-histogram-observer-59931973648525 (READ-ONLY COPY).

The authoritative reference and input builder live on the scoring server;
editing this copy changes nothing except your own understanding.
"""

import jax, jax.numpy as jnp
import numpy as np

BINS = 2048

def setup_inputs(seed: int = 0) -> dict:
    key = jax.random.key(seed)
    x = jax.random.normal(key, (2, 8192, 2048), dtype=jnp.float32)
    return {"x": x}

def reference(x):
    # HistogramObserver.forward, first-call (uninitialized buffers) path:
    #   x_min, x_max = torch.aminmax(x)
    #   self.min_val <- x_min; self.max_val <- x_max
    #   torch.histc(x, self.bins, min=x_min, max=x_max, out=self.histogram)
    #   return x_orig
    # torch.histc semantics: `bins` evenly spaced buckets over [min, max],
    # values equal to max land in the last bucket. Since min/max are the
    # global extrema of x, every element falls in range.
    xmin = jnp.min(x)
    xmax = jnp.max(x)
    rng = jnp.where(xmax > xmin, xmax - xmin, jnp.float32(1.0))
    idx = jnp.floor((x - xmin) / rng * BINS).astype(jnp.int32)
    idx = jnp.clip(idx, 0, BINS - 1)
    hist = jnp.bincount(idx.ravel(), length=BINS).astype(jnp.float32)
    # Module returns x_orig; updated buffers (min_val, max_val, histogram)
    # are the actual work, so expose them as outputs too.
    return (x, xmin, xmax, hist)

if __name__ == "__main__":
    import jax
    _d = setup_inputs()
    print(jax.jit(kernel)(*tuple(_d.values())))

</pallas_src>

<mosaic_0001>
#map = affine_map<(d0, d1) -> (0, 0)>
module attributes {stable_mosaic.version = 14 : i64} {
  func.func @_hist_body(%arg0: i32, %arg1: i32, %arg2: memref<16384x2048xf32, #tpu.memory_space<hbm>>, %arg3: memref<8x128xf32, #tpu.memory_space<hbm>>, %arg4: memref<8x128xf32, #tpu.memory_space<hbm>>, %arg5: memref<16384x2048xf32, #tpu.memory_space<hbm>>, %arg6: memref<32x2048xf32, #tpu.memory_space<hbm>>, %arg7: memref<16x2048xf32, #tpu.memory_space<vmem>>, %arg8: memref<16x2048xf32, #tpu.memory_space<vmem>>, %arg9: memref<8x128xf32, #tpu.memory_space<vmem>>, %arg10: memref<8x128xf32, #tpu.memory_space<vmem>>, %arg11: memref<32800xf32, #tpu.memory_space<vmem>>, %arg12: memref<2048xf32, #tpu.memory_space<vmem>>, %arg13: memref<!tpu.dma_semaphore, #tpu.memory_space<semaphore_mem>>, %arg14: memref<!tpu.dma_semaphore, #tpu.memory_space<semaphore_mem>>, %arg15: memref<!tpu.dma_semaphore, #tpu.memory_space<semaphore_mem>>, %arg16: memref<!tpu.dma_semaphore, #tpu.memory_space<semaphore_mem>>) attributes {dimension_semantics = [#tpu.dimension_semantics<core_parallel>, #tpu.dimension_semantics<subcore_parallel>], iteration_bounds = array<i64: 2, 16>, scalar_prefetch = 0 : i64, scratch_operands = 10 : i64, tpu.core_type = #tpu.core_type<sc_vector_subcore>, window_params = [{transform_indices = #map}, {transform_indices = #map}, {transform_indices = #map}, {transform_indices = #map}, {transform_indices = #map}]} {
    %mul3A = arith.constant 16 : i32
    %mul3A_0 = arith.muli %arg0, %mul3A : i32
    %add3A = arith.addi %mul3A_0, %arg1 : i32
    %mul3A_1 = arith.constant 512 : i32
    %mul3A_2 = arith.muli %add3A, %mul3A_1 : i32
    %add3A_3 = arith.constant 0 : i32
    %add3A_4 = arith.addi %mul3A_2, %add3A_3 : i32
    %dma_start3A = arith.constant 0 : i32
    %dma_start3A_5 = tpu.memref_slice %arg2[%add3A_4, %dma_start3A] : memref<16384x2048xf32, #tpu.memory_space<hbm>> -> memref<16x2048xf32, #tpu.memory_space<hbm>>
    %dma_start3A_6 = arith.constant 0 : i32
    %dma_start3A_7 = tpu.memref_slice %arg2[%add3A_4, %dma_start3A_6] : memref<16384x2048xf32, #tpu.memory_space<hbm>> -> memref<16x2048xf32, #tpu.memory_space<hbm>>
    tpu.enqueue_dma source(%dma_start3A_7 : memref<16x2048xf32, #tpu.memory_space<hbm>>) target(%arg7 : memref<16x2048xf32, #tpu.memory_space<vmem>>) target_semaphore(%arg13 : memref<!tpu.dma_semaphore, #tpu.memory_space<semaphore_mem>>)
    "tpu.region"() ({
      %run_scoped3A = tpu.sem_alloc : memref<!tpu.dma_semaphore, #tpu.memory_space<semaphore_mem>>
      tpu.enqueue_dma source(%arg3 : memref<8x128xf32, #tpu.memory_space<hbm>>) target(%arg9 : memref<8x128xf32, #tpu.memory_space<vmem>>) target_semaphore(%run_scoped3A : memref<!tpu.dma_semaphore, #tpu.memory_space<semaphore_mem>>)
      tpu.wait_dma2 semaphore(%run_scoped3A : memref<!tpu.dma_semaphore, #tpu.memory_space<semaphore_mem>>) src(%arg3 : memref<8x128xf32, #tpu.memory_space<hbm>>) dst(%arg9 : memref<8x128xf32, #tpu.memory_space<vmem>>)
      tpu.yield
    }) : () -> ()
    "tpu.region"() ({
      %run_scoped3A = tpu.sem_alloc : memref<!tpu.dma_semaphore, #tpu.memory_space<semaphore_mem>>
      tpu.enqueue_dma source(%arg4 : memref<8x128xf32, #tpu.memory_space<hbm>>) target(%arg10 : memref<8x128xf32, #tpu.memory_space<vmem>>) target_semaphore(%run_scoped3A : memref<!tpu.dma_semaphore, #tpu.memory_space<semaphore_mem>>)
      tpu.wait_dma2 semaphore(%run_scoped3A : memref<!tpu.dma_semaphore, #tpu.memory_space<semaphore_mem>>) src(%arg4 : memref<8x128xf32, #tpu.memory_space<hbm>>) dst(%arg10 : memref<8x128xf32, #tpu.memory_space<vmem>>)
      tpu.yield
    }) : () -> ()
    %get3A = arith.constant 0 : i32
    %get3A_8 = arith.index_cast %get3A : i32 to index
    %get3A_9 = arith.constant 0 : index
    %get3A_10 = tpu.vector_load %arg9[%get3A_8, %get3A_9] {strides = array<i32>} : memref<8x128xf32, #tpu.memory_space<vmem>>, vector<16xf32>,
    %slice3A = vector.extract_strided_slice %get3A_10 {offsets = [0], sizes = [1], strides = [1]} : vector<16xf32> to vector<1xf32>
    %squeeze3A = vector.extract %slice3A[0] : f32 from vector<1xf32>
    %get3A_11 = arith.constant 0 : i32
    %get3A_12 = arith.index_cast %get3A_11 : i32 to index
    %get3A_13 = arith.constant 0 : index
    %get3A_14 = tpu.vector_load %arg10[%get3A_12, %get3A_13] {strides = array<i32>} : memref<8x128xf32, #tpu.memory_space<vmem>>, vector<16xf32>,
    %slice3A_15 = vector.extract_strided_slice %get3A_14 {offsets = [0], sizes = [1], strides = [1]} : vector<16xf32> to vector<1xf32>
    %squeeze3A_16 = vector.extract %slice3A_15[0] : f32 from vector<1xf32>
    %gt3A = arith.cmpf ogt, %squeeze3A_16, %squeeze3A : f32
    %sub3A = arith.subf %squeeze3A_16, %squeeze3A : f32
    %jit3A = arith.constant 1.000000e+00 : f32
    %select_n3A = arith.select %gt3A, %sub3A, %jit3A : f32
    %broadcast_in_dim3A = arith.constant 1.000000e+00 : f32
    %broadcast_in_dim3A_17 = vector.broadcast %broadcast_in_dim3A : f32 to vector<16xf32>
    %mul3A_18 = vector.broadcast %select_n3A : f32 to vector<16xf32>
    %mul3A_19 = arith.mulf %broadcast_in_dim3A_17, %mul3A_18 : vector<16xf32>
    %broadcast_in_dim3A_20 = arith.constant 2.048000e+03 : f32
    %broadcast_in_dim3A_21 = vector.broadcast %broadcast_in_dim3A_20 : f32 to vector<16xf32>
    %div3A = arith.divf %broadcast_in_dim3A_21, %mul3A_19 : vector<16xf32>
    %mul3A_22 = vector.broadcast %squeeze3A : f32 to vector<16xf32>
    %mul3A_23 = arith.mulf %mul3A_22, %div3A : vector<16xf32>
    %neg3A = arith.constant 0.000000e+00 : f32
    %neg3A_24 = vector.broadcast %neg3A : f32 to vector<16xf32>
    %neg3A_25 = arith.subf %neg3A_24, %mul3A_23 : vector<16xf32>
    %scan3A = arith.constant 0 : i32
    %scan3A_26 = arith.constant 0 : i32
    %scan3A_27 = arith.constant 2050 : i32
    %scan3A_28 = arith.addi %scan3A_26, %scan3A_27 : i32
    %scan3A_29 = arith.constant 1 : i32
    %scan3A_30 = scf.for %scan3A_920 = %scan3A_26 to %scan3A_28 step %scan3A_29 iter_args(%scan3A_921 = %scan3A) -> (i32)  : i32 {
      %broadcast_in_dim3A_922 = arith.constant 0.000000e+00 : f32
      %broadcast_in_dim3A_923 = vector.broadcast %broadcast_in_dim3A_922 : f32 to vector<16xf32>
      %mul3A_924 = arith.constant 16 : i32
      %mul3A_925 = arith.muli %scan3A_920, %mul3A_924 : i32
      %swap3A = arith.index_cast %mul3A_925 : i32 to index
      %swap3A_926 = tpu.vector_load %arg11[%swap3A] {strides = array<i32>} : memref<32800xf32, #tpu.memory_space<vmem>>, vector<16xf32>,
      tpu.vector_store %arg11[%swap3A], %broadcast_in_dim3A_923 {strides = array<i32>} : memref<32800xf32, #tpu.memory_space<vmem>>, vector<16xf32>,
      %scan3A_927 = arith.constant 0 : i32
      scf.yield %scan3A_927 : i32
    }
    %scan3A_31 = arith.constant 2050 : i32
    %broadcast_in_dim3A_32 = arith.constant 1.000000e+00 : f32
    %broadcast_in_dim3A_33 = vector.broadcast %broadcast_in_dim3A_32 : f32 to vector<16xf32>
    %iota3A = tpu.iota {dimensions = array<i32: 0>} : vector<16xi32>
    %mul3A_34 = arith.constant 2050 : i32
    %mul3A_35 = vector.broadcast %mul3A_34 : i32 to vector<16xi32>
    %mul3A_36 = arith.muli %iota3A, %mul3A_35 : vector<16xi32>
    %add3A_37 = arith.constant 1 : i32
    %add3A_38 = vector.broadcast %add3A_37 : i32 to vector<16xi32>
    %add3A_39 = arith.addi %mul3A_36, %add3A_38 : vector<16xi32>
    %add3A_40 = arith.constant 0 : i32
    %add3A_41 = arith.addi %mul3A_2, %add3A_40 : i32
    %dma_wait3A = arith.constant 0 : i32
    %dma_wait3A_42 = tpu.memref_slice %arg2[%add3A_41, %dma_wait3A] : memref<16384x2048xf32, #tpu.memory_space<hbm>> -> memref<16x2048xf32, #tpu.memory_space<hbm>>
    %dma_wait3A_43 = arith.constant 0 : i32
    %dma_wait3A_44 = tpu.memref_slice %arg2[%add3A_41, %dma_wait3A_43] : memref<16384x2048xf32, #tpu.memory_space<hbm>> -> memref<16x2048xf32, #tpu.memory_space<hbm>>
    tpu.wait_dma2 semaphore(%arg13 : memref<!tpu.dma_semaphore, #tpu.memory_space<semaphore_mem>>) src(%dma_wait3A_44 : memref<16x2048xf32, #tpu.memory_space<hbm>>) dst(%arg7 : memref<16x2048xf32, #tpu.memory_space<vmem>>)
    %add3A_45 = arith.constant 0 : i32
    %add3A_46 = arith.addi %mul3A_2, %add3A_45 : i32
    %dma_start3A_47 = arith.constant 0 : i32
    %dma_start3A_48 = tpu.memref_slice %arg5[%add3A_46, %dma_start3A_47] : memref<16384x2048xf32, #tpu.memory_space<hbm>> -> memref<16x2048xf32, #tpu.memory_space<hbm>>
    %dma_start3A_49 = arith.constant 0 : i32
    %dma_start3A_50 = tpu.memref_slice %arg5[%add3A_46, %dma_start3A_49] : memref<16384x2048xf32, #tpu.memory_space<hbm>> -> memref<16x2048xf32, #tpu.memory_space<hbm>>
    tpu.enqueue_dma source(%arg7 : memref<16x2048xf32, #tpu.memory_space<vmem>>) target(%dma_start3A_50 : memref<16x2048xf32, #tpu.memory_space<hbm>>) target_semaphore(%arg15 : memref<!tpu.dma_semaphore, #tpu.memory_space<semaphore_mem>>)
    %add3A_51 = arith.constant 16 : i32
    %add3A_52 = arith.addi %mul3A_2, %add3A_51 : i32
    %dma_start3A_53 = arith.constant 0 : i32
    %dma_start3A_54 = tpu.memref_slice %arg2[%add3A_52, %dma_start3A_53] : memref<16384x2048xf32, #tpu.memory_space<hbm>> -> memref<16x2048xf32, #tpu.memory_space<hbm>>
    %dma_start3A_55 = arith.constant 0 : i32
    %dma_start3A_56 = tpu.memref_slice %arg2[%add3A_52, %dma_start3A_55] : memref<16384x2048xf32, #tpu.memory_space<hbm>> -> memref<16x2048xf32, #tpu.memory_space<hbm>>
    tpu.enqueue_dma source(%dma_start3A_56 : memref<16x2048xf32, #tpu.memory_space<hbm>>) target(%arg8 : memref<16x2048xf32, #tpu.memory_space<vmem>>) target_semaphore(%arg14 : memref<!tpu.dma_semaphore, #tpu.memory_space<semaphore_mem>>)
    %parallel_loop3A = arith.constant 0 : i32
    %parallel_loop3A_57 = arith.constant 2048 : i32
    %parallel_loop3A_58 = arith.constant 1 : i32
    scf.for %parallel_loop3A_920 = %parallel_loop3A to %parallel_loop3A_57 step %parallel_loop3A_58  : i32 {
      %parallel_loop3A_921 = arith.constant 7 : i32
      %parallel_loop3A_922 = arith.shrsi %parallel_loop3A_920, %parallel_loop3A_921 : i32
      %parallel_loop3A_923 = arith.constant 127 : i32
      %parallel_loop3A_924 = arith.andi %parallel_loop3A_920, %parallel_loop3A_923 : i32
      %parallel_loop3A_925 = arith.constant 16 : i32
      %parallel_loop3A_926 = arith.muli %parallel_loop3A_924, %parallel_loop3A_925 : i32
      %parallel_loop3A_927 = arith.index_cast %parallel_loop3A_922 : i32 to index
      %parallel_loop3A_928 = arith.index_cast %parallel_loop3A_926 : i32 to index
      %parallel_loop3A_929 = tpu.vector_load %arg7[%parallel_loop3A_927, %parallel_loop3A_928] {strides = array<i32>} : memref<16x2048xf32, #tpu.memory_space<vmem>>, vector<16xf32>,
      %parallel_loop3A_930 = arith.mulf %parallel_loop3A_929, %div3A : vector<16xf32>
      %parallel_loop3A_931 = arith.addf %parallel_loop3A_930, %neg3A_25 : vector<16xf32>
      %parallel_loop3A_932 = arith.fptosi %parallel_loop3A_931 : vector<16xf32> to vector<16xi32>
      %parallel_loop3A_933 = arith.addi %parallel_loop3A_932, %add3A_39 : vector<16xi32>
      tpu.vector_store_idx %arg11[%parallel_loop3A_933], %broadcast_in_dim3A_33 {add = true} : memref<32800xf32, #tpu.memory_space<vmem>>[vector<16xi32>], vector<16xf32>,
    } {sc.loop_unroll_factor = 8 : i64, sc.parallel_access}
    %add3A_59 = arith.constant 16 : i32
    %add3A_60 = arith.addi %mul3A_2, %add3A_59 : i32
    %dma_wait3A_61 = arith.constant 0 : i32
    %dma_wait3A_62 = tpu.memref_slice %arg2[%add3A_60, %dma_wait3A_61] : memref<16384x2048xf32, #tpu.memory_space<hbm>> -> memref<16x2048xf32, #tpu.memory_space<hbm>>
    %dma_wait3A_63 = arith.constant 0 : i32
    %dma_wait3A_64 = tpu.memref_slice %arg2[%add3A_60, %dma_wait3A_63] : memref<16384x2048xf32, #tpu.memory_space<hbm>> -> memref<16x2048xf32, #tpu.memory_space<hbm>>
    tpu.wait_dma2 semaphore(%arg14 : memref<!tpu.dma_semaphore, #tpu.memory_space<semaphore_mem>>) src(%dma_wait3A_64 : memref<16x2048xf32, #tpu.memory_space<hbm>>) dst(%arg8 : memref<16x2048xf32, #tpu.memory_space<vmem>>)
    %add3A_65 = arith.constant 16 : i32
    %add3A_66 = arith.addi %mul3A_2, %add3A_65 : i32
    %dma_start3A_67 = arith.constant 0 : i32
    %dma_start3A_68 = tpu.memref_slice %arg5[%add3A_66, %dma_start3A_67] : memref<16384x2048xf32, #tpu.memory_space<hbm>> -> memref<16x2048xf32, #tpu.memory_space<hbm>>
    %dma_start3A_69 = arith.constant 0 : i32
    %dma_start3A_70 = tpu.memref_slice %arg5[%add3A_66, %dma_start3A_69] : memref<16384x2048xf32, #tpu.memory_space<hbm>> -> memref<16x2048xf32, #tpu.memory_space<hbm>>
    tpu.enqueue_dma source(%arg8 : memref<16x2048xf32, #tpu.memory_space<vmem>>) target(%dma_start3A_70 : memref<16x2048xf32, #tpu.memory_space<hbm>>) target_semaphore(%arg16 : memref<!tpu.dma_semaphore, #tpu.memory_space<semaphore_mem>>)
    %add3A_71 = arith.constant 0 : i32
    %add3A_72 = arith.addi %mul3A_2, %add3A_71 : i32
    %dma_wait3A_73 = arith.constant 0 : i32
    %dma_wait3A_74 = tpu.memref_slice %arg5[%add3A_72, %dma_wait3A_73] : memref<16384x2048xf32, #tpu.memory_space<hbm>> -> memref<16x2048xf32, #tpu.memory_space<hbm>>
    %dma_wait3A_75 = arith.constant 0 : i32
    %dma_wait3A_76 = tpu.memref_slice %arg5[%add3A_72, %dma_wait3A_75] : memref<16384x2048xf32, #tpu.memory_space<hbm>> -> memref<16x2048xf32, #tpu.memory_space<hbm>>
    tpu.wait_dma2 semaphore(%arg15 : memref<!tpu.dma_semaphore, #tpu.memory_space<semaphore_mem>>) src(%arg7 : memref<16x2048xf32, #tpu.memory_space<vmem>>) dst(%dma_wait3A_76 : memref<16x2048xf32, #tpu.memory_space<hbm>>)
    %add3A_77 = arith.constant 32 : i32
    %add3A_78 = arith.addi %mul3A_2, %add3A_77 : i32
    %dma_start3A_79 = arith.constant 0 : i32
    %dma_start3A_80 = tpu.memref_slice %arg2[%add3A_78, %dma_start3A_79] : memref<16384x2048xf32, #tpu.memory_space<hbm>> -> memref<16x2048xf32, #tpu.memory_space<hbm>>
    %dma_start3A_81 = arith.constant 0 : i32
    %dma_start3A_82 = tpu.memref_slice %arg2[%add3A_78, %dma_start3A_81] : memref<16384x2048xf32, #tpu.memory_space<hbm>> -> memref<16x2048xf32, #tpu.memory_space<hbm>>
    tpu.enqueue_dma source(%dma_start3A_82 : memref<16x2048xf32, #tpu.memory_space<hbm>>) target(%arg7 : memref<16x2048xf32, #tpu.memory_space<vmem>>) target_semaphore(%arg13 : memref<!tpu.dma_semaphore, #tpu.memory_space<semaphore_mem>>)
    %parallel_loop3A_83 = arith.constant 0 : i32
    %parallel_loop3A_84 = arith.constant 2048 : i32
    %parallel_loop3A_85 = arith.constant 1 : i32
    scf.for %parallel_loop3A_920 = %parallel_loop3A_83 to %parallel_loop3A_84 step %parallel_loop3A_85  : i32 {
      %parallel_loop3A_921 = arith.constant 7 : i32
      %parallel_loop3A_922 = arith.shrsi %parallel_loop3A_920, %parallel_loop3A_921 : i32
      %parallel_loop3A_923 = arith.constant 127 : i32
      %parallel_loop3A_924 = arith.andi %parallel_loop3A_920, %parallel_loop3A_923 : i32
      %parallel_loop3A_925 = arith.constant 16 : i32
      %parallel_loop3A_926 = arith.muli %parallel_loop3A_924, %parallel_loop3A_925 : i32
      %parallel_loop3A_927 = arith.index_cast %parallel_loop3A_922 : i32 to index
      %parallel_loop3A_928 = arith.index_cast %parallel_loop3A_926 : i32 to index
      %parallel_loop3A_929 = tpu.vector_load %arg8[%parallel_loop3A_927, %parallel_loop3A_928] {strides = array<i32>} : memref<16x2048xf32, #tpu.memory_space<vmem>>, vector<16xf32>,
      %parallel_loop3A_930 = arith.mulf %parallel_loop3A_929, %div3A : vector<16xf32>
      %parallel_loop3A_931 = arith.addf %parallel_loop3A_930, %neg3A_25 : vector<16xf32>
      %parallel_loop3A_932 = arith.fptosi %parallel_loop3A_931 : vector<16xf32> to vector<16xi32>
      %parallel_loop3A_933 = arith.addi %parallel_loop3A_932, %add3A_39 : vector<16xi32>
      tpu.vector_store_idx %arg11[%parallel_loop3A_933], %broadcast_in_dim3A_33 {add = true} : memref<32800xf32, #tpu.memory_space<vmem>>[vector<16xi32>], vector<16xf32>,
    } {sc.loop_unroll_factor = 8 : i64, sc.parallel_access}
    %add3A_86 = arith.constant 32 : i32
    %add3A_87 = arith.addi %mul3A_2, %add3A_86 : i32
    %dma_wait3A_88 = arith.constant 0 : i32
    %dma_wait3A_89 = tpu.memref_slice %arg2[%add3A_87, %dma_wait3A_88] : memref<16384x2048xf32, #tpu.memory_space<hbm>> -> memref<16x2048xf32, #tpu.memory_space<hbm>>
    %dma_wait3A_90 = arith.constant 0 : i32
    %dma_wait3A_91 = tpu.memref_slice %arg2[%add3A_87, %dma_wait3A_90] : memref<16384x2048xf32, #tpu.memory_space<hbm>> -> memref<16x2048xf32, #tpu.memory_space<hbm>>
    tpu.wait_dma2 semaphore(%arg13 : memref<!tpu.dma_semaphore, #tpu.memory_space<semaphore_mem>>) src(%dma_wait3A_91 : memref<16x2048xf32, #tpu.memory_space<hbm>>) dst(%arg7 : memref<16x2048xf32, #tpu.memory_space<vmem>>)
    %add3A_92 = arith.constant 32 : i32
    %add3A_93 = arith.addi %mul3A_2, %add3A_92 : i32
    %dma_start3A_94 = arith.constant 0 : i32
    %dma_start3A_95 = tpu.memref_slice %arg5[%add3A_93, %dma_start3A_94] : memref<16384x2048xf32, #tpu.memory_space<hbm>> -> memref<16x2048xf32, #tpu.memory_space<hbm>>
    %dma_start3A_96 = arith.constant 0 : i32
    %dma_start3A_97 = tpu.memref_slice %arg5[%add3A_93, %dma_start3A_96] : memref<16384x2048xf32, #tpu.memory_space<hbm>> -> memref<16x2048xf32, #tpu.memory_space<hbm>>
    tpu.enqueue_dma source(%arg7 : memref<16x2048xf32, #tpu.memory_space<vmem>>) target(%dma_start3A_97 : memref<16x2048xf32, #tpu.memory_space<hbm>>) target_semaphore(%arg15 : memref<!tpu.dma_semaphore, #tpu.memory_space<semaphore_mem>>)
    %add3A_98 = arith.constant 16 : i32
    %add3A_99 = arith.addi %mul3A_2, %add3A_98 : i32
    %dma_wait3A_100 = arith.constant 0 : i32
    %dma_wait3A_101 = tpu.memref_slice %arg5[%add3A_99, %dma_wait3A_100] : memref<16384x2048xf32, #tpu.memory_space<hbm>> -> memref<16x2048xf32, #tpu.memory_space<hbm>>
    %dma_wait3A_102 = arith.constant 0 : i32
    %dma_wait3A_103 = tpu.memref_slice %arg5[%add3A_99, %dma_wait3A_102] : memref<16384x2048xf32, #tpu.memory_space<hbm>> -> memref<16x2048xf32, #tpu.memory_space<hbm>>
    tpu.wait_dma2 semaphore(%arg16 : memref<!tpu.dma_semaphore, #tpu.memory_space<semaphore_mem>>) src(%arg8 : memref<16x2048xf32, #tpu.memory_space<vmem>>) dst(%dma_wait3A_103 : memref<16x2048xf32, #tpu.memory_space<hbm>>)
    %add3A_104 = arith.constant 48 : i32
    %add3A_105 = arith.addi %mul3A_2, %add3A_104 : i32
    %dma_start3A_106 = arith.constant 0 : i32
    %dma_start3A_107 = tpu.memref_slice %arg2[%add3A_105, %dma_start3A_106] : memref<16384x2048xf32, #tpu.memory_space<hbm>> -> memref<16x2048xf32, #tpu.memory_space<hbm>>
    %dma_start3A_108 = arith.constant 0 : i32
    %dma_start3A_109 = tpu.memref_slice %arg2[%add3A_105, %dma_start3A_108] : memref<16384x2048xf32, #tpu.memory_space<hbm>> -> memref<16x2048xf32, #tpu.memory_space<hbm>>
    tpu.enqueue_dma source(%dma_start3A_109 : memref<16x2048xf32, #tpu.memory_space<hbm>>) target(%arg8 : memref<16x2048xf32, #tpu.memory_space<vmem>>) target_semaphore(%arg14 : memref<!tpu.dma_semaphore, #tpu.memory_space<semaphore_mem>>)
    %parallel_loop3A_110 = arith.constant 0 : i32
    %parallel_loop3A_111 = arith.constant 2048 : i32
    %parallel_loop3A_112 = arith.constant 1 : i32
    scf.for %parallel_loop3A_920 = %parallel_loop3A_110 to %parallel_loop3A_111 step %parallel_loop3A_112  : i32 {
      %parallel_loop3A_921 = arith.constant 7 : i32
      %parallel_loop3A_922 = arith.shrsi %parallel_loop3A_920, %parallel_loop3A_921 : i32
      %parallel_loop3A_923 = arith.constant 127 : i32
      %parallel_loop3A_924 = arith.andi %parallel_loop3A_920, %parallel_loop3A_923 : i32
      %parallel_loop3A_925 = arith.constant 16 : i32
      %parallel_loop3A_926 = arith.muli %parallel_loop3A_924, %parallel_loop3A_925 : i32
      %parallel_loop3A_927 = arith.index_cast %parallel_loop3A_922 : i32 to index
      %parallel_loop3A_928 = arith.index_cast %parallel_loop3A_926 : i32 to index
      %parallel_loop3A_929 = tpu.vector_load %arg7[%parallel_loop3A_927, %parallel_loop3A_928] {strides = array<i32>} : memref<16x2048xf32, #tpu.memory_space<vmem>>, vector<16xf32>,
      %parallel_loop3A_930 = arith.mulf %parallel_loop3A_929, %div3A : vector<16xf32>
      %parallel_loop3A_931 = arith.addf %parallel_loop3A_930, %neg3A_25 : vector<16xf32>
      %parallel_loop3A_932 = arith.fptosi %parallel_loop3A_931 : vector<16xf32> to vector<16xi32>
      %parallel_loop3A_933 = arith.addi %parallel_loop3A_932, %add3A_39 : vector<16xi32>
      tpu.vector_store_idx %arg11[%parallel_loop3A_933], %broadcast_in_dim3A_33 {add = true} : memref<32800xf32, #tpu.memory_space<vmem>>[vector<16xi32>], vector<16xf32>,
    } {sc.loop_unroll_factor = 8 : i64, sc.parallel_access}
    %add3A_113 = arith.constant 48 : i32
    %add3A_114 = arith.addi %mul3A_2, %add3A_113 : i32
    %dma_wait3A_115 = arith.constant 0 : i32
    %dma_wait3A_116 = tpu.memref_slice %arg2[%add3A_114, %dma_wait3A_115] : memref<16384x2048xf32, #tpu.memory_space<hbm>> -> memref<16x2048xf32, #tpu.memory_space<hbm>>
    %dma_wait3A_117 = arith.constant 0 : i32
    %dma_wait3A_118 = tpu.memref_slice %arg2[%add3A_114, %dma_wait3A_117] : memref<16384x2048xf32, #tpu.memory_space<hbm>> -> memref<16x2048xf32, #tpu.memory_space<hbm>>
    tpu.wait_dma2 semaphore(%arg14 : memref<!tpu.dma_semaphore, #tpu.memory_space<semaphore_mem>>) src(%dma_wait3A_118 : memref<16x2048xf32, #tpu.memory_space<hbm>>) dst(%arg8 : memref<16x2048xf32, #tpu.memory_space<vmem>>)
    %add3A_119 = arith.constant 48 : i32
    %add3A_120 = arith.addi %mul3A_2, %add3A_119 : i32
    %dma_start3A_121 = arith.constant 0 : i32
    %dma_start3A_122 = tpu.memref_slice %arg5[%add3A_120, %dma_start3A_121] : memref<16384x2048xf32, #tpu.memory_space<hbm>> -> memref<16x2048xf32, #tpu.memory_space<hbm>>
    %dma_start3A_123 = arith.constant 0 : i32
    %dma_start3A_124 = tpu.memref_slice %arg5[%add3A_120, %dma_start3A_123] : memref<16384x2048xf32, #tpu.memory_space<hbm>> -> memref<16x2048xf32, #tpu.memory_space<hbm>>
    tpu.enqueue_dma source(%arg8 : memref<16x2048xf32, #tpu.memory_space<vmem>>) target(%dma_start3A_124 : memref<16x2048xf32, #tpu.memory_space<hbm>>) target_semaphore(%arg16 : memref<!tpu.dma_semaphore, #tpu.memory_space<semaphore_mem>>)
    %add3A_125 = arith.constant 32 : i32
    %add3A_126 = arith.addi %mul3A_2, %add3A_125 : i32
    %dma_wait3A_127 = arith.constant 0 : i32
    %dma_wait3A_128 = tpu.memref_slice %arg5[%add3A_126, %dma_wait3A_127] : memref<16384x2048xf32, #tpu.memory_space<hbm>> -> memref<16x2048xf32, #tpu.memory_space<hbm>>
    %dma_wait3A_129 = arith.constant 0 : i32
    %dma_wait3A_130 = tpu.memref_slice %arg5[%add3A_126, %dma_wait3A_129] : memref<16384x2048xf32, #tpu.memory_space<hbm>> -> memref<16x2048xf32, #tpu.memory_space<hbm>>
    tpu.wait_dma2 semaphore(%arg15 : memref<!tpu.dma_semaphore, #tpu.memory_space<semaphore_mem>>) src(%arg7 : memref<16x2048xf32, #tpu.memory_space<vmem>>) dst(%dma_wait3A_130 : memref<16x2048xf32, #tpu.memory_space<hbm>>)
    %add3A_131 = arith.constant 64 : i32
    %add3A_132 = arith.addi %mul3A_2, %add3A_131 : i32
    %dma_start3A_133 = arith.constant 0 : i32
    %dma_start3A_134 = tpu.memref_slice %arg2[%add3A_132, %dma_start3A_133] : memref<16384x2048xf32, #tpu.memory_space<hbm>> -> memref<16x2048xf32, #tpu.memory_space<hbm>>
    %dma_start3A_135 = arith.constant 0 : i32
    %dma_start3A_136 = tpu.memref_slice %arg2[%add3A_132, %dma_start3A_135] : memref<16384x2048xf32, #tpu.memory_space<hbm>> -> memref<16x2048xf32, #tpu.memory_space<hbm>>
    tpu.enqueue_dma source(%dma_start3A_136 : memref<16x2048xf32, #tpu.memory_space<hbm>>) target(%arg7 : memref<16x2048xf32, #tpu.memory_space<vmem>>) target_semaphore(%arg13 : memref<!tpu.dma_semaphore, #tpu.memory_space<semaphore_mem>>)
    %parallel_loop3A_137 = arith.constant 0 : i32
    %parallel_loop3A_138 = arith.constant 2048 : i32
    %parallel_loop3A_139 = arith.constant 1 : i32
    scf.for %parallel_loop3A_920 = %parallel_loop3A_137 to %parallel_loop3A_138 step %parallel_loop3A_139  : i32 {
      %parallel_loop3A_921 = arith.constant 7 : i32
      %parallel_loop3A_922 = arith.shrsi %parallel_loop3A_920, %parallel_loop3A_921 : i32
      %parallel_loop3A_923 = arith.constant 127 : i32
      %parallel_loop3A_924 = arith.andi %parallel_loop3A_920, %parallel_loop3A_923 : i32
      %parallel_loop3A_925 = arith.constant 16 : i32
      %parallel_loop3A_926 = arith.muli %parallel_loop3A_924, %parallel_loop3A_925 : i32
      %parallel_loop3A_927 = arith.index_cast %parallel_loop3A_922 : i32 to index
      %parallel_loop3A_928 = arith.index_cast %parallel_loop3A_926 : i32 to index
      %parallel_loop3A_929 = tpu.vector_load %arg8[%parallel_loop3A_927, %parallel_loop3A_928] {strides = array<i32>} : memref<16x2048xf32, #tpu.memory_space<vmem>>, vector<16xf32>,
      %parallel_loop3A_930 = arith.mulf %parallel_loop3A_929, %div3A : vector<16xf32>
      %parallel_loop3A_931 = arith.addf %parallel_loop3A_930, %neg3A_25 : vector<16xf32>
      %parallel_loop3A_932 = arith.fptosi %parallel_loop3A_931 : vector<16xf32> to vector<16xi32>
      %parallel_loop3A_933 = arith.addi %parallel_loop3A_932, %add3A_39 : vector<16xi32>
      tpu.vector_store_idx %arg11[%parallel_loop3A_933], %broadcast_in_dim3A_33 {add = true} : memref<32800xf32, #tpu.memory_space<vmem>>[vector<16xi32>], vector<16xf32>,
    } {sc.loop_unroll_factor = 8 : i64, sc.parallel_access}
    %add3A_140 = arith.constant 64 : i32
    %add3A_141 = arith.addi %mul3A_2, %add3A_140 : i32
    %dma_wait3A_142 = arith.constant 0 : i32
    %dma_wait3A_143 = tpu.memref_slice %arg2[%add3A_141, %dma_wait3A_142] : memref<16384x2048xf32, #tpu.memory_space<hbm>> -> memref<16x2048xf32, #tpu.memory_space<hbm>>
    %dma_wait3A_144 = arith.constant 0 : i32
    %dma_wait3A_145 = tpu.memref_slice %arg2[%add3A_141, %dma_wait3A_144] : memref<16384x2048xf32, #tpu.memory_space<hbm>> -> memref<16x2048xf32, #tpu.memory_space<hbm>>
    tpu.wait_dma2 semaphore(%arg13 : memref<!tpu.dma_semaphore, #tpu.memory_space<semaphore_mem>>) src(%dma_wait3A_145 : memref<16x2048xf32, #tpu.memory_space<hbm>>) dst(%arg7 : memref<16x2048xf32, #tpu.memory_space<vmem>>)
    %add3A_146 = arith.constant 64 : i32
    %add3A_147 = arith.addi %mul3A_2, %add3A_146 : i32
    %dma_start3A_148 = arith.constant 0 : i32
    %dma_start3A_149 = tpu.memref_slice %arg5[%add3A_147, %dma_start3A_148] : memref<16384x2048xf32, #tpu.memory_space<hbm>> -> memref<16x2048xf32, #tpu.memory_space<hbm>>
    %dma_start3A_150 = arith.constant 0 : i32
    %dma_start3A_151 = tpu.memref_slice %arg5[%add3A_147, %dma_start3A_150] : memref<16384x2048xf32, #tpu.memory_space<hbm>> -> memref<16x2048xf32, #tpu.memory_space<hbm>>
    tpu.enqueue_dma source(%arg7 : memref<16x2048xf32, #tpu.memory_space<vmem>>) target(%dma_start3A_151 : memref<16x2048xf32, #tpu.memory_space<hbm>>) target_semaphore(%arg15 : memref<!tpu.dma_semaphore, #tpu.memory_space<semaphore_mem>>)
    %add3A_152 = arith.constant 48 : i32
    %add3A_153 = arith.addi %mul3A_2, %add3A_152 : i32
    %dma_wait3A_154 = arith.constant 0 : i32
    %dma_wait3A_155 = tpu.memref_slice %arg5[%add3A_153, %dma_wait3A_154] : memref<16384x2048xf32, #tpu.memory_space<hbm>> -> memref<16x2048xf32, #tpu.memory_space<hbm>>
    %dma_wait3A_156 = arith.constant 0 : i32
    %dma_wait3A_157 = tpu.memref_slice %arg5[%add3A_153, %dma_wait3A_156] : memref<16384x2048xf32, #tpu.memory_space<hbm>> -> memref<16x2048xf32, #tpu.memory_space<hbm>>
    tpu.wait_dma2 semaphore(%arg16 : memref<!tpu.dma_semaphore, #tpu.memory_space<semaphore_mem>>) src(%arg8 : memref<16x2048xf32, #tpu.memory_space<vmem>>) dst(%dma_wait3A_157 : memref<16x2048xf32, #tpu.memory_space<hbm>>)
    %add3A_158 = arith.constant 80 : i32
    %add3A_159 = arith.addi %mul3A_2, %add3A_158 : i32
    %dma_start3A_160 = arith.constant 0 : i32
    %dma_start3A_161 = tpu.memref_slice %arg2[%add3A_159, %dma_start3A_160] : memref<16384x2048xf32, #tpu.memory_space<hbm>> -> memref<16x2048xf32, #tpu.memory_space<hbm>>
    %dma_start3A_162 = arith.constant 0 : i32
    %dma_start3A_163 = tpu.memref_slice %arg2[%add3A_159, %dma_start3A_162] : memref<16384x2048xf32, #tpu.memory_space<hbm>> -> memref<16x2048xf32, #tpu.memory_space<hbm>>
    tpu.enqueue_dma source(%dma_start3A_163 : memref<16x2048xf32, #tpu.memory_space<hbm>>) target(%arg8 : memref<16x2048xf32, #tpu.memory_space<vmem>>) target_semaphore(%arg14 : memref<!tpu.dma_semaphore, #tpu.memory_space<semaphore_mem>>)
    %parallel_loop3A_164 = arith.constant 0 : i32
    %parallel_loop3A_165 = arith.constant 2048 : i32
    %parallel_loop3A_166 = arith.constant 1 : i32
    scf.for %parallel_loop3A_920 = %parallel_loop3A_164 to %parallel_loop3A_165 step %parallel_loop3A_166  : i32 {
      %parallel_loop3A_921 = arith.constant 7 : i32
      %parallel_loop3A_922 = arith.shrsi %parallel_loop3A_920, %parallel_loop3A_921 : i32
      %parallel_loop3A_923 = arith.constant 127 : i32
      %parallel_loop3A_924 = arith.andi %parallel_loop3A_920, %parallel_loop3A_923 : i32
      %parallel_loop3A_925 = arith.constant 16 : i32
      %parallel_loop3A_926 = arith.muli %parallel_loop3A_924, %parallel_loop3A_925 : i32
      %parallel_loop3A_927 = arith.index_cast %parallel_loop3A_922 : i32 to index
      %parallel_loop3A_928 = arith.index_cast %parallel_loop3A_926 : i32 to index
      %parallel_loop3A_929 = tpu.vector_load %arg7[%parallel_loop3A_927, %parallel_loop3A_928] {strides = array<i32>} : memref<16x2048xf32, #tpu.memory_space<vmem>>, vector<16xf32>,
      %parallel_loop3A_930 = arith.mulf %parallel_loop3A_929, %div3A : vector<16xf32>
      %parallel_loop3A_931 = arith.addf %parallel_loop3A_930, %neg3A_25 : vector<16xf32>
      %parallel_loop3A_932 = arith.fptosi %parallel_loop3A_931 : vector<16xf32> to vector<16xi32>
      %parallel_loop3A_933 = arith.addi %parallel_loop3A_932, %add3A_39 : vector<16xi32>
      tpu.vector_store_idx %arg11[%parallel_loop3A_933], %broadcast_in_dim3A_33 {add = true} : memref<32800xf32, #tpu.memory_space<vmem>>[vector<16xi32>], vector<16xf32>,
    } {sc.loop_unroll_factor = 8 : i64, sc.parallel_access}
    %add3A_167 = arith.constant 80 : i32
    %add3A_168 = arith.addi %mul3A_2, %add3A_167 : i32
    %dma_wait3A_169 = arith.constant 0 : i32
    %dma_wait3A_170 = tpu.memref_slice %arg2[%add3A_168, %dma_wait3A_169] : memref<16384x2048xf32, #tpu.memory_space<hbm>> -> memref<16x2048xf32, #tpu.memory_space<hbm>>
    %dma_wait3A_171 = arith.constant 0 : i32
    %dma_wait3A_172 = tpu.memref_slice %arg2[%add3A_168, %dma_wait3A_171] : memref<16384x2048xf32, #tpu.memory_space<hbm>> -> memref<16x2048xf32, #tpu.memory_space<hbm>>
    tpu.wait_dma2 semaphore(%arg14 : memref<!tpu.dma_semaphore, #tpu.memory_space<semaphore_mem>>) src(%dma_wait3A_172 : memref<16x2048xf32, #tpu.memory_space<hbm>>) dst(%arg8 : memref<16x2048xf32, #tpu.memory_space<vmem>>)
    %add3A_173 = arith.constant 80 : i32
    %add3A_174 = arith.addi %mul3A_2, %add3A_173 : i32
    %dma_start3A_175 = arith.constant 0 : i32
    %dma_start3A_176 = tpu.memref_slice %arg5[%add3A_174, %dma_start3A_175] : memref<16384x2048xf32, #tpu.memory_space<hbm>> -> memref<16x2048xf32, #tpu.memory_space<hbm>>
    %dma_start3A_177 = arith.constant 0 : i32
    %dma_start3A_178 = tpu.memref_slice %arg5[%add3A_174, %dma_start3A_177] : memref<16384x2048xf32, #tpu.memory_space<hbm>> -> memref<16x2048xf32, #tpu.memory_space<hbm>>
    tpu.enqueue_dma source(%arg8 : memref<16x2048xf32, #tpu.memory_space<vmem>>) target(%dma_start3A_178 : memref<16x2048xf32, #tpu.memory_space<hbm>>) target_semaphore(%arg16 : memref<!tpu.dma_semaphore, #tpu.memory_space<semaphore_mem>>)
    %add3A_179 = arith.constant 64 : i32
    %add3A_180 = arith.addi %mul3A_2, %add3A_179 : i32
    %dma_wait3A_181 = arith.constant 0 : i32
    %dma_wait3A_182 = tpu.memref_slice %arg5[%add3A_180, %dma_wait3A_181] : memref<16384x2048xf32, #tpu.memory_space<hbm>> -> memref<16x2048xf32, #tpu.memory_space<hbm>>
    %dma_wait3A_183 = arith.constant 0 : i32
    %dma_wait3A_184 = tpu.memref_slice %arg5[%add3A_180, %dma_wait3A_183] : memref<16384x2048xf32, #tpu.memory_space<hbm>> -> memref<16x2048xf32, #tpu.memory_space<hbm>>
    tpu.wait_dma2 semaphore(%arg15 : memref<!tpu.dma_semaphore, #tpu.memory_space<semaphore_mem>>) src(%arg7 : memref<16x2048xf32, #tpu.memory_space<vmem>>) dst(%dma_wait3A_184 : memref<16x2048xf32, #tpu.memory_space<hbm>>)
    %add3A_185 = arith.constant 96 : i32
    %add3A_186 = arith.addi %mul3A_2, %add3A_185 : i32
    %dma_start3A_187 = arith.constant 0 : i32
    %dma_start3A_188 = tpu.memref_slice %arg2[%add3A_186, %dma_start3A_187] : memref<16384x2048xf32, #tpu.memory_space<hbm>> -> memref<16x2048xf32, #tpu.memory_space<hbm>>
    %dma_start3A_189 = arith.constant 0 : i32
    %dma_start3A_190 = tpu.memref_slice %arg2[%add3A_186, %dma_start3A_189] : memref<16384x2048xf32, #tpu.memory_space<hbm>> -> memref<16x2048xf32, #tpu.memory_space<hbm>>
    tpu.enqueue_dma source(%dma_start3A_190 : memref<16x2048xf32, #tpu.memory_space<hbm>>) target(%arg7 : memref<16x2048xf32, #tpu.memory_space<vmem>>) target_semaphore(%arg13 : memref<!tpu.dma_semaphore, #tpu.memory_space<semaphore_mem>>)
    %parallel_loop3A_191 = arith.constant 0 : i32
    %parallel_loop3A_192 = arith.constant 2048 : i32
    %parallel_loop3A_193 = arith.constant 1 : i32
    scf.for %parallel_loop3A_920 = %parallel_loop3A_191 to %parallel_loop3A_192 step %parallel_loop3A_193  : i32 {
      %parallel_loop3A_921 = arith.constant 7 : i32
      %parallel_loop3A_922 = arith.shrsi %parallel_loop3A_920, %parallel_loop3A_921 : i32
      %parallel_loop3A_923 = arith.constant 127 : i32
      %parallel_loop3A_924 = arith.andi %parallel_loop3A_920, %parallel_loop3A_923 : i32
      %parallel_loop3A_925 = arith.constant 16 : i32
      %parallel_loop3A_926 = arith.muli %parallel_loop3A_924, %parallel_loop3A_925 : i32
      %parallel_loop3A_927 = arith.index_cast %parallel_loop3A_922 : i32 to index
      %parallel_loop3A_928 = arith.index_cast %parallel_loop3A_926 : i32 to index
      %parallel_loop3A_929 = tpu.vector_load %arg8[%parallel_loop3A_927, %parallel_loop3A_928] {strides = array<i32>} : memref<16x2048xf32, #tpu.memory_space<vmem>>, vector<16xf32>,
      %parallel_loop3A_930 = arith.mulf %parallel_loop3A_929, %div3A : vector<16xf32>
      %parallel_loop3A_931 = arith.addf %parallel_loop3A_930, %neg3A_25 : vector<16xf32>
      %parallel_loop3A_932 = arith.fptosi %parallel_loop3A_931 : vector<16xf32> to vector<16xi32>
      %parallel_loop3A_933 = arith.addi %parallel_loop3A_932, %add3A_39 : vector<16xi32>
      tpu.vector_store_idx %arg11[%parallel_loop3A_933], %broadcast_in_dim3A_33 {add = true} : memref<32800xf32, #tpu.memory_space<vmem>>[vector<16xi32>], vector<16xf32>,
    } {sc.loop_unroll_factor = 8 : i64, sc.parallel_access}
    %add3A_194 = arith.constant 96 : i32
    %add3A_195 = arith.addi %mul3A_2, %add3A_194 : i32
    %dma_wait3A_196 = arith.constant 0 : i32
    %dma_wait3A_197 = tpu.memref_slice %arg2[%add3A_195, %dma_wait3A_196] : memref<16384x2048xf32, #tpu.memory_space<hbm>> -> memref<16x2048xf32, #tpu.memory_space<hbm>>
    %dma_wait3A_198 = arith.constant 0 : i32
    %dma_wait3A_199 = tpu.memref_slice %arg2[%add3A_195, %dma_wait3A_198] : memref<16384x2048xf32, #tpu.memory_space<hbm>> -> memref<16x2048xf32, #tpu.memory_space<hbm>>
    tpu.wait_dma2 semaphore(%arg13 : memref<!tpu.dma_semaphore, #tpu.memory_space<semaphore_mem>>) src(%dma_wait3A_199 : memref<16x2048xf32, #tpu.memory_space<hbm>>) dst(%arg7 : memref<16x2048xf32, #tpu.memory_space<vmem>>)
    %add3A_200 = arith.constant 96 : i32
    %add3A_201 = arith.addi %mul3A_2, %add3A_200 : i32
    %dma_start3A_202 = arith.constant 0 : i32
    %dma_start3A_203 = tpu.memref_slice %arg5[%add3A_201, %dma_start3A_202] : memref<16384x2048xf32, #tpu.memory_space<hbm>> -> memref<16x2048xf32, #tpu.memory_space<hbm>>
    %dma_start3A_204 = arith.constant 0 : i32
    %dma_start3A_205 = tpu.memref_slice %arg5[%add3A_201, %dma_start3A_204] : memref<16384x2048xf32, #tpu.memory_space<hbm>> -> memref<16x2048xf32, #tpu.memory_space<hbm>>
    tpu.enqueue_dma source(%arg7 : memref<16x2048xf32, #tpu.memory_space<vmem>>) target(%dma_start3A_205 : memref<16x2048xf32, #tpu.memory_space<hbm>>) target_semaphore(%arg15 : memref<!tpu.dma_semaphore, #tpu.memory_space<semaphore_mem>>)
    %add3A_206 = arith.constant 80 : i32
    %add3A_207 = arith.addi %mul3A_2, %add3A_206 : i32
    %dma_wait3A_208 = arith.constant 0 : i32
    %dma_wait3A_209 = tpu.memref_slice %arg5[%add3A_207, %dma_wait3A_208] : memref<16384x2048xf32, #tpu.memory_space<hbm>> -> memref<16x2048xf32, #tpu.memory_space<hbm>>
    %dma_wait3A_210 = arith.constant 0 : i32
    %dma_wait3A_211 = tpu.memref_slice %arg5[%add3A_207, %dma_wait3A_210] : memref<16384x2048xf32, #tpu.memory_space<hbm>> -> memref<16x2048xf32, #tpu.memory_space<hbm>>
    tpu.wait_dma2 semaphore(%arg16 : memref<!tpu.dma_semaphore, #tpu.memory_space<semaphore_mem>>) src(%arg8 : memref<16x2048xf32, #tpu.memory_space<vmem>>) dst(%dma_wait3A_211 : memref<16x2048xf32, #tpu.memory_space<hbm>>)
    %add3A_212 = arith.constant 112 : i32
    %add3A_213 = arith.addi %mul3A_2, %add3A_212 : i32
    %dma_start3A_214 = arith.constant 0 : i32
    %dma_start3A_215 = tpu.memref_slice %arg2[%add3A_213, %dma_start3A_214] : memref<16384x2048xf32, #tpu.memory_space<hbm>> -> memref<16x2048xf32, #tpu.memory_space<hbm>>
    %dma_start3A_216 = arith.constant 0 : i32
    %dma_start3A_217 = tpu.memref_slice %arg2[%add3A_213, %dma_start3A_216] : memref<16384x2048xf32, #tpu.memory_space<hbm>> -> memref<16x2048xf32, #tpu.memory_space<hbm>>
    tpu.enqueue_dma source(%dma_start3A_217 : memref<16x2048xf32, #tpu.memory_space<hbm>>) target(%arg8 : memref<16x2048xf32, #tpu.memory_space<vmem>>) target_semaphore(%arg14 : memref<!tpu.dma_semaphore, #tpu.memory_space<semaphore_mem>>)
    %parallel_loop3A_218 = arith.constant 0 : i32
    %parallel_loop3A_219 = arith.constant 2048 : i32
    %parallel_loop3A_220 = arith.constant 1 : i32
    scf.for %parallel_loop3A_920 = %parallel_loop3A_218 to %parallel_loop3A_219 step %parallel_loop3A_220  : i32 {
      %parallel_loop3A_921 = arith.constant 7 : i32
      %parallel_loop3A_922 = arith.shrsi %parallel_loop3A_920, %parallel_loop3A_921 : i32
      %parallel_loop3A_923 = arith.constant 127 : i32
      %parallel_loop3A_924 = arith.andi %parallel_loop3A_920, %parallel_loop3A_923 : i32
      %parallel_loop3A_925 = arith.constant 16 : i32
      %parallel_loop3A_926 = arith.muli %parallel_loop3A_924, %parallel_loop3A_925 : i32
      %parallel_loop3A_927 = arith.index_cast %parallel_loop3A_922 : i32 to index
      %parallel_loop3A_928 = arith.index_cast %parallel_loop3A_926 : i32 to index
      %parallel_loop3A_929 = tpu.vector_load %arg7[%parallel_loop3A_927, %parallel_loop3A_928] {strides = array<i32>} : memref<16x2048xf32, #tpu.memory_space<vmem>>, vector<16xf32>,
      %parallel_loop3A_930 = arith.mulf %parallel_loop3A_929, %div3A : vector<16xf32>
      %parallel_loop3A_931 = arith.addf %parallel_loop3A_930, %neg3A_25 : vector<16xf32>
      %parallel_loop3A_932 = arith.fptosi %parallel_loop3A_931 : vector<16xf32> to vector<16xi32>
      %parallel_loop3A_933 = arith.addi %parallel_loop3A_932, %add3A_39 : vector<16xi32>
      tpu.vector_store_idx %arg11[%parallel_loop3A_933], %broadcast_in_dim3A_33 {add = true} : memref<32800xf32, #tpu.memory_space<vmem>>[vector<16xi32>], vector<16xf32>,
    } {sc.loop_unroll_factor = 8 : i64, sc.parallel_access}
    %add3A_221 = arith.constant 112 : i32
    %add3A_222 = arith.addi %mul3A_2, %add3A_221 : i32
    %dma_wait3A_223 = arith.constant 0 : i32
    %dma_wait3A_224 = tpu.memref_slice %arg2[%add3A_222, %dma_wait3A_223] : memref<16384x2048xf32, #tpu.memory_space<hbm>> -> memref<16x2048xf32, #tpu.memory_space<hbm>>
    %dma_wait3A_225 = arith.constant 0 : i32
    %dma_wait3A_226 = tpu.memref_slice %arg2[%add3A_222, %dma_wait3A_225] : memref<16384x2048xf32, #tpu.memory_space<hbm>> -> memref<16x2048xf32, #tpu.memory_space<hbm>>
    tpu.wait_dma2 semaphore(%arg14 : memref<!tpu.dma_semaphore, #tpu.memory_space<semaphore_mem>>) src(%dma_wait3A_226 : memref<16x2048xf32, #tpu.memory_space<hbm>>) dst(%arg8 : memref<16x2048xf32, #tpu.memory_space<vmem>>)
    %add3A_227 = arith.constant 112 : i32
    %add3A_228 = arith.addi %mul3A_2, %add3A_227 : i32
    %dma_start3A_229 = arith.constant 0 : i32
    %dma_start3A_230 = tpu.memref_slice %arg5[%add3A_228, %dma_start3A_229] : memref<16384x2048xf32, #tpu.memory_space<hbm>> -> memref<16x2048xf32, #tpu.memory_space<hbm>>
    %dma_start3A_231 = arith.constant 0 : i32
    %dma_start3A_232 = tpu.memref_slice %arg5[%add3A_228, %dma_start3A_231] : memref<16384x2048xf32, #tpu.memory_space<hbm>> -> memref<16x2048xf32, #tpu.memory_space<hbm>>
    tpu.enqueue_dma source(%arg8 : memref<16x2048xf32, #tpu.memory_space<vmem>>) target(%dma_start3A_232 : memref<16x2048xf32, #tpu.memory_space<hbm>>) target_semaphore(%arg16 : memref<!tpu.dma_semaphore, #tpu.memory_space<semaphore_mem>>)
    %add3A_233 = arith.constant 96 : i32
    %add3A_234 = arith.addi %mul3A_2, %add3A_233 : i32
    %dma_wait3A_235 = arith.constant 0 : i32
    %dma_wait3A_236 = tpu.memref_slice %arg5[%add3A_234, %dma_wait3A_235] : memref<16384x2048xf32, #tpu.memory_space<hbm>> -> memref<16x2048xf32, #tpu.memory_space<hbm>>
    %dma_wait3A_237 = arith.constant 0 : i32
    %dma_wait3A_238 = tpu.memref_slice %arg5[%add3A_234, %dma_wait3A_237] : memref<16384x2048xf32, #tpu.memory_space<hbm>> -> memref<16x2048xf32, #tpu.memory_space<hbm>>
    tpu.wait_dma2 semaphore(%arg15 : memref<!tpu.dma_semaphore, #tpu.memory_space<semaphore_mem>>) src(%arg7 : memref<16x2048xf32, #tpu.memory_space<vmem>>) dst(%dma_wait3A_238 : memref<16x2048xf32, #tpu.memory_space<hbm>>)
    %add3A_239 = arith.constant 128 : i32
    %add3A_240 = arith.addi %mul3A_2, %add3A_239 : i32
    %dma_start3A_241 = arith.constant 0 : i32
    %dma_start3A_242 = tpu.memref_slice %arg2[%add3A_240, %dma_start3A_241] : memref<16384x2048xf32, #tpu.memory_space<hbm>> -> memref<16x2048xf32, #tpu.memory_space<hbm>>
    %dma_start3A_243 = arith.constant 0 : i32
    %dma_start3A_244 = tpu.memref_slice %arg2[%add3A_240, %dma_start3A_243] : memref<16384x2048xf32, #tpu.memory_space<hbm>> -> memref<16x2048xf32, #tpu.memory_space<hbm>>
    tpu.enqueue_dma source(%dma_start3A_244 : memref<16x2048xf32, #tpu.memory_space<hbm>>) target(%arg7 : memref<16x2048xf32, #tpu.memory_space<vmem>>) target_semaphore(%arg13 : memref<!tpu.dma_semaphore, #tpu.memory_space<semaphore_mem>>)
    %parallel_loop3A_245 = arith.constant 0 : i32
    %parallel_loop3A_246 = arith.constant 2048 : i32
    %parallel_loop3A_247 = arith.constant 1 : i32
    scf.for %parallel_loop3A_920 = %parallel_loop3A_245 to %parallel_loop3A_246 step %parallel_loop3A_247  : i32 {
      %parallel_loop3A_921 = arith.constant 7 : i32
      %parallel_loop3A_922 = arith.shrsi %parallel_loop3A_920, %parallel_loop3A_921 : i32
      %parallel_loop3A_923 = arith.constant 127 : i32
      %parallel_loop3A_924 = arith.andi %parallel_loop3A_920, %parallel_loop3A_923 : i32
      %parallel_loop3A_925 = arith.constant 16 : i32
      %parallel_loop3A_926 = arith.muli %parallel_loop3A_924, %parallel_loop3A_925 : i32
      %parallel_loop3A_927 = arith.index_cast %parallel_loop3A_922 : i32 to index
      %parallel_loop3A_928 = arith.index_cast %parallel_loop3A_926 : i32 to index
      %parallel_loop3A_929 = tpu.vector_load %arg8[%parallel_loop3A_927, %parallel_loop3A_928] {strides = array<i32>} : memref<16x2048xf32, #tpu.memory_space<vmem>>, vector<16xf32>,
      %parallel_loop3A_930 = arith.mulf %parallel_loop3A_929, %div3A : vector<16xf32>
      %parallel_loop3A_931 = arith.addf %parallel_loop3A_930, %neg3A_25 : vector<16xf32>
      %parallel_loop3A_932 = arith.fptosi %parallel_loop3A_931 : vector<16xf32> to vector<16xi32>
      %parallel_loop3A_933 = arith.addi %parallel_loop3A_932, %add3A_39 : vector<16xi32>
      tpu.vector_store_idx %arg11[%parallel_loop3A_933], %broadcast_in_dim3A_33 {add = true} : memref<32800xf32, #tpu.memory_space<vmem>>[vector<16xi32>], vector<16xf32>,
    } {sc.loop_unroll_factor = 8 : i64, sc.parallel_access}
    %add3A_248 = arith.constant 128 : i32
    %add3A_249 = arith.addi %mul3A_2, %add3A_248 : i32
    %dma_wait3A_250 = arith.constant 0 : i32
    %dma_wait3A_251 = tpu.memref_slice %arg2[%add3A_249, %dma_wait3A_250] : memref<16384x2048xf32, #tpu.memory_space<hbm>> -> memref<16x2048xf32, #tpu.memory_space<hbm>>
    %dma_wait3A_252 = arith.constant 0 : i32
    %dma_wait3A_253 = tpu.memref_slice %arg2[%add3A_249, %dma_wait3A_252] : memref<16384x2048xf32, #tpu.memory_space<hbm>> -> memref<16x2048xf32, #tpu.memory_space<hbm>>
    tpu.wait_dma2 semaphore(%arg13 : memref<!tpu.dma_semaphore, #tpu.memory_space<semaphore_mem>>) src(%dma_wait3A_253 : memref<16x2048xf32, #tpu.memory_space<hbm>>) dst(%arg7 : memref<16x2048xf32, #tpu.memory_space<vmem>>)
    %add3A_254 = arith.constant 128 : i32
    %add3A_255 = arith.addi %mul3A_2, %add3A_254 : i32
    %dma_start3A_256 = arith.constant 0 : i32
    %dma_start3A_257 = tpu.memref_slice %arg5[%add3A_255, %dma_start3A_256] : memref<16384x2048xf32, #tpu.memory_space<hbm>> -> memref<16x2048xf32, #tpu.memory_space<hbm>>
    %dma_start3A_258 = arith.constant 0 : i32
    %dma_start3A_259 = tpu.memref_slice %arg5[%add3A_255, %dma_start3A_258] : memref<16384x2048xf32, #tpu.memory_space<hbm>> -> memref<16x2048xf32, #tpu.memory_space<hbm>>
    tpu.enqueue_dma source(%arg7 : memref<16x2048xf32, #tpu.memory_space<vmem>>) target(%dma_start3A_259 : memref<16x2048xf32, #tpu.memory_space<hbm>>) target_semaphore(%arg15 : memref<!tpu.dma_semaphore, #tpu.memory_space<semaphore_mem>>)
    %add3A_260 = arith.constant 112 : i32
    %add3A_261 = arith.addi %mul3A_2, %add3A_260 : i32
    %dma_wait3A_262 = arith.constant 0 : i32
    %dma_wait3A_263 = tpu.memref_slice %arg5[%add3A_261, %dma_wait3A_262] : memref<16384x2048xf32, #tpu.memory_space<hbm>> -> memref<16x2048xf32, #tpu.memory_space<hbm>>
    %dma_wait3A_264 = arith.constant 0 : i32
    %dma_wait3A_265 = tpu.memref_slice %arg5[%add3A_261, %dma_wait3A_264] : memref<16384x2048xf32, #tpu.memory_space<hbm>> -> memref<16x2048xf32, #tpu.memory_space<hbm>>
    tpu.wait_dma2 semaphore(%arg16 : memref<!tpu.dma_semaphore, #tpu.memory_space<semaphore_mem>>) src(%arg8 : memref<16x2048xf32, #tpu.memory_space<vmem>>) dst(%dma_wait3A_265 : memref<16x2048xf32, #tpu.memory_space<hbm>>)
    %add3A_266 = arith.constant 144 : i32
    %add3A_267 = arith.addi %mul3A_2, %add3A_266 : i32
    %dma_start3A_268 = arith.constant 0 : i32
    %dma_start3A_269 = tpu.memref_slice %arg2[%add3A_267, %dma_start3A_268] : memref<16384x2048xf32, #tpu.memory_space<hbm>> -> memref<16x2048xf32, #tpu.memory_space<hbm>>
    %dma_start3A_270 = arith.constant 0 : i32
    %dma_start3A_271 = tpu.memref_slice %arg2[%add3A_267, %dma_start3A_270] : memref<16384x2048xf32, #tpu.memory_space<hbm>> -> memref<16x2048xf32, #tpu.memory_space<hbm>>
    tpu.enqueue_dma source(%dma_start3A_271 : memref<16x2048xf32, #tpu.memory_space<hbm>>) target(%arg8 : memref<16x2048xf32, #tpu.memory_space<vmem>>) target_semaphore(%arg14 : memref<!tpu.dma_semaphore, #tpu.memory_space<semaphore_mem>>)
    %parallel_loop3A_272 = arith.constant 0 : i32
    %parallel_loop3A_273 = arith.constant 2048 : i32
    %parallel_loop3A_274 = arith.constant 1 : i32
    scf.for %parallel_loop3A_920 = %parallel_loop3A_272 to %parallel_loop3A_273 step %parallel_loop3A_274  : i32 {
      %parallel_loop3A_921 = arith.constant 7 : i32
      %parallel_loop3A_922 = arith.shrsi %parallel_loop3A_920, %parallel_loop3A_921 : i32
      %parallel_loop3A_923 = arith.constant 127 : i32
      %parallel_loop3A_924 = arith.andi %parallel_loop3A_920, %parallel_loop3A_923 : i32
      %parallel_loop3A_925 = arith.constant 16 : i32
      %parallel_loop3A_926 = arith.muli %parallel_loop3A_924, %parallel_loop3A_925 : i32
      %parallel_loop3A_927 = arith.index_cast %parallel_loop3A_922 : i32 to index
      %parallel_loop3A_928 = arith.index_cast %parallel_loop3A_926 : i32 to index
      %parallel_loop3A_929 = tpu.vector_load %arg7[%parallel_loop3A_927, %parallel_loop3A_928] {strides = array<i32>} : memref<16x2048xf32, #tpu.memory_space<vmem>>, vector<16xf32>,
      %parallel_loop3A_930 = arith.mulf %parallel_loop3A_929, %div3A : vector<16xf32>
      %parallel_loop3A_931 = arith.addf %parallel_loop3A_930, %neg3A_25 : vector<16xf32>
      %parallel_loop3A_932 = arith.fptosi %parallel_loop3A_931 : vector<16xf32> to vector<16xi32>
      %parallel_loop3A_933 = arith.addi %parallel_loop3A_932, %add3A_39 : vector<16xi32>
      tpu.vector_store_idx %arg11[%parallel_loop3A_933], %broadcast_in_dim3A_33 {add = true} : memref<32800xf32, #tpu.memory_space<vmem>>[vector<16xi32>], vector<16xf32>,
    } {sc.loop_unroll_factor = 8 : i64, sc.parallel_access}
    %add3A_275 = arith.constant 144 : i32
    %add3A_276 = arith.addi %mul3A_2, %add3A_275 : i32
    %dma_wait3A_277 = arith.constant 0 : i32
    %dma_wait3A_278 = tpu.memref_slice %arg2[%add3A_276, %dma_wait3A_277] : memref<16384x2048xf32, #tpu.memory_space<hbm>> -> memref<16x2048xf32, #tpu.memory_space<hbm>>
    %dma_wait3A_279 = arith.constant 0 : i32
    %dma_wait3A_280 = tpu.memref_slice %arg2[%add3A_276, %dma_wait3A_279] : memref<16384x2048xf32, #tpu.memory_space<hbm>> -> memref<16x2048xf32, #tpu.memory_space<hbm>>
    tpu.wait_dma2 semaphore(%arg14 : memref<!tpu.dma_semaphore, #tpu.memory_space<semaphore_mem>>) src(%dma_wait3A_280 : memref<16x2048xf32, #tpu.memory_space<hbm>>) dst(%arg8 : memref<16x2048xf32, #tpu.memory_space<vmem>>)
    %add3A_281 = arith.constant 144 : i32
    %add3A_282 = arith.addi %mul3A_2, %add3A_281 : i32
    %dma_start3A_283 = arith.constant 0 : i32
    %dma_start3A_284 = tpu.memref_slice %arg5[%add3A_282, %dma_start3A_283] : memref<16384x2048xf32, #tpu.memory_space<hbm>> -> memref<16x2048xf32, #tpu.memory_space<hbm>>
    %dma_start3A_285 = arith.constant 0 : i32
    %dma_start3A_286 = tpu.memref_slice %arg5[%add3A_282, %dma_start3A_285] : memref<16384x2048xf32, #tpu.memory_space<hbm>> -> memref<16x2048xf32, #tpu.memory_space<hbm>>
    tpu.enqueue_dma source(%arg8 : memref<16x2048xf32, #tpu.memory_space<vmem>>) target(%dma_start3A_286 : memref<16x2048xf32, #tpu.memory_space<hbm>>) target_semaphore(%arg16 : memref<!tpu.dma_semaphore, #tpu.memory_space<semaphore_mem>>)
    %add3A_287 = arith.constant 128 : i32
    %add3A_288 = arith.addi %mul3A_2, %add3A_287 : i32
    %dma_wait3A_289 = arith.constant 0 : i32
    %dma_wait3A_290 = tpu.memref_slice %arg5[%add3A_288, %dma_wait3A_289] : memref<16384x2048xf32, #tpu.memory_space<hbm>> -> memref<16x2048xf32, #tpu.memory_space<hbm>>
    %dma_wait3A_291 = arith.constant 0 : i32
    %dma_wait3A_292 = tpu.memref_slice %arg5[%add3A_288, %dma_wait3A_291] : memref<16384x2048xf32, #tpu.memory_space<hbm>> -> memref<16x2048xf32, #tpu.memory_space<hbm>>
    tpu.wait_dma2 semaphore(%arg15 : memref<!tpu.dma_semaphore, #tpu.memory_space<semaphore_mem>>) src(%arg7 : memref<16x2048xf32, #tpu.memory_space<vmem>>) dst(%dma_wait3A_292 : memref<16x2048xf32, #tpu.memory_space<hbm>>)
    %add3A_293 = arith.constant 160 : i32
    %add3A_294 = arith.addi %mul3A_2, %add3A_293 : i32
    %dma_start3A_295 = arith.constant 0 : i32
    %dma_start3A_296 = tpu.memref_slice %arg2[%add3A_294, %dma_start3A_295] : memref<16384x2048xf32, #tpu.memory_space<hbm>> -> memref<16x2048xf32, #tpu.memory_space<hbm>>
    %dma_start3A_297 = arith.constant 0 : i32
    %dma_start3A_298 = tpu.memref_slice %arg2[%add3A_294, %dma_start3A_297] : memref<16384x2048xf32, #tpu.memory_space<hbm>> -> memref<16x2048xf32, #tpu.memory_space<hbm>>
    tpu.enqueue_dma source(%dma_start3A_298 : memref<16x2048xf32, #tpu.memory_space<hbm>>) target(%arg7 : memref<16x2048xf32, #tpu.memory_space<vmem>>) target_semaphore(%arg13 : memref<!tpu.dma_semaphore, #tpu.memory_space<semaphore_mem>>)
    %parallel_loop3A_299 = arith.constant 0 : i32
    %parallel_loop3A_300 = arith.constant 2048 : i32
    %parallel_loop3A_301 = arith.constant 1 : i32
    scf.for %parallel_loop3A_920 = %parallel_loop3A_299 to %parallel_loop3A_300 step %parallel_loop3A_301  : i32 {
      %parallel_loop3A_921 = arith.constant 7 : i32
      %parallel_loop3A_922 = arith.shrsi %parallel_loop3A_920, %parallel_loop3A_921 : i32
      %parallel_loop3A_923 = arith.constant 127 : i32
      %parallel_loop3A_924 = arith.andi %parallel_loop3A_920, %parallel_loop3A_923 : i32
      %parallel_loop3A_925 = arith.constant 16 : i32
      %parallel_loop3A_926 = arith.muli %parallel_loop3A_924, %parallel_loop3A_925 : i32
      %parallel_loop3A_927 = arith.index_cast %parallel_loop3A_922 : i32 to index
      %parallel_loop3A_928 = arith.index_cast %parallel_loop3A_926 : i32 to index
      %parallel_loop3A_929 = tpu.vector_load %arg8[%parallel_loop3A_927, %parallel_loop3A_928] {strides = array<i32>} : memref<16x2048xf32, #tpu.memory_space<vmem>>, vector<16xf32>,
      %parallel_loop3A_930 = arith.mulf %parallel_loop3A_929, %div3A : vector<16xf32>
      %parallel_loop3A_931 = arith.addf %parallel_loop3A_930, %neg3A_25 : vector<16xf32>
      %parallel_loop3A_932 = arith.fptosi %parallel_loop3A_931 : vector<16xf32> to vector<16xi32>
      %parallel_loop3A_933 = arith.addi %parallel_loop3A_932, %add3A_39 : vector<16xi32>
      tpu.vector_store_idx %arg11[%parallel_loop3A_933], %broadcast_in_dim3A_33 {add = true} : memref<32800xf32, #tpu.memory_space<vmem>>[vector<16xi32>], vector<16xf32>,
    } {sc.loop_unroll_factor = 8 : i64, sc.parallel_access}
    %add3A_302 = arith.constant 160 : i32
    %add3A_303 = arith.addi %mul3A_2, %add3A_302 : i32
    %dma_wait3A_304 = arith.constant 0 : i32
    %dma_wait3A_305 = tpu.memref_slice %arg2[%add3A_303, %dma_wait3A_304] : memref<16384x2048xf32, #tpu.memory_space<hbm>> -> memref<16x2048xf32, #tpu.memory_space<hbm>>
    %dma_wait3A_306 = arith.constant 0 : i32
    %dma_wait3A_307 = tpu.memref_slice %arg2[%add3A_303, %dma_wait3A_306] : memref<16384x2048xf32, #tpu.memory_space<hbm>> -> memref<16x2048xf32, #tpu.memory_space<hbm>>
    tpu.wait_dma2 semaphore(%arg13 : memref<!tpu.dma_semaphore, #tpu.memory_space<semaphore_mem>>) src(%dma_wait3A_307 : memref<16x2048xf32, #tpu.memory_space<hbm>>) dst(%arg7 : memref<16x2048xf32, #tpu.memory_space<vmem>>)
    %add3A_308 = arith.constant 160 : i32
    %add3A_309 = arith.addi %mul3A_2, %add3A_308 : i32
    %dma_start3A_310 = arith.constant 0 : i32
    %dma_start3A_311 = tpu.memref_slice %arg5[%add3A_309, %dma_start3A_310] : memref<16384x2048xf32, #tpu.memory_space<hbm>> -> memref<16x2048xf32, #tpu.memory_space<hbm>>
    %dma_start3A_312 = arith.constant 0 : i32
    %dma_start3A_313 = tpu.memref_slice %arg5[%add3A_309, %dma_start3A_312] : memref<16384x2048xf32, #tpu.memory_space<hbm>> -> memref<16x2048xf32, #tpu.memory_space<hbm>>
    tpu.enqueue_dma source(%arg7 : memref<16x2048xf32, #tpu.memory_space<vmem>>) target(%dma_start3A_313 : memref<16x2048xf32, #tpu.memory_space<hbm>>) target_semaphore(%arg15 : memref<!tpu.dma_semaphore, #tpu.memory_space<semaphore_mem>>)
    %add3A_314 = arith.constant 144 : i32
    %add3A_315 = arith.addi %mul3A_2, %add3A_314 : i32
    %dma_wait3A_316 = arith.constant 0 : i32
    %dma_wait3A_317 = tpu.memref_slice %arg5[%add3A_315, %dma_wait3A_316] : memref<16384x2048xf32, #tpu.memory_space<hbm>> -> memref<16x2048xf32, #tpu.memory_space<hbm>>
    %dma_wait3A_318 = arith.constant 0 : i32
    %dma_wait3A_319 = tpu.memref_slice %arg5[%add3A_315, %dma_wait3A_318] : memref<16384x2048xf32, #tpu.memory_space<hbm>> -> memref<16x2048xf32, #tpu.memory_space<hbm>>
    tpu.wait_dma2 semaphore(%arg16 : memref<!tpu.dma_semaphore, #tpu.memory_space<semaphore_mem>>) src(%arg8 : memref<16x2048xf32, #tpu.memory_space<vmem>>) dst(%dma_wait3A_319 : memref<16x2048xf32, #tpu.memory_space<hbm>>)
    %add3A_320 = arith.constant 176 : i32
    %add3A_321 = arith.addi %mul3A_2, %add3A_320 : i32
    %dma_start3A_322 = arith.constant 0 : i32
    %dma_start3A_323 = tpu.memref_slice %arg2[%add3A_321, %dma_start3A_322] : memref<16384x2048xf32, #tpu.memory_space<hbm>> -> memref<16x2048xf32, #tpu.memory_space<hbm>>
    %dma_start3A_324 = arith.constant 0 : i32
    %dma_start3A_325 = tpu.memref_slice %arg2[%add3A_321, %dma_start3A_324] : memref<16384x2048xf32, #tpu.memory_space<hbm>> -> memref<16x2048xf32, #tpu.memory_space<hbm>>
    tpu.enqueue_dma source(%dma_start3A_325 : memref<16x2048xf32, #tpu.memory_space<hbm>>) target(%arg8 : memref<16x2048xf32, #tpu.memory_space<vmem>>) target_semaphore(%arg14 : memref<!tpu.dma_semaphore, #tpu.memory_space<semaphore_mem>>)
    %parallel_loop3A_326 = arith.constant 0 : i32
    %parallel_loop3A_327 = arith.constant 2048 : i32
    %parallel_loop3A_328 = arith.constant 1 : i32
    scf.for %parallel_loop3A_920 = %parallel_loop3A_326 to %parallel_loop3A_327 step %parallel_loop3A_328  : i32 {
      %parallel_loop3A_921 = arith.constant 7 : i32
      %parallel_loop3A_922 = arith.shrsi %parallel_loop3A_920, %parallel_loop3A_921 : i32
      %parallel_loop3A_923 = arith.constant 127 : i32
      %parallel_loop3A_924 = arith.andi %parallel_loop3A_920, %parallel_loop3A_923 : i32
      %parallel_loop3A_925 = arith.constant 16 : i32
      %parallel_loop3A_926 = arith.muli %parallel_loop3A_924, %parallel_loop3A_925 : i32
      %parallel_loop3A_927 = arith.index_cast %parallel_loop3A_922 : i32 to index
      %parallel_loop3A_928 = arith.index_cast %parallel_loop3A_926 : i32 to index
      %parallel_loop3A_929 = tpu.vector_load %arg7[%parallel_loop3A_927, %parallel_loop3A_928] {strides = array<i32>} : memref<16x2048xf32, #tpu.memory_space<vmem>>, vector<16xf32>,
      %parallel_loop3A_930 = arith.mulf %parallel_loop3A_929, %div3A : vector<16xf32>
      %parallel_loop3A_931 = arith.addf %parallel_loop3A_930, %neg3A_25 : vector<16xf32>
      %parallel_loop3A_932 = arith.fptosi %parallel_loop3A_931 : vector<16xf32> to vector<16xi32>
      %parallel_loop3A_933 = arith.addi %parallel_loop3A_932, %add3A_39 : vector<16xi32>
      tpu.vector_store_idx %arg11[%parallel_loop3A_933], %broadcast_in_dim3A_33 {add = true} : memref<32800xf32, #tpu.memory_space<vmem>>[vector<16xi32>], vector<16xf32>,
    } {sc.loop_unroll_factor = 8 : i64, sc.parallel_access}
    %add3A_329 = arith.constant 176 : i32
    %add3A_330 = arith.addi %mul3A_2, %add3A_329 : i32
    %dma_wait3A_331 = arith.constant 0 : i32
    %dma_wait3A_332 = tpu.memref_slice %arg2[%add3A_330, %dma_wait3A_331] : memref<16384x2048xf32, #tpu.memory_space<hbm>> -> memref<16x2048xf32, #tpu.memory_space<hbm>>
    %dma_wait3A_333 = arith.constant 0 : i32
    %dma_wait3A_334 = tpu.memref_slice %arg2[%add3A_330, %dma_wait3A_333] : memref<16384x2048xf32, #tpu.memory_space<hbm>> -> memref<16x2048xf32, #tpu.memory_space<hbm>>
    tpu.wait_dma2 semaphore(%arg14 : memref<!tpu.dma_semaphore, #tpu.memory_space<semaphore_mem>>) src(%dma_wait3A_334 : memref<16x2048xf32, #tpu.memory_space<hbm>>) dst(%arg8 : memref<16x2048xf32, #tpu.memory_space<vmem>>)
    %add3A_335 = arith.constant 176 : i32
    %add3A_336 = arith.addi %mul3A_2, %add3A_335 : i32
    %dma_start3A_337 = arith.constant 0 : i32
    %dma_start3A_338 = tpu.memref_slice %arg5[%add3A_336, %dma_start3A_337] : memref<16384x2048xf32, #tpu.memory_space<hbm>> -> memref<16x2048xf32, #tpu.memory_space<hbm>>
    %dma_start3A_339 = arith.constant 0 : i32
    %dma_start3A_340 = tpu.memref_slice %arg5[%add3A_336, %dma_start3A_339] : memref<16384x2048xf32, #tpu.memory_space<hbm>> -> memref<16x2048xf32, #tpu.memory_space<hbm>>
    tpu.enqueue_dma source(%arg8 : memref<16x2048xf32, #tpu.memory_space<vmem>>) target(%dma_start3A_340 : memref<16x2048xf32, #tpu.memory_space<hbm>>) target_semaphore(%arg16 : memref<!tpu.dma_semaphore, #tpu.memory_space<semaphore_mem>>)
    %add3A_341 = arith.constant 160 : i32
    %add3A_342 = arith.addi %mul3A_2, %add3A_341 : i32
    %dma_wait3A_343 = arith.constant 0 : i32
    %dma_wait3A_344 = tpu.memref_slice %arg5[%add3A_342, %dma_wait3A_343] : memref<16384x2048xf32, #tpu.memory_space<hbm>> -> memref<16x2048xf32, #tpu.memory_space<hbm>>
    %dma_wait3A_345 = arith.constant 0 : i32
    %dma_wait3A_346 = tpu.memref_slice %arg5[%add3A_342, %dma_wait3A_345] : memref<16384x2048xf32, #tpu.memory_space<hbm>> -> memref<16x2048xf32, #tpu.memory_space<hbm>>
    tpu.wait_dma2 semaphore(%arg15 : memref<!tpu.dma_semaphore, #tpu.memory_space<semaphore_mem>>) src(%arg7 : memref<16x2048xf32, #tpu.memory_space<vmem>>) dst(%dma_wait3A_346 : memref<16x2048xf32, #tpu.memory_space<hbm>>)
    %add3A_347 = arith.constant 192 : i32
    %add3A_348 = arith.addi %mul3A_2, %add3A_347 : i32
    %dma_start3A_349 = arith.constant 0 : i32
    %dma_start3A_350 = tpu.memref_slice %arg2[%add3A_348, %dma_start3A_349] : memref<16384x2048xf32, #tpu.memory_space<hbm>> -> memref<16x2048xf32, #tpu.memory_space<hbm>>
    %dma_start3A_351 = arith.constant 0 : i32
    %dma_start3A_352 = tpu.memref_slice %arg2[%add3A_348, %dma_start3A_351] : memref<16384x2048xf32, #tpu.memory_space<hbm>> -> memref<16x2048xf32, #tpu.memory_space<hbm>>
    tpu.enqueue_dma source(%dma_start3A_352 : memref<16x2048xf32, #tpu.memory_space<hbm>>) target(%arg7 : memref<16x2048xf32, #tpu.memory_space<vmem>>) target_semaphore(%arg13 : memref<!tpu.dma_semaphore, #tpu.memory_space<semaphore_mem>>)
    %parallel_loop3A_353 = arith.constant 0 : i32
    %parallel_loop3A_354 = arith.constant 2048 : i32
    %parallel_loop3A_355 = arith.constant 1 : i32
    scf.for %parallel_loop3A_920 = %parallel_loop3A_353 to %parallel_loop3A_354 step %parallel_loop3A_355  : i32 {
      %parallel_loop3A_921 = arith.constant 7 : i32
      %parallel_loop3A_922 = arith.shrsi %parallel_loop3A_920, %parallel_loop3A_921 : i32
      %parallel_loop3A_923 = arith.constant 127 : i32
      %parallel_loop3A_924 = arith.andi %parallel_loop3A_920, %parallel_loop3A_923 : i32
      %parallel_loop3A_925 = arith.constant 16 : i32
      %parallel_loop3A_926 = arith.muli %parallel_loop3A_924, %parallel_loop3A_925 : i32
      %parallel_loop3A_927 = arith.index_cast %parallel_loop3A_922 : i32 to index
      %parallel_loop3A_928 = arith.index_cast %parallel_loop3A_926 : i32 to index
      %parallel_loop3A_929 = tpu.vector_load %arg8[%parallel_loop3A_927, %parallel_loop3A_928] {strides = array<i32>} : memref<16x2048xf32, #tpu.memory_space<vmem>>, vector<16xf32>,
      %parallel_loop3A_930 = arith.mulf %parallel_loop3A_929, %div3A : vector<16xf32>
      %parallel_loop3A_931 = arith.addf %parallel_loop3A_930, %neg3A_25 : vector<16xf32>
      %parallel_loop3A_932 = arith.fptosi %parallel_loop3A_931 : vector<16xf32> to vector<16xi32>
      %parallel_loop3A_933 = arith.addi %parallel_loop3A_932, %add3A_39 : vector<16xi32>
      tpu.vector_store_idx %arg11[%parallel_loop3A_933], %broadcast_in_dim3A_33 {add = true} : memref<32800xf32, #tpu.memory_space<vmem>>[vector<16xi32>], vector<16xf32>,
    } {sc.loop_unroll_factor = 8 : i64, sc.parallel_access}
    %add3A_356 = arith.constant 192 : i32
    %add3A_357 = arith.addi %mul3A_2, %add3A_356 : i32
    %dma_wait3A_358 = arith.constant 0 : i32
    %dma_wait3A_359 = tpu.memref_slice %arg2[%add3A_357, %dma_wait3A_358] : memref<16384x2048xf32, #tpu.memory_space<hbm>> -> memref<16x2048xf32, #tpu.memory_space<hbm>>
    %dma_wait3A_360 = arith.constant 0 : i32
    %dma_wait3A_361 = tpu.memref_slice %arg2[%add3A_357, %dma_wait3A_360] : memref<16384x2048xf32, #tpu.memory_space<hbm>> -> memref<16x2048xf32, #tpu.memory_space<hbm>>
    tpu.wait_dma2 semaphore(%arg13 : memref<!tpu.dma_semaphore, #tpu.memory_space<semaphore_mem>>) src(%dma_wait3A_361 : memref<16x2048xf32, #tpu.memory_space<hbm>>) dst(%arg7 : memref<16x2048xf32, #tpu.memory_space<vmem>>)
    %add3A_362 = arith.constant 192 : i32
    %add3A_363 = arith.addi %mul3A_2, %add3A_362 : i32
    %dma_start3A_364 = arith.constant 0 : i32
    %dma_start3A_365 = tpu.memref_slice %arg5[%add3A_363, %dma_start3A_364] : memref<16384x2048xf32, #tpu.memory_space<hbm>> -> memref<16x2048xf32, #tpu.memory_space<hbm>>
    %dma_start3A_366 = arith.constant 0 : i32
    %dma_start3A_367 = tpu.memref_slice %arg5[%add3A_363, %dma_start3A_366] : memref<16384x2048xf32, #tpu.memory_space<hbm>> -> memref<16x2048xf32, #tpu.memory_space<hbm>>
    tpu.enqueue_dma source(%arg7 : memref<16x2048xf32, #tpu.memory_space<vmem>>) target(%dma_start3A_367 : memref<16x2048xf32, #tpu.memory_space<hbm>>) target_semaphore(%arg15 : memref<!tpu.dma_semaphore, #tpu.memory_space<semaphore_mem>>)
    %add3A_368 = arith.constant 176 : i32
    %add3A_369 = arith.addi %mul3A_2, %add3A_368 : i32
    %dma_wait3A_370 = arith.constant 0 : i32
    %dma_wait3A_371 = tpu.memref_slice %arg5[%add3A_369, %dma_wait3A_370] : memref<16384x2048xf32, #tpu.memory_space<hbm>> -> memref<16x2048xf32, #tpu.memory_space<hbm>>
    %dma_wait3A_372 = arith.constant 0 : i32
    %dma_wait3A_373 = tpu.memref_slice %arg5[%add3A_369, %dma_wait3A_372] : memref<16384x2048xf32, #tpu.memory_space<hbm>> -> memref<16x2048xf32, #tpu.memory_space<hbm>>
    tpu.wait_dma2 semaphore(%arg16 : memref<!tpu.dma_semaphore, #tpu.memory_space<semaphore_mem>>) src(%arg8 : memref<16x2048xf32, #tpu.memory_space<vmem>>) dst(%dma_wait3A_373 : memref<16x2048xf32, #tpu.memory_space<hbm>>)
    %add3A_374 = arith.constant 208 : i32
    %add3A_375 = arith.addi %mul3A_2, %add3A_374 : i32
    %dma_start3A_376 = arith.constant 0 : i32
    %dma_start3A_377 = tpu.memref_slice %arg2[%add3A_375, %dma_start3A_376] : memref<16384x2048xf32, #tpu.memory_space<hbm>> -> memref<16x2048xf32, #tpu.memory_space<hbm>>
    %dma_start3A_378 = arith.constant 0 : i32
    %dma_start3A_379 = tpu.memref_slice %arg2[%add3A_375, %dma_start3A_378] : memref<16384x2048xf32, #tpu.memory_space<hbm>> -> memref<16x2048xf32, #tpu.memory_space<hbm>>
    tpu.enqueue_dma source(%dma_start3A_379 : memref<16x2048xf32, #tpu.memory_space<hbm>>) target(%arg8 : memref<16x2048xf32, #tpu.memory_space<vmem>>) target_semaphore(%arg14 : memref<!tpu.dma_semaphore, #tpu.memory_space<semaphore_mem>>)
    %parallel_loop3A_380 = arith.constant 0 : i32
    %parallel_loop3A_381 = arith.constant 2048 : i32
    %parallel_loop3A_382 = arith.constant 1 : i32
    scf.for %parallel_loop3A_920 = %parallel_loop3A_380 to %parallel_loop3A_381 step %parallel_loop3A_382  : i32 {
      %parallel_loop3A_921 = arith.constant 7 : i32
      %parallel_loop3A_922 = arith.shrsi %parallel_loop3A_920, %parallel_loop3A_921 : i32
      %parallel_loop3A_923 = arith.constant 127 : i32
      %parallel_loop3A_924 = arith.andi %parallel_loop3A_920, %parallel_loop3A_923 : i32
      %parallel_loop3A_925 = arith.constant 16 : i32
      %parallel_loop3A_926 = arith.muli %parallel_loop3A_924, %parallel_loop3A_925 : i32
      %parallel_loop3A_927 = arith.index_cast %parallel_loop3A_922 : i32 to index
      %parallel_loop3A_928 = arith.index_cast %parallel_loop3A_926 : i32 to index
      %parallel_loop3A_929 = tpu.vector_load %arg7[%parallel_loop3A_927, %parallel_loop3A_928] {strides = array<i32>} : memref<16x2048xf32, #tpu.memory_space<vmem>>, vector<16xf32>,
      %parallel_loop3A_930 = arith.mulf %parallel_loop3A_929, %div3A : vector<16xf32>
      %parallel_loop3A_931 = arith.addf %parallel_loop3A_930, %neg3A_25 : vector<16xf32>
      %parallel_loop3A_932 = arith.fptosi %parallel_loop3A_931 : vector<16xf32> to vector<16xi32>
      %parallel_loop3A_933 = arith.addi %parallel_loop3A_932, %add3A_39 : vector<16xi32>
      tpu.vector_store_idx %arg11[%parallel_loop3A_933], %broadcast_in_dim3A_33 {add = true} : memref<32800xf32, #tpu.memory_space<vmem>>[vector<16xi32>], vector<16xf32>,
    } {sc.loop_unroll_factor = 8 : i64, sc.parallel_access}
    %add3A_383 = arith.constant 208 : i32
    %add3A_384 = arith.addi %mul3A_2, %add3A_383 : i32
    %dma_wait3A_385 = arith.constant 0 : i32
    %dma_wait3A_386 = tpu.memref_slice %arg2[%add3A_384, %dma_wait3A_385] : memref<16384x2048xf32, #tpu.memory_space<hbm>> -> memref<16x2048xf32, #tpu.memory_space<hbm>>
    %dma_wait3A_387 = arith.constant 0 : i32
    %dma_wait3A_388 = tpu.memref_slice %arg2[%add3A_384, %dma_wait3A_387] : memref<16384x2048xf32, #tpu.memory_space<hbm>> -> memref<16x2048xf32, #tpu.memory_space<hbm>>
    tpu.wait_dma2 semaphore(%arg14 : memref<!tpu.dma_semaphore, #tpu.memory_space<semaphore_mem>>) src(%dma_wait3A_388 : memref<16x2048xf32, #tpu.memory_space<hbm>>) dst(%arg8 : memref<16x2048xf32, #tpu.memory_space<vmem>>)
    %add3A_389 = arith.constant 208 : i32
    %add3A_390 = arith.addi %mul3A_2, %add3A_389 : i32
    %dma_start3A_391 = arith.constant 0 : i32
    %dma_start3A_392 = tpu.memref_slice %arg5[%add3A_390, %dma_start3A_391] : memref<16384x2048xf32, #tpu.memory_space<hbm>> -> memref<16x2048xf32, #tpu.memory_space<hbm>>
    %dma_start3A_393 = arith.constant 0 : i32
    %dma_start3A_394 = tpu.memref_slice %arg5[%add3A_390, %dma_start3A_393] : memref<16384x2048xf32, #tpu.memory_space<hbm>> -> memref<16x2048xf32, #tpu.memory_space<hbm>>
    tpu.enqueue_dma source(%arg8 : memref<16x2048xf32, #tpu.memory_space<vmem>>) target(%dma_start3A_394 : memref<16x2048xf32, #tpu.memory_space<hbm>>) target_semaphore(%arg16 : memref<!tpu.dma_semaphore, #tpu.memory_space<semaphore_mem>>)
    %add3A_395 = arith.constant 192 : i32
    %add3A_396 = arith.addi %mul3A_2, %add3A_395 : i32
    %dma_wait3A_397 = arith.constant 0 : i32
    %dma_wait3A_398 = tpu.memref_slice %arg5[%add3A_396, %dma_wait3A_397] : memref<16384x2048xf32, #tpu.memory_space<hbm>> -> memref<16x2048xf32, #tpu.memory_space<hbm>>
    %dma_wait3A_399 = arith.constant 0 : i32
    %dma_wait3A_400 = tpu.memref_slice %arg5[%add3A_396, %dma_wait3A_399] : memref<16384x2048xf32, #tpu.memory_space<hbm>> -> memref<16x2048xf32, #tpu.memory_space<hbm>>
    tpu.wait_dma2 semaphore(%arg15 : memref<!tpu.dma_semaphore, #tpu.memory_space<semaphore_mem>>) src(%arg7 : memref<16x2048xf32, #tpu.memory_space<vmem>>) dst(%dma_wait3A_400 : memref<16x2048xf32, #tpu.memory_space<hbm>>)
    %add3A_401 = arith.constant 224 : i32
    %add3A_402 = arith.addi %mul3A_2, %add3A_401 : i32
    %dma_start3A_403 = arith.constant 0 : i32
    %dma_start3A_404 = tpu.memref_slice %arg2[%add3A_402, %dma_start3A_403] : memref<16384x2048xf32, #tpu.memory_space<hbm>> -> memref<16x2048xf32, #tpu.memory_space<hbm>>
    %dma_start3A_405 = arith.constant 0 : i32
    %dma_start3A_406 = tpu.memref_slice %arg2[%add3A_402, %dma_start3A_405] : memref<16384x2048xf32, #tpu.memory_space<hbm>> -> memref<16x2048xf32, #tpu.memory_space<hbm>>
    tpu.enqueue_dma source(%dma_start3A_406 : memref<16x2048xf32, #tpu.memory_space<hbm>>) target(%arg7 : memref<16x2048xf32, #tpu.memory_space<vmem>>) target_semaphore(%arg13 : memref<!tpu.dma_semaphore, #tpu.memory_space<semaphore_mem>>)
    %parallel_loop3A_407 = arith.constant 0 : i32
    %parallel_loop3A_408 = arith.constant 2048 : i32
    %parallel_loop3A_409 = arith.constant 1 : i32
    scf.for %parallel_loop3A_920 = %parallel_loop3A_407 to %parallel_loop3A_408 step %parallel_loop3A_409  : i32 {
      %parallel_loop3A_921 = arith.constant 7 : i32
      %parallel_loop3A_922 = arith.shrsi %parallel_loop3A_920, %parallel_loop3A_921 : i32
      %parallel_loop3A_923 = arith.constant 127 : i32
      %parallel_loop3A_924 = arith.andi %parallel_loop3A_920, %parallel_loop3A_923 : i32
      %parallel_loop3A_925 = arith.constant 16 : i32
      %parallel_loop3A_926 = arith.muli %parallel_loop3A_924, %parallel_loop3A_925 : i32
      %parallel_loop3A_927 = arith.index_cast %parallel_loop3A_922 : i32 to index
      %parallel_loop3A_928 = arith.index_cast %parallel_loop3A_926 : i32 to index
      %parallel_loop3A_929 = tpu.vector_load %arg8[%parallel_loop3A_927, %parallel_loop3A_928] {strides = array<i32>} : memref<16x2048xf32, #tpu.memory_space<vmem>>, vector<16xf32>,
      %parallel_loop3A_930 = arith.mulf %parallel_loop3A_929, %div3A : vector<16xf32>
      %parallel_loop3A_931 = arith.addf %parallel_loop3A_930, %neg3A_25 : vector<16xf32>
      %parallel_loop3A_932 = arith.fptosi %parallel_loop3A_931 : vector<16xf32> to vector<16xi32>
      %parallel_loop3A_933 = arith.addi %parallel_loop3A_932, %add3A_39 : vector<16xi32>
      tpu.vector_store_idx %arg11[%parallel_loop3A_933], %broadcast_in_dim3A_33 {add = true} : memref<32800xf32, #tpu.memory_space<vmem>>[vector<16xi32>], vector<16xf32>,
    } {sc.loop_unroll_factor = 8 : i64, sc.parallel_access}
    %add3A_410 = arith.constant 224 : i32
    %add3A_411 = arith.addi %mul3A_2, %add3A_410 : i32
    %dma_wait3A_412 = arith.constant 0 : i32
    %dma_wait3A_413 = tpu.memref_slice %arg2[%add3A_411, %dma_wait3A_412] : memref<16384x2048xf32, #tpu.memory_space<hbm>> -> memref<16x2048xf32, #tpu.memory_space<hbm>>
    %dma_wait3A_414 = arith.constant 0 : i32
    %dma_wait3A_415 = tpu.memref_slice %arg2[%add3A_411, %dma_wait3A_414] : memref<16384x2048xf32, #tpu.memory_space<hbm>> -> memref<16x2048xf32, #tpu.memory_space<hbm>>
    tpu.wait_dma2 semaphore(%arg13 : memref<!tpu.dma_semaphore, #tpu.memory_space<semaphore_mem>>) src(%dma_wait3A_415 : memref<16x2048xf32, #tpu.memory_space<hbm>>) dst(%arg7 : memref<16x2048xf32, #tpu.memory_space<vmem>>)
    %add3A_416 = arith.constant 224 : i32
    %add3A_417 = arith.addi %mul3A_2, %add3A_416 : i32
    %dma_start3A_418 = arith.constant 0 : i32
    %dma_start3A_419 = tpu.memref_slice %arg5[%add3A_417, %dma_start3A_418] : memref<16384x2048xf32, #tpu.memory_space<hbm>> -> memref<16x2048xf32, #tpu.memory_space<hbm>>
    %dma_start3A_420 = arith.constant 0 : i32
    %dma_start3A_421 = tpu.memref_slice %arg5[%add3A_417, %dma_start3A_420] : memref<16384x2048xf32, #tpu.memory_space<hbm>> -> memref<16x2048xf32, #tpu.memory_space<hbm>>
    tpu.enqueue_dma source(%arg7 : memref<16x2048xf32, #tpu.memory_space<vmem>>) target(%dma_start3A_421 : memref<16x2048xf32, #tpu.memory_space<hbm>>) target_semaphore(%arg15 : memref<!tpu.dma_semaphore, #tpu.memory_space<semaphore_mem>>)
    %add3A_422 = arith.constant 208 : i32
    %add3A_423 = arith.addi %mul3A_2, %add3A_422 : i32
    %dma_wait3A_424 = arith.constant 0 : i32
    %dma_wait3A_425 = tpu.memref_slice %arg5[%add3A_423, %dma_wait3A_424] : memref<16384x2048xf32, #tpu.memory_space<hbm>> -> memref<16x2048xf32, #tpu.memory_space<hbm>>
    %dma_wait3A_426 = arith.constant 0 : i32
    %dma_wait3A_427 = tpu.memref_slice %arg5[%add3A_423, %dma_wait3A_426] : memref<16384x2048xf32, #tpu.memory_space<hbm>> -> memref<16x2048xf32, #tpu.memory_space<hbm>>
    tpu.wait_dma2 semaphore(%arg16 : memref<!tpu.dma_semaphore, #tpu.memory_space<semaphore_mem>>) src(%arg8 : memref<16x2048xf32, #tpu.memory_space<vmem>>) dst(%dma_wait3A_427 : memref<16x2048xf32, #tpu.memory_space<hbm>>)
    %add3A_428 = arith.constant 240 : i32
    %add3A_429 = arith.addi %mul3A_2, %add3A_428 : i32
    %dma_start3A_430 = arith.constant 0 : i32
    %dma_start3A_431 = tpu.memref_slice %arg2[%add3A_429, %dma_start3A_430] : memref<16384x2048xf32, #tpu.memory_space<hbm>> -> memref<16x2048xf32, #tpu.memory_space<hbm>>
    %dma_start3A_432 = arith.constant 0 : i32
    %dma_start3A_433 = tpu.memref_slice %arg2[%add3A_429, %dma_start3A_432] : memref<16384x2048xf32, #tpu.memory_space<hbm>> -> memref<16x2048xf32, #tpu.memory_space<hbm>>
    tpu.enqueue_dma source(%dma_start3A_433 : memref<16x2048xf32, #tpu.memory_space<hbm>>) target(%arg8 : memref<16x2048xf32, #tpu.memory_space<vmem>>) target_semaphore(%arg14 : memref<!tpu.dma_semaphore, #tpu.memory_space<semaphore_mem>>)
    %parallel_loop3A_434 = arith.constant 0 : i32
    %parallel_loop3A_435 = arith.constant 2048 : i32
    %parallel_loop3A_436 = arith.constant 1 : i32
    scf.for %parallel_loop3A_920 = %parallel_loop3A_434 to %parallel_loop3A_435 step %parallel_loop3A_436  : i32 {
      %parallel_loop3A_921 = arith.constant 7 : i32
      %parallel_loop3A_922 = arith.shrsi %parallel_loop3A_920, %parallel_loop3A_921 : i32
      %parallel_loop3A_923 = arith.constant 127 : i32
      %parallel_loop3A_924 = arith.andi %parallel_loop3A_920, %parallel_loop3A_923 : i32
      %parallel_loop3A_925 = arith.constant 16 : i32
      %parallel_loop3A_926 = arith.muli %parallel_loop3A_924, %parallel_loop3A_925 : i32
      %parallel_loop3A_927 = arith.index_cast %parallel_loop3A_922 : i32 to index
      %parallel_loop3A_928 = arith.index_cast %parallel_loop3A_926 : i32 to index
      %parallel_loop3A_929 = tpu.vector_load %arg7[%parallel_loop3A_927, %parallel_loop3A_928] {strides = array<i32>} : memref<16x2048xf32, #tpu.memory_space<vmem>>, vector<16xf32>,
      %parallel_loop3A_930 = arith.mulf %parallel_loop3A_929, %div3A : vector<16xf32>
      %parallel_loop3A_931 = arith.addf %parallel_loop3A_930, %neg3A_25 : vector<16xf32>
      %parallel_loop3A_932 = arith.fptosi %parallel_loop3A_931 : vector<16xf32> to vector<16xi32>
      %parallel_loop3A_933 = arith.addi %parallel_loop3A_932, %add3A_39 : vector<16xi32>
      tpu.vector_store_idx %arg11[%parallel_loop3A_933], %broadcast_in_dim3A_33 {add = true} : memref<32800xf32, #tpu.memory_space<vmem>>[vector<16xi32>], vector<16xf32>,
    } {sc.loop_unroll_factor = 8 : i64, sc.parallel_access}
    %add3A_437 = arith.constant 240 : i32
    %add3A_438 = arith.addi %mul3A_2, %add3A_437 : i32
    %dma_wait3A_439 = arith.constant 0 : i32
    %dma_wait3A_440 = tpu.memref_slice %arg2[%add3A_438, %dma_wait3A_439] : memref<16384x2048xf32, #tpu.memory_space<hbm>> -> memref<16x2048xf32, #tpu.memory_space<hbm>>
    %dma_wait3A_441 = arith.constant 0 : i32
    %dma_wait3A_442 = tpu.memref_slice %arg2[%add3A_438, %dma_wait3A_441] : memref<16384x2048xf32, #tpu.memory_space<hbm>> -> memref<16x2048xf32, #tpu.memory_space<hbm>>
    tpu.wait_dma2 semaphore(%arg14 : memref<!tpu.dma_semaphore, #tpu.memory_space<semaphore_mem>>) src(%dma_wait3A_442 : memref<16x2048xf32, #tpu.memory_space<hbm>>) dst(%arg8 : memref<16x2048xf32, #tpu.memory_space<vmem>>)
    %add3A_443 = arith.constant 240 : i32
    %add3A_444 = arith.addi %mul3A_2, %add3A_443 : i32
    %dma_start3A_445 = arith.constant 0 : i32
    %dma_start3A_446 = tpu.memref_slice %arg5[%add3A_444, %dma_start3A_445] : memref<16384x2048xf32, #tpu.memory_space<hbm>> -> memref<16x2048xf32, #tpu.memory_space<hbm>>
    %dma_start3A_447 = arith.constant 0 : i32
    %dma_start3A_448 = tpu.memref_slice %arg5[%add3A_444, %dma_start3A_447] : memref<16384x2048xf32, #tpu.memory_space<hbm>> -> memref<16x2048xf32, #tpu.memory_space<hbm>>
    tpu.enqueue_dma source(%arg8 : memref<16x2048xf32, #tpu.memory_space<vmem>>) target(%dma_start3A_448 : memref<16x2048xf32, #tpu.memory_space<hbm>>) target_semaphore(%arg16 : memref<!tpu.dma_semaphore, #tpu.memory_space<semaphore_mem>>)
    %add3A_449 = arith.constant 224 : i32
    %add3A_450 = arith.addi %mul3A_2, %add3A_449 : i32
    %dma_wait3A_451 = arith.constant 0 : i32
    %dma_wait3A_452 = tpu.memref_slice %arg5[%add3A_450, %dma_wait3A_451] : memref<16384x2048xf32, #tpu.memory_space<hbm>> -> memref<16x2048xf32, #tpu.memory_space<hbm>>
    %dma_wait3A_453 = arith.constant 0 : i32
    %dma_wait3A_454 = tpu.memref_slice %arg5[%add3A_450, %dma_wait3A_453] : memref<16384x2048xf32, #tpu.memory_space<hbm>> -> memref<16x2048xf32, #tpu.memory_space<hbm>>
    tpu.wait_dma2 semaphore(%arg15 : memref<!tpu.dma_semaphore, #tpu.memory_space<semaphore_mem>>) src(%arg7 : memref<16x2048xf32, #tpu.memory_space<vmem>>) dst(%dma_wait3A_454 : memref<16x2048xf32, #tpu.memory_space<hbm>>)
    %add3A_455 = arith.constant 256 : i32
    %add3A_456 = arith.addi %mul3A_2, %add3A_455 : i32
    %dma_start3A_457 = arith.constant 0 : i32
    %dma_start3A_458 = tpu.memref_slice %arg2[%add3A_456, %dma_start3A_457] : memref<16384x2048xf32, #tpu.memory_space<hbm>> -> memref<16x2048xf32, #tpu.memory_space<hbm>>
    %dma_start3A_459 = arith.constant 0 : i32
    %dma_start3A_460 = tpu.memref_slice %arg2[%add3A_456, %dma_start3A_459] : memref<16384x2048xf32, #tpu.memory_space<hbm>> -> memref<16x2048xf32, #tpu.memory_space<hbm>>
    tpu.enqueue_dma source(%dma_start3A_460 : memref<16x2048xf32, #tpu.memory_space<hbm>>) target(%arg7 : memref<16x2048xf32, #tpu.memory_space<vmem>>) target_semaphore(%arg13 : memref<!tpu.dma_semaphore, #tpu.memory_space<semaphore_mem>>)
    %parallel_loop3A_461 = arith.constant 0 : i32
    %parallel_loop3A_462 = arith.constant 2048 : i32
    %parallel_loop3A_463 = arith.constant 1 : i32
    scf.for %parallel_loop3A_920 = %parallel_loop3A_461 to %parallel_loop3A_462 step %parallel_loop3A_463  : i32 {
      %parallel_loop3A_921 = arith.constant 7 : i32
      %parallel_loop3A_922 = arith.shrsi %parallel_loop3A_920, %parallel_loop3A_921 : i32
      %parallel_loop3A_923 = arith.constant 127 : i32
      %parallel_loop3A_924 = arith.andi %parallel_loop3A_920, %parallel_loop3A_923 : i32
      %parallel_loop3A_925 = arith.constant 16 : i32
      %parallel_loop3A_926 = arith.muli %parallel_loop3A_924, %parallel_loop3A_925 : i32
      %parallel_loop3A_927 = arith.index_cast %parallel_loop3A_922 : i32 to index
      %parallel_loop3A_928 = arith.index_cast %parallel_loop3A_926 : i32 to index
      %parallel_loop3A_929 = tpu.vector_load %arg8[%parallel_loop3A_927, %parallel_loop3A_928] {strides = array<i32>} : memref<16x2048xf32, #tpu.memory_space<vmem>>, vector<16xf32>,
      %parallel_loop3A_930 = arith.mulf %parallel_loop3A_929, %div3A : vector<16xf32>
      %parallel_loop3A_931 = arith.addf %parallel_loop3A_930, %neg3A_25 : vector<16xf32>
      %parallel_loop3A_932 = arith.fptosi %parallel_loop3A_931 : vector<16xf32> to vector<16xi32>
      %parallel_loop3A_933 = arith.addi %parallel_loop3A_932, %add3A_39 : vector<16xi32>
      tpu.vector_store_idx %arg11[%parallel_loop3A_933], %broadcast_in_dim3A_33 {add = true} : memref<32800xf32, #tpu.memory_space<vmem>>[vector<16xi32>], vector<16xf32>,
    } {sc.loop_unroll_factor = 8 : i64, sc.parallel_access}
    %add3A_464 = arith.constant 256 : i32
    %add3A_465 = arith.addi %mul3A_2, %add3A_464 : i32
    %dma_wait3A_466 = arith.constant 0 : i32
    %dma_wait3A_467 = tpu.memref_slice %arg2[%add3A_465, %dma_wait3A_466] : memref<16384x2048xf32, #tpu.memory_space<hbm>> -> memref<16x2048xf32, #tpu.memory_space<hbm>>
    %dma_wait3A_468 = arith.constant 0 : i32
    %dma_wait3A_469 = tpu.memref_slice %arg2[%add3A_465, %dma_wait3A_468] : memref<16384x2048xf32, #tpu.memory_space<hbm>> -> memref<16x2048xf32, #tpu.memory_space<hbm>>
    tpu.wait_dma2 semaphore(%arg13 : memref<!tpu.dma_semaphore, #tpu.memory_space<semaphore_mem>>) src(%dma_wait3A_469 : memref<16x2048xf32, #tpu.memory_space<hbm>>) dst(%arg7 : memref<16x2048xf32, #tpu.memory_space<vmem>>)
    %add3A_470 = arith.constant 256 : i32
    %add3A_471 = arith.addi %mul3A_2, %add3A_470 : i32
    %dma_start3A_472 = arith.constant 0 : i32
    %dma_start3A_473 = tpu.memref_slice %arg5[%add3A_471, %dma_start3A_472] : memref<16384x2048xf32, #tpu.memory_space<hbm>> -> memref<16x2048xf32, #tpu.memory_space<hbm>>
    %dma_start3A_474 = arith.constant 0 : i32
    %dma_start3A_475 = tpu.memref_slice %arg5[%add3A_471, %dma_start3A_474] : memref<16384x2048xf32, #tpu.memory_space<hbm>> -> memref<16x2048xf32, #tpu.memory_space<hbm>>
    tpu.enqueue_dma source(%arg7 : memref<16x2048xf32, #tpu.memory_space<vmem>>) target(%dma_start3A_475 : memref<16x2048xf32, #tpu.memory_space<hbm>>) target_semaphore(%arg15 : memref<!tpu.dma_semaphore, #tpu.memory_space<semaphore_mem>>)
    %add3A_476 = arith.constant 240 : i32
    %add3A_477 = arith.addi %mul3A_2, %add3A_476 : i32
    %dma_wait3A_478 = arith.constant 0 : i32
    %dma_wait3A_479 = tpu.memref_slice %arg5[%add3A_477, %dma_wait3A_478] : memref<16384x2048xf32, #tpu.memory_space<hbm>> -> memref<16x2048xf32, #tpu.memory_space<hbm>>
    %dma_wait3A_480 = arith.constant 0 : i32
    %dma_wait3A_481 = tpu.memref_slice %arg5[%add3A_477, %dma_wait3A_480] : memref<16384x2048xf32, #tpu.memory_space<hbm>> -> memref<16x2048xf32, #tpu.memory_space<hbm>>
    tpu.wait_dma2 semaphore(%arg16 : memref<!tpu.dma_semaphore, #tpu.memory_space<semaphore_mem>>) src(%arg8 : memref<16x2048xf32, #tpu.memory_space<vmem>>) dst(%dma_wait3A_481 : memref<16x2048xf32, #tpu.memory_space<hbm>>)
    %add3A_482 = arith.constant 272 : i32
    %add3A_483 = arith.addi %mul3A_2, %add3A_482 : i32
    %dma_start3A_484 = arith.constant 0 : i32
    %dma_start3A_485 = tpu.memref_slice %arg2[%add3A_483, %dma_start3A_484] : memref<16384x2048xf32, #tpu.memory_space<hbm>> -> memref<16x2048xf32, #tpu.memory_space<hbm>>
    %dma_start3A_486 = arith.constant 0 : i32
    %dma_start3A_487 = tpu.memref_slice %arg2[%add3A_483, %dma_start3A_486] : memref<16384x2048xf32, #tpu.memory_space<hbm>> -> memref<16x2048xf32, #tpu.memory_space<hbm>>
    tpu.enqueue_dma source(%dma_start3A_487 : memref<16x2048xf32, #tpu.memory_space<hbm>>) target(%arg8 : memref<16x2048xf32, #tpu.memory_space<vmem>>) target_semaphore(%arg14 : memref<!tpu.dma_semaphore, #tpu.memory_space<semaphore_mem>>)
    %parallel_loop3A_488 = arith.constant 0 : i32
    %parallel_loop3A_489 = arith.constant 2048 : i32
    %parallel_loop3A_490 = arith.constant 1 : i32
    scf.for %parallel_loop3A_920 = %parallel_loop3A_488 to %parallel_loop3A_489 step %parallel_loop3A_490  : i32 {
      %parallel_loop3A_921 = arith.constant 7 : i32
      %parallel_loop3A_922 = arith.shrsi %parallel_loop3A_920, %parallel_loop3A_921 : i32
      %parallel_loop3A_923 = arith.constant 127 : i32
      %parallel_loop3A_924 = arith.andi %parallel_loop3A_920, %parallel_loop3A_923 : i32
      %parallel_loop3A_925 = arith.constant 16 : i32
      %parallel_loop3A_926 = arith.muli %parallel_loop3A_924, %parallel_loop3A_925 : i32
      %parallel_loop3A_927 = arith.index_cast %parallel_loop3A_922 : i32 to index
      %parallel_loop3A_928 = arith.index_cast %parallel_loop3A_926 : i32 to index
      %parallel_loop3A_929 = tpu.vector_load %arg7[%parallel_loop3A_927, %parallel_loop3A_928] {strides = array<i32>} : memref<16x2048xf32, #tpu.memory_space<vmem>>, vector<16xf32>,
      %parallel_loop3A_930 = arith.mulf %parallel_loop3A_929, %div3A : vector<16xf32>
      %parallel_loop3A_931 = arith.addf %parallel_loop3A_930, %neg3A_25 : vector<16xf32>
      %parallel_loop3A_932 = arith.fptosi %parallel_loop3A_931 : vector<16xf32> to vector<16xi32>
      %parallel_loop3A_933 = arith.addi %parallel_loop3A_932, %add3A_39 : vector<16xi32>
      tpu.vector_store_idx %arg11[%parallel_loop3A_933], %broadcast_in_dim3A_33 {add = true} : memref<32800xf32, #tpu.memory_space<vmem>>[vector<16xi32>], vector<16xf32>,
    } {sc.loop_unroll_factor = 8 : i64, sc.parallel_access}
    %add3A_491 = arith.constant 272 : i32
    %add3A_492 = arith.addi %mul3A_2, %add3A_491 : i32
    %dma_wait3A_493 = arith.constant 0 : i32
    %dma_wait3A_494 = tpu.memref_slice %arg2[%add3A_492, %dma_wait3A_493] : memref<16384x2048xf32, #tpu.memory_space<hbm>> -> memref<16x2048xf32, #tpu.memory_space<hbm>>
    %dma_wait3A_495 = arith.constant 0 : i32
    %dma_wait3A_496 = tpu.memref_slice %arg2[%add3A_492, %dma_wait3A_495] : memref<16384x2048xf32, #tpu.memory_space<hbm>> -> memref<16x2048xf32, #tpu.memory_space<hbm>>
    tpu.wait_dma2 semaphore(%arg14 : memref<!tpu.dma_semaphore, #tpu.memory_space<semaphore_mem>>) src(%dma_wait3A_496 : memref<16x2048xf32, #tpu.memory_space<hbm>>) dst(%arg8 : memref<16x2048xf32, #tpu.memory_space<vmem>>)
    %add3A_497 = arith.constant 272 : i32
    %add3A_498 = arith.addi %mul3A_2, %add3A_497 : i32
    %dma_start3A_499 = arith.constant 0 : i32
    %dma_start3A_500 = tpu.memref_slice %arg5[%add3A_498, %dma_start3A_499] : memref<16384x2048xf32, #tpu.memory_space<hbm>> -> memref<16x2048xf32, #tpu.memory_space<hbm>>
    %dma_start3A_501 = arith.constant 0 : i32
    %dma_start3A_502 = tpu.memref_slice %arg5[%add3A_498, %dma_start3A_501] : memref<16384x2048xf32, #tpu.memory_space<hbm>> -> memref<16x2048xf32, #tpu.memory_space<hbm>>
    tpu.enqueue_dma source(%arg8 : memref<16x2048xf32, #tpu.memory_space<vmem>>) target(%dma_start3A_502 : memref<16x2048xf32, #tpu.memory_space<hbm>>) target_semaphore(%arg16 : memref<!tpu.dma_semaphore, #tpu.memory_space<semaphore_mem>>)
    %add3A_503 = arith.constant 256 : i32
    %add3A_504 = arith.addi %mul3A_2, %add3A_503 : i32
    %dma_wait3A_505 = arith.constant 0 : i32
    %dma_wait3A_506 = tpu.memref_slice %arg5[%add3A_504, %dma_wait3A_505] : memref<16384x2048xf32, #tpu.memory_space<hbm>> -> memref<16x2048xf32, #tpu.memory_space<hbm>>
    %dma_wait3A_507 = arith.constant 0 : i32
    %dma_wait3A_508 = tpu.memref_slice %arg5[%add3A_504, %dma_wait3A_507] : memref<16384x2048xf32, #tpu.memory_space<hbm>> -> memref<16x2048xf32, #tpu.memory_space<hbm>>
    tpu.wait_dma2 semaphore(%arg15 : memref<!tpu.dma_semaphore, #tpu.memory_space<semaphore_mem>>) src(%arg7 : memref<16x2048xf32, #tpu.memory_space<vmem>>) dst(%dma_wait3A_508 : memref<16x2048xf32, #tpu.memory_space<hbm>>)
    %add3A_509 = arith.constant 288 : i32
    %add3A_510 = arith.addi %mul3A_2, %add3A_509 : i32
    %dma_start3A_511 = arith.constant 0 : i32
    %dma_start3A_512 = tpu.memref_slice %arg2[%add3A_510, %dma_start3A_511] : memref<16384x2048xf32, #tpu.memory_space<hbm>> -> memref<16x2048xf32, #tpu.memory_space<hbm>>
    %dma_start3A_513 = arith.constant 0 : i32
    %dma_start3A_514 = tpu.memref_slice %arg2[%add3A_510, %dma_start3A_513] : memref<16384x2048xf32, #tpu.memory_space<hbm>> -> memref<16x2048xf32, #tpu.memory_space<hbm>>
    tpu.enqueue_dma source(%dma_start3A_514 : memref<16x2048xf32, #tpu.memory_space<hbm>>) target(%arg7 : memref<16x2048xf32, #tpu.memory_space<vmem>>) target_semaphore(%arg13 : memref<!tpu.dma_semaphore, #tpu.memory_space<semaphore_mem>>)
    %parallel_loop3A_515 = arith.constant 0 : i32
    %parallel_loop3A_516 = arith.constant 2048 : i32
    %parallel_loop3A_517 = arith.constant 1 : i32
    scf.for %parallel_loop3A_920 = %parallel_loop3A_515 to %parallel_loop3A_516 step %parallel_loop3A_517  : i32 {
      %parallel_loop3A_921 = arith.constant 7 : i32
      %parallel_loop3A_922 = arith.shrsi %parallel_loop3A_920, %parallel_loop3A_921 : i32
      %parallel_loop3A_923 = arith.constant 127 : i32
      %parallel_loop3A_924 = arith.andi %parallel_loop3A_920, %parallel_loop3A_923 : i32
      %parallel_loop3A_925 = arith.constant 16 : i32
      %parallel_loop3A_926 = arith.muli %parallel_loop3A_924, %parallel_loop3A_925 : i32
      %parallel_loop3A_927 = arith.index_cast %parallel_loop3A_922 : i32 to index
      %parallel_loop3A_928 = arith.index_cast %parallel_loop3A_926 : i32 to index
      %parallel_loop3A_929 = tpu.vector_load %arg8[%parallel_loop3A_927, %parallel_loop3A_928] {strides = array<i32>} : memref<16x2048xf32, #tpu.memory_space<vmem>>, vector<16xf32>,
      %parallel_loop3A_930 = arith.mulf %parallel_loop3A_929, %div3A : vector<16xf32>
      %parallel_loop3A_931 = arith.addf %parallel_loop3A_930, %neg3A_25 : vector<16xf32>
      %parallel_loop3A_932 = arith.fptosi %parallel_loop3A_931 : vector<16xf32> to vector<16xi32>
      %parallel_loop3A_933 = arith.addi %parallel_loop3A_932, %add3A_39 : vector<16xi32>
      tpu.vector_store_idx %arg11[%parallel_loop3A_933], %broadcast_in_dim3A_33 {add = true} : memref<32800xf32, #tpu.memory_space<vmem>>[vector<16xi32>], vector<16xf32>,
    } {sc.loop_unroll_factor = 8 : i64, sc.parallel_access}
    %add3A_518 = arith.constant 288 : i32
    %add3A_519 = arith.addi %mul3A_2, %add3A_518 : i32
    %dma_wait3A_520 = arith.constant 0 : i32
    %dma_wait3A_521 = tpu.memref_slice %arg2[%add3A_519, %dma_wait3A_520] : memref<16384x2048xf32, #tpu.memory_space<hbm>> -> memref<16x2048xf32, #tpu.memory_space<hbm>>
    %dma_wait3A_522 = arith.constant 0 : i32
    %dma_wait3A_523 = tpu.memref_slice %arg2[%add3A_519, %dma_wait3A_522] : memref<16384x2048xf32, #tpu.memory_space<hbm>> -> memref<16x2048xf32, #tpu.memory_space<hbm>>
    tpu.wait_dma2 semaphore(%arg13 : memref<!tpu.dma_semaphore, #tpu.memory_space<semaphore_mem>>) src(%dma_wait3A_523 : memref<16x2048xf32, #tpu.memory_space<hbm>>) dst(%arg7 : memref<16x2048xf32, #tpu.memory_space<vmem>>)
    %add3A_524 = arith.constant 288 : i32
    %add3A_525 = arith.addi %mul3A_2, %add3A_524 : i32
    %dma_start3A_526 = arith.constant 0 : i32
    %dma_start3A_527 = tpu.memref_slice %arg5[%add3A_525, %dma_start3A_526] : memref<16384x2048xf32, #tpu.memory_space<hbm>> -> memref<16x2048xf32, #tpu.memory_space<hbm>>
    %dma_start3A_528 = arith.constant 0 : i32
    %dma_start3A_529 = tpu.memref_slice %arg5[%add3A_525, %dma_start3A_528] : memref<16384x2048xf32, #tpu.memory_space<hbm>> -> memref<16x2048xf32, #tpu.memory_space<hbm>>
    tpu.enqueue_dma source(%arg7 : memref<16x2048xf32, #tpu.memory_space<vmem>>) target(%dma_start3A_529 : memref<16x2048xf32, #tpu.memory_space<hbm>>) target_semaphore(%arg15 : memref<!tpu.dma_semaphore, #tpu.memory_space<semaphore_mem>>)
    %add3A_530 = arith.constant 272 : i32
    %add3A_531 = arith.addi %mul3A_2, %add3A_530 : i32
    %dma_wait3A_532 = arith.constant 0 : i32
    %dma_wait3A_533 = tpu.memref_slice %arg5[%add3A_531, %dma_wait3A_532] : memref<16384x2048xf32, #tpu.memory_space<hbm>> -> memref<16x2048xf32, #tpu.memory_space<hbm>>
    %dma_wait3A_534 = arith.constant 0 : i32
    %dma_wait3A_535 = tpu.memref_slice %arg5[%add3A_531, %dma_wait3A_534] : memref<16384x2048xf32, #tpu.memory_space<hbm>> -> memref<16x2048xf32, #tpu.memory_space<hbm>>
    tpu.wait_dma2 semaphore(%arg16 : memref<!tpu.dma_semaphore, #tpu.memory_space<semaphore_mem>>) src(%arg8 : memref<16x2048xf32, #tpu.memory_space<vmem>>) dst(%dma_wait3A_535 : memref<16x2048xf32, #tpu.memory_space<hbm>>)
    %add3A_536 = arith.constant 304 : i32
    %add3A_537 = arith.addi %mul3A_2, %add3A_536 : i32
    %dma_start3A_538 = arith.constant 0 : i32
    %dma_start3A_539 = tpu.memref_slice %arg2[%add3A_537, %dma_start3A_538] : memref<16384x2048xf32, #tpu.memory_space<hbm>> -> memref<16x2048xf32, #tpu.memory_space<hbm>>
    %dma_start3A_540 = arith.constant 0 : i32
    %dma_start3A_541 = tpu.memref_slice %arg2[%add3A_537, %dma_start3A_540] : memref<16384x2048xf32, #tpu.memory_space<hbm>> -> memref<16x2048xf32, #tpu.memory_space<hbm>>
    tpu.enqueue_dma source(%dma_start3A_541 : memref<16x2048xf32, #tpu.memory_space<hbm>>) target(%arg8 : memref<16x2048xf32, #tpu.memory_space<vmem>>) target_semaphore(%arg14 : memref<!tpu.dma_semaphore, #tpu.memory_space<semaphore_mem>>)
    %parallel_loop3A_542 = arith.constant 0 : i32
    %parallel_loop3A_543 = arith.constant 2048 : i32
    %parallel_loop3A_544 = arith.constant 1 : i32
    scf.for %parallel_loop3A_920 = %parallel_loop3A_542 to %parallel_loop3A_543 step %parallel_loop3A_544  : i32 {
      %parallel_loop3A_921 = arith.constant 7 : i32
      %parallel_loop3A_922 = arith.shrsi %parallel_loop3A_920, %parallel_loop3A_921 : i32
      %parallel_loop3A_923 = arith.constant 127 : i32
      %parallel_loop3A_924 = arith.andi %parallel_loop3A_920, %parallel_loop3A_923 : i32
      %parallel_loop3A_925 = arith.constant 16 : i32
      %parallel_loop3A_926 = arith.muli %parallel_loop3A_924, %parallel_loop3A_925 : i32
      %parallel_loop3A_927 = arith.index_cast %parallel_loop3A_922 : i32 to index
      %parallel_loop3A_928 = arith.index_cast %parallel_loop3A_926 : i32 to index
      %parallel_loop3A_929 = tpu.vector_load %arg7[%parallel_loop3A_927, %parallel_loop3A_928] {strides = array<i32>} : memref<16x2048xf32, #tpu.memory_space<vmem>>, vector<16xf32>,
      %parallel_loop3A_930 = arith.mulf %parallel_loop3A_929, %div3A : vector<16xf32>
      %parallel_loop3A_931 = arith.addf %parallel_loop3A_930, %neg3A_25 : vector<16xf32>
      %parallel_loop3A_932 = arith.fptosi %parallel_loop3A_931 : vector<16xf32> to vector<16xi32>
      %parallel_loop3A_933 = arith.addi %parallel_loop3A_932, %add3A_39 : vector<16xi32>
      tpu.vector_store_idx %arg11[%parallel_loop3A_933], %broadcast_in_dim3A_33 {add = true} : memref<32800xf32, #tpu.memory_space<vmem>>[vector<16xi32>], vector<16xf32>,
    } {sc.loop_unroll_factor = 8 : i64, sc.parallel_access}
    %add3A_545 = arith.constant 304 : i32
    %add3A_546 = arith.addi %mul3A_2, %add3A_545 : i32
    %dma_wait3A_547 = arith.constant 0 : i32
    %dma_wait3A_548 = tpu.memref_slice %arg2[%add3A_546, %dma_wait3A_547] : memref<16384x2048xf32, #tpu.memory_space<hbm>> -> memref<16x2048xf32, #tpu.memory_space<hbm>>
    %dma_wait3A_549 = arith.constant 0 : i32
    %dma_wait3A_550 = tpu.memref_slice %arg2[%add3A_546, %dma_wait3A_549] : memref<16384x2048xf32, #tpu.memory_space<hbm>> -> memref<16x2048xf32, #tpu.memory_space<hbm>>
    tpu.wait_dma2 semaphore(%arg14 : memref<!tpu.dma_semaphore, #tpu.memory_space<semaphore_mem>>) src(%dma_wait3A_550 : memref<16x2048xf32, #tpu.memory_space<hbm>>) dst(%arg8 : memref<16x2048xf32, #tpu.memory_space<vmem>>)
    %add3A_551 = arith.constant 304 : i32
    %add3A_552 = arith.addi %mul3A_2, %add3A_551 : i32
    %dma_start3A_553 = arith.constant 0 : i32
    %dma_start3A_554 = tpu.memref_slice %arg5[%add3A_552, %dma_start3A_553] : memref<16384x2048xf32, #tpu.memory_space<hbm>> -> memref<16x2048xf32, #tpu.memory_space<hbm>>
    %dma_start3A_555 = arith.constant 0 : i32
    %dma_start3A_556 = tpu.memref_slice %arg5[%add3A_552, %dma_start3A_555] : memref<16384x2048xf32, #tpu.memory_space<hbm>> -> memref<16x2048xf32, #tpu.memory_space<hbm>>
    tpu.enqueue_dma source(%arg8 : memref<16x2048xf32, #tpu.memory_space<vmem>>) target(%dma_start3A_556 : memref<16x2048xf32, #tpu.memory_space<hbm>>) target_semaphore(%arg16 : memref<!tpu.dma_semaphore, #tpu.memory_space<semaphore_mem>>)
    %add3A_557 = arith.constant 288 : i32
    %add3A_558 = arith.addi %mul3A_2, %add3A_557 : i32
    %dma_wait3A_559 = arith.constant 0 : i32
    %dma_wait3A_560 = tpu.memref_slice %arg5[%add3A_558, %dma_wait3A_559] : memref<16384x2048xf32, #tpu.memory_space<hbm>> -> memref<16x2048xf32, #tpu.memory_space<hbm>>
    %dma_wait3A_561 = arith.constant 0 : i32
    %dma_wait3A_562 = tpu.memref_slice %arg5[%add3A_558, %dma_wait3A_561] : memref<16384x2048xf32, #tpu.memory_space<hbm>> -> memref<16x2048xf32, #tpu.memory_space<hbm>>
    tpu.wait_dma2 semaphore(%arg15 : memref<!tpu.dma_semaphore, #tpu.memory_space<semaphore_mem>>) src(%arg7 : memref<16x2048xf32, #tpu.memory_space<vmem>>) dst(%dma_wait3A_562 : memref<16x2048xf32, #tpu.memory_space<hbm>>)
    %add3A_563 = arith.constant 320 : i32
    %add3A_564 = arith.addi %mul3A_2, %add3A_563 : i32
    %dma_start3A_565 = arith.constant 0 : i32
    %dma_start3A_566 = tpu.memref_slice %arg2[%add3A_564, %dma_start3A_565] : memref<16384x2048xf32, #tpu.memory_space<hbm>> -> memref<16x2048xf32, #tpu.memory_space<hbm>>
    %dma_start3A_567 = arith.constant 0 : i32
    %dma_start3A_568 = tpu.memref_slice %arg2[%add3A_564, %dma_start3A_567] : memref<16384x2048xf32, #tpu.memory_space<hbm>> -> memref<16x2048xf32, #tpu.memory_space<hbm>>
    tpu.enqueue_dma source(%dma_start3A_568 : memref<16x2048xf32, #tpu.memory_space<hbm>>) target(%arg7 : memref<16x2048xf32, #tpu.memory_space<vmem>>) target_semaphore(%arg13 : memref<!tpu.dma_semaphore, #tpu.memory_space<semaphore_mem>>)
    %parallel_loop3A_569 = arith.constant 0 : i32
    %parallel_loop3A_570 = arith.constant 2048 : i32
    %parallel_loop3A_571 = arith.constant 1 : i32
    scf.for %parallel_loop3A_920 = %parallel_loop3A_569 to %parallel_loop3A_570 step %parallel_loop3A_571  : i32 {
      %parallel_loop3A_921 = arith.constant 7 : i32
      %parallel_loop3A_922 = arith.shrsi %parallel_loop3A_920, %parallel_loop3A_921 : i32
      %parallel_loop3A_923 = arith.constant 127 : i32
      %parallel_loop3A_924 = arith.andi %parallel_loop3A_920, %parallel_loop3A_923 : i32
      %parallel_loop3A_925 = arith.constant 16 : i32
      %parallel_loop3A_926 = arith.muli %parallel_loop3A_924, %parallel_loop3A_925 : i32
      %parallel_loop3A_927 = arith.index_cast %parallel_loop3A_922 : i32 to index
      %parallel_loop3A_928 = arith.index_cast %parallel_loop3A_926 : i32 to index
      %parallel_loop3A_929 = tpu.vector_load %arg8[%parallel_loop3A_927, %parallel_loop3A_928] {strides = array<i32>} : memref<16x2048xf32, #tpu.memory_space<vmem>>, vector<16xf32>,
      %parallel_loop3A_930 = arith.mulf %parallel_loop3A_929, %div3A : vector<16xf32>
      %parallel_loop3A_931 = arith.addf %parallel_loop3A_930, %neg3A_25 : vector<16xf32>
      %parallel_loop3A_932 = arith.fptosi %parallel_loop3A_931 : vector<16xf32> to vector<16xi32>
      %parallel_loop3A_933 = arith.addi %parallel_loop3A_932, %add3A_39 : vector<16xi32>
      tpu.vector_store_idx %arg11[%parallel_loop3A_933], %broadcast_in_dim3A_33 {add = true} : memref<32800xf32, #tpu.memory_space<vmem>>[vector<16xi32>], vector<16xf32>,
    } {sc.loop_unroll_factor = 8 : i64, sc.parallel_access}
    %add3A_572 = arith.constant 320 : i32
    %add3A_573 = arith.addi %mul3A_2, %add3A_572 : i32
    %dma_wait3A_574 = arith.constant 0 : i32
    %dma_wait3A_575 = tpu.memref_slice %arg2[%add3A_573, %dma_wait3A_574] : memref<16384x2048xf32, #tpu.memory_space<hbm>> -> memref<16x2048xf32, #tpu.memory_space<hbm>>
    %dma_wait3A_576 = arith.constant 0 : i32
    %dma_wait3A_577 = tpu.memref_slice %arg2[%add3A_573, %dma_wait3A_576] : memref<16384x2048xf32, #tpu.memory_space<hbm>> -> memref<16x2048xf32, #tpu.memory_space<hbm>>
    tpu.wait_dma2 semaphore(%arg13 : memref<!tpu.dma_semaphore, #tpu.memory_space<semaphore_mem>>) src(%dma_wait3A_577 : memref<16x2048xf32, #tpu.memory_space<hbm>>) dst(%arg7 : memref<16x2048xf32, #tpu.memory_space<vmem>>)
    %add3A_578 = arith.constant 320 : i32
    %add3A_579 = arith.addi %mul3A_2, %add3A_578 : i32
    %dma_start3A_580 = arith.constant 0 : i32
    %dma_start3A_581 = tpu.memref_slice %arg5[%add3A_579, %dma_start3A_580] : memref<16384x2048xf32, #tpu.memory_space<hbm>> -> memref<16x2048xf32, #tpu.memory_space<hbm>>
    %dma_start3A_582 = arith.constant 0 : i32
    %dma_start3A_583 = tpu.memref_slice %arg5[%add3A_579, %dma_start3A_582] : memref<16384x2048xf32, #tpu.memory_space<hbm>> -> memref<16x2048xf32, #tpu.memory_space<hbm>>
    tpu.enqueue_dma source(%arg7 : memref<16x2048xf32, #tpu.memory_space<vmem>>) target(%dma_start3A_583 : memref<16x2048xf32, #tpu.memory_space<hbm>>) target_semaphore(%arg15 : memref<!tpu.dma_semaphore, #tpu.memory_space<semaphore_mem>>)
    %add3A_584 = arith.constant 304 : i32
    %add3A_585 = arith.addi %mul3A_2, %add3A_584 : i32
    %dma_wait3A_586 = arith.constant 0 : i32
    %dma_wait3A_587 = tpu.memref_slice %arg5[%add3A_585, %dma_wait3A_586] : memref<16384x2048xf32, #tpu.memory_space<hbm>> -> memref<16x2048xf32, #tpu.memory_space<hbm>>
    %dma_wait3A_588 = arith.constant 0 : i32
    %dma_wait3A_589 = tpu.memref_slice %arg5[%add3A_585, %dma_wait3A_588] : memref<16384x2048xf32, #tpu.memory_space<hbm>> -> memref<16x2048xf32, #tpu.memory_space<hbm>>
    tpu.wait_dma2 semaphore(%arg16 : memref<!tpu.dma_semaphore, #tpu.memory_space<semaphore_mem>>) src(%arg8 : memref<16x2048xf32, #tpu.memory_space<vmem>>) dst(%dma_wait3A_589 : memref<16x2048xf32, #tpu.memory_space<hbm>>)
    %add3A_590 = arith.constant 336 : i32
    %add3A_591 = arith.addi %mul3A_2, %add3A_590 : i32
    %dma_start3A_592 = arith.constant 0 : i32
    %dma_start3A_593 = tpu.memref_slice %arg2[%add3A_591, %dma_start3A_592] : memref<16384x2048xf32, #tpu.memory_space<hbm>> -> memref<16x2048xf32, #tpu.memory_space<hbm>>
    %dma_start3A_594 = arith.constant 0 : i32
    %dma_start3A_595 = tpu.memref_slice %arg2[%add3A_591, %dma_start3A_594] : memref<16384x2048xf32, #tpu.memory_space<hbm>> -> memref<16x2048xf32, #tpu.memory_space<hbm>>
    tpu.enqueue_dma source(%dma_start3A_595 : memref<16x2048xf32, #tpu.memory_space<hbm>>) target(%arg8 : memref<16x2048xf32, #tpu.memory_space<vmem>>) target_semaphore(%arg14 : memref<!tpu.dma_semaphore, #tpu.memory_space<semaphore_mem>>)
    %parallel_loop3A_596 = arith.constant 0 : i32
    %parallel_loop3A_597 = arith.constant 2048 : i32
    %parallel_loop3A_598 = arith.constant 1 : i32
    scf.for %parallel_loop3A_920 = %parallel_loop3A_596 to %parallel_loop3A_597 step %parallel_loop3A_598  : i32 {
      %parallel_loop3A_921 = arith.constant 7 : i32
      %parallel_loop3A_922 = arith.shrsi %parallel_loop3A_920, %parallel_loop3A_921 : i32
      %parallel_loop3A_923 = arith.constant 127 : i32
      %parallel_loop3A_924 = arith.andi %parallel_loop3A_920, %parallel_loop3A_923 : i32
      %parallel_loop3A_925 = arith.constant 16 : i32
      %parallel_loop3A_926 = arith.muli %parallel_loop3A_924, %parallel_loop3A_925 : i32
      %parallel_loop3A_927 = arith.index_cast %parallel_loop3A_922 : i32 to index
      %parallel_loop3A_928 = arith.index_cast %parallel_loop3A_926 : i32 to index
      %parallel_loop3A_929 = tpu.vector_load %arg7[%parallel_loop3A_927, %parallel_loop3A_928] {strides = array<i32>} : memref<16x2048xf32, #tpu.memory_space<vmem>>, vector<16xf32>,
      %parallel_loop3A_930 = arith.mulf %parallel_loop3A_929, %div3A : vector<16xf32>
      %parallel_loop3A_931 = arith.addf %parallel_loop3A_930, %neg3A_25 : vector<16xf32>
      %parallel_loop3A_932 = arith.fptosi %parallel_loop3A_931 : vector<16xf32> to vector<16xi32>
      %parallel_loop3A_933 = arith.addi %parallel_loop3A_932, %add3A_39 : vector<16xi32>
      tpu.vector_store_idx %arg11[%parallel_loop3A_933], %broadcast_in_dim3A_33 {add = true} : memref<32800xf32, #tpu.memory_space<vmem>>[vector<16xi32>], vector<16xf32>,
    } {sc.loop_unroll_factor = 8 : i64, sc.parallel_access}
    %add3A_599 = arith.constant 336 : i32
    %add3A_600 = arith.addi %mul3A_2, %add3A_599 : i32
    %dma_wait3A_601 = arith.constant 0 : i32
    %dma_wait3A_602 = tpu.memref_slice %arg2[%add3A_600, %dma_wait3A_601] : memref<16384x2048xf32, #tpu.memory_space<hbm>> -> memref<16x2048xf32, #tpu.memory_space<hbm>>
    %dma_wait3A_603 = arith.constant 0 : i32
    %dma_wait3A_604 = tpu.memref_slice %arg2[%add3A_600, %dma_wait3A_603] : memref<16384x2048xf32, #tpu.memory_space<hbm>> -> memref<16x2048xf32, #tpu.memory_space<hbm>>
    tpu.wait_dma2 semaphore(%arg14 : memref<!tpu.dma_semaphore, #tpu.memory_space<semaphore_mem>>) src(%dma_wait3A_604 : memref<16x2048xf32, #tpu.memory_space<hbm>>) dst(%arg8 : memref<16x2048xf32, #tpu.memory_space<vmem>>)
    %add3A_605 = arith.constant 336 : i32
    %add3A_606 = arith.addi %mul3A_2, %add3A_605 : i32
    %dma_start3A_607 = arith.constant 0 : i32
    %dma_start3A_608 = tpu.memref_slice %arg5[%add3A_606, %dma_start3A_607] : memref<16384x2048xf32, #tpu.memory_space<hbm>> -> memref<16x2048xf32, #tpu.memory_space<hbm>>
    %dma_start3A_609 = arith.constant 0 : i32
    %dma_start3A_610 = tpu.memref_slice %arg5[%add3A_606, %dma_start3A_609] : memref<16384x2048xf32, #tpu.memory_space<hbm>> -> memref<16x2048xf32, #tpu.memory_space<hbm>>
    tpu.enqueue_dma source(%arg8 : memref<16x2048xf32, #tpu.memory_space<vmem>>) target(%dma_start3A_610 : memref<16x2048xf32, #tpu.memory_space<hbm>>) target_semaphore(%arg16 : memref<!tpu.dma_semaphore, #tpu.memory_space<semaphore_mem>>)
    %add3A_611 = arith.constant 320 : i32
    %add3A_612 = arith.addi %mul3A_2, %add3A_611 : i32
    %dma_wait3A_613 = arith.constant 0 : i32
    %dma_wait3A_614 = tpu.memref_slice %arg5[%add3A_612, %dma_wait3A_613] : memref<16384x2048xf32, #tpu.memory_space<hbm>> -> memref<16x2048xf32, #tpu.memory_space<hbm>>
    %dma_wait3A_615 = arith.constant 0 : i32
    %dma_wait3A_616 = tpu.memref_slice %arg5[%add3A_612, %dma_wait3A_615] : memref<16384x2048xf32, #tpu.memory_space<hbm>> -> memref<16x2048xf32, #tpu.memory_space<hbm>>
    tpu.wait_dma2 semaphore(%arg15 : memref<!tpu.dma_semaphore, #tpu.memory_space<semaphore_mem>>) src(%arg7 : memref<16x2048xf32, #tpu.memory_space<vmem>>) dst(%dma_wait3A_616 : memref<16x2048xf32, #tpu.memory_space<hbm>>)
    %add3A_617 = arith.constant 352 : i32
    %add3A_618 = arith.addi %mul3A_2, %add3A_617 : i32
    %dma_start3A_619 = arith.constant 0 : i32
    %dma_start3A_620 = tpu.memref_slice %arg2[%add3A_618, %dma_start3A_619] : memref<16384x2048xf32, #tpu.memory_space<hbm>> -> memref<16x2048xf32, #tpu.memory_space<hbm>>
    %dma_start3A_621 = arith.constant 0 : i32
    %dma_start3A_622 = tpu.memref_slice %arg2[%add3A_618, %dma_start3A_621] : memref<16384x2048xf32, #tpu.memory_space<hbm>> -> memref<16x2048xf32, #tpu.memory_space<hbm>>
    tpu.enqueue_dma source(%dma_start3A_622 : memref<16x2048xf32, #tpu.memory_space<hbm>>) target(%arg7 : memref<16x2048xf32, #tpu.memory_space<vmem>>) target_semaphore(%arg13 : memref<!tpu.dma_semaphore, #tpu.memory_space<semaphore_mem>>)
    %parallel_loop3A_623 = arith.constant 0 : i32
    %parallel_loop3A_624 = arith.constant 2048 : i32
    %parallel_loop3A_625 = arith.constant 1 : i32
    scf.for %parallel_loop3A_920 = %parallel_loop3A_623 to %parallel_loop3A_624 step %parallel_loop3A_625  : i32 {
      %parallel_loop3A_921 = arith.constant 7 : i32
      %parallel_loop3A_922 = arith.shrsi %parallel_loop3A_920, %parallel_loop3A_921 : i32
      %parallel_loop3A_923 = arith.constant 127 : i32
      %parallel_loop3A_924 = arith.andi %parallel_loop3A_920, %parallel_loop3A_923 : i32
      %parallel_loop3A_925 = arith.constant 16 : i32
      %parallel_loop3A_926 = arith.muli %parallel_loop3A_924, %parallel_loop3A_925 : i32
      %parallel_loop3A_927 = arith.index_cast %parallel_loop3A_922 : i32 to index
      %parallel_loop3A_928 = arith.index_cast %parallel_loop3A_926 : i32 to index
      %parallel_loop3A_929 = tpu.vector_load %arg8[%parallel_loop3A_927, %parallel_loop3A_928] {strides = array<i32>} : memref<16x2048xf32, #tpu.memory_space<vmem>>, vector<16xf32>,
      %parallel_loop3A_930 = arith.mulf %parallel_loop3A_929, %div3A : vector<16xf32>
      %parallel_loop3A_931 = arith.addf %parallel_loop3A_930, %neg3A_25 : vector<16xf32>
      %parallel_loop3A_932 = arith.fptosi %parallel_loop3A_931 : vector<16xf32> to vector<16xi32>
      %parallel_loop3A_933 = arith.addi %parallel_loop3A_932, %add3A_39 : vector<16xi32>
      tpu.vector_store_idx %arg11[%parallel_loop3A_933], %broadcast_in_dim3A_33 {add = true} : memref<32800xf32, #tpu.memory_space<vmem>>[vector<16xi32>], vector<16xf32>,
    } {sc.loop_unroll_factor = 8 : i64, sc.parallel_access}
    %add3A_626 = arith.constant 352 : i32
    %add3A_627 = arith.addi %mul3A_2, %add3A_626 : i32
    %dma_wait3A_628 = arith.constant 0 : i32
    %dma_wait3A_629 = tpu.memref_slice %arg2[%add3A_627, %dma_wait3A_628] : memref<16384x2048xf32, #tpu.memory_space<hbm>> -> memref<16x2048xf32, #tpu.memory_space<hbm>>
    %dma_wait3A_630 = arith.constant 0 : i32
    %dma_wait3A_631 = tpu.memref_slice %arg2[%add3A_627, %dma_wait3A_630] : memref<16384x2048xf32, #tpu.memory_space<hbm>> -> memref<16x2048xf32, #tpu.memory_space<hbm>>
    tpu.wait_dma2 semaphore(%arg13 : memref<!tpu.dma_semaphore, #tpu.memory_space<semaphore_mem>>) src(%dma_wait3A_631 : memref<16x2048xf32, #tpu.memory_space<hbm>>) dst(%arg7 : memref<16x2048xf32, #tpu.memory_space<vmem>>)
    %add3A_632 = arith.constant 352 : i32
    %add3A_633 = arith.addi %mul3A_2, %add3A_632 : i32
    %dma_start3A_634 = arith.constant 0 : i32
    %dma_start3A_635 = tpu.memref_slice %arg5[%add3A_633, %dma_start3A_634] : memref<16384x2048xf32, #tpu.memory_space<hbm>> -> memref<16x2048xf32, #tpu.memory_space<hbm>>
    %dma_start3A_636 = arith.constant 0 : i32
    %dma_start3A_637 = tpu.memref_slice %arg5[%add3A_633, %dma_start3A_636] : memref<16384x2048xf32, #tpu.memory_space<hbm>> -> memref<16x2048xf32, #tpu.memory_space<hbm>>
    tpu.enqueue_dma source(%arg7 : memref<16x2048xf32, #tpu.memory_space<vmem>>) target(%dma_start3A_637 : memref<16x2048xf32, #tpu.memory_space<hbm>>) target_semaphore(%arg15 : memref<!tpu.dma_semaphore, #tpu.memory_space<semaphore_mem>>)
    %add3A_638 = arith.constant 336 : i32
    %add3A_639 = arith.addi %mul3A_2, %add3A_638 : i32
    %dma_wait3A_640 = arith.constant 0 : i32
    %dma_wait3A_641 = tpu.memref_slice %arg5[%add3A_639, %dma_wait3A_640] : memref<16384x2048xf32, #tpu.memory_space<hbm>> -> memref<16x2048xf32, #tpu.memory_space<hbm>>
    %dma_wait3A_642 = arith.constant 0 : i32
    %dma_wait3A_643 = tpu.memref_slice %arg5[%add3A_639, %dma_wait3A_642] : memref<16384x2048xf32, #tpu.memory_space<hbm>> -> memref<16x2048xf32, #tpu.memory_space<hbm>>
    tpu.wait_dma2 semaphore(%arg16 : memref<!tpu.dma_semaphore, #tpu.memory_space<semaphore_mem>>) src(%arg8 : memref<16x2048xf32, #tpu.memory_space<vmem>>) dst(%dma_wait3A_643 : memref<16x2048xf32, #tpu.memory_space<hbm>>)
    %add3A_644 = arith.constant 368 : i32
    %add3A_645 = arith.addi %mul3A_2, %add3A_644 : i32
    %dma_start3A_646 = arith.constant 0 : i32
    %dma_start3A_647 = tpu.memref_slice %arg2[%add3A_645, %dma_start3A_646] : memref<16384x2048xf32, #tpu.memory_space<hbm>> -> memref<16x2048xf32, #tpu.memory_space<hbm>>
    %dma_start3A_648 = arith.constant 0 : i32
    %dma_start3A_649 = tpu.memref_slice %arg2[%add3A_645, %dma_start3A_648] : memref<16384x2048xf32, #tpu.memory_space<hbm>> -> memref<16x2048xf32, #tpu.memory_space<hbm>>
    tpu.enqueue_dma source(%dma_start3A_649 : memref<16x2048xf32, #tpu.memory_space<hbm>>) target(%arg8 : memref<16x2048xf32, #tpu.memory_space<vmem>>) target_semaphore(%arg14 : memref<!tpu.dma_semaphore, #tpu.memory_space<semaphore_mem>>)
    %parallel_loop3A_650 = arith.constant 0 : i32
    %parallel_loop3A_651 = arith.constant 2048 : i32
    %parallel_loop3A_652 = arith.constant 1 : i32
    scf.for %parallel_loop3A_920 = %parallel_loop3A_650 to %parallel_loop3A_651 step %parallel_loop3A_652  : i32 {
      %parallel_loop3A_921 = arith.constant 7 : i32
      %parallel_loop3A_922 = arith.shrsi %parallel_loop3A_920, %parallel_loop3A_921 : i32
      %parallel_loop3A_923 = arith.constant 127 : i32
      %parallel_loop3A_924 = arith.andi %parallel_loop3A_920, %parallel_loop3A_923 : i32
      %parallel_loop3A_925 = arith.constant 16 : i32
      %parallel_loop3A_926 = arith.muli %parallel_loop3A_924, %parallel_loop3A_925 : i32
      %parallel_loop3A_927 = arith.index_cast %parallel_loop3A_922 : i32 to index
      %parallel_loop3A_928 = arith.index_cast %parallel_loop3A_926 : i32 to index
      %parallel_loop3A_929 = tpu.vector_load %arg7[%parallel_loop3A_927, %parallel_loop3A_928] {strides = array<i32>} : memref<16x2048xf32, #tpu.memory_space<vmem>>, vector<16xf32>,
      %parallel_loop3A_930 = arith.mulf %parallel_loop3A_929, %div3A : vector<16xf32>
      %parallel_loop3A_931 = arith.addf %parallel_loop3A_930, %neg3A_25 : vector<16xf32>
      %parallel_loop3A_932 = arith.fptosi %parallel_loop3A_931 : vector<16xf32> to vector<16xi32>
      %parallel_loop3A_933 = arith.addi %parallel_loop3A_932, %add3A_39 : vector<16xi32>
      tpu.vector_store_idx %arg11[%parallel_loop3A_933], %broadcast_in_dim3A_33 {add = true} : memref<32800xf32, #tpu.memory_space<vmem>>[vector<16xi32>], vector<16xf32>,
    } {sc.loop_unroll_factor = 8 : i64, sc.parallel_access}
    %add3A_653 = arith.constant 368 : i32
    %add3A_654 = arith.addi %mul3A_2, %add3A_653 : i32
    %dma_wait3A_655 = arith.constant 0 : i32
    %dma_wait3A_656 = tpu.memref_slice %arg2[%add3A_654, %dma_wait3A_655] : memref<16384x2048xf32, #tpu.memory_space<hbm>> -> memref<16x2048xf32, #tpu.memory_space<hbm>>
    %dma_wait3A_657 = arith.constant 0 : i32
    %dma_wait3A_658 = tpu.memref_slice %arg2[%add3A_654, %dma_wait3A_657] : memref<16384x2048xf32, #tpu.memory_space<hbm>> -> memref<16x2048xf32, #tpu.memory_space<hbm>>
    tpu.wait_dma2 semaphore(%arg14 : memref<!tpu.dma_semaphore, #tpu.memory_space<semaphore_mem>>) src(%dma_wait3A_658 : memref<16x2048xf32, #tpu.memory_space<hbm>>) dst(%arg8 : memref<16x2048xf32, #tpu.memory_space<vmem>>)
    %add3A_659 = arith.constant 368 : i32
    %add3A_660 = arith.addi %mul3A_2, %add3A_659 : i32
    %dma_start3A_661 = arith.constant 0 : i32
    %dma_start3A_662 = tpu.memref_slice %arg5[%add3A_660, %dma_start3A_661] : memref<16384x2048xf32, #tpu.memory_space<hbm>> -> memref<16x2048xf32, #tpu.memory_space<hbm>>
    %dma_start3A_663 = arith.constant 0 : i32
    %dma_start3A_664 = tpu.memref_slice %arg5[%add3A_660, %dma_start3A_663] : memref<16384x2048xf32, #tpu.memory_space<hbm>> -> memref<16x2048xf32, #tpu.memory_space<hbm>>
    tpu.enqueue_dma source(%arg8 : memref<16x2048xf32, #tpu.memory_space<vmem>>) target(%dma_start3A_664 : memref<16x2048xf32, #tpu.memory_space<hbm>>) target_semaphore(%arg16 : memref<!tpu.dma_semaphore, #tpu.memory_space<semaphore_mem>>)
    %add3A_665 = arith.constant 352 : i32
    %add3A_666 = arith.addi %mul3A_2, %add3A_665 : i32
    %dma_wait3A_667 = arith.constant 0 : i32
    %dma_wait3A_668 = tpu.memref_slice %arg5[%add3A_666, %dma_wait3A_667] : memref<16384x2048xf32, #tpu.memory_space<hbm>> -> memref<16x2048xf32, #tpu.memory_space<hbm>>
    %dma_wait3A_669 = arith.constant 0 : i32
    %dma_wait3A_670 = tpu.memref_slice %arg5[%add3A_666, %dma_wait3A_669] : memref<16384x2048xf32, #tpu.memory_space<hbm>> -> memref<16x2048xf32, #tpu.memory_space<hbm>>
    tpu.wait_dma2 semaphore(%arg15 : memref<!tpu.dma_semaphore, #tpu.memory_space<semaphore_mem>>) src(%arg7 : memref<16x2048xf32, #tpu.memory_space<vmem>>) dst(%dma_wait3A_670 : memref<16x2048xf32, #tpu.memory_space<hbm>>)
    %add3A_671 = arith.constant 384 : i32
    %add3A_672 = arith.addi %mul3A_2, %add3A_671 : i32
    %dma_start3A_673 = arith.constant 0 : i32
    %dma_start3A_674 = tpu.memref_slice %arg2[%add3A_672, %dma_start3A_673] : memref<16384x2048xf32, #tpu.memory_space<hbm>> -> memref<16x2048xf32, #tpu.memory_space<hbm>>
    %dma_start3A_675 = arith.constant 0 : i32
    %dma_start3A_676 = tpu.memref_slice %arg2[%add3A_672, %dma_start3A_675] : memref<16384x2048xf32, #tpu.memory_space<hbm>> -> memref<16x2048xf32, #tpu.memory_space<hbm>>
    tpu.enqueue_dma source(%dma_start3A_676 : memref<16x2048xf32, #tpu.memory_space<hbm>>) target(%arg7 : memref<16x2048xf32, #tpu.memory_space<vmem>>) target_semaphore(%arg13 : memref<!tpu.dma_semaphore, #tpu.memory_space<semaphore_mem>>)
    %parallel_loop3A_677 = arith.constant 0 : i32
    %parallel_loop3A_678 = arith.constant 2048 : i32
    %parallel_loop3A_679 = arith.constant 1 : i32
    scf.for %parallel_loop3A_920 = %parallel_loop3A_677 to %parallel_loop3A_678 step %parallel_loop3A_679  : i32 {
      %parallel_loop3A_921 = arith.constant 7 : i32
      %parallel_loop3A_922 = arith.shrsi %parallel_loop3A_920, %parallel_loop3A_921 : i32
      %parallel_loop3A_923 = arith.constant 127 : i32
      %parallel_loop3A_924 = arith.andi %parallel_loop3A_920, %parallel_loop3A_923 : i32
      %parallel_loop3A_925 = arith.constant 16 : i32
      %parallel_loop3A_926 = arith.muli %parallel_loop3A_924, %parallel_loop3A_925 : i32
      %parallel_loop3A_927 = arith.index_cast %parallel_loop3A_922 : i32 to index
      %parallel_loop3A_928 = arith.index_cast %parallel_loop3A_926 : i32 to index
      %parallel_loop3A_929 = tpu.vector_load %arg8[%parallel_loop3A_927, %parallel_loop3A_928] {strides = array<i32>} : memref<16x2048xf32, #tpu.memory_space<vmem>>, vector<16xf32>,
      %parallel_loop3A_930 = arith.mulf %parallel_loop3A_929, %div3A : vector<16xf32>
      %parallel_loop3A_931 = arith.addf %parallel_loop3A_930, %neg3A_25 : vector<16xf32>
      %parallel_loop3A_932 = arith.fptosi %parallel_loop3A_931 : vector<16xf32> to vector<16xi32>
      %parallel_loop3A_933 = arith.addi %parallel_loop3A_932, %add3A_39 : vector<16xi32>
      tpu.vector_store_idx %arg11[%parallel_loop3A_933], %broadcast_in_dim3A_33 {add = true} : memref<32800xf32, #tpu.memory_space<vmem>>[vector<16xi32>], vector<16xf32>,
    } {sc.loop_unroll_factor = 8 : i64, sc.parallel_access}
    %add3A_680 = arith.constant 384 : i32
    %add3A_681 = arith.addi %mul3A_2, %add3A_680 : i32
    %dma_wait3A_682 = arith.constant 0 : i32
    %dma_wait3A_683 = tpu.memref_slice %arg2[%add3A_681, %dma_wait3A_682] : memref<16384x2048xf32, #tpu.memory_space<hbm>> -> memref<16x2048xf32, #tpu.memory_space<hbm>>
    %dma_wait3A_684 = arith.constant 0 : i32
    %dma_wait3A_685 = tpu.memref_slice %arg2[%add3A_681, %dma_wait3A_684] : memref<16384x2048xf32, #tpu.memory_space<hbm>> -> memref<16x2048xf32, #tpu.memory_space<hbm>>
    tpu.wait_dma2 semaphore(%arg13 : memref<!tpu.dma_semaphore, #tpu.memory_space<semaphore_mem>>) src(%dma_wait3A_685 : memref<16x2048xf32, #tpu.memory_space<hbm>>) dst(%arg7 : memref<16x2048xf32, #tpu.memory_space<vmem>>)
    %add3A_686 = arith.constant 384 : i32
    %add3A_687 = arith.addi %mul3A_2, %add3A_686 : i32
    %dma_start3A_688 = arith.constant 0 : i32
    %dma_start3A_689 = tpu.memref_slice %arg5[%add3A_687, %dma_start3A_688] : memref<16384x2048xf32, #tpu.memory_space<hbm>> -> memref<16x2048xf32, #tpu.memory_space<hbm>>
    %dma_start3A_690 = arith.constant 0 : i32
    %dma_start3A_691 = tpu.memref_slice %arg5[%add3A_687, %dma_start3A_690] : memref<16384x2048xf32, #tpu.memory_space<hbm>> -> memref<16x2048xf32, #tpu.memory_space<hbm>>
    tpu.enqueue_dma source(%arg7 : memref<16x2048xf32, #tpu.memory_space<vmem>>) target(%dma_start3A_691 : memref<16x2048xf32, #tpu.memory_space<hbm>>) target_semaphore(%arg15 : memref<!tpu.dma_semaphore, #tpu.memory_space<semaphore_mem>>)
    %add3A_692 = arith.constant 368 : i32
    %add3A_693 = arith.addi %mul3A_2, %add3A_692 : i32
    %dma_wait3A_694 = arith.constant 0 : i32
    %dma_wait3A_695 = tpu.memref_slice %arg5[%add3A_693, %dma_wait3A_694] : memref<16384x2048xf32, #tpu.memory_space<hbm>> -> memref<16x2048xf32, #tpu.memory_space<hbm>>
    %dma_wait3A_696 = arith.constant 0 : i32
    %dma_wait3A_697 = tpu.memref_slice %arg5[%add3A_693, %dma_wait3A_696] : memref<16384x2048xf32, #tpu.memory_space<hbm>> -> memref<16x2048xf32, #tpu.memory_space<hbm>>
    tpu.wait_dma2 semaphore(%arg16 : memref<!tpu.dma_semaphore, #tpu.memory_space<semaphore_mem>>) src(%arg8 : memref<16x2048xf32, #tpu.memory_space<vmem>>) dst(%dma_wait3A_697 : memref<16x2048xf32, #tpu.memory_space<hbm>>)
    %add3A_698 = arith.constant 400 : i32
    %add3A_699 = arith.addi %mul3A_2, %add3A_698 : i32
    %dma_start3A_700 = arith.constant 0 : i32
    %dma_start3A_701 = tpu.memref_slice %arg2[%add3A_699, %dma_start3A_700] : memref<16384x2048xf32, #tpu.memory_space<hbm>> -> memref<16x2048xf32, #tpu.memory_space<hbm>>
    %dma_start3A_702 = arith.constant 0 : i32
    %dma_start3A_703 = tpu.memref_slice %arg2[%add3A_699, %dma_start3A_702] : memref<16384x2048xf32, #tpu.memory_space<hbm>> -> memref<16x2048xf32, #tpu.memory_space<hbm>>
    tpu.enqueue_dma source(%dma_start3A_703 : memref<16x2048xf32, #tpu.memory_space<hbm>>) target(%arg8 : memref<16x2048xf32, #tpu.memory_space<vmem>>) target_semaphore(%arg14 : memref<!tpu.dma_semaphore, #tpu.memory_space<semaphore_mem>>)
    %parallel_loop3A_704 = arith.constant 0 : i32
    %parallel_loop3A_705 = arith.constant 2048 : i32
    %parallel_loop3A_706 = arith.constant 1 : i32
    scf.for %parallel_loop3A_920 = %parallel_loop3A_704 to %parallel_loop3A_705 step %parallel_loop3A_706  : i32 {
      %parallel_loop3A_921 = arith.constant 7 : i32
      %parallel_loop3A_922 = arith.shrsi %parallel_loop3A_920, %parallel_loop3A_921 : i32
      %parallel_loop3A_923 = arith.constant 127 : i32
      %parallel_loop3A_924 = arith.andi %parallel_loop3A_920, %parallel_loop3A_923 : i32
      %parallel_loop3A_925 = arith.constant 16 : i32
      %parallel_loop3A_926 = arith.muli %parallel_loop3A_924, %parallel_loop3A_925 : i32
      %parallel_loop3A_927 = arith.index_cast %parallel_loop3A_922 : i32 to index
      %parallel_loop3A_928 = arith.index_cast %parallel_loop3A_926 : i32 to index
      %parallel_loop3A_929 = tpu.vector_load %arg7[%parallel_loop3A_927, %parallel_loop3A_928] {strides = array<i32>} : memref<16x2048xf32, #tpu.memory_space<vmem>>, vector<16xf32>,
      %parallel_loop3A_930 = arith.mulf %parallel_loop3A_929, %div3A : vector<16xf32>
      %parallel_loop3A_931 = arith.addf %parallel_loop3A_930, %neg3A_25 : vector<16xf32>
      %parallel_loop3A_932 = arith.fptosi %parallel_loop3A_931 : vector<16xf32> to vector<16xi32>
      %parallel_loop3A_933 = arith.addi %parallel_loop3A_932, %add3A_39 : vector<16xi32>
      tpu.vector_store_idx %arg11[%parallel_loop3A_933], %broadcast_in_dim3A_33 {add = true} : memref<32800xf32, #tpu.memory_space<vmem>>[vector<16xi32>], vector<16xf32>,
    } {sc.loop_unroll_factor = 8 : i64, sc.parallel_access}
    %add3A_707 = arith.constant 400 : i32
    %add3A_708 = arith.addi %mul3A_2, %add3A_707 : i32
    %dma_wait3A_709 = arith.constant 0 : i32
    %dma_wait3A_710 = tpu.memref_slice %arg2[%add3A_708, %dma_wait3A_709] : memref<16384x2048xf32, #tpu.memory_space<hbm>> -> memref<16x2048xf32, #tpu.memory_space<hbm>>
    %dma_wait3A_711 = arith.constant 0 : i32
    %dma_wait3A_712 = tpu.memref_slice %arg2[%add3A_708, %dma_wait3A_711] : memref<16384x2048xf32, #tpu.memory_space<hbm>> -> memref<16x2048xf32, #tpu.memory_space<hbm>>
    tpu.wait_dma2 semaphore(%arg14 : memref<!tpu.dma_semaphore, #tpu.memory_space<semaphore_mem>>) src(%dma_wait3A_712 : memref<16x2048xf32, #tpu.memory_space<hbm>>) dst(%arg8 : memref<16x2048xf32, #tpu.memory_space<vmem>>)
    %add3A_713 = arith.constant 400 : i32
    %add3A_714 = arith.addi %mul3A_2, %add3A_713 : i32
    %dma_start3A_715 = arith.constant 0 : i32
    %dma_start3A_716 = tpu.memref_slice %arg5[%add3A_714, %dma_start3A_715] : memref<16384x2048xf32, #tpu.memory_space<hbm>> -> memref<16x2048xf32, #tpu.memory_space<hbm>>
    %dma_start3A_717 = arith.constant 0 : i32
    %dma_start3A_718 = tpu.memref_slice %arg5[%add3A_714, %dma_start3A_717] : memref<16384x2048xf32, #tpu.memory_space<hbm>> -> memref<16x2048xf32, #tpu.memory_space<hbm>>
    tpu.enqueue_dma source(%arg8 : memref<16x2048xf32, #tpu.memory_space<vmem>>) target(%dma_start3A_718 : memref<16x2048xf32, #tpu.memory_space<hbm>>) target_semaphore(%arg16 : memref<!tpu.dma_semaphore, #tpu.memory_space<semaphore_mem>>)
    %add3A_719 = arith.constant 384 : i32
    %add3A_720 = arith.addi %mul3A_2, %add3A_719 : i32
    %dma_wait3A_721 = arith.constant 0 : i32
    %dma_wait3A_722 = tpu.memref_slice %arg5[%add3A_720, %dma_wait3A_721] : memref<16384x2048xf32, #tpu.memory_space<hbm>> -> memref<16x2048xf32, #tpu.memory_space<hbm>>
    %dma_wait3A_723 = arith.constant 0 : i32
    %dma_wait3A_724 = tpu.memref_slice %arg5[%add3A_720, %dma_wait3A_723] : memref<16384x2048xf32, #tpu.memory_space<hbm>> -> memref<16x2048xf32, #tpu.memory_space<hbm>>
    tpu.wait_dma2 semaphore(%arg15 : memref<!tpu.dma_semaphore, #tpu.memory_space<semaphore_mem>>) src(%arg7 : memref<16x2048xf32, #tpu.memory_space<vmem>>) dst(%dma_wait3A_724 : memref<16x2048xf32, #tpu.memory_space<hbm>>)
    %add3A_725 = arith.constant 416 : i32
    %add3A_726 = arith.addi %mul3A_2, %add3A_725 : i32
    %dma_start3A_727 = arith.constant 0 : i32
    %dma_start3A_728 = tpu.memref_slice %arg2[%add3A_726, %dma_start3A_727] : memref<16384x2048xf32, #tpu.memory_space<hbm>> -> memref<16x2048xf32, #tpu.memory_space<hbm>>
    %dma_start3A_729 = arith.constant 0 : i32
    %dma_start3A_730 = tpu.memref_slice %arg2[%add3A_726, %dma_start3A_729] : memref<16384x2048xf32, #tpu.memory_space<hbm>> -> memref<16x2048xf32, #tpu.memory_space<hbm>>
    tpu.enqueue_dma source(%dma_start3A_730 : memref<16x2048xf32, #tpu.memory_space<hbm>>) target(%arg7 : memref<16x2048xf32, #tpu.memory_space<vmem>>) target_semaphore(%arg13 : memref<!tpu.dma_semaphore, #tpu.memory_space<semaphore_mem>>)
    %parallel_loop3A_731 = arith.constant 0 : i32
    %parallel_loop3A_732 = arith.constant 2048 : i32
    %parallel_loop3A_733 = arith.constant 1 : i32
    scf.for %parallel_loop3A_920 = %parallel_loop3A_731 to %parallel_loop3A_732 step %parallel_loop3A_733  : i32 {
      %parallel_loop3A_921 = arith.constant 7 : i32
      %parallel_loop3A_922 = arith.shrsi %parallel_loop3A_920, %parallel_loop3A_921 : i32
      %parallel_loop3A_923 = arith.constant 127 : i32
      %parallel_loop3A_924 = arith.andi %parallel_loop3A_920, %parallel_loop3A_923 : i32
      %parallel_loop3A_925 = arith.constant 16 : i32
      %parallel_loop3A_926 = arith.muli %parallel_loop3A_924, %parallel_loop3A_925 : i32
      %parallel_loop3A_927 = arith.index_cast %parallel_loop3A_922 : i32 to index
      %parallel_loop3A_928 = arith.index_cast %parallel_loop3A_926 : i32 to index
      %parallel_loop3A_929 = tpu.vector_load %arg8[%parallel_loop3A_927, %parallel_loop3A_928] {strides = array<i32>} : memref<16x2048xf32, #tpu.memory_space<vmem>>, vector<16xf32>,
      %parallel_loop3A_930 = arith.mulf %parallel_loop3A_929, %div3A : vector<16xf32>
      %parallel_loop3A_931 = arith.addf %parallel_loop3A_930, %neg3A_25 : vector<16xf32>
      %parallel_loop3A_932 = arith.fptosi %parallel_loop3A_931 : vector<16xf32> to vector<16xi32>
      %parallel_loop3A_933 = arith.addi %parallel_loop3A_932, %add3A_39 : vector<16xi32>
      tpu.vector_store_idx %arg11[%parallel_loop3A_933], %broadcast_in_dim3A_33 {add = true} : memref<32800xf32, #tpu.memory_space<vmem>>[vector<16xi32>], vector<16xf32>,
    } {sc.loop_unroll_factor = 8 : i64, sc.parallel_access}
    %add3A_734 = arith.constant 416 : i32
    %add3A_735 = arith.addi %mul3A_2, %add3A_734 : i32
    %dma_wait3A_736 = arith.constant 0 : i32
    %dma_wait3A_737 = tpu.memref_slice %arg2[%add3A_735, %dma_wait3A_736] : memref<16384x2048xf32, #tpu.memory_space<hbm>> -> memref<16x2048xf32, #tpu.memory_space<hbm>>
    %dma_wait3A_738 = arith.constant 0 : i32
    %dma_wait3A_739 = tpu.memref_slice %arg2[%add3A_735, %dma_wait3A_738] : memref<16384x2048xf32, #tpu.memory_space<hbm>> -> memref<16x2048xf32, #tpu.memory_space<hbm>>
    tpu.wait_dma2 semaphore(%arg13 : memref<!tpu.dma_semaphore, #tpu.memory_space<semaphore_mem>>) src(%dma_wait3A_739 : memref<16x2048xf32, #tpu.memory_space<hbm>>) dst(%arg7 : memref<16x2048xf32, #tpu.memory_space<vmem>>)
    %add3A_740 = arith.constant 416 : i32
    %add3A_741 = arith.addi %mul3A_2, %add3A_740 : i32
    %dma_start3A_742 = arith.constant 0 : i32
    %dma_start3A_743 = tpu.memref_slice %arg5[%add3A_741, %dma_start3A_742] : memref<16384x2048xf32, #tpu.memory_space<hbm>> -> memref<16x2048xf32, #tpu.memory_space<hbm>>
    %dma_start3A_744 = arith.constant 0 : i32
    %dma_start3A_745 = tpu.memref_slice %arg5[%add3A_741, %dma_start3A_744] : memref<16384x2048xf32, #tpu.memory_space<hbm>> -> memref<16x2048xf32, #tpu.memory_space<hbm>>
    tpu.enqueue_dma source(%arg7 : memref<16x2048xf32, #tpu.memory_space<vmem>>) target(%dma_start3A_745 : memref<16x2048xf32, #tpu.memory_space<hbm>>) target_semaphore(%arg15 : memref<!tpu.dma_semaphore, #tpu.memory_space<semaphore_mem>>)
    %add3A_746 = arith.constant 400 : i32
    %add3A_747 = arith.addi %mul3A_2, %add3A_746 : i32
    %dma_wait3A_748 = arith.constant 0 : i32
    %dma_wait3A_749 = tpu.memref_slice %arg5[%add3A_747, %dma_wait3A_748] : memref<16384x2048xf32, #tpu.memory_space<hbm>> -> memref<16x2048xf32, #tpu.memory_space<hbm>>
    %dma_wait3A_750 = arith.constant 0 : i32
    %dma_wait3A_751 = tpu.memref_slice %arg5[%add3A_747, %dma_wait3A_750] : memref<16384x2048xf32, #tpu.memory_space<hbm>> -> memref<16x2048xf32, #tpu.memory_space<hbm>>
    tpu.wait_dma2 semaphore(%arg16 : memref<!tpu.dma_semaphore, #tpu.memory_space<semaphore_mem>>) src(%arg8 : memref<16x2048xf32, #tpu.memory_space<vmem>>) dst(%dma_wait3A_751 : memref<16x2048xf32, #tpu.memory_space<hbm>>)
    %add3A_752 = arith.constant 432 : i32
    %add3A_753 = arith.addi %mul3A_2, %add3A_752 : i32
    %dma_start3A_754 = arith.constant 0 : i32
    %dma_start3A_755 = tpu.memref_slice %arg2[%add3A_753, %dma_start3A_754] : memref<16384x2048xf32, #tpu.memory_space<hbm>> -> memref<16x2048xf32, #tpu.memory_space<hbm>>
    %dma_start3A_756 = arith.constant 0 : i32
    %dma_start3A_757 = tpu.memref_slice %arg2[%add3A_753, %dma_start3A_756] : memref<16384x2048xf32, #tpu.memory_space<hbm>> -> memref<16x2048xf32, #tpu.memory_space<hbm>>
    tpu.enqueue_dma source(%dma_start3A_757 : memref<16x2048xf32, #tpu.memory_space<hbm>>) target(%arg8 : memref<16x2048xf32, #tpu.memory_space<vmem>>) target_semaphore(%arg14 : memref<!tpu.dma_semaphore, #tpu.memory_space<semaphore_mem>>)
    %parallel_loop3A_758 = arith.constant 0 : i32
    %parallel_loop3A_759 = arith.constant 2048 : i32
    %parallel_loop3A_760 = arith.constant 1 : i32
    scf.for %parallel_loop3A_920 = %parallel_loop3A_758 to %parallel_loop3A_759 step %parallel_loop3A_760  : i32 {
      %parallel_loop3A_921 = arith.constant 7 : i32
      %parallel_loop3A_922 = arith.shrsi %parallel_loop3A_920, %parallel_loop3A_921 : i32
      %parallel_loop3A_923 = arith.constant 127 : i32
      %parallel_loop3A_924 = arith.andi %parallel_loop3A_920, %parallel_loop3A_923 : i32
      %parallel_loop3A_925 = arith.constant 16 : i32
      %parallel_loop3A_926 = arith.muli %parallel_loop3A_924, %parallel_loop3A_925 : i32
      %parallel_loop3A_927 = arith.index_cast %parallel_loop3A_922 : i32 to index
      %parallel_loop3A_928 = arith.index_cast %parallel_loop3A_926 : i32 to index
      %parallel_loop3A_929 = tpu.vector_load %arg7[%parallel_loop3A_927, %parallel_loop3A_928] {strides = array<i32>} : memref<16x2048xf32, #tpu.memory_space<vmem>>, vector<16xf32>,
      %parallel_loop3A_930 = arith.mulf %parallel_loop3A_929, %div3A : vector<16xf32>
      %parallel_loop3A_931 = arith.addf %parallel_loop3A_930, %neg3A_25 : vector<16xf32>
      %parallel_loop3A_932 = arith.fptosi %parallel_loop3A_931 : vector<16xf32> to vector<16xi32>
      %parallel_loop3A_933 = arith.addi %parallel_loop3A_932, %add3A_39 : vector<16xi32>
      tpu.vector_store_idx %arg11[%parallel_loop3A_933], %broadcast_in_dim3A_33 {add = true} : memref<32800xf32, #tpu.memory_space<vmem>>[vector<16xi32>], vector<16xf32>,
    } {sc.loop_unroll_factor = 8 : i64, sc.parallel_access}
    %add3A_761 = arith.constant 432 : i32
    %add3A_762 = arith.addi %mul3A_2, %add3A_761 : i32
    %dma_wait3A_763 = arith.constant 0 : i32
    %dma_wait3A_764 = tpu.memref_slice %arg2[%add3A_762, %dma_wait3A_763] : memref<16384x2048xf32, #tpu.memory_space<hbm>> -> memref<16x2048xf32, #tpu.memory_space<hbm>>
    %dma_wait3A_765 = arith.constant 0 : i32
    %dma_wait3A_766 = tpu.memref_slice %arg2[%add3A_762, %dma_wait3A_765] : memref<16384x2048xf32, #tpu.memory_space<hbm>> -> memref<16x2048xf32, #tpu.memory_space<hbm>>
    tpu.wait_dma2 semaphore(%arg14 : memref<!tpu.dma_semaphore, #tpu.memory_space<semaphore_mem>>) src(%dma_wait3A_766 : memref<16x2048xf32, #tpu.memory_space<hbm>>) dst(%arg8 : memref<16x2048xf32, #tpu.memory_space<vmem>>)
    %add3A_767 = arith.constant 432 : i32
    %add3A_768 = arith.addi %mul3A_2, %add3A_767 : i32
    %dma_start3A_769 = arith.constant 0 : i32
    %dma_start3A_770 = tpu.memref_slice %arg5[%add3A_768, %dma_start3A_769] : memref<16384x2048xf32, #tpu.memory_space<hbm>> -> memref<16x2048xf32, #tpu.memory_space<hbm>>
    %dma_start3A_771 = arith.constant 0 : i32
    %dma_start3A_772 = tpu.memref_slice %arg5[%add3A_768, %dma_start3A_771] : memref<16384x2048xf32, #tpu.memory_space<hbm>> -> memref<16x2048xf32, #tpu.memory_space<hbm>>
    tpu.enqueue_dma source(%arg8 : memref<16x2048xf32, #tpu.memory_space<vmem>>) target(%dma_start3A_772 : memref<16x2048xf32, #tpu.memory_space<hbm>>) target_semaphore(%arg16 : memref<!tpu.dma_semaphore, #tpu.memory_space<semaphore_mem>>)
    %add3A_773 = arith.constant 416 : i32
    %add3A_774 = arith.addi %mul3A_2, %add3A_773 : i32
    %dma_wait3A_775 = arith.constant 0 : i32
    %dma_wait3A_776 = tpu.memref_slice %arg5[%add3A_774, %dma_wait3A_775] : memref<16384x2048xf32, #tpu.memory_space<hbm>> -> memref<16x2048xf32, #tpu.memory_space<hbm>>
    %dma_wait3A_777 = arith.constant 0 : i32
    %dma_wait3A_778 = tpu.memref_slice %arg5[%add3A_774, %dma_wait3A_777] : memref<16384x2048xf32, #tpu.memory_space<hbm>> -> memref<16x2048xf32, #tpu.memory_space<hbm>>
    tpu.wait_dma2 semaphore(%arg15 : memref<!tpu.dma_semaphore, #tpu.memory_space<semaphore_mem>>) src(%arg7 : memref<16x2048xf32, #tpu.memory_space<vmem>>) dst(%dma_wait3A_778 : memref<16x2048xf32, #tpu.memory_space<hbm>>)
    %add3A_779 = arith.constant 448 : i32
    %add3A_780 = arith.addi %mul3A_2, %add3A_779 : i32
    %dma_start3A_781 = arith.constant 0 : i32
    %dma_start3A_782 = tpu.memref_slice %arg2[%add3A_780, %dma_start3A_781] : memref<16384x2048xf32, #tpu.memory_space<hbm>> -> memref<16x2048xf32, #tpu.memory_space<hbm>>
    %dma_start3A_783 = arith.constant 0 : i32
    %dma_start3A_784 = tpu.memref_slice %arg2[%add3A_780, %dma_start3A_783] : memref<16384x2048xf32, #tpu.memory_space<hbm>> -> memref<16x2048xf32, #tpu.memory_space<hbm>>
    tpu.enqueue_dma source(%dma_start3A_784 : memref<16x2048xf32, #tpu.memory_space<hbm>>) target(%arg7 : memref<16x2048xf32, #tpu.memory_space<vmem>>) target_semaphore(%arg13 : memref<!tpu.dma_semaphore, #tpu.memory_space<semaphore_mem>>)
    %parallel_loop3A_785 = arith.constant 0 : i32
    %parallel_loop3A_786 = arith.constant 2048 : i32
    %parallel_loop3A_787 = arith.constant 1 : i32
    scf.for %parallel_loop3A_920 = %parallel_loop3A_785 to %parallel_loop3A_786 step %parallel_loop3A_787  : i32 {
      %parallel_loop3A_921 = arith.constant 7 : i32
      %parallel_loop3A_922 = arith.shrsi %parallel_loop3A_920, %parallel_loop3A_921 : i32
      %parallel_loop3A_923 = arith.constant 127 : i32
      %parallel_loop3A_924 = arith.andi %parallel_loop3A_920, %parallel_loop3A_923 : i32
      %parallel_loop3A_925 = arith.constant 16 : i32
      %parallel_loop3A_926 = arith.muli %parallel_loop3A_924, %parallel_loop3A_925 : i32
      %parallel_loop3A_927 = arith.index_cast %parallel_loop3A_922 : i32 to index
      %parallel_loop3A_928 = arith.index_cast %parallel_loop3A_926 : i32 to index
      %parallel_loop3A_929 = tpu.vector_load %arg8[%parallel_loop3A_927, %parallel_loop3A_928] {strides = array<i32>} : memref<16x2048xf32, #tpu.memory_space<vmem>>, vector<16xf32>,
      %parallel_loop3A_930 = arith.mulf %parallel_loop3A_929, %div3A : vector<16xf32>
      %parallel_loop3A_931 = arith.addf %parallel_loop3A_930, %neg3A_25 : vector<16xf32>
      %parallel_loop3A_932 = arith.fptosi %parallel_loop3A_931 : vector<16xf32> to vector<16xi32>
      %parallel_loop3A_933 = arith.addi %parallel_loop3A_932, %add3A_39 : vector<16xi32>
      tpu.vector_store_idx %arg11[%parallel_loop3A_933], %broadcast_in_dim3A_33 {add = true} : memref<32800xf32, #tpu.memory_space<vmem>>[vector<16xi32>], vector<16xf32>,
    } {sc.loop_unroll_factor = 8 : i64, sc.parallel_access}
    %add3A_788 = arith.constant 448 : i32
    %add3A_789 = arith.addi %mul3A_2, %add3A_788 : i32
    %dma_wait3A_790 = arith.constant 0 : i32
    %dma_wait3A_791 = tpu.memref_slice %arg2[%add3A_789, %dma_wait3A_790] : memref<16384x2048xf32, #tpu.memory_space<hbm>> -> memref<16x2048xf32, #tpu.memory_space<hbm>>
    %dma_wait3A_792 = arith.constant 0 : i32
    %dma_wait3A_793 = tpu.memref_slice %arg2[%add3A_789, %dma_wait3A_792] : memref<16384x2048xf32, #tpu.memory_space<hbm>> -> memref<16x2048xf32, #tpu.memory_space<hbm>>
    tpu.wait_dma2 semaphore(%arg13 : memref<!tpu.dma_semaphore, #tpu.memory_space<semaphore_mem>>) src(%dma_wait3A_793 : memref<16x2048xf32, #tpu.memory_space<hbm>>) dst(%arg7 : memref<16x2048xf32, #tpu.memory_space<vmem>>)
    %add3A_794 = arith.constant 448 : i32
    %add3A_795 = arith.addi %mul3A_2, %add3A_794 : i32
    %dma_start3A_796 = arith.constant 0 : i32
    %dma_start3A_797 = tpu.memref_slice %arg5[%add3A_795, %dma_start3A_796] : memref<16384x2048xf32, #tpu.memory_space<hbm>> -> memref<16x2048xf32, #tpu.memory_space<hbm>>
    %dma_start3A_798 = arith.constant 0 : i32
    %dma_start3A_799 = tpu.memref_slice %arg5[%add3A_795, %dma_start3A_798] : memref<16384x2048xf32, #tpu.memory_space<hbm>> -> memref<16x2048xf32, #tpu.memory_space<hbm>>
    tpu.enqueue_dma source(%arg7 : memref<16x2048xf32, #tpu.memory_space<vmem>>) target(%dma_start3A_799 : memref<16x2048xf32, #tpu.memory_space<hbm>>) target_semaphore(%arg15 : memref<!tpu.dma_semaphore, #tpu.memory_space<semaphore_mem>>)
    %add3A_800 = arith.constant 432 : i32
    %add3A_801 = arith.addi %mul3A_2, %add3A_800 : i32
    %dma_wait3A_802 = arith.constant 0 : i32
    %dma_wait3A_803 = tpu.memref_slice %arg5[%add3A_801, %dma_wait3A_802] : memref<16384x2048xf32, #tpu.memory_space<hbm>> -> memref<16x2048xf32, #tpu.memory_space<hbm>>
    %dma_wait3A_804 = arith.constant 0 : i32
    %dma_wait3A_805 = tpu.memref_slice %arg5[%add3A_801, %dma_wait3A_804] : memref<16384x2048xf32, #tpu.memory_space<hbm>> -> memref<16x2048xf32, #tpu.memory_space<hbm>>
    tpu.wait_dma2 semaphore(%arg16 : memref<!tpu.dma_semaphore, #tpu.memory_space<semaphore_mem>>) src(%arg8 : memref<16x2048xf32, #tpu.memory_space<vmem>>) dst(%dma_wait3A_805 : memref<16x2048xf32, #tpu.memory_space<hbm>>)
    %add3A_806 = arith.constant 464 : i32
    %add3A_807 = arith.addi %mul3A_2, %add3A_806 : i32
    %dma_start3A_808 = arith.constant 0 : i32
    %dma_start3A_809 = tpu.memref_slice %arg2[%add3A_807, %dma_start3A_808] : memref<16384x2048xf32, #tpu.memory_space<hbm>> -> memref<16x2048xf32, #tpu.memory_space<hbm>>
    %dma_start3A_810 = arith.constant 0 : i32
    %dma_start3A_811 = tpu.memref_slice %arg2[%add3A_807, %dma_start3A_810] : memref<16384x2048xf32, #tpu.memory_space<hbm>> -> memref<16x2048xf32, #tpu.memory_space<hbm>>
    tpu.enqueue_dma source(%dma_start3A_811 : memref<16x2048xf32, #tpu.memory_space<hbm>>) target(%arg8 : memref<16x2048xf32, #tpu.memory_space<vmem>>) target_semaphore(%arg14 : memref<!tpu.dma_semaphore, #tpu.memory_space<semaphore_mem>>)
    %parallel_loop3A_812 = arith.constant 0 : i32
    %parallel_loop3A_813 = arith.constant 2048 : i32
    %parallel_loop3A_814 = arith.constant 1 : i32
    scf.for %parallel_loop3A_920 = %parallel_loop3A_812 to %parallel_loop3A_813 step %parallel_loop3A_814  : i32 {
      %parallel_loop3A_921 = arith.constant 7 : i32
      %parallel_loop3A_922 = arith.shrsi %parallel_loop3A_920, %parallel_loop3A_921 : i32
      %parallel_loop3A_923 = arith.constant 127 : i32
      %parallel_loop3A_924 = arith.andi %parallel_loop3A_920, %parallel_loop3A_923 : i32
      %parallel_loop3A_925 = arith.constant 16 : i32
      %parallel_loop3A_926 = arith.muli %parallel_loop3A_924, %parallel_loop3A_925 : i32
      %parallel_loop3A_927 = arith.index_cast %parallel_loop3A_922 : i32 to index
      %parallel_loop3A_928 = arith.index_cast %parallel_loop3A_926 : i32 to index
      %parallel_loop3A_929 = tpu.vector_load %arg7[%parallel_loop3A_927, %parallel_loop3A_928] {strides = array<i32>} : memref<16x2048xf32, #tpu.memory_space<vmem>>, vector<16xf32>,
      %parallel_loop3A_930 = arith.mulf %parallel_loop3A_929, %div3A : vector<16xf32>
      %parallel_loop3A_931 = arith.addf %parallel_loop3A_930, %neg3A_25 : vector<16xf32>
      %parallel_loop3A_932 = arith.fptosi %parallel_loop3A_931 : vector<16xf32> to vector<16xi32>
      %parallel_loop3A_933 = arith.addi %parallel_loop3A_932, %add3A_39 : vector<16xi32>
      tpu.vector_store_idx %arg11[%parallel_loop3A_933], %broadcast_in_dim3A_33 {add = true} : memref<32800xf32, #tpu.memory_space<vmem>>[vector<16xi32>], vector<16xf32>,
    } {sc.loop_unroll_factor = 8 : i64, sc.parallel_access}
    %add3A_815 = arith.constant 464 : i32
    %add3A_816 = arith.addi %mul3A_2, %add3A_815 : i32
    %dma_wait3A_817 = arith.constant 0 : i32
    %dma_wait3A_818 = tpu.memref_slice %arg2[%add3A_816, %dma_wait3A_817] : memref<16384x2048xf32, #tpu.memory_space<hbm>> -> memref<16x2048xf32, #tpu.memory_space<hbm>>
    %dma_wait3A_819 = arith.constant 0 : i32
    %dma_wait3A_820 = tpu.memref_slice %arg2[%add3A_816, %dma_wait3A_819] : memref<16384x2048xf32, #tpu.memory_space<hbm>> -> memref<16x2048xf32, #tpu.memory_space<hbm>>
    tpu.wait_dma2 semaphore(%arg14 : memref<!tpu.dma_semaphore, #tpu.memory_space<semaphore_mem>>) src(%dma_wait3A_820 : memref<16x2048xf32, #tpu.memory_space<hbm>>) dst(%arg8 : memref<16x2048xf32, #tpu.memory_space<vmem>>)
    %add3A_821 = arith.constant 464 : i32
    %add3A_822 = arith.addi %mul3A_2, %add3A_821 : i32
    %dma_start3A_823 = arith.constant 0 : i32
    %dma_start3A_824 = tpu.memref_slice %arg5[%add3A_822, %dma_start3A_823] : memref<16384x2048xf32, #tpu.memory_space<hbm>> -> memref<16x2048xf32, #tpu.memory_space<hbm>>
    %dma_start3A_825 = arith.constant 0 : i32
    %dma_start3A_826 = tpu.memref_slice %arg5[%add3A_822, %dma_start3A_825] : memref<16384x2048xf32, #tpu.memory_space<hbm>> -> memref<16x2048xf32, #tpu.memory_space<hbm>>
    tpu.enqueue_dma source(%arg8 : memref<16x2048xf32, #tpu.memory_space<vmem>>) target(%dma_start3A_826 : memref<16x2048xf32, #tpu.memory_space<hbm>>) target_semaphore(%arg16 : memref<!tpu.dma_semaphore, #tpu.memory_space<semaphore_mem>>)
    %add3A_827 = arith.constant 448 : i32
    %add3A_828 = arith.addi %mul3A_2, %add3A_827 : i32
    %dma_wait3A_829 = arith.constant 0 : i32
    %dma_wait3A_830 = tpu.memref_slice %arg5[%add3A_828, %dma_wait3A_829] : memref<16384x2048xf32, #tpu.memory_space<hbm>> -> memref<16x2048xf32, #tpu.memory_space<hbm>>
    %dma_wait3A_831 = arith.constant 0 : i32
    %dma_wait3A_832 = tpu.memref_slice %arg5[%add3A_828, %dma_wait3A_831] : memref<16384x2048xf32, #tpu.memory_space<hbm>> -> memref<16x2048xf32, #tpu.memory_space<hbm>>
    tpu.wait_dma2 semaphore(%arg15 : memref<!tpu.dma_semaphore, #tpu.memory_space<semaphore_mem>>) src(%arg7 : memref<16x2048xf32, #tpu.memory_space<vmem>>) dst(%dma_wait3A_832 : memref<16x2048xf32, #tpu.memory_space<hbm>>)
    %add3A_833 = arith.constant 480 : i32
    %add3A_834 = arith.addi %mul3A_2, %add3A_833 : i32
    %dma_start3A_835 = arith.constant 0 : i32
    %dma_start3A_836 = tpu.memref_slice %arg2[%add3A_834, %dma_start3A_835] : memref<16384x2048xf32, #tpu.memory_space<hbm>> -> memref<16x2048xf32, #tpu.memory_space<hbm>>
    %dma_start3A_837 = arith.constant 0 : i32
    %dma_start3A_838 = tpu.memref_slice %arg2[%add3A_834, %dma_start3A_837] : memref<16384x2048xf32, #tpu.memory_space<hbm>> -> memref<16x2048xf32, #tpu.memory_space<hbm>>
    tpu.enqueue_dma source(%dma_start3A_838 : memref<16x2048xf32, #tpu.memory_space<hbm>>) target(%arg7 : memref<16x2048xf32, #tpu.memory_space<vmem>>) target_semaphore(%arg13 : memref<!tpu.dma_semaphore, #tpu.memory_space<semaphore_mem>>)
    %parallel_loop3A_839 = arith.constant 0 : i32
    %parallel_loop3A_840 = arith.constant 2048 : i32
    %parallel_loop3A_841 = arith.constant 1 : i32
    scf.for %parallel_loop3A_920 = %parallel_loop3A_839 to %parallel_loop3A_840 step %parallel_loop3A_841  : i32 {
      %parallel_loop3A_921 = arith.constant 7 : i32
      %parallel_loop3A_922 = arith.shrsi %parallel_loop3A_920, %parallel_loop3A_921 : i32
      %parallel_loop3A_923 = arith.constant 127 : i32
      %parallel_loop3A_924 = arith.andi %parallel_loop3A_920, %parallel_loop3A_923 : i32
      %parallel_loop3A_925 = arith.constant 16 : i32
      %parallel_loop3A_926 = arith.muli %parallel_loop3A_924, %parallel_loop3A_925 : i32
      %parallel_loop3A_927 = arith.index_cast %parallel_loop3A_922 : i32 to index
      %parallel_loop3A_928 = arith.index_cast %parallel_loop3A_926 : i32 to index
      %parallel_loop3A_929 = tpu.vector_load %arg8[%parallel_loop3A_927, %parallel_loop3A_928] {strides = array<i32>} : memref<16x2048xf32, #tpu.memory_space<vmem>>, vector<16xf32>,
      %parallel_loop3A_930 = arith.mulf %parallel_loop3A_929, %div3A : vector<16xf32>
      %parallel_loop3A_931 = arith.addf %parallel_loop3A_930, %neg3A_25 : vector<16xf32>
      %parallel_loop3A_932 = arith.fptosi %parallel_loop3A_931 : vector<16xf32> to vector<16xi32>
      %parallel_loop3A_933 = arith.addi %parallel_loop3A_932, %add3A_39 : vector<16xi32>
      tpu.vector_store_idx %arg11[%parallel_loop3A_933], %broadcast_in_dim3A_33 {add = true} : memref<32800xf32, #tpu.memory_space<vmem>>[vector<16xi32>], vector<16xf32>,
    } {sc.loop_unroll_factor = 8 : i64, sc.parallel_access}
    %add3A_842 = arith.constant 480 : i32
    %add3A_843 = arith.addi %mul3A_2, %add3A_842 : i32
    %dma_wait3A_844 = arith.constant 0 : i32
    %dma_wait3A_845 = tpu.memref_slice %arg2[%add3A_843, %dma_wait3A_844] : memref<16384x2048xf32, #tpu.memory_space<hbm>> -> memref<16x2048xf32, #tpu.memory_space<hbm>>
    %dma_wait3A_846 = arith.constant 0 : i32
    %dma_wait3A_847 = tpu.memref_slice %arg2[%add3A_843, %dma_wait3A_846] : memref<16384x2048xf32, #tpu.memory_space<hbm>> -> memref<16x2048xf32, #tpu.memory_space<hbm>>
    tpu.wait_dma2 semaphore(%arg13 : memref<!tpu.dma_semaphore, #tpu.memory_space<semaphore_mem>>) src(%dma_wait3A_847 : memref<16x2048xf32, #tpu.memory_space<hbm>>) dst(%arg7 : memref<16x2048xf32, #tpu.memory_space<vmem>>)
    %add3A_848 = arith.constant 480 : i32
    %add3A_849 = arith.addi %mul3A_2, %add3A_848 : i32
    %dma_start3A_850 = arith.constant 0 : i32
    %dma_start3A_851 = tpu.memref_slice %arg5[%add3A_849, %dma_start3A_850] : memref<16384x2048xf32, #tpu.memory_space<hbm>> -> memref<16x2048xf32, #tpu.memory_space<hbm>>
    %dma_start3A_852 = arith.constant 0 : i32
    %dma_start3A_853 = tpu.memref_slice %arg5[%add3A_849, %dma_start3A_852] : memref<16384x2048xf32, #tpu.memory_space<hbm>> -> memref<16x2048xf32, #tpu.memory_space<hbm>>
    tpu.enqueue_dma source(%arg7 : memref<16x2048xf32, #tpu.memory_space<vmem>>) target(%dma_start3A_853 : memref<16x2048xf32, #tpu.memory_space<hbm>>) target_semaphore(%arg15 : memref<!tpu.dma_semaphore, #tpu.memory_space<semaphore_mem>>)
    %add3A_854 = arith.constant 464 : i32
    %add3A_855 = arith.addi %mul3A_2, %add3A_854 : i32
    %dma_wait3A_856 = arith.constant 0 : i32
    %dma_wait3A_857 = tpu.memref_slice %arg5[%add3A_855, %dma_wait3A_856] : memref<16384x2048xf32, #tpu.memory_space<hbm>> -> memref<16x2048xf32, #tpu.memory_space<hbm>>
    %dma_wait3A_858 = arith.constant 0 : i32
    %dma_wait3A_859 = tpu.memref_slice %arg5[%add3A_855, %dma_wait3A_858] : memref<16384x2048xf32, #tpu.memory_space<hbm>> -> memref<16x2048xf32, #tpu.memory_space<hbm>>
    tpu.wait_dma2 semaphore(%arg16 : memref<!tpu.dma_semaphore, #tpu.memory_space<semaphore_mem>>) src(%arg8 : memref<16x2048xf32, #tpu.memory_space<vmem>>) dst(%dma_wait3A_859 : memref<16x2048xf32, #tpu.memory_space<hbm>>)
    %add3A_860 = arith.constant 496 : i32
    %add3A_861 = arith.addi %mul3A_2, %add3A_860 : i32
    %dma_start3A_862 = arith.constant 0 : i32
    %dma_start3A_863 = tpu.memref_slice %arg2[%add3A_861, %dma_start3A_862] : memref<16384x2048xf32, #tpu.memory_space<hbm>> -> memref<16x2048xf32, #tpu.memory_space<hbm>>
    %dma_start3A_864 = arith.constant 0 : i32
    %dma_start3A_865 = tpu.memref_slice %arg2[%add3A_861, %dma_start3A_864] : memref<16384x2048xf32, #tpu.memory_space<hbm>> -> memref<16x2048xf32, #tpu.memory_space<hbm>>
    tpu.enqueue_dma source(%dma_start3A_865 : memref<16x2048xf32, #tpu.memory_space<hbm>>) target(%arg8 : memref<16x2048xf32, #tpu.memory_space<vmem>>) target_semaphore(%arg14 : memref<!tpu.dma_semaphore, #tpu.memory_space<semaphore_mem>>)
    %parallel_loop3A_866 = arith.constant 0 : i32
    %parallel_loop3A_867 = arith.constant 2048 : i32
    %parallel_loop3A_868 = arith.constant 1 : i32
    scf.for %parallel_loop3A_920 = %parallel_loop3A_866 to %parallel_loop3A_867 step %parallel_loop3A_868  : i32 {
      %parallel_loop3A_921 = arith.constant 7 : i32
      %parallel_loop3A_922 = arith.shrsi %parallel_loop3A_920, %parallel_loop3A_921 : i32
      %parallel_loop3A_923 = arith.constant 127 : i32
      %parallel_loop3A_924 = arith.andi %parallel_loop3A_920, %parallel_loop3A_923 : i32
      %parallel_loop3A_925 = arith.constant 16 : i32
      %parallel_loop3A_926 = arith.muli %parallel_loop3A_924, %parallel_loop3A_925 : i32
      %parallel_loop3A_927 = arith.index_cast %parallel_loop3A_922 : i32 to index
      %parallel_loop3A_928 = arith.index_cast %parallel_loop3A_926 : i32 to index
      %parallel_loop3A_929 = tpu.vector_load %arg7[%parallel_loop3A_927, %parallel_loop3A_928] {strides = array<i32>} : memref<16x2048xf32, #tpu.memory_space<vmem>>, vector<16xf32>,
      %parallel_loop3A_930 = arith.mulf %parallel_loop3A_929, %div3A : vector<16xf32>
      %parallel_loop3A_931 = arith.addf %parallel_loop3A_930, %neg3A_25 : vector<16xf32>
      %parallel_loop3A_932 = arith.fptosi %parallel_loop3A_931 : vector<16xf32> to vector<16xi32>
      %parallel_loop3A_933 = arith.addi %parallel_loop3A_932, %add3A_39 : vector<16xi32>
      tpu.vector_store_idx %arg11[%parallel_loop3A_933], %broadcast_in_dim3A_33 {add = true} : memref<32800xf32, #tpu.memory_space<vmem>>[vector<16xi32>], vector<16xf32>,
    } {sc.loop_unroll_factor = 8 : i64, sc.parallel_access}
    %add3A_869 = arith.constant 496 : i32
    %add3A_870 = arith.addi %mul3A_2, %add3A_869 : i32
    %dma_wait3A_871 = arith.constant 0 : i32
    %dma_wait3A_872 = tpu.memref_slice %arg2[%add3A_870, %dma_wait3A_871] : memref<16384x2048xf32, #tpu.memory_space<hbm>> -> memref<16x2048xf32, #tpu.memory_space<hbm>>
    %dma_wait3A_873 = arith.constant 0 : i32
    %dma_wait3A_874 = tpu.memref_slice %arg2[%add3A_870, %dma_wait3A_873] : memref<16384x2048xf32, #tpu.memory_space<hbm>> -> memref<16x2048xf32, #tpu.memory_space<hbm>>
    tpu.wait_dma2 semaphore(%arg14 : memref<!tpu.dma_semaphore, #tpu.memory_space<semaphore_mem>>) src(%dma_wait3A_874 : memref<16x2048xf32, #tpu.memory_space<hbm>>) dst(%arg8 : memref<16x2048xf32, #tpu.memory_space<vmem>>)
    %add3A_875 = arith.constant 496 : i32
    %add3A_876 = arith.addi %mul3A_2, %add3A_875 : i32
    %dma_start3A_877 = arith.constant 0 : i32
    %dma_start3A_878 = tpu.memref_slice %arg5[%add3A_876, %dma_start3A_877] : memref<16384x2048xf32, #tpu.memory_space<hbm>> -> memref<16x2048xf32, #tpu.memory_space<hbm>>
    %dma_start3A_879 = arith.constant 0 : i32
    %dma_start3A_880 = tpu.memref_slice %arg5[%add3A_876, %dma_start3A_879] : memref<16384x2048xf32, #tpu.memory_space<hbm>> -> memref<16x2048xf32, #tpu.memory_space<hbm>>
    tpu.enqueue_dma source(%arg8 : memref<16x2048xf32, #tpu.memory_space<vmem>>) target(%dma_start3A_880 : memref<16x2048xf32, #tpu.memory_space<hbm>>) target_semaphore(%arg16 : memref<!tpu.dma_semaphore, #tpu.memory_space<semaphore_mem>>)
    %parallel_loop3A_881 = arith.constant 0 : i32
    %parallel_loop3A_882 = arith.constant 2048 : i32
    %parallel_loop3A_883 = arith.constant 1 : i32
    scf.for %parallel_loop3A_920 = %parallel_loop3A_881 to %parallel_loop3A_882 step %parallel_loop3A_883  : i32 {
      %parallel_loop3A_921 = arith.constant 7 : i32
      %parallel_loop3A_922 = arith.shrsi %parallel_loop3A_920, %parallel_loop3A_921 : i32
      %parallel_loop3A_923 = arith.constant 127 : i32
      %parallel_loop3A_924 = arith.andi %parallel_loop3A_920, %parallel_loop3A_923 : i32
      %parallel_loop3A_925 = arith.constant 16 : i32
      %parallel_loop3A_926 = arith.muli %parallel_loop3A_924, %parallel_loop3A_925 : i32
      %parallel_loop3A_927 = arith.index_cast %parallel_loop3A_922 : i32 to index
      %parallel_loop3A_928 = arith.index_cast %parallel_loop3A_926 : i32 to index
      %parallel_loop3A_929 = tpu.vector_load %arg8[%parallel_loop3A_927, %parallel_loop3A_928] {strides = array<i32>} : memref<16x2048xf32, #tpu.memory_space<vmem>>, vector<16xf32>,
      %parallel_loop3A_930 = arith.mulf %parallel_loop3A_929, %div3A : vector<16xf32>
      %parallel_loop3A_931 = arith.addf %parallel_loop3A_930, %neg3A_25 : vector<16xf32>
      %parallel_loop3A_932 = arith.fptosi %parallel_loop3A_931 : vector<16xf32> to vector<16xi32>
      %parallel_loop3A_933 = arith.addi %parallel_loop3A_932, %add3A_39 : vector<16xi32>
      tpu.vector_store_idx %arg11[%parallel_loop3A_933], %broadcast_in_dim3A_33 {add = true} : memref<32800xf32, #tpu.memory_space<vmem>>[vector<16xi32>], vector<16xf32>,
    } {sc.loop_unroll_factor = 8 : i64, sc.parallel_access}
    %iota3A_884 = tpu.iota {dimensions = array<i32: 0>} : vector<16xi32>
    %mul3A_885 = arith.constant 2050 : i32
    %mul3A_886 = vector.broadcast %mul3A_885 : i32 to vector<16xi32>
    %mul3A_887 = arith.muli %iota3A_884, %mul3A_886 : vector<16xi32>
    %gather3A = tpu.vector_load_idx %arg11[%mul3A_887] : memref<32800xf32, #tpu.memory_space<vmem>>[vector<16xi32>], vector<16xf32>,
    %add3A_888 = arith.constant 1 : i32
    %add3A_889 = vector.broadcast %add3A_888 : i32 to vector<16xi32>
    %add3A_890 = arith.addi %mul3A_887, %add3A_889 : vector<16xi32>
    tpu.vector_store_idx %arg11[%add3A_890], %gather3A {add = true} : memref<32800xf32, #tpu.memory_space<vmem>>[vector<16xi32>], vector<16xf32>,
    %add3A_891 = arith.constant 2048 : i32
    %add3A_892 = vector.broadcast %add3A_891 : i32 to vector<16xi32>
    %add3A_893 = arith.addi %mul3A_887, %add3A_892 : vector<16xi32>
    %add3A_894 = arith.constant 1 : i32
    %add3A_895 = vector.broadcast %add3A_894 : i32 to vector<16xi32>
    %add3A_896 = arith.addi %add3A_893, %add3A_895 : vector<16xi32>
    %gather3A_897 = tpu.vector_load_idx %arg11[%add3A_896] : memref<32800xf32, #tpu.memory_space<vmem>>[vector<16xi32>], vector<16xf32>,
    %add3A_898 = arith.constant 2048 : i32
    %add3A_899 = vector.broadcast %add3A_898 : i32 to vector<16xi32>
    %add3A_900 = arith.addi %mul3A_887, %add3A_899 : vector<16xi32>
    tpu.vector_store_idx %arg11[%add3A_900], %gather3A_897 {add = true} : memref<32800xf32, #tpu.memory_space<vmem>>[vector<16xi32>], vector<16xf32>,
    %add3A_901 = arith.constant 496 : i32
    %add3A_902 = arith.addi %mul3A_2, %add3A_901 : i32
    %dma_wait3A_903 = arith.constant 0 : i32
    %dma_wait3A_904 = tpu.memref_slice %arg5[%add3A_902, %dma_wait3A_903] : memref<16384x2048xf32, #tpu.memory_space<hbm>> -> memref<16x2048xf32, #tpu.memory_space<hbm>>
    %dma_wait3A_905 = arith.constant 0 : i32
    %dma_wait3A_906 = tpu.memref_slice %arg5[%add3A_902, %dma_wait3A_905] : memref<16384x2048xf32, #tpu.memory_space<hbm>> -> memref<16x2048xf32, #tpu.memory_space<hbm>>
    tpu.wait_dma2 semaphore(%arg16 : memref<!tpu.dma_semaphore, #tpu.memory_space<semaphore_mem>>) src(%arg8 : memref<16x2048xf32, #tpu.memory_space<vmem>>) dst(%dma_wait3A_906 : memref<16x2048xf32, #tpu.memory_space<hbm>>)
    %add3A_907 = arith.constant 480 : i32
    %add3A_908 = arith.addi %mul3A_2, %add3A_907 : i32
    %dma_wait3A_909 = arith.constant 0 : i32
    %dma_wait3A_910 = tpu.memref_slice %arg5[%add3A_908, %dma_wait3A_909] : memref<16384x2048xf32, #tpu.memory_space<hbm>> -> memref<16x2048xf32, #tpu.memory_space<hbm>>
    %dma_wait3A_911 = arith.constant 0 : i32
    %dma_wait3A_912 = tpu.memref_slice %arg5[%add3A_908, %dma_wait3A_911] : memref<16384x2048xf32, #tpu.memory_space<hbm>> -> memref<16x2048xf32, #tpu.memory_space<hbm>>
    tpu.wait_dma2 semaphore(%arg15 : memref<!tpu.dma_semaphore, #tpu.memory_space<semaphore_mem>>) src(%arg7 : memref<16x2048xf32, #tpu.memory_space<vmem>>) dst(%dma_wait3A_912 : memref<16x2048xf32, #tpu.memory_space<hbm>>)
    %scan3A_913 = arith.constant 0 : i32
    %scan3A_914 = arith.constant 0 : i32
    %scan3A_915 = arith.constant 128 : i32
    %scan3A_916 = arith.addi %scan3A_914, %scan3A_915 : i32
    %scan3A_917 = arith.constant 1 : i32
    %scan3A_918 = scf.for %scan3A_920 = %scan3A_914 to %scan3A_916 step %scan3A_917 iter_args(%scan3A_921 = %scan3A_913) -> (i32)  : i32 {
      %mul3A_922 = arith.constant 16 : i32
      %mul3A_923 = arith.muli %scan3A_920, %mul3A_922 : i32
      %add3A_924 = arith.constant 1 : i32
      %add3A_925 = arith.addi %add3A_924, %mul3A_923 : i32
      %get3A_926 = arith.index_cast %add3A_925 : i32 to index
      %get3A_927 = tpu.vector_load %arg11[%get3A_926] {strides = array<i32>} : memref<32800xf32, #tpu.memory_space<vmem>>, vector<16xf32>,
      %mul3A_928 = arith.constant 16 : i32
      %mul3A_929 = arith.muli %scan3A_920, %mul3A_928 : i32
      %add3A_930 = arith.constant 2051 : i32
      %add3A_931 = arith.addi %add3A_930, %mul3A_929 : i32
      %get3A_932 = arith.index_cast %add3A_931 : i32 to index
      %get3A_933 = tpu.vector_load %arg11[%get3A_932] {strides = array<i32>} : memref<32800xf32, #tpu.memory_space<vmem>>, vector<16xf32>,
      %add3A_934 = arith.addf %get3A_927, %get3A_933 : vector<16xf32>
      %mul3A_935 = arith.constant 16 : i32
      %mul3A_936 = arith.muli %scan3A_920, %mul3A_935 : i32
      %add3A_937 = arith.constant 4101 : i32
      %add3A_938 = arith.addi %add3A_937, %mul3A_936 : i32
      %get3A_939 = arith.index_cast %add3A_938 : i32 to index
      %get3A_940 = tpu.vector_load %arg11[%get3A_939] {strides = array<i32>} : memref<32800xf32, #tpu.memory_space<vmem>>, vector<16xf32>,
      %add3A_941 = arith.addf %add3A_934, %get3A_940 : vector<16xf32>
      %mul3A_942 = arith.constant 16 : i32
      %mul3A_943 = arith.muli %scan3A_920, %mul3A_942 : i32
      %add3A_944 = arith.constant 6151 : i32
      %add3A_945 = arith.addi %add3A_944, %mul3A_943 : i32
      %get3A_946 = arith.index_cast %add3A_945 : i32 to index
      %get3A_947 = tpu.vector_load %arg11[%get3A_946] {strides = array<i32>} : memref<32800xf32, #tpu.memory_space<vmem>>, vector<16xf32>,
      %add3A_948 = arith.addf %add3A_941, %get3A_947 : vector<16xf32>
      %mul3A_949 = arith.constant 16 : i32
      %mul3A_950 = arith.muli %scan3A_920, %mul3A_949 : i32
      %add3A_951 = arith.constant 8201 : i32
      %add3A_952 = arith.addi %add3A_951, %mul3A_950 : i32
      %get3A_953 = arith.index_cast %add3A_952 : i32 to index
      %get3A_954 = tpu.vector_load %arg11[%get3A_953] {strides = array<i32>} : memref<32800xf32, #tpu.memory_space<vmem>>, vector<16xf32>,
      %add3A_955 = arith.addf %add3A_948, %get3A_954 : vector<16xf32>
      %mul3A_956 = arith.constant 16 : i32
      %mul3A_957 = arith.muli %scan3A_920, %mul3A_956 : i32
      %add3A_958 = arith.constant 10251 : i32
      %add3A_959 = arith.addi %add3A_958, %mul3A_957 : i32
      %get3A_960 = arith.index_cast %add3A_959 : i32 to index
      %get3A_961 = tpu.vector_load %arg11[%get3A_960] {strides = array<i32>} : memref<32800xf32, #tpu.memory_space<vmem>>, vector<16xf32>,
      %add3A_962 = arith.addf %add3A_955, %get3A_961 : vector<16xf32>
      %mul3A_963 = arith.constant 16 : i32
      %mul3A_964 = arith.muli %scan3A_920, %mul3A_963 : i32
      %add3A_965 = arith.constant 12301 : i32
      %add3A_966 = arith.addi %add3A_965, %mul3A_964 : i32
      %get3A_967 = arith.index_cast %add3A_966 : i32 to index
      %get3A_968 = tpu.vector_load %arg11[%get3A_967] {strides = array<i32>} : memref<32800xf32, #tpu.memory_space<vmem>>, vector<16xf32>,
      %add3A_969 = arith.addf %add3A_962, %get3A_968 : vector<16xf32>
      %mul3A_970 = arith.constant 16 : i32
      %mul3A_971 = arith.muli %scan3A_920, %mul3A_970 : i32
      %add3A_972 = arith.constant 14351 : i32
      %add3A_973 = arith.addi %add3A_972, %mul3A_971 : i32
      %get3A_974 = arith.index_cast %add3A_973 : i32 to index
      %get3A_975 = tpu.vector_load %arg11[%get3A_974] {strides = array<i32>} : memref<32800xf32, #tpu.memory_space<vmem>>, vector<16xf32>,
      %add3A_976 = arith.addf %add3A_969, %get3A_975 : vector<16xf32>
      %mul3A_977 = arith.constant 16 : i32
      %mul3A_978 = arith.muli %scan3A_920, %mul3A_977 : i32
      %add3A_979 = arith.constant 16401 : i32
      %add3A_980 = arith.addi %add3A_979, %mul3A_978 : i32
      %get3A_981 = arith.index_cast %add3A_980 : i32 to index
      %get3A_982 = tpu.vector_load %arg11[%get3A_981] {strides = array<i32>} : memref<32800xf32, #tpu.memory_space<vmem>>, vector<16xf32>,
      %add3A_983 = arith.addf %add3A_976, %get3A_982 : vector<16xf32>
      %mul3A_984 = arith.constant 16 : i32
      %mul3A_985 = arith.muli %scan3A_920, %mul3A_984 : i32
      %add3A_986 = arith.constant 18451 : i32
      %add3A_987 = arith.addi %add3A_986, %mul3A_985 : i32
      %get3A_988 = arith.index_cast %add3A_987 : i32 to index
      %get3A_989 = tpu.vector_load %arg11[%get3A_988] {strides = array<i32>} : memref<32800xf32, #tpu.memory_space<vmem>>, vector<16xf32>,
      %add3A_990 = arith.addf %add3A_983, %get3A_989 : vector<16xf32>
      %mul3A_991 = arith.constant 16 : i32
      %mul3A_992 = arith.muli %scan3A_920, %mul3A_991 : i32
      %add3A_993 = arith.constant 20501 : i32
      %add3A_994 = arith.addi %add3A_993, %mul3A_992 : i32
      %get3A_995 = arith.index_cast %add3A_994 : i32 to index
      %get3A_996 = tpu.vector_load %arg11[%get3A_995] {strides = array<i32>} : memref<32800xf32, #tpu.memory_space<vmem>>, vector<16xf32>,
      %add3A_997 = arith.addf %add3A_990, %get3A_996 : vector<16xf32>
      %mul3A_998 = arith.constant 16 : i32
      %mul3A_999 = arith.muli %scan3A_920, %mul3A_998 : i32
      %add3A_1000 = arith.constant 22551 : i32
      %add3A_1001 = arith.addi %add3A_1000, %mul3A_999 : i32
      %get3A_1002 = arith.index_cast %add3A_1001 : i32 to index
      %get3A_1003 = tpu.vector_load %arg11[%get3A_1002] {strides = array<i32>} : memref<32800xf32, #tpu.memory_space<vmem>>, vector<16xf32>,
      %add3A_1004 = arith.addf %add3A_997, %get3A_1003 : vector<16xf32>
      %mul3A_1005 = arith.constant 16 : i32
      %mul3A_1006 = arith.muli %scan3A_920, %mul3A_1005 : i32
      %add3A_1007 = arith.constant 24601 : i32
      %add3A_1008 = arith.addi %add3A_1007, %mul3A_1006 : i32
      %get3A_1009 = arith.index_cast %add3A_1008 : i32 to index
      %get3A_1010 = tpu.vector_load %arg11[%get3A_1009] {strides = array<i32>} : memref<32800xf32, #tpu.memory_space<vmem>>, vector<16xf32>,
      %add3A_1011 = arith.addf %add3A_1004, %get3A_1010 : vector<16xf32>
      %mul3A_1012 = arith.constant 16 : i32
      %mul3A_1013 = arith.muli %scan3A_920, %mul3A_1012 : i32
      %add3A_1014 = arith.constant 26651 : i32
      %add3A_1015 = arith.addi %add3A_1014, %mul3A_1013 : i32
      %get3A_1016 = arith.index_cast %add3A_1015 : i32 to index
      %get3A_1017 = tpu.vector_load %arg11[%get3A_1016] {strides = array<i32>} : memref<32800xf32, #tpu.memory_space<vmem>>, vector<16xf32>,
      %add3A_1018 = arith.addf %add3A_1011, %get3A_1017 : vector<16xf32>
      %mul3A_1019 = arith.constant 16 : i32
      %mul3A_1020 = arith.muli %scan3A_920, %mul3A_1019 : i32
      %add3A_1021 = arith.constant 28701 : i32
      %add3A_1022 = arith.addi %add3A_1021, %mul3A_1020 : i32
      %get3A_1023 = arith.index_cast %add3A_1022 : i32 to index
      %get3A_1024 = tpu.vector_load %arg11[%get3A_1023] {strides = array<i32>} : memref<32800xf32, #tpu.memory_space<vmem>>, vector<16xf32>,
      %add3A_1025 = arith.addf %add3A_1018, %get3A_1024 : vector<16xf32>
      %mul3A_1026 = arith.constant 16 : i32
      %mul3A_1027 = arith.muli %scan3A_920, %mul3A_1026 : i32
      %add3A_1028 = arith.constant 30751 : i32
      %add3A_1029 = arith.addi %add3A_1028, %mul3A_1027 : i32
      %get3A_1030 = arith.index_cast %add3A_1029 : i32 to index
      %get3A_1031 = tpu.vector_load %arg11[%get3A_1030] {strides = array<i32>} : memref<32800xf32, #tpu.memory_space<vmem>>, vector<16xf32>,
      %add3A_1032 = arith.addf %add3A_1025, %get3A_1031 : vector<16xf32>
      %mul3A_1033 = arith.constant 16 : i32
      %mul3A_1034 = arith.muli %scan3A_920, %mul3A_1033 : i32
      %swap3A = arith.index_cast %mul3A_1034 : i32 to index
      %swap3A_1035 = tpu.vector_load %arg12[%swap3A] {strides = array<i32>} : memref<2048xf32, #tpu.memory_space<vmem>>, vector<16xf32>,
      tpu.vector_store %arg12[%swap3A], %add3A_1032 {strides = array<i32>} : memref<2048xf32, #tpu.memory_space<vmem>>, vector<16xf32>,
      %scan3A_1036 = arith.constant 0 : i32
      scf.yield %scan3A_1036 : i32
    }
    %scan3A_919 = arith.constant 128 : i32
    "tpu.region"() ({
      %run_scoped3A = tpu.sem_alloc : memref<!tpu.dma_semaphore, #tpu.memory_space<semaphore_mem>>
      %dma_start3A_920 = arith.constant 0 : i32
      %dma_start3A_921 = tpu.memref_slice %arg6[%add3A, %dma_start3A_920] : memref<32x2048xf32, #tpu.memory_space<hbm>> -> memref<1x2048xf32, #tpu.memory_space<hbm>>
      %dma_start3A_922 = tpu.memref_squeeze %dma_start3A_921 : memref<1x2048xf32, #tpu.memory_space<hbm>> -> memref<2048xf32, #tpu.memory_space<hbm>>
      %dma_start3A_923 = arith.constant 0 : i32
      %dma_start3A_924 = tpu.memref_slice %arg6[%add3A, %dma_start3A_923] : memref<32x2048xf32, #tpu.memory_space<hbm>> -> memref<1x2048xf32, #tpu.memory_space<hbm>>
      %dma_start3A_925 = tpu.memref_squeeze %dma_start3A_924 : memref<1x2048xf32, #tpu.memory_space<hbm>> -> memref<2048xf32, #tpu.memory_space<hbm>>
      tpu.enqueue_dma source(%arg12 : memref<2048xf32, #tpu.memory_space<vmem>>) target(%dma_start3A_925 : memref<2048xf32, #tpu.memory_space<hbm>>) target_semaphore(%run_scoped3A : memref<!tpu.dma_semaphore, #tpu.memory_space<semaphore_mem>>)
      %dma_wait3A_926 = arith.constant 0 : i32
      %dma_wait3A_927 = tpu.memref_slice %arg6[%add3A, %dma_wait3A_926] : memref<32x2048xf32, #tpu.memory_space<hbm>> -> memref<1x2048xf32, #tpu.memory_space<hbm>>
      %dma_wait3A_928 = tpu.memref_squeeze %dma_wait3A_927 : memref<1x2048xf32, #tpu.memory_space<hbm>> -> memref<2048xf32, #tpu.memory_space<hbm>>
      %dma_wait3A_929 = arith.constant 0 : i32
      %dma_wait3A_930 = tpu.memref_slice %arg6[%add3A, %dma_wait3A_929] : memref<32x2048xf32, #tpu.memory_space<hbm>> -> memref<1x2048xf32, #tpu.memory_space<hbm>>
      %dma_wait3A_931 = tpu.memref_squeeze %dma_wait3A_930 : memref<1x2048xf32, #tpu.memory_space<hbm>> -> memref<2048xf32, #tpu.memory_space<hbm>>
      tpu.wait_dma2 semaphore(%run_scoped3A : memref<!tpu.dma_semaphore, #tpu.memory_space<semaphore_mem>>) src(%arg12 : memref<2048xf32, #tpu.memory_space<vmem>>) dst(%dma_wait3A_931 : memref<2048xf32, #tpu.memory_space<hbm>>)
      tpu.yield
    }) : () -> ()
    return
  }
}

module attributes {stable_mosaic.version = 14 : i64} {
  func.func @_tc_minmax_body(%arg0: i32, %arg1: memref<512x2048xf32, #tpu.memory_space<vmem>>, %arg2: memref<8x128xf32, #tpu.memory_space<vmem>>, %arg3: memref<8x128xf32, #tpu.memory_space<vmem>>, %arg4: memref<2xf32, #tpu.memory_space<smem>>) attributes {dimension_semantics = [#tpu.dimension_semantics<arbitrary>], iteration_bounds = array<i64: 32>, scalar_prefetch = 0 : i64, scratch_operands = 1 : i64, tpu.core_type = #tpu.core_type<tc>, window_params = [{transform_indices = @transform_0, window_bounds = array<i64: 512, 2048>}, {pipeline_mode = #tpu.pipeline_mode<synchronous>, transform_indices = @transform_1, window_bounds = array<i64: 8, 128>}, {pipeline_mode = #tpu.pipeline_mode<synchronous>, transform_indices = @transform_2, window_bounds = array<i64: 8, 128>}]} {
    %get3A = arith.constant 0 : index
    %get3A_0 = arith.constant 0 : index
    %get3A_1 = vector.load %arg1[%get3A, %get3A_0] : memref<512x2048xf32, #tpu.memory_space<vmem>>, vector<512x2048xf32>
    %reduce_min3A = vector.shape_cast %get3A_1 : vector<512x2048xf32> to vector<1x512x2048xf32>
    %reduce_min3A_2 = arith.constant dense<0x7F800000> : vector<1xf32>
    %reduce_min3A_3 = vector.multi_reduction <minimumf>, %reduce_min3A, %reduce_min3A_2 [1, 2] : vector<1x512x2048xf32> to vector<1xf32>
    %reduce_min3A_4 = vector.shape_cast %reduce_min3A_3 : vector<1xf32> to vector<1x1x1xf32>
    %reduce_min3A_5 = vector.extract %reduce_min3A_4[0, 0, 0] : f32 from vector<1x1x1xf32>
    %reduce_max3A = vector.shape_cast %get3A_1 : vector<512x2048xf32> to vector<1x512x2048xf32>
    %reduce_max3A_6 = arith.constant dense<0xFF800000> : vector<1xf32>
    %reduce_max3A_7 = vector.multi_reduction <maximumf>, %reduce_max3A, %reduce_max3A_6 [1, 2] : vector<1x512x2048xf32> to vector<1xf32>
    %reduce_max3A_8 = vector.shape_cast %reduce_max3A_7 : vector<1xf32> to vector<1x1x1xf32>
    %reduce_max3A_9 = vector.extract %reduce_max3A_8[0, 0, 0] : f32 from vector<1x1x1xf32>
    %eq3A = arith.constant 0 : i32
    %eq3A_10 = arith.cmpi eq, %arg0, %eq3A : i32
    %convert_element_type3A = arith.extui %eq3A_10 : i1 to i32
    %cond3A = arith.constant 0 : i32
    %cond3A_11 = arith.cmpi ne, %convert_element_type3A, %cond3A : i32
    scf.if %cond3A_11 {
      %swap3A = arith.constant 0 : index
      %swap3A_21 = memref.load %arg4[%swap3A] : memref<2xf32, #tpu.memory_space<smem>>
      memref.store %reduce_min3A_5, %arg4[%swap3A] : memref<2xf32, #tpu.memory_space<smem>>
      %swap3A_22 = arith.constant 1 : index
      %swap3A_23 = memref.load %arg4[%swap3A_22] : memref<2xf32, #tpu.memory_space<smem>>
      memref.store %reduce_max3A_9, %arg4[%swap3A_22] : memref<2xf32, #tpu.memory_space<smem>>
    } else {
    }
    %gt3A = arith.constant 0 : i32
    %gt3A_12 = arith.cmpi sgt, %arg0, %gt3A : i32
    %convert_element_type3A_13 = arith.extui %gt3A_12 : i1 to i32
    %cond3A_14 = arith.constant 0 : i32
    %cond3A_15 = arith.cmpi ne, %convert_element_type3A_13, %cond3A_14 : i32
    scf.if %cond3A_15 {
      %get3A_21 = arith.constant 0 : index
      %get3A_22 = memref.load %arg4[%get3A_21] : memref<2xf32, #tpu.memory_space<smem>>
      %min3A = arith.minimumf %get3A_22, %reduce_min3A_5 : f32
      %swap3A = arith.constant 0 : index
      %swap3A_23 = memref.load %arg4[%swap3A] : memref<2xf32, #tpu.memory_space<smem>>
      memref.store %min3A, %arg4[%swap3A] : memref<2xf32, #tpu.memory_space<smem>>
      %get3A_24 = arith.constant 1 : index
      %get3A_25 = memref.load %arg4[%get3A_24] : memref<2xf32, #tpu.memory_space<smem>>
      %max3A = arith.maximumf %get3A_25, %reduce_max3A_9 : f32
      %swap3A_26 = arith.constant 1 : index
      %swap3A_27 = memref.load %arg4[%swap3A_26] : memref<2xf32, #tpu.memory_space<smem>>
      memref.store %max3A, %arg4[%swap3A_26] : memref<2xf32, #tpu.memory_space<smem>>
    } else {
    }
    %eq3A_16 = arith.constant 31 : i32
    %eq3A_17 = arith.cmpi eq, %arg0, %eq3A_16 : i32
    %convert_element_type3A_18 = arith.extui %eq3A_17 : i1 to i32
    %cond3A_19 = arith.constant 0 : i32
    %cond3A_20 = arith.cmpi ne, %convert_element_type3A_18, %cond3A_19 : i32
    scf.if %cond3A_20 {
      %get3A_21 = arith.constant 0 : index
      %get3A_22 = memref.load %arg4[%get3A_21] : memref<2xf32, #tpu.memory_space<smem>>
      %broadcast_in_dim3A = vector.broadcast %get3A_22 : f32 to vector<8x128xf32>
      %swap3A = arith.constant 0 : index
      %swap3A_23 = arith.constant 0 : index
      %swap3A_24 = vector.load %arg2[%swap3A, %swap3A_23] : memref<8x128xf32, #tpu.memory_space<vmem>>, vector<8x128xf32>
      tpu.vector_store %arg2[%swap3A, %swap3A_23], %broadcast_in_dim3A {strides = array<i32>} : memref<8x128xf32, #tpu.memory_space<vmem>>, vector<8x128xf32>,
      %get3A_25 = arith.constant 1 : index
      %get3A_26 = memref.load %arg4[%get3A_25] : memref<2xf32, #tpu.memory_space<smem>>
      %broadcast_in_dim3A_27 = vector.broadcast %get3A_26 : f32 to vector<8x128xf32>
      %swap3A_28 = arith.constant 0 : index
      %swap3A_29 = arith.constant 0 : index
      %swap3A_30 = vector.load %arg3[%swap3A_28, %swap3A_29] : memref<8x128xf32, #tpu.memory_space<vmem>>, vector<8x128xf32>
      tpu.vector_store %arg3[%swap3A_28, %swap3A_29], %broadcast_in_dim3A_27 {strides = array<i32>} : memref<8x128xf32, #tpu.memory_space<vmem>>, vector<8x128xf32>,
    } else {
    }
    return
  }
  func.func @transform_0(%arg0: i32) -> (i32, i32) {
    %c0_i32 = arith.constant 0 : i32
    %c0_i32_0 = arith.constant 0 : i32
    return %arg0, %c0_i32 : i32, i32
  }
  func.func @transform_1(%arg0: i32) -> (i32, i32) {
    %c0_i32 = arith.constant 0 : i32
    %c0_i32_0 = arith.constant 0 : i32
    %c0_i32_1 = arith.constant 0 : i32
    return %c0_i32, %c0_i32_0 : i32, i32
  }
  func.func @transform_2(%arg0: i32) -> (i32, i32) {
    %c0_i32 = arith.constant 0 : i32
    %c0_i32_0 = arith.constant 0 : i32
    %c0_i32_1 = arith.constant 0 : i32
    return %c0_i32, %c0_i32_0 : i32, i32
  }
}

</mosaic_0001>

<sc_bundles>
// kernel: kernel.4.cloned.1.call-start
scs
__scs_entry_jumppad:
0x0: {  	(pc) =	sbr.rel $0x88, $3  }
0x1: {  	(tag) =	ssettag $0x0;
	lr =	simm.s32 $0x1  }
0x2: {  	[smem:$0x3FA0] =	sst lr;
	_ =	strace $0xD0000000  }
0x3: {  	_ = 	snop  }
0x4: {  	_ = 	snop  }
0x5: {  	_ = 	snop  }
0x6: {  	_ = 	snop  }
0x7: {  	_ = 	snop  }
__scs_overlays_trampoline_lowered:
0x8: {  	[smem:$0x3FAF] =	sst s0  }
0x9: {  	[smem:$0x3FB0] =	sst s1  }
0xa: {  	[smem:$0x3FB1] =	sst s2  }
0xb: {  	[smem:$0x3FB2] =	sst s3  }
0xc: {  	[smem:$0x3FB3] =	sst s4  }
0xd: {  	[smem:$0x3FB4] =	sst s5  }
0xe: {  	[smem:$0x3FB5] =	sst s6  }
0xf: {  	[smem:$0x3FB6] =	sst s7  }
0x10: {  	[smem:$0x3FB7] =	sst s8  }
0x11: {  	[smem:$0x3FB8] =	sst s9;
	s0 =	simm.s32 @!p0 $0x0  }
0x12: {  	s1 =	sld [smem:$0x3F9E];
	s0 =	simm.s32 @p0 $0x1  }
0x13: {  	[smem:$0x3FB9] =	sst s0;
	s0 =	simm.s32 @!p1 $0x0  }
0x14: {  	s2 =	sld [smem:$0x3F9D];
	s0 =	simm.s32 @p1 $0x1  }
0x15: {  	[smem:$0x3FBA] =	sst s0;
	s0 =	simm.s32 @!p2 $0x0  }
0x16: {  	s3 =	sld [smem:$0x3FDB];
	s0 =	simm.s32 @p2 $0x1  }
0x17: {  	s4 =	simm.s32 $0x1BF5;
	[smem:$0x3FBC] =	sst s0  }
0x18: {  	s0 =	sld [smem:$0x3F9F];
	_ =	swait.ge [sflag:s4], $0x0  }
0x19: {  	s7 =	sld [smem:$0x3FA0]  }
0x1a: {  	s8 =	sadd.s32 $0xFFFFE003, lr  }
0x1b: {  	s9 =	sadd.s32 $0xFFFFFEF7, lr;
	s5 =	simm.s32 $0xFFFFFFFF;
	p2 =	slt.u32 s8, $0xFFFFF086  }
0x1c: {  	p1 =	slt.u32 s9, $0xF7A;
	s5 =	simm.s32 @!p2 $0x0  }
0x1d: {  	s5 =	simm.s32 @p1 $0x1;
	p0 =	seq.s32 s7, s2  }
0x1e: {  	s7 =	smul.u32 @!p0 $0xF7A, s2;
	p2 =	seq.s32 @!p0 s5, $0x0  }
0x1f: {  	s9 =	smul.u32 $0xF7A, s1;
	s8 =	simm.s32 @!p0 $0x1BF5;
	p2 =	por !p2, p0  }
0x20: {  	[sflag:s8] =	ssyncset.s32 @!p0 $0xFFFFF086;
	s6 =	sadd.s32 @!p0 s3, s7;
	s7 =	simm.s32 @!p0 $0x108  }
0x21: {  	s3 =	sadd.s32 s3, s9;
	s6 =	sadd.s32 @!p0 $0x88, s6;
	s7 =	simm.s32 @p2 $0x1082  }
0x22: {  	[simem:s7], [sflag:s8] =	dma.local @!p0 [hbm:s6], $0xF7A  }
0x23: {  	s9 =	sor.u32 $0xD0000000, s2;
	s6 =	simm.s32 $0x108;
	_ =	swait.ge @!p0 [sflag:s8], $0x0  }
0x24: {  	s3 =	sadd.s32 $0x88, s3;
	s6 =	simm.s32 @!p1 $0x1082;
	[sflag:s4] =	ssyncset.s32 $0xFFFFF086  }
0x25: {  	[simem:s6], [sflag:s4] =	dma.local [hbm:s3], $0xF7A  }
0x26: {  	[smem:$0x3FA0] =	sst s1;
	(tag) =	ssettag s2;
	_ =	strace s9  }
0x27: {  	s1 =	sld [smem:$0x3FB0]  }
0x28: {  	s2 =	sld [smem:$0x3FB1]  }
0x29: {  	s4 =	sld [smem:$0x3FB3]  }
0x2a: {  	p0 =	seq.s32 s5, $0x0;
	s5 =	sld [smem:$0x3FB4]  }
0x2b: {  	s6 =	sld [smem:$0x3FB5]  }
0x2c: {  	s7 =	sld [smem:$0x3FB6]  }
0x2d: {  	s3 =	simm.s32 $0x108;
	s8 =	sld [smem:$0x3FB7]  }
0x2e: {  	s3 =	simm.s32 @!p0 $0x1082;
	s9 =	sld [smem:$0x3FB8]  }
0x2f: {  	lr =	sadd.s32 s0, s3;
	s0 =	sld [smem:$0x3FAF]  }
0x30: {  	s3 =	sld [smem:$0x3FB2]  }
0x31: {  	[smem:$0x3FBB] =	sst s10  }
0x32: {  	s10 =	sld [smem:$0x3FB9];
	_ =	sdelay $0x3  }
0x33: {  	p0 =	seq.s32 s10, $0x1;
	s10 =	sld [smem:$0x3FBB];
	_ =	sdelay $0x3  }
0x34: {  	[smem:$0x3FBB] =	sst s10  }
0x35: {  	s10 =	sld [smem:$0x3FBA];
	_ =	sdelay $0x3  }
0x36: {  	p1 =	seq.s32 s10, $0x1;
	s10 =	sld [smem:$0x3FBB];
	_ =	sdelay $0x3  }
0x37: {  	[smem:$0x3FBB] =	sst s10  }
0x38: {  	s10 =	sld [smem:$0x3FBC]  }
0x39: {  	_ = 	snop;
	(pc) =	sbr.ind lr, $3  }
0x3a: {  	_ = 	snop  }
0x3b: {  	_ = 	snop  }
0x3c: {  	p2 =	seq.s32 s10, $0x1;
	s10 =	sld [smem:$0x3FBB]  }
0x3d: {  	_ =	shalt  }
0x3e: {  	_ =	shalt  }
0x3f: {  	_ =	shalt  }
0x40: {  	_ =	shalt  }
0x41: {  	_ =	shalt  }
0x42: {  	_ =	shalt  }
0x43: {  	_ =	shalt  }
0x44: {  	_ =	shalt  }
0x45: {  	_ =	shalt  }
0x46: {  	_ =	shalt  }
0x47: {  	_ =	shalt  }
0x48: {  	_ =	shalt  }
0x49: {  	_ =	shalt  }
0x4a: {  	_ =	shalt  }
0x4b: {  	_ =	shalt  }
0x4c: {  	_ =	shalt  }
0x4d: {  	_ =	shalt  }
0x4e: {  	_ =	shalt  }
0x4f: {  	_ =	shalt  }
0x50: {  	_ =	shalt  }
0x51: {  	_ =	shalt  }
0x52: {  	_ =	shalt  }
0x53: {  	_ =	shalt  }
0x54: {  	_ =	shalt  }
0x55: {  	_ =	shalt  }
0x56: {  	_ =	shalt  }
0x57: {  	_ =	shalt  }
0x58: {  	_ =	shalt  }
0x59: {  	_ =	shalt  }
0x5a: {  	_ =	shalt  }
0x5b: {  	_ =	shalt  }
0x5c: {  	_ =	shalt  }
0x5d: {  	_ =	shalt  }
0x5e: {  	_ =	shalt  }
0x5f: {  	_ =	shalt  }
0x60: {  	_ =	shalt  }
0x61: {  	_ =	shalt  }
0x62: {  	_ =	shalt  }
0x63: {  	_ =	shalt  }
0x64: {  	_ =	shalt  }
0x65: {  	_ =	shalt  }
0x66: {  	_ =	shalt  }
0x67: {  	_ =	shalt  }
0x68: {  	_ =	shalt  }
0x69: {  	_ =	shalt  }
0x6a: {  	_ =	shalt  }
0x6b: {  	_ =	shalt  }
0x6c: {  	_ =	shalt  }
0x6d: {  	_ =	shalt  }
0x6e: {  	_ =	shalt  }
0x6f: {  	_ =	shalt  }
0x70: {  	_ =	shalt  }
0x71: {  	_ =	shalt  }
0x72: {  	_ =	shalt  }
0x73: {  	_ =	shalt  }
0x74: {  	_ =	shalt  }
0x75: {  	_ =	shalt  }
0x76: {  	_ =	shalt  }
0x77: {  	_ =	shalt  }
0x78: {  	_ =	shalt  }
0x79: {  	_ =	shalt  }
0x7a: {  	_ =	shalt  }
0x7b: {  	_ =	shalt  }
0x7c: {  	_ =	shalt  }
0x7d: {  	_ =	shalt  }
0x7e: {  	_ =	shalt  }
0x7f: {  	_ =	shalt  }
0x80: {  	_ =	shalt  }
0x81: {  	_ =	shalt  }
0x82: {  	_ =	shalt  }
0x83: {  	_ =	shalt  }
0x84: {  	_ =	shalt  }
0x85: {  	_ =	shalt  }
0x86: {  	_ =	shalt  }
0x87: {  	_ =	shalt  }
.Lfunc_end0:
.L_simem_size_0:
called_computation_lowered:
.L_overlay_start_0:
0x88: {  	s2 =	sld [smem:$0x3FD9]  }
0x89: {  	s3 =	sld [smem:$0x3FFE];
	_ =	sdelay $0x1  }
0x8a: {  	s1 =	srdreg.scid  }
0x8b: {  	s0 =	sand.u32 $0x1, s1  }
0x8c: {  	s14 =	sshll.u32 s0, $0xA;
	s2 =	sadd.s32 s3, s2  }
0x8d: {  	s2 =	sadd.s32 s2, s14  }
0x8e: {  	[smem:$0x3FC7] =	sst s2  }
0x8f: {  	_ = 	snop  }
0x90: {  	s2 =	sld [smem:$0x3FD0];
	_ =	sdelay $0x2  }
0x91: {  	s4 =	simm.s32 $0xA;
	s5 =	simm.s32 $0x10;
	s15 =	sld [smem:$0x3FC9]  }
0x92: {  	[smem:s5], [sflag:s4] =	dma.local [hbm:s2], $0x1  }
0x93: {  	_ =	swait.eq [sflag:s4], $0x1  }
0x94: {  	[sflag:s4] =	ssyncset.done $0x0  }
0x95: {  	s16 =	sld [smem:$0x10];
	[sflag:s4] =	ssyncadd.s32 $0xFFFFFFFF  }
0x96: {  	s17 =	sld [smem:$0x13];
	(tm) =	ssettm $0x1  }
0x97: {  	s18 =	sld [smem:$0x3FFB];
	_ =	sdelay $0x3  }
0x98: {  	_ =	strace s18  }
0x99: {  	s5 =	sld [smem:$0x3FFC];
	_ =	sdelay $0x3  }
0x9a: {  	_ =	strace s5  }
0x9b: {  	s5 =	sld [smem:$0x3FFD];
	_ =	sdelay $0x3  }
0x9c: {  	_ =	strace s5  }
0x9d: {  	_ =	strace $0x8FFFFFFF  }
0x9e: {  	s19 =	sld [smem:$0x3FDB];
	_ =	sdelay $0x1  }
0x9f: {  	s6 =	simm.s32 $_scs_section_size  }
0xa0: {  	s7 =	simm.s32 $_size__tile_overlayer_lowered;
	s8 =	simm.s32 $_tile_overlayer_lowered  }
0xa1: {  	s22 =	simm.s32 $0x1BFF;
	s21 =	sshll.u32 s8, $0x1;
	s5 =	sadd.s32 s6, s19  }
0xa2: {  	s9 =	simm.s32 $0x0;
	s20 =	sshll.u32 s7, $0x1;
	s7 =	sadd.s32 s21, s5  }
0xa3: {  	[timem:s9], [sflag:s22] =	dma.local [hbm:s7], s20  }
0xa4: {  	_ =	swait.ge [sflag:s22], s20  }
0xa5: {  	s6 =	ssub.s32 $0x0, s20;
	[sflag:s22] =	ssyncset.done $0x0  }
0xa6: {  	[sflag:s22] =	ssyncadd.s32 s6;
	_ =	sdelay $0x1  }
0xa7: {  	s23 =	simm.s32 $0x1B8B  }
0xa8: {  	_ =	swait.ge [sflag:s23], $0x1  }
0xa9: {  	[sflag:s23] =	ssyncset.done $0x0  }
0xaa: {  	s25 =	simm.s32 $0x1B8E;
	s24 =	sld [smem:$0x3FFE];
	[sflag:s23] =	ssyncadd.s32 $0xFFFFFFFF  }
0xab: {  	s26 =	simm.s32 $execute0_lowered;
	[smem:$0x3FD2] =	sst s25  }
0xac: {  	s7 =	sshll.u32 s26, $0x1;
	_ =	strace $0x80000046;
	[dreg:$0x1] =	wrdreg $0xFFFFFFFF  }
0xad: {  	s28 =	simm.s32 $_size_execute0_lowered;
	s5 =	sadd.s32 s5, s7;
	[dreg:$0x0] =	wrdreg $0x0  }
0xae: {  	s7 =	sshll.u32 s28, $0x1;
	[dreg:$0x2] =	wrdreg s5  }
0xaf: {  	[dreg:$0x3] =	wrdreg s7  }
0xb0: {  	[dreg:$0x4] =	wrdreg $0xC0  }
0xb1: {  	_ =	task [dreg:s9], $0x5FFFF  }
0xb2: {  	[dreg:$0x1] =	wrdreg $0xFFFFFFFF  }
0xb3: {  	[dreg:$0x0] =	wrdreg $0x60  }
0xb4: {  	[dreg:$0x2] =	wrdreg s15  }
0xb5: {  	[dreg:$0x3] =	wrdreg s17  }
0xb6: {  	[dreg:$0x4] =	wrdreg s24  }
0xb7: {  	[dreg:$0x5] =	wrdreg s16  }
0xb8: {  	[dreg:$0x6] =	wrdreg $0x9  }
0xb9: {  	_ =	task.clear_ibuf [dreg:s9], $0x7FFFF;
	_ =	strace $0x90000046  }
0xba: {  	s29 =	simm.s32 $0x9;
	_ =	strace $0x80000048  }
0xbb: {  	_ =	swait.ge [sflag:s29], $0x1  }
0xbc: {  	[sflag:s29] =	ssyncadd.s32 $0xFFFFFFFF  }
0xbd: {  	_ =	strace $0x90000048  }
0xbe: {  	_ =	sfence  }
0xbf: {  	s30 =	sld [smem:$0x0];
	_ =	sdelay $0x2  }
0xc0: {  	s31 =	sshll.u32 s1, $0xD;
	s1 =	sshrl.u32 s1, $0x2  }
0xc1: {  	s3 =	sand.u32 $0x4000, s31;
	s1 =	sadd.s32 s1, s30  }
0xc2: {  	s0 =	sor.u32 s3, s0;
	s1 =	sshll.u32 s1, $0x11  }
0xc3: {  	s0 =	sor.u32 s1, s0  }
0xc4: {  	s0 =	sadd.s32 $0x8F2B, s0  }
0xc5: {  	[sflag:s0] =	ssyncadd.remote.s32 $0x1  }
0xc6: {  	_ =	sfence.sel $0xFFFF  }
0xc7: {  	[dreg:$0x0] =	wrdreg $0xFFFFFFFF;
	(pc) =	sbr.abs _section_cstart, $3  }
0xc8: {  	[dreg:$0x1] =	wrdreg $0xFFFFFFFF  }
0xc9: {  	_ =	task.clear_ibuf [dreg:s9], $0x2FFFF;
	_ =	strace $0x9FFFFFFF  }
0xca: {  	(tm) =	ssettm $0x7FFFFFFF  }
0xcb: {  	_ =	shalt  }
tec
execute0_lowered:
.L_overlay_start_1:
0x0: {  	(tag) =	ssettag $0x1  }
0x1: {  	s0 =	srdreg.scid  }
0x2: {  	s0 =	sand.u32 $0x1, s0  }
0x3: {  	s9 =	stileid.u32;
	s1 =	sshll.u32 s0, $0x4  }
0x4: {  	s4 =	rddreg [dreg:$0x0];
	s6 =	sor.u32 s9, s1  }
0x5: {  	s5 =	rddreg [dreg:$0x3];
	s0 =	ssub.s32 $0x2, s0;
	s2 =	sshll.u32 s6, $0x11  }
0x6: {  	s1 =	simm.s32 $0x0;
	s3 =	sshrl.u32 s0, $0x1;
	s19 =	sor.u32 $0x1000, s2  }
0x7: {  	[smem:$0x7FF] =	sst s1;
	s8 =	ssub.s32 s0, s3;
	s20 =	sadd.s32 s4, s19  }
0x8: {  	s21 =	sor.u32 $0x2000, s2;
	s0 =	sadd.s32 s5, s19;
	[dreg:$0x5] =	wrdreg s20  }
0x9: {  	s23 =	sor.u32 $0x3000, s2;
	s22 =	sadd.s32 s4, s21;
	[dreg:$0x6] =	wrdreg s0  }
0xa: {  	s25 =	sor.u32 $0x4000, s2;
	s24 =	sadd.s32 s4, s23;
	[dreg:$0x7] =	wrdreg s22  }
0xb: {  	s7 =	sor.u32 $0x5000, s2;
	s26 =	sadd.s32 s4, s25;
	[dreg:$0x9] =	wrdreg s24  }
0xc: {  	s11 =	sor.u32 $0x6000, s2;
	s10 =	sadd.s32 s4, s7;
	[dreg:$0xb] =	wrdreg s26  }
0xd: {  	s13 =	sor.u32 $0x7000, s2;
	s12 =	sadd.s32 s4, s11;
	[dreg:$0xd] =	wrdreg s10  }
0xe: {  	s15 =	sor.u32 $0x8000, s2;
	s14 =	sadd.s32 s4, s13;
	[dreg:$0xf] =	wrdreg s12  }
0xf: {  	s17 =	sor.u32 $0x9000, s2;
	s16 =	sadd.s32 s4, s15;
	[dreg:$0x11] =	wrdreg s14  }
0x10: {  	s18 =	sadd.s32 s4, s17;
	[dreg:$0x13] =	wrdreg s16  }
0x11: {  	s19 =	sor.u32 $0xA000, s2;
	s0 =	sadd.s32 s5, s21;
	[dreg:$0x15] =	wrdreg s18  }
0x12: {  	s20 =	sadd.s32 s4, s19;
	[dreg:$0x8] =	wrdreg s0  }
0x13: {  	s21 =	sor.u32 $0xB000, s2;
	s0 =	sadd.s32 s5, s23;
	[dreg:$0x17] =	wrdreg s20  }
0x14: {  	s22 =	sadd.s32 s4, s21;
	[dreg:$0xa] =	wrdreg s0  }
0x15: {  	s23 =	sor.u32 $0xC000, s2;
	s0 =	sadd.s32 s5, s25;
	[dreg:$0x19] =	wrdreg s22  }
0x16: {  	s24 =	sadd.s32 s4, s23;
	[dreg:$0xc] =	wrdreg s0  }
0x17: {  	s25 =	sor.u32 $0xD000, s2;
	s0 =	sadd.s32 s5, s7;
	[dreg:$0x1b] =	wrdreg s24  }
0x18: {  	s26 =	sadd.s32 s4, s25;
	[dreg:$0xe] =	wrdreg s0  }
0x19: {  	s7 =	sor.u32 $0xE000, s2;
	s0 =	sadd.s32 s5, s11;
	[dreg:$0x1d] =	wrdreg s26  }
0x1a: {  	s10 =	sadd.s32 s4, s7;
	[dreg:$0x10] =	wrdreg s0  }
0x1b: {  	s11 =	sor.u32 $0xF000, s2;
	s0 =	sadd.s32 s5, s13;
	[dreg:$0x1f] =	wrdreg s10  }
0x1c: {  	s12 =	sadd.s32 s4, s11;
	[dreg:$0x12] =	wrdreg s0  }
0x1d: {  	s13 =	sor.u32 $0x10000, s2;
	s0 =	sadd.s32 s5, s15;
	[smem:$0x7E7] =	sst s12  }
0x1e: {  	s14 =	sadd.s32 s4, s13;
	[dreg:$0x14] =	wrdreg s0  }
0x1f: {  	s15 =	sor.u32 $0x11000, s2;
	s0 =	sadd.s32 s5, s17;
	[smem:$0x7E9] =	sst s14  }
0x20: {  	s6 =	sshll.u32 s6, $0x8;
	s16 =	sadd.s32 s4, s15;
	[dreg:$0x16] =	wrdreg s0  }
0x21: {  	s17 =	sor.u32 $0x12000, s2;
	s0 =	sadd.s32 s5, s19;
	[smem:$0x7EB] =	sst s16  }
0x22: {  	s31 =	sadd.s32 s4, s2;
	s18 =	sadd.s32 s4, s17;
	[dreg:$0x18] =	wrdreg s0  }
0x23: {  	s19 =	sor.u32 $0x13000, s2;
	s0 =	sadd.s32 s5, s21;
	[smem:$0x7ED] =	sst s18  }
0x24: {  	s6 =	sand.u32 $0x1800, s6;
	s20 =	sadd.s32 s4, s19;
	[dreg:$0x1a] =	wrdreg s0  }
0x25: {  	s21 =	sor.u32 $0x14000, s2;
	s0 =	sadd.s32 s5, s23;
	[smem:$0x7EF] =	sst s20  }
0x26: {  	s8 =	smax.u32 s8, $0x1;
	s22 =	sadd.s32 s4, s21;
	[dreg:$0x1c] =	wrdreg s0  }
0x27: {  	s18 =	sor.u32 $0x1C000, s2;
	s23 =	sor.u32 $0x15000, s2;
	[smem:$0x7F1] =	sst s22  }
0x28: {  	s28 =	sadd.s32 s5, s18;
	s0 =	sadd.s32 s5, s25;
	s22 =	rddreg [dreg:$0x2]  }
0x29: {  	s20 =	sor.u32 $0x1E000, s2;
	s24 =	sadd.s32 s4, s23;
	[dreg:$0x1e] =	wrdreg s0  }
0x2a: {  	s25 =	sor.u32 $0x16000, s2;
	s0 =	sadd.s32 s5, s7;
	[smem:$0x7F3] =	sst s24  }
0x2b: {  	s3 =	sadd.s32 s5, s20;
	s26 =	sadd.s32 s4, s25;
	[smem:$0x7E6] =	sst s0  }
0x2c: {  	s7 =	sor.u32 $0x17000, s2;
	s0 =	sadd.s32 s5, s11;
	[smem:$0x7F5] =	sst s26  }
0x2d: {  	s10 =	sadd.s32 s4, s7;
	s11 =	sor.u32 $0x18000, s2;
	[smem:$0x7E8] =	sst s0  }
0x2e: {  	s26 =	sadd.s32 s4, s18;
	s0 =	sadd.s32 s5, s13;
	[smem:$0x7F7] =	sst s10  }
0x2f: {  	s12 =	sadd.s32 s4, s11;
	s13 =	sor.u32 $0x19000, s2;
	[smem:$0x7EA] =	sst s0  }
0x30: {  	s10 =	simm.s32 $0x1;
	s0 =	sadd.s32 s5, s15;
	[smem:$0x7F9] =	sst s12  }
0x31: {  	s14 =	sadd.s32 s4, s13;
	s15 =	sor.u32 $0x1A000, s2;
	[smem:$0x7EC] =	sst s0  }
0x32: {  	s12 =	simm.s32 $0x10800;
	s0 =	sadd.s32 s5, s17;
	[smem:$0x7FB] =	sst s14  }
0x33: {  	s16 =	sadd.s32 s4, s15;
	s17 =	sor.u32 $0x1B000, s2;
	[smem:$0x7EE] =	sst s0  }
0x34: {  	s14 =	simm.s32 $0x3;
	s0 =	sadd.s32 s5, s19;
	[smem:$0x7FD] =	sst s16  }
0x35: {  	s24 =	sadd.s32 s4, s17;
	s19 =	sor.u32 $0x1D000, s2;
	s16 =	simm.s32 $0x0  }
0x36: {  	[smem:$0x7F0] =	sst s0;
	s0 =	sadd.s32 s5, s21;
	s29 =	sadd.s32 s4, s19  }
0x37: {  	s30 =	sadd.s32 s5, s19;
	[smem:$0x7F2] =	sst s0;
	s0 =	sadd.s32 s5, s23  }
0x38: {  	s21 =	sshll.u32 s9, $0x4;
	[smem:$0x7F4] =	sst s0;
	s0 =	sadd.s32 s5, s25  }
0x39: {  	s23 =	sadd.s32 s5, s15;
	[smem:$0x7F6] =	sst s0;
	s0 =	sadd.s32 s5, s7  }
0x3a: {  	s25 =	sadd.s32 s5, s17;
	[smem:$0x7F8] =	sst s0;
	s0 =	sadd.s32 s5, s11  }
0x3b: {  	s7 =	sor.u32 $0x1F000, s2;
	[smem:$0x7FA] =	sst s0;
	s0 =	sadd.s32 s5, s13  }
0x3c: {  	[smem:$0x7FC] =	sst s0;
	s0 =	sadd.s32 s5, s2;
	s2 =	sadd.s32 s4, s20  }
0x3d: {  	v0 =	vlaneseq.u32;
	s4 =	sadd.s32 s4, s7;
	s5 =	sadd.s32 s5, s7;
	s7 =	sand.u32 $0x70, s21  }
0x3e: {  	v0 =	vmul.u32 $0x802, v0;
	s9 =	simm.s32 $0x5;
	s15 =	simm.s32 $0x4;
	s7 =	sadd.s32 s7, s22  }
0x3f: {  	v1 =	vimm.f32 $0.0e+00;
	v3 =	vimm.f32 $1.000000000e+00;
	s11 =	simm.s32 $0x8000;
	s13 =	simm.s32 $0x2;
	s7 =	sadd.s32 s6, s7  }
0x40: {  	v2 =	vor.u32 $0x1, v0;
	v4 =	vadd.s32 $0x801, v0;
	v5 =	vadd.s32 $0x800, v0;
	_ =	strace $0x80000047;
	s6 =	sadd.s32 $0xA00, s22;
	s7 =	sadd.s32 $0xC00, s7  }
.LBB2_1:
0x41: {  	[tilespmem:s1], [sflag:$0x1] =	stream.linear.gather [hbm4b:s31+s1], $0x8000, $0x38;
	[tilespmem:$0x19080] =	vst v63  }
0x42: {  	s17 =	rddreg [dreg:$0x1];
	s18 =	simm.s32 $0x10000  }
0x43: {  	[tilespmem:s18], [sflag:$0x5] =	stream.linear.gather [hbm4b:s17+s1], $0x400, $0x38;
	[tilespmem:$0x19080] =	vst v63  }
0x44: {  	_ =	swait.ge [sflag:s9], $0x400  }
0x45: {  	[sflag:s9] =	ssyncset.done $0x0  }
0x46: {  	s22 =	simm.s32 $0x10400;
	[sflag:s9] =	ssyncadd.s32 $0xFFFFFC00  }
0x47: {  	[tilespmem:s22], [sflag:$0x5] =	stream.linear.gather [hbm4b:s6+s1], $0x400, $0x38;
	[tilespmem:$0x19080] =	vst v63  }
0x48: {  	_ =	swait.ge [sflag:s9], $0x400  }
0x49: {  	[sflag:s9] =	ssyncset.done $0x0  }
0x4a: {  	[sflag:s9] =	ssyncadd.s32 $0xFFFFFC00  }
0x4b: {  	v6 =	vld [tilespmem:$0x10000]  }
0x4c: {  	s18 =	simm.s32 $0x40;
	s17 =	simm.s32 $0x0;
	v7 =	vld [tilespmem:$0x10400]  }
.LBB2_2:
0x4d: {  	p0 =	sne.s32 s18, $0x20040;
	[tilespmem:s17+$0x10800] =	vst v1;
	s17 =	smov.u32 s18;
	s18 =	sadd.s32 $0x40, s18  }
.Ltmp0:
0x4e: {  	(pc) =	sbr.rel @p0 .LBB2_2-.Ltmp0, $2  }
0x4f: {  	_ =	sdelay $0x2  }
0x50: {  	s17 =	sshra.s32 s17, $0x2  }
0x51: {  	(v2sf) =	vpush v6, $0x0  }
0x52: {  	(v2sf) =	vpush v7, $0x0;
	_ =	sdelay $0xd  }
0x53: {  	s18 =	spop (v2sf)  }
0x54: {  	s19 =	spop (v2sf)  }
0x55: {  	p0 =	sgt.f32 s19, s18;
	s18 =	ssub.f32 s19, s18  }
0x56: {  	_ = 	snop  }
0x57: {  	s18 =	simm.s32 @!p0 $0x3F800000  }
0x58: {  	v7 =	vmov s18  }
0x59: {  	(erf) = vrcp.f32 v7;
	_ =	sdelay $0x8  }
0x5a: {  	[tilespmem:s17+$0x10800] =	vst v1;
	s21 =	simm.s32 $0x0;
	v7 =	vpop (erf)  }
0x5b: {  	s20 =	sand.u32 $0x4000, s21;
	_ =	swait.ge [sflag:s10], $0x8000  }
0x5c: {  	s17 =	sand.u32 $0x3C00, s21;
	s19 =	simm.s32 $0x0;
	[sflag:s10] =	ssyncset.done $0x0  }
0x5d: {  	s17 =	sor.u32 s17, s20;
	s18 =	sand.u32 $0x380, s19;
	[sflag:s10] =	ssyncadd.s32 $0xFFFF8000  }
0x5e: {  	[hbm4b:s0+s21] =	stream.linear.scatter [tilespmem:s21], [sflag:$0x3], $0x8000, $0x38;
	[tilespmem:$0x19080] =	vst v63  }
0x5f: {  	s18 =	sor.u32 s18, s17;
	s22 =	rddreg [dreg:$0x5]  }
0x60: {  	[tilespmem:s11], [sflag:$0x2] =	stream.linear.gather [hbm4b:s22+s21], $0x8000, $0x38;
	[tilespmem:$0x19080] =	vst v63  }
0x61: {  	v8 =	vld [tilespmem:s18+$0x70]  }
0x62: {  	v9 =	vld [tilespmem:s18+$0x40]  }
0x63: {  	v10 =	vld [tilespmem:s18+$0x20]  }
0x64: {  	v11 =	vld [tilespmem:s18+$0x0]  }
0x65: {  	v6 =	vbroadcast v6, $0x0;
	v7 =	vmul.f32 $2.048000000e+03, v7;
	v12 =	vld [tilespmem:s18+$0x50]  }
0x66: {  	v13 =	vld [tilespmem:s18+$0x10]  }
0x67: {  	v6 =	vmul.f32 v7, v6;
	v14 =	vld [tilespmem:s18+$0x60]  }
0x68: {  	v15 =	vld [tilespmem:s18+$0x30]  }
0x69: {  	v6 =	vsub.f32 $0.0e+00, v6;
	v8 =	vmul.f32 v8, v7;
	v9 =	vmul.f32 v9, v7  }
0x6a: {  	v10 =	vmul.f32 v10, v7;
	v11 =	vmul.f32 v11, v7  }
0x6b: {  	s20 =	simm.s32 $0x80;
	s21 =	simm.s32 $0x400;
	v12 =	vmul.f32 v12, v7;
	v13 =	vmul.f32 v13, v7;
	v8 =	vadd.f32 v8, v6  }
0x6c: {  	s20 =	sand.u32 $0x4000, s20;
	s17 =	simm.s32 $0x8;
	s19 =	sand.u32 $0x3C00, s21;
	v14 =	vmul.f32 v14, v7;
	v9 =	vadd.f32 v9, v6;
	v11 =	vadd.f32 v11, v6  }
0x6d: {  	s22 =	sand.u32 $0x380, s17;
	s19 =	sor.u32 s19, s20;
	v15 =	vmul.f32 v15, v7;
	v10 =	vadd.f32 v10, v6;
	v8 =	vtrunc.f32 v8  }
0x6e: {  	s18 =	sor.u32 s22, s19;
	v12 =	vadd.f32 v12, v6;
	v9 =	vtrunc.f32 v9;
	v11 =	vtrunc.f32 v11  }
0x6f: {  	v16 =	vld [tilespmem:s18+$0x20];
	v13 =	vadd.f32 v13, v6;
	v10 =	vtrunc.f32 v10;
	v8 =	vcvt.f32.s32 v8  }
0x70: {  	v17 =	vld [tilespmem:s18+$0x50];
	v14 =	vadd.f32 v14, v6;
	v9 =	vcvt.f32.s32 v9;
	v11 =	vcvt.f32.s32 v11  }
0x71: {  	v18 =	vld [tilespmem:s18+$0x70];
	v12 =	vtrunc.f32 v12;
	v10 =	vcvt.f32.s32 v10;
	v8 =	vadd.s32 v2, v8  }
0x72: {  	v19 =	vld [tilespmem:s18+$0x40];
	v20 =	vadd.s32 v2, v11;
	v21 =	vadd.s32 v2, v9;
	v11 =	vtrunc.f32 v14  }
0x73: {  	v23 =	vld [tilespmem:s18+$0x0];
	v9 =	vcvt.f32.s32 v12;
	v12 =	vadd.f32 v15, v6;
	v11 =	vcvt.f32.s32 v11  }
0x74: {  	v13 =	vtrunc.f32 v13;
	v15 =	vld [tilespmem:s18+$0x10];
	v22 =	vadd.s32 v2, v10  }
0x75: {  	v14 =	vmul.f32 v16, v7;
	v10 =	vtrunc.f32 v12;
	v12 =	vadd.s32 v2, v11;
	v11 =	vld [tilespmem:s18+$0x60]  }
0x76: {  	[tilespmem:v8+s12+$0x0] =	vst.idx.add.f32.msk $0xffff, v3;
	v8 =	vadd.s32 v2, v9;
	v9 =	vcvt.f32.s32 v13  }
0x77: {  	v14 =	vadd.f32 v14, v6;
	v13 =	vmul.f32 v18, v7;
	[tilespmem:v20+s12+$0x0] =	vst.idx.add.f32.msk $0xffff, v3;
	v18 =	vcvt.f32.s32 v10  }
0x78: {  	v20 =	vmul.f32 v19, v7;
	[tilespmem:v21+s12+$0x0] =	vst.idx.add.f32.msk $0xffff, v3;
	v9 =	vadd.s32 v2, v9  }
0x79: {  	v10 =	vld [tilespmem:s18+$0x30];
	v19 =	vmul.f32 v17, v7;
	v16 =	vadd.f32 v13, v6;
	v13 =	vadd.s32 v2, v18  }
0x7a: {  	s19 =	simm.s32 $0x100;
	v17 =	vmul.f32 v23, v7;
	s18 =	simm.s32 $0x800;
	[tilespmem:v22+s12+$0x0] =	vst.idx.add.f32.msk $0xffff, v3;
	v18 =	vadd.f32 v20, v6  }
.LBB2_4:
0x7b: {  	s17 =	sadd.s32 $0x8, s17;
	s20 =	sand.u32 $0x4000, s19;
	s21 =	sand.u32 $0x3C00, s18;
	v15 =	vmul.f32 v15, v7;
	v19 =	vadd.f32 v19, v6;
	v16 =	vtrunc.f32 v16;
	[tilespmem:v12+s12+$0x0] =	vst.idx.add.f32.msk $0xffff, v3  }
0x7c: {  	s22 =	sand.u32 $0x380, s17;
	s20 =	sor.u32 s21, s20;
	p0 =	slt.u32 s17, $0x7F8;
	v12 =	vtrunc.f32 v18;
	v16 =	vcvt.f32.s32 v16;
	[tilespmem:v8+s12+$0x0] =	vst.idx.add.f32.msk $0xffff, v3  }
0x7d: {  	v8 =	vadd.f32 v17, v6;
	s20 =	sor.u32 s22, s20;
	v12 =	vcvt.f32.s32 v12;
	v17 =	vtrunc.f32 v19;
	[tilespmem:v9+s12+$0x0] =	vst.idx.add.f32.msk $0xffff, v3  }
0x7e: {  	v9 =	vmul.f32 v11, v7;
	v11 =	vadd.s32 v2, v16;
	[tilespmem:v13+s12+$0x0] =	vst.idx.add.f32.msk $0xffff, v3  }
0x7f: {  	v8 =	vtrunc.f32 v8;
	v16 =	vadd.f32 v15, v6;
	v13 =	vld [tilespmem:s20+$0x20]  }
0x80: {  	v14 =	vtrunc.f32 v14;
	v8 =	vcvt.f32.s32 v8;
	v9 =	vadd.f32 v9, v6;
	v18 =	vld [tilespmem:s20+$0x50]  }
0x81: {  	v14 =	vcvt.f32.s32 v14;
	v10 =	vmul.f32 v10, v7;
	v20 =	vadd.s32 v2, v12;
	v19 =	vld [tilespmem:s20+$0x70]  }
0x82: {  	v22 =	vadd.s32 v2, v8;
	v8 =	vcvt.f32.s32 v17;
	v9 =	vtrunc.f32 v9;
	v21 =	vld [tilespmem:s20+$0x40]  }
0x83: {  	v23 =	vadd.s32 v2, v14;
	v10 =	vadd.f32 v10, v6;
	v9 =	vcvt.f32.s32 v9;
	[tilespmem:v11+s12+$0x0] =	vst.idx.add.f32.msk $0xffff, v3  }
0x84: {  	v11 =	vtrunc.f32 v16;
	v8 =	vadd.s32 v2, v8;
	v15 =	vld [tilespmem:s20+$0x10]  }
0x85: {  	v10 =	vtrunc.f32 v10;
	v14 =	vcvt.f32.s32 v11;
	v12 =	vadd.s32 v2, v9;
	v17 =	vld [tilespmem:s20+$0x0]  }
.Ltmp1:
0x86: {  	v13 =	vmul.f32 v13, v7;
	v11 =	vld [tilespmem:s20+$0x60];
	v16 =	vmul.f32 v19, v7;
	(pc) =	sbr.rel @p0 .LBB2_4-.Ltmp1, $4  }
0x87: {  	v9 =	vadd.s32 v2, v14;
	[tilespmem:v22+s12+$0x0] =	vst.idx.add.f32.msk $0xffff, v3;
	v22 =	vcvt.f32.s32 v10  }
0x88: {  	v21 =	vmul.f32 v21, v7;
	v16 =	vadd.f32 v16, v6;
	[tilespmem:v20+s12+$0x0] =	vst.idx.add.f32.msk $0xffff, v3  }
0x89: {  	v14 =	vadd.f32 v13, v6;
	v19 =	vmul.f32 v18, v7;
	v10 =	vld [tilespmem:s20+$0x30];
	v13 =	vadd.s32 v2, v22  }
0x8a: {  	s18 =	sadd.s32 $0x400, s18;
	s19 =	sadd.s32 $0x80, s19;
	v18 =	vadd.f32 v21, v6;
	v17 =	vmul.f32 v17, v7;
	[tilespmem:v23+s12+$0x0] =	vst.idx.add.f32.msk $0xffff, v3  }
0x8b: {  	_ = 	snop  }
0x8c: {  	v15 =	vmul.f32 v15, v7;
	v16 =	vtrunc.f32 v16  }
0x8d: {  	v11 =	vmul.f32 v11, v7;
	v14 =	vtrunc.f32 v14  }
0x8e: {  	v19 =	vadd.f32 v19, v6;
	v18 =	vtrunc.f32 v18;
	v16 =	vcvt.f32.s32 v16  }
0x8f: {  	[tilespmem:v12+s12+$0x0] =	vst.idx.add.f32.msk $0xffff, v3;
	v17 =	vadd.f32 v17, v6;
	v12 =	vcvt.f32.s32 v14;
	v18 =	vcvt.f32.s32 v18  }
0x90: {  	v19 =	vtrunc.f32 v19;
	v11 =	vadd.f32 v11, v6;
	v15 =	vadd.f32 v15, v6  }
0x91: {  	v17 =	vtrunc.f32 v17;
	v16 =	vadd.s32 v2, v16;
	v10 =	vmul.f32 v10, v7  }
0x92: {  	[tilespmem:v9+s12+$0x0] =	vst.idx.add.f32.msk $0xffff, v3;
	v9 =	vcvt.f32.s32 v19;
	v12 =	vadd.s32 v2, v12;
	v17 =	vcvt.f32.s32 v17  }
0x93: {  	[tilespmem:v8+s12+$0x0] =	vst.idx.add.f32.msk $0xffff, v3;
	v11 =	vtrunc.f32 v11;
	v8 =	vadd.s32 v2, v18;
	v10 =	vadd.f32 v10, v6  }
0x94: {  	v15 =	vtrunc.f32 v15;
	v11 =	vcvt.f32.s32 v11;
	v9 =	vadd.s32 v2, v9  }
0x95: {  	[tilespmem:v13+s12+$0x0] =	vst.idx.add.f32.msk $0xffff, v3;
	v13 =	vcvt.f32.s32 v15;
	v14 =	vadd.s32 v2, v17;
	v10 =	vtrunc.f32 v10  }
0x96: {  	v11 =	vadd.s32 v2, v11;
	[tilespmem:v16+s12+$0x0] =	vst.idx.add.f32.msk $0xffff, v3;
	v10 =	vcvt.f32.s32 v10  }
0x97: {  	v13 =	vadd.s32 v2, v13;
	[tilespmem:v12+s12+$0x0] =	vst.idx.add.f32.msk $0xffff, v3  }
0x98: {  	[tilespmem:v8+s12+$0x0] =	vst.idx.add.f32.msk $0xffff, v3;
	v8 =	vadd.s32 v2, v10  }
0x99: {  	[tilespmem:v9+s12+$0x0] =	vst.idx.add.f32.msk $0xffff, v3  }
0x9a: {  	[tilespmem:v14+s12+$0x0] =	vst.idx.add.f32.msk $0xffff, v3  }
0x9b: {  	[tilespmem:v11+s12+$0x0] =	vst.idx.add.f32.msk $0xffff, v3  }
0x9c: {  	[tilespmem:v13+s12+$0x0] =	vst.idx.add.f32.msk $0xffff, v3  }
0x9d: {  	[tilespmem:v8+s12+$0x0] =	vst.idx.add.f32.msk $0xffff, v3  }
0x9e: {  	_ =	swait.ge [sflag:s13], $0x8000  }
0x9f: {  	[sflag:s13] =	ssyncset.done $0x0  }
0xa0: {  	s17 =	simm.s32 $0x0;
	s18 =	rddreg [dreg:$0x6];
	[sflag:s13] =	ssyncadd.s32 $0xFFFF8000  }
0xa1: {  	[hbm4b:s18+s17] =	stream.linear.scatter [tilespmem:s11], [sflag:$0x4], $0x8000, $0x38;
	[tilespmem:$0x19080] =	vst v63  }
0xa2: {  	_ =	swait.ge [sflag:s14], $0x8000  }
0xa3: {  	[sflag:s14] =	ssyncset.done $0x0  }
0xa4: {  	s19 =	rddreg [dreg:$0x7];
	[sflag:s14] =	ssyncadd.s32 $0xFFFF8000  }
0xa5: {  	[tilespmem:s17], [sflag:$0x1] =	stream.linear.gather [hbm4b:s19+s17], $0x8000, $0x38;
	[tilespmem:$0x19080] =	vst v63  }
0xa6: {  	s20 =	simm.s32 $0x0;
	s19 =	sand.u32 $0x4000, s17;
	s17 =	sand.u32 $0x3C00, s17  }
0xa7: {  	s18 =	sand.u32 $0x380, s20;
	s17 =	sor.u32 s17, s19  }
0xa8: {  	s18 =	sor.u32 s18, s17  }
0xa9: {  	v8 =	vld [tilespmem:s18+$0x8070]  }
0xaa: {  	v9 =	vld [tilespmem:s18+$0x8040]  }
0xab: {  	v10 =	vld [tilespmem:s18+$0x8020]  }
0xac: {  	v11 =	vld [tilespmem:s18+$0x8000]  }
0xad: {  	v12 =	vld [tilespmem:s18+$0x8050]  }
0xae: {  	v13 =	vld [tilespmem:s18+$0x8010]  }
0xaf: {  	v14 =	vld [tilespmem:s18+$0x8060]  }
0xb0: {  	v15 =	vld [tilespmem:s18+$0x8030]  }
0xb1: {  	v8 =	vmul.f32 v8, v7;
	v9 =	vmul.f32 v9, v7  }
0xb2: {  	v10 =	vmul.f32 v10, v7;
	v11 =	vmul.f32 v11, v7  }
0xb3: {  	s21 =	simm.s32 $0x400;
	s20 =	simm.s32 $0x80;
	v12 =	vmul.f32 v12, v7;
	v13 =	vmul.f32 v13, v7;
	v8 =	vadd.f32 v8, v6  }
0xb4: {  	s20 =	sand.u32 $0x4000, s20;
	s19 =	sand.u32 $0x3C00, s21;
	s17 =	simm.s32 $0x8;
	v14 =	vmul.f32 v14, v7;
	v9 =	vadd.f32 v9, v6;
	v11 =	vadd.f32 v11, v6  }
0xb5: {  	s19 =	sor.u32 s19, s20;
	s22 =	sand.u32 $0x380, s17;
	v15 =	vmul.f32 v15, v7;
	v10 =	vadd.f32 v10, v6;
	v8 =	vtrunc.f32 v8  }
0xb6: {  	s18 =	sor.u32 s22, s19;
	v12 =	vadd.f32 v12, v6;
	v9 =	vtrunc.f32 v9;
	v11 =	vtrunc.f32 v11  }
0xb7: {  	v16 =	vld [tilespmem:s18+$0x8020];
	v13 =	vadd.f32 v13, v6;
	v10 =	vtrunc.f32 v10;
	v8 =	vcvt.f32.s32 v8  }
0xb8: {  	v17 =	vld [tilespmem:s18+$0x8050];
	v14 =	vadd.f32 v14, v6;
	v9 =	vcvt.f32.s32 v9;
	v11 =	vcvt.f32.s32 v11  }
0xb9: {  	v18 =	vld [tilespmem:s18+$0x8070];
	v12 =	vtrunc.f32 v12;
	v10 =	vcvt.f32.s32 v10;
	v8 =	vadd.s32 v2, v8  }
0xba: {  	v19 =	vld [tilespmem:s18+$0x8040];
	v20 =	vadd.s32 v2, v11;
	v21 =	vadd.s32 v2, v9;
	v11 =	vtrunc.f32 v14  }
0xbb: {  	v23 =	vld [tilespmem:s18+$0x8000];
	v9 =	vcvt.f32.s32 v12;
	v12 =	vadd.f32 v15, v6;
	v11 =	vcvt.f32.s32 v11  }
0xbc: {  	v13 =	vtrunc.f32 v13;
	v15 =	vld [tilespmem:s18+$0x8010];
	v22 =	vadd.s32 v2, v10  }
0xbd: {  	v14 =	vmul.f32 v16, v7;
	v10 =	vtrunc.f32 v12;
	v12 =	vadd.s32 v2, v11;
	v11 =	vld [tilespmem:s18+$0x8060]  }
0xbe: {  	[tilespmem:v8+s12+$0x0] =	vst.idx.add.f32.msk $0xffff, v3;
	v8 =	vadd.s32 v2, v9;
	v9 =	vcvt.f32.s32 v13  }
0xbf: {  	v14 =	vadd.f32 v14, v6;
	v13 =	vmul.f32 v18, v7;
	[tilespmem:v20+s12+$0x0] =	vst.idx.add.f32.msk $0xffff, v3;
	v18 =	vcvt.f32.s32 v10  }
0xc0: {  	v20 =	vmul.f32 v19, v7;
	[tilespmem:v21+s12+$0x0] =	vst.idx.add.f32.msk $0xffff, v3;
	v9 =	vadd.s32 v2, v9  }
0xc1: {  	v10 =	vld [tilespmem:s18+$0x8030];
	v19 =	vmul.f32 v17, v7;
	v16 =	vadd.f32 v13, v6;
	v13 =	vadd.s32 v2, v18  }
0xc2: {  	s19 =	simm.s32 $0x100;
	v17 =	vmul.f32 v23, v7;
	s18 =	simm.s32 $0x800;
	[tilespmem:v22+s12+$0x0] =	vst.idx.add.f32.msk $0xffff, v3;
	v18 =	vadd.f32 v20, v6  }
.LBB2_6:
0xc3: {  	s17 =	sadd.s32 $0x8, s17;
	s20 =	sand.u32 $0x4000, s19;
	s21 =	sand.u32 $0x3C00, s18;
	v15 =	vmul.f32 v15, v7;
	v19 =	vadd.f32 v19, v6;
	v16 =	vtrunc.f32 v16;
	[tilespmem:v12+s12+$0x0] =	vst.idx.add.f32.msk $0xffff, v3  }
0xc4: {  	s22 =	sand.u32 $0x380, s17;
	s20 =	sor.u32 s21, s20;
	p0 =	slt.u32 s17, $0x7F8;
	v12 =	vtrunc.f32 v18;
	v16 =	vcvt.f32.s32 v16;
	[tilespmem:v8+s12+$0x0] =	vst.idx.add.f32.msk $0xffff, v3  }
0xc5: {  	v8 =	vadd.f32 v17, v6;
	s20 =	sor.u32 s22, s20;
	v12 =	vcvt.f32.s32 v12;
	v17 =	vtrunc.f32 v19;
	[tilespmem:v9+s12+$0x0] =	vst.idx.add.f32.msk $0xffff, v3  }
0xc6: {  	v9 =	vmul.f32 v11, v7;
	v11 =	vadd.s32 v2, v16;
	[tilespmem:v13+s12+$0x0] =	vst.idx.add.f32.msk $0xffff, v3  }
0xc7: {  	v8 =	vtrunc.f32 v8;
	v16 =	vadd.f32 v15, v6;
	v13 =	vld [tilespmem:s20+$0x8020]  }
0xc8: {  	v14 =	vtrunc.f32 v14;
	v8 =	vcvt.f32.s32 v8;
	v9 =	vadd.f32 v9, v6;
	v18 =	vld [tilespmem:s20+$0x8050]  }
0xc9: {  	v14 =	vcvt.f32.s32 v14;
	v10 =	vmul.f32 v10, v7;
	v20 =	vadd.s32 v2, v12;
	v19 =	vld [tilespmem:s20+$0x8070]  }
0xca: {  	v22 =	vadd.s32 v2, v8;
	v8 =	vcvt.f32.s32 v17;
	v9 =	vtrunc.f32 v9;
	v21 =	vld [tilespmem:s20+$0x8040]  }
0xcb: {  	v23 =	vadd.s32 v2, v14;
	v10 =	vadd.f32 v10, v6;
	v9 =	vcvt.f32.s32 v9;
	[tilespmem:v11+s12+$0x0] =	vst.idx.add.f32.msk $0xffff, v3  }
0xcc: {  	v11 =	vtrunc.f32 v16;
	v8 =	vadd.s32 v2, v8;
	v15 =	vld [tilespmem:s20+$0x8010]  }
0xcd: {  	v10 =	vtrunc.f32 v10;
	v14 =	vcvt.f32.s32 v11;
	v12 =	vadd.s32 v2, v9;
	v17 =	vld [tilespmem:s20+$0x8000]  }
.Ltmp2:
0xce: {  	v13 =	vmul.f32 v13, v7;
	v11 =	vld [tilespmem:s20+$0x8060];
	v16 =	vmul.f32 v19, v7;
	(pc) =	sbr.rel @p0 .LBB2_6-.Ltmp2, $4  }
0xcf: {  	v9 =	vadd.s32 v2, v14;
	[tilespmem:v22+s12+$0x0] =	vst.idx.add.f32.msk $0xffff, v3;
	v22 =	vcvt.f32.s32 v10  }
0xd0: {  	v21 =	vmul.f32 v21, v7;
	v16 =	vadd.f32 v16, v6;
	[tilespmem:v20+s12+$0x0] =	vst.idx.add.f32.msk $0xffff, v3  }
0xd1: {  	v14 =	vadd.f32 v13, v6;
	v19 =	vmul.f32 v18, v7;
	v10 =	vld [tilespmem:s20+$0x8030];
	v13 =	vadd.s32 v2, v22  }
0xd2: {  	s18 =	sadd.s32 $0x400, s18;
	s19 =	sadd.s32 $0x80, s19;
	v18 =	vadd.f32 v21, v6;
	v17 =	vmul.f32 v17, v7;
	[tilespmem:v23+s12+$0x0] =	vst.idx.add.f32.msk $0xffff, v3  }
0xd3: {  	_ = 	snop  }
0xd4: {  	v15 =	vmul.f32 v15, v7;
	v16 =	vtrunc.f32 v16  }
0xd5: {  	v11 =	vmul.f32 v11, v7;
	v14 =	vtrunc.f32 v14  }
0xd6: {  	v19 =	vadd.f32 v19, v6;
	v18 =	vtrunc.f32 v18;
	v16 =	vcvt.f32.s32 v16  }
0xd7: {  	[tilespmem:v12+s12+$0x0] =	vst.idx.add.f32.msk $0xffff, v3;
	v17 =	vadd.f32 v17, v6;
	v12 =	vcvt.f32.s32 v14;
	v18 =	vcvt.f32.s32 v18  }
0xd8: {  	v19 =	vtrunc.f32 v19;
	v11 =	vadd.f32 v11, v6;
	v15 =	vadd.f32 v15, v6  }
0xd9: {  	v17 =	vtrunc.f32 v17;
	v16 =	vadd.s32 v2, v16;
	v10 =	vmul.f32 v10, v7  }
0xda: {  	[tilespmem:v9+s12+$0x0] =	vst.idx.add.f32.msk $0xffff, v3;
	v9 =	vcvt.f32.s32 v19;
	v12 =	vadd.s32 v2, v12;
	v17 =	vcvt.f32.s32 v17  }
0xdb: {  	[tilespmem:v8+s12+$0x0] =	vst.idx.add.f32.msk $0xffff, v3;
	v11 =	vtrunc.f32 v11;
	v8 =	vadd.s32 v2, v18;
	v10 =	vadd.f32 v10, v6  }
0xdc: {  	v15 =	vtrunc.f32 v15;
	v11 =	vcvt.f32.s32 v11;
	v9 =	vadd.s32 v2, v9  }
0xdd: {  	[tilespmem:v13+s12+$0x0] =	vst.idx.add.f32.msk $0xffff, v3;
	v13 =	vcvt.f32.s32 v15;
	v14 =	vadd.s32 v2, v17;
	v10 =	vtrunc.f32 v10  }
0xde: {  	v11 =	vadd.s32 v2, v11;
	[tilespmem:v16+s12+$0x0] =	vst.idx.add.f32.msk $0xffff, v3;
	v10 =	vcvt.f32.s32 v10  }
0xdf: {  	v13 =	vadd.s32 v2, v13;
	[tilespmem:v12+s12+$0x0] =	vst.idx.add.f32.msk $0xffff, v3  }
0xe0: {  	[tilespmem:v8+s12+$0x0] =	vst.idx.add.f32.msk $0xffff, v3;
	v8 =	vadd.s32 v2, v10  }
0xe1: {  	[tilespmem:v9+s12+$0x0] =	vst.idx.add.f32.msk $0xffff, v3  }
0xe2: {  	[tilespmem:v14+s12+$0x0] =	vst.idx.add.f32.msk $0xffff, v3  }
0xe3: {  	[tilespmem:v11+s12+$0x0] =	vst.idx.add.f32.msk $0xffff, v3  }
0xe4: {  	[tilespmem:v13+s12+$0x0] =	vst.idx.add.f32.msk $0xffff, v3  }
0xe5: {  	[tilespmem:v8+s12+$0x0] =	vst.idx.add.f32.msk $0xffff, v3  }
0xe6: {  	_ =	swait.ge [sflag:s10], $0x8000  }
0xe7: {  	[sflag:s10] =	ssyncset.done $0x0  }
0xe8: {  	s17 =	simm.s32 $0x0;
	s18 =	rddreg [dreg:$0x8];
	[sflag:s10] =	ssyncadd.s32 $0xFFFF8000  }
0xe9: {  	[hbm4b:s18+s17] =	stream.linear.scatter [tilespmem:s17], [sflag:$0x3], $0x8000, $0x38;
	[tilespmem:$0x19080] =	vst v63  }
0xea: {  	_ =	swait.ge [sflag:s15], $0x8000  }
0xeb: {  	[sflag:s15] =	ssyncset.done $0x0  }
0xec: {  	s19 =	rddreg [dreg:$0x9];
	[sflag:s15] =	ssyncadd.s32 $0xFFFF8000  }
0xed: {  	[tilespmem:s11], [sflag:$0x2] =	stream.linear.gather [hbm4b:s19+s17], $0x8000, $0x38;
	[tilespmem:$0x19080] =	vst v63  }
0xee: {  	s20 =	simm.s32 $0x0;
	s19 =	sand.u32 $0x4000, s17;
	s17 =	sand.u32 $0x3C00, s17  }
0xef: {  	s18 =	sand.u32 $0x380, s20;
	s17 =	sor.u32 s17, s19  }
0xf0: {  	s18 =	sor.u32 s18, s17  }
0xf1: {  	v8 =	vld [tilespmem:s18+$0x70]  }
0xf2: {  	v9 =	vld [tilespmem:s18+$0x40]  }
0xf3: {  	v10 =	vld [tilespmem:s18+$0x20]  }
0xf4: {  	v11 =	vld [tilespmem:s18+$0x0]  }
0xf5: {  	v12 =	vld [tilespmem:s18+$0x50]  }
0xf6: {  	v13 =	vld [tilespmem:s18+$0x10]  }
0xf7: {  	v14 =	vld [tilespmem:s18+$0x60]  }
0xf8: {  	v15 =	vld [tilespmem:s18+$0x30]  }
0xf9: {  	v8 =	vmul.f32 v8, v7;
	v9 =	vmul.f32 v9, v7  }
0xfa: {  	v10 =	vmul.f32 v10, v7;
	v11 =	vmul.f32 v11, v7  }
0xfb: {  	s21 =	simm.s32 $0x400;
	s20 =	simm.s32 $0x80;
	v12 =	vmul.f32 v12, v7;
	v13 =	vmul.f32 v13, v7;
	v8 =	vadd.f32 v8, v6  }
0xfc: {  	s20 =	sand.u32 $0x4000, s20;
	s19 =	sand.u32 $0x3C00, s21;
	s17 =	simm.s32 $0x8;
	v14 =	vmul.f32 v14, v7;
	v9 =	vadd.f32 v9, v6;
	v11 =	vadd.f32 v11, v6  }
0xfd: {  	s19 =	sor.u32 s19, s20;
	s22 =	sand.u32 $0x380, s17;
	v15 =	vmul.f32 v15, v7;
	v10 =	vadd.f32 v10, v6;
	v8 =	vtrunc.f32 v8  }
0xfe: {  	s18 =	sor.u32 s22, s19;
	v12 =	vadd.f32 v12, v6;
	v9 =	vtrunc.f32 v9;
	v11 =	vtrunc.f32 v11  }
0xff: {  	v16 =	vld [tilespmem:s18+$0x20];
	v13 =	vadd.f32 v13, v6;
	v10 =	vtrunc.f32 v10;
	v8 =	vcvt.f32.s32 v8  }
0x100: {  	v17 =	vld [tilespmem:s18+$0x50];
	v14 =	vadd.f32 v14, v6;
	v9 =	vcvt.f32.s32 v9;
	v11 =	vcvt.f32.s32 v11  }
0x101: {  	v18 =	vld [tilespmem:s18+$0x70];
	v12 =	vtrunc.f32 v12;
	v10 =	vcvt.f32.s32 v10;
	v8 =	vadd.s32 v2, v8  }
0x102: {  	v19 =	vld [tilespmem:s18+$0x40];
	v20 =	vadd.s32 v2, v11;
	v21 =	vadd.s32 v2, v9;
	v11 =	vtrunc.f32 v14  }
0x103: {  	v23 =	vld [tilespmem:s18+$0x0];
	v9 =	vcvt.f32.s32 v12;
	v12 =	vadd.f32 v15, v6;
	v11 =	vcvt.f32.s32 v11  }
0x104: {  	v13 =	vtrunc.f32 v13;
	v15 =	vld [tilespmem:s18+$0x10];
	v22 =	vadd.s32 v2, v10  }
0x105: {  	v14 =	vmul.f32 v16, v7;
	v10 =	vtrunc.f32 v12;
	v12 =	vadd.s32 v2, v11;
	v11 =	vld [tilespmem:s18+$0x60]  }
0x106: {  	[tilespmem:v8+s12+$0x0] =	vst.idx.add.f32.msk $0xffff, v3;
	v8 =	vadd.s32 v2, v9;
	v9 =	vcvt.f32.s32 v13  }
0x107: {  	v14 =	vadd.f32 v14, v6;
	v13 =	vmul.f32 v18, v7;
	[tilespmem:v20+s12+$0x0] =	vst.idx.add.f32.msk $0xffff, v3;
	v18 =	vcvt.f32.s32 v10  }
0x108: {  	v20 =	vmul.f32 v19, v7;
	[tilespmem:v21+s12+$0x0] =	vst.idx.add.f32.msk $0xffff, v3;
	v9 =	vadd.s32 v2, v9  }
0x109: {  	v10 =	vld [tilespmem:s18+$0x30];
	v19 =	vmul.f32 v17, v7;
	v16 =	vadd.f32 v13, v6;
	v13 =	vadd.s32 v2, v18  }
0x10a: {  	s19 =	simm.s32 $0x100;
	v17 =	vmul.f32 v23, v7;
	s18 =	simm.s32 $0x800;
	[tilespmem:v22+s12+$0x0] =	vst.idx.add.f32.msk $0xffff, v3;
	v18 =	vadd.f32 v20, v6  }
.LBB2_8:
0x10b: {  	s17 =	sadd.s32 $0x8, s17;
	s20 =	sand.u32 $0x4000, s19;
	s21 =	sand.u32 $0x3C00, s18;
	v15 =	vmul.f32 v15, v7;
	v19 =	vadd.f32 v19, v6;
	v16 =	vtrunc.f32 v16;
	[tilespmem:v12+s12+$0x0] =	vst.idx.add.f32.msk $0xffff, v3  }
0x10c: {  	s22 =	sand.u32 $0x380, s17;
	s20 =	sor.u32 s21, s20;
	p0 =	slt.u32 s17, $0x7F8;
	v12 =	vtrunc.f32 v18;
	v16 =	vcvt.f32.s32 v16;
	[tilespmem:v8+s12+$0x0] =	vst.idx.add.f32.msk $0xffff, v3  }
0x10d: {  	v8 =	vadd.f32 v17, v6;
	s20 =	sor.u32 s22, s20;
	v12 =	vcvt.f32.s32 v12;
	v17 =	vtrunc.f32 v19;
	[tilespmem:v9+s12+$0x0] =	vst.idx.add.f32.msk $0xffff, v3  }
0x10e: {  	v9 =	vmul.f32 v11, v7;
	v11 =	vadd.s32 v2, v16;
	[tilespmem:v13+s12+$0x0] =	vst.idx.add.f32.msk $0xffff, v3  }
0x10f: {  	v8 =	vtrunc.f32 v8;
	v16 =	vadd.f32 v15, v6;
	v13 =	vld [tilespmem:s20+$0x20]  }
0x110: {  	v14 =	vtrunc.f32 v14;
	v8 =	vcvt.f32.s32 v8;
	v9 =	vadd.f32 v9, v6;
	v18 =	vld [tilespmem:s20+$0x50]  }
0x111: {  	v14 =	vcvt.f32.s32 v14;
	v10 =	vmul.f32 v10, v7;
	v20 =	vadd.s32 v2, v12;
	v19 =	vld [tilespmem:s20+$0x70]  }
0x112: {  	v22 =	vadd.s32 v2, v8;
	v8 =	vcvt.f32.s32 v17;
	v9 =	vtrunc.f32 v9;
	v21 =	vld [tilespmem:s20+$0x40]  }
0x113: {  	v23 =	vadd.s32 v2, v14;
	v10 =	vadd.f32 v10, v6;
	v9 =	vcvt.f32.s32 v9;
	[tilespmem:v11+s12+$0x0] =	vst.idx.add.f32.msk $0xffff, v3  }
0x114: {  	v11 =	vtrunc.f32 v16;
	v8 =	vadd.s32 v2, v8;
	v15 =	vld [tilespmem:s20+$0x10]  }
0x115: {  	v10 =	vtrunc.f32 v10;
	v14 =	vcvt.f32.s32 v11;
	v12 =	vadd.s32 v2, v9;
	v17 =	vld [tilespmem:s20+$0x0]  }
.Ltmp3:
0x116: {  	v13 =	vmul.f32 v13, v7;
	v11 =	vld [tilespmem:s20+$0x60];
	v16 =	vmul.f32 v19, v7;
	(pc) =	sbr.rel @p0 .LBB2_8-.Ltmp3, $4  }
0x117: {  	v9 =	vadd.s32 v2, v14;
	[tilespmem:v22+s12+$0x0] =	vst.idx.add.f32.msk $0xffff, v3;
	v22 =	vcvt.f32.s32 v10  }
0x118: {  	v21 =	vmul.f32 v21, v7;
	v16 =	vadd.f32 v16, v6;
	[tilespmem:v20+s12+$0x0] =	vst.idx.add.f32.msk $0xffff, v3  }
0x119: {  	v14 =	vadd.f32 v13, v6;
	v19 =	vmul.f32 v18, v7;
	v10 =	vld [tilespmem:s20+$0x30];
	v13 =	vadd.s32 v2, v22  }
0x11a: {  	s18 =	sadd.s32 $0x400, s18;
	s19 =	sadd.s32 $0x80, s19;
	v18 =	vadd.f32 v21, v6;
	v17 =	vmul.f32 v17, v7;
	[tilespmem:v23+s12+$0x0] =	vst.idx.add.f32.msk $0xffff, v3  }
0x11b: {  	_ = 	snop  }
0x11c: {  	v15 =	vmul.f32 v15, v7;
	v16 =	vtrunc.f32 v16  }
0x11d: {  	v11 =	vmul.f32 v11, v7;
	v14 =	vtrunc.f32 v14  }
0x11e: {  	v19 =	vadd.f32 v19, v6;
	v18 =	vtrunc.f32 v18;
	v16 =	vcvt.f32.s32 v16  }
0x11f: {  	[tilespmem:v12+s12+$0x0] =	vst.idx.add.f32.msk $0xffff, v3;
	v17 =	vadd.f32 v17, v6;
	v12 =	vcvt.f32.s32 v14;
	v18 =	vcvt.f32.s32 v18  }
0x120: {  	v19 =	vtrunc.f32 v19;
	v11 =	vadd.f32 v11, v6;
	v15 =	vadd.f32 v15, v6  }
0x121: {  	v17 =	vtrunc.f32 v17;
	v16 =	vadd.s32 v2, v16;
	v10 =	vmul.f32 v10, v7  }
0x122: {  	[tilespmem:v9+s12+$0x0] =	vst.idx.add.f32.msk $0xffff, v3;
	v9 =	vcvt.f32.s32 v19;
	v12 =	vadd.s32 v2, v12;
	v17 =	vcvt.f32.s32 v17  }
0x123: {  	[tilespmem:v8+s12+$0x0] =	vst.idx.add.f32.msk $0xffff, v3;
	v11 =	vtrunc.f32 v11;
	v8 =	vadd.s32 v2, v18;
	v10 =	vadd.f32 v10, v6  }
0x124: {  	v15 =	vtrunc.f32 v15;
	v11 =	vcvt.f32.s32 v11;
	v9 =	vadd.s32 v2, v9  }
0x125: {  	[tilespmem:v13+s12+$0x0] =	vst.idx.add.f32.msk $0xffff, v3;
	v13 =	vcvt.f32.s32 v15;
	v14 =	vadd.s32 v2, v17;
	v10 =	vtrunc.f32 v10  }
0x126: {  	v11 =	vadd.s32 v2, v11;
	[tilespmem:v16+s12+$0x0] =	vst.idx.add.f32.msk $0xffff, v3;
	v10 =	vcvt.f32.s32 v10  }
0x127: {  	v13 =	vadd.s32 v2, v13;
	[tilespmem:v12+s12+$0x0] =	vst.idx.add.f32.msk $0xffff, v3  }
0x128: {  	[tilespmem:v8+s12+$0x0] =	vst.idx.add.f32.msk $0xffff, v3;
	v8 =	vadd.s32 v2, v10  }
0x129: {  	[tilespmem:v9+s12+$0x0] =	vst.idx.add.f32.msk $0xffff, v3  }
0x12a: {  	[tilespmem:v14+s12+$0x0] =	vst.idx.add.f32.msk $0xffff, v3  }
0x12b: {  	[tilespmem:v11+s12+$0x0] =	vst.idx.add.f32.msk $0xffff, v3  }
0x12c: {  	[tilespmem:v13+s12+$0x0] =	vst.idx.add.f32.msk $0xffff, v3  }
0x12d: {  	[tilespmem:v8+s12+$0x0] =	vst.idx.add.f32.msk $0xffff, v3  }
0x12e: {  	_ =	swait.ge [sflag:s13], $0x8000  }
0x12f: {  	[sflag:s13] =	ssyncset.done $0x0  }
0x130: {  	s17 =	simm.s32 $0x0;
	s18 =	rddreg [dreg:$0xa];
	[sflag:s13] =	ssyncadd.s32 $0xFFFF8000  }
0x131: {  	[hbm4b:s18+s17] =	stream.linear.scatter [tilespmem:s11], [sflag:$0x4], $0x8000, $0x38;
	[tilespmem:$0x19080] =	vst v63  }
0x132: {  	_ =	swait.ge [sflag:s14], $0x8000  }
0x133: {  	[sflag:s14] =	ssyncset.done $0x0  }
0x134: {  	s19 =	rddreg [dreg:$0xb];
	[sflag:s14] =	ssyncadd.s32 $0xFFFF8000  }
0x135: {  	[tilespmem:s17], [sflag:$0x1] =	stream.linear.gather [hbm4b:s19+s17], $0x8000, $0x38;
	[tilespmem:$0x19080] =	vst v63  }
0x136: {  	s20 =	simm.s32 $0x0;
	s19 =	sand.u32 $0x4000, s17;
	s17 =	sand.u32 $0x3C00, s17  }
0x137: {  	s18 =	sand.u32 $0x380, s20;
	s17 =	sor.u32 s17, s19  }
0x138: {  	s18 =	sor.u32 s18, s17  }
0x139: {  	v8 =	vld [tilespmem:s18+$0x8070]  }
0x13a: {  	v9 =	vld [tilespmem:s18+$0x8040]  }
0x13b: {  	v10 =	vld [tilespmem:s18+$0x8020]  }
0x13c: {  	v11 =	vld [tilespmem:s18+$0x8000]  }
0x13d: {  	v12 =	vld [tilespmem:s18+$0x8050]  }
0x13e: {  	v13 =	vld [tilespmem:s18+$0x8010]  }
0x13f: {  	v14 =	vld [tilespmem:s18+$0x8060]  }
0x140: {  	v15 =	vld [tilespmem:s18+$0x8030]  }
0x141: {  	v8 =	vmul.f32 v8, v7;
	v9 =	vmul.f32 v9, v7  }
0x142: {  	v10 =	vmul.f32 v10, v7;
	v11 =	vmul.f32 v11, v7  }
0x143: {  	s21 =	simm.s32 $0x400;
	s20 =	simm.s32 $0x80;
	v12 =	vmul.f32 v12, v7;
	v13 =	vmul.f32 v13, v7;
	v8 =	vadd.f32 v8, v6  }
0x144: {  	s20 =	sand.u32 $0x4000, s20;
	s19 =	sand.u32 $0x3C00, s21;
	s17 =	simm.s32 $0x8;
	v14 =	vmul.f32 v14, v7;
	v9 =	vadd.f32 v9, v6;
	v11 =	vadd.f32 v11, v6  }
0x145: {  	s19 =	sor.u32 s19, s20;
	s22 =	sand.u32 $0x380, s17;
	v15 =	vmul.f32 v15, v7;
	v10 =	vadd.f32 v10, v6;
	v8 =	vtrunc.f32 v8  }
0x146: {  	s18 =	sor.u32 s22, s19;
	v12 =	vadd.f32 v12, v6;
	v9 =	vtrunc.f32 v9;
	v11 =	vtrunc.f32 v11  }
0x147: {  	v16 =	vld [tilespmem:s18+$0x8020];
	v13 =	vadd.f32 v13, v6;
	v10 =	vtrunc.f32 v10;
	v8 =	vcvt.f32.s32 v8  }
0x148: {  	v17 =	vld [tilespmem:s18+$0x8050];
	v14 =	vadd.f32 v14, v6;
	v9 =	vcvt.f32.s32 v9;
	v11 =	vcvt.f32.s32 v11  }
0x149: {  	v18 =	vld [tilespmem:s18+$0x8070];
	v12 =	vtrunc.f32 v12;
	v10 =	vcvt.f32.s32 v10;
	v8 =	vadd.s32 v2, v8  }
0x14a: {  	v19 =	vld [tilespmem:s18+$0x8040];
	v20 =	vadd.s32 v2, v11;
	v21 =	vadd.s32 v2, v9;
	v11 =	vtrunc.f32 v14  }
0x14b: {  	v23 =	vld [tilespmem:s18+$0x8000];
	v9 =	vcvt.f32.s32 v12;
	v12 =	vadd.f32 v15, v6;
	v11 =	vcvt.f32.s32 v11  }
0x14c: {  	v13 =	vtrunc.f32 v13;
	v15 =	vld [tilespmem:s18+$0x8010];
	v22 =	vadd.s32 v2, v10  }
0x14d: {  	v14 =	vmul.f32 v16, v7;
	v10 =	vtrunc.f32 v12;
	v12 =	vadd.s32 v2, v11;
	v11 =	vld [tilespmem:s18+$0x8060]  }
0x14e: {  	[tilespmem:v8+s12+$0x0] =	vst.idx.add.f32.msk $0xffff, v3;
	v8 =	vadd.s32 v2, v9;
	v9 =	vcvt.f32.s32 v13  }
0x14f: {  	v14 =	vadd.f32 v14, v6;
	v13 =	vmul.f32 v18, v7;
	[tilespmem:v20+s12+$0x0] =	vst.idx.add.f32.msk $0xffff, v3;
	v18 =	vcvt.f32.s32 v10  }
0x150: {  	v20 =	vmul.f32 v19, v7;
	[tilespmem:v21+s12+$0x0] =	vst.idx.add.f32.msk $0xffff, v3;
	v9 =	vadd.s32 v2, v9  }
0x151: {  	v10 =	vld [tilespmem:s18+$0x8030];
	v19 =	vmul.f32 v17, v7;
	v16 =	vadd.f32 v13, v6;
	v13 =	vadd.s32 v2, v18  }
0x152: {  	s19 =	simm.s32 $0x100;
	v17 =	vmul.f32 v23, v7;
	s18 =	simm.s32 $0x800;
	[tilespmem:v22+s12+$0x0] =	vst.idx.add.f32.msk $0xffff, v3;
	v18 =	vadd.f32 v20, v6  }
.LBB2_10:
0x153: {  	s17 =	sadd.s32 $0x8, s17;
	s20 =	sand.u32 $0x4000, s19;
	s21 =	sand.u32 $0x3C00, s18;
	v15 =	vmul.f32 v15, v7;
	v19 =	vadd.f32 v19, v6;
	v16 =	vtrunc.f32 v16;
	[tilespmem:v12+s12+$0x0] =	vst.idx.add.f32.msk $0xffff, v3  }
0x154: {  	s22 =	sand.u32 $0x380, s17;
	s20 =	sor.u32 s21, s20;
	p0 =	slt.u32 s17, $0x7F8;
	v12 =	vtrunc.f32 v18;
	v16 =	vcvt.f32.s32 v16;
	[tilespmem:v8+s12+$0x0] =	vst.idx.add.f32.msk $0xffff, v3  }
0x155: {  	v8 =	vadd.f32 v17, v6;
	s20 =	sor.u32 s22, s20;
	v12 =	vcvt.f32.s32 v12;
	v17 =	vtrunc.f32 v19;
	[tilespmem:v9+s12+$0x0] =	vst.idx.add.f32.msk $0xffff, v3  }
0x156: {  	v9 =	vmul.f32 v11, v7;
	v11 =	vadd.s32 v2, v16;
	[tilespmem:v13+s12+$0x0] =	vst.idx.add.f32.msk $0xffff, v3  }
0x157: {  	v8 =	vtrunc.f32 v8;
	v16 =	vadd.f32 v15, v6;
	v13 =	vld [tilespmem:s20+$0x8020]  }
0x158: {  	v14 =	vtrunc.f32 v14;
	v8 =	vcvt.f32.s32 v8;
	v9 =	vadd.f32 v9, v6;
	v18 =	vld [tilespmem:s20+$0x8050]  }
0x159: {  	v14 =	vcvt.f32.s32 v14;
	v10 =	vmul.f32 v10, v7;
	v20 =	vadd.s32 v2, v12;
	v19 =	vld [tilespmem:s20+$0x8070]  }
0x15a: {  	v22 =	vadd.s32 v2, v8;
	v8 =	vcvt.f32.s32 v17;
	v9 =	vtrunc.f32 v9;
	v21 =	vld [tilespmem:s20+$0x8040]  }
0x15b: {  	v23 =	vadd.s32 v2, v14;
	v10 =	vadd.f32 v10, v6;
	v9 =	vcvt.f32.s32 v9;
	[tilespmem:v11+s12+$0x0] =	vst.idx.add.f32.msk $0xffff, v3  }
0x15c: {  	v11 =	vtrunc.f32 v16;
	v8 =	vadd.s32 v2, v8;
	v15 =	vld [tilespmem:s20+$0x8010]  }
0x15d: {  	v10 =	vtrunc.f32 v10;
	v14 =	vcvt.f32.s32 v11;
	v12 =	vadd.s32 v2, v9;
	v17 =	vld [tilespmem:s20+$0x8000]  }
.Ltmp4:
0x15e: {  	v13 =	vmul.f32 v13, v7;
	v11 =	vld [tilespmem:s20+$0x8060];
	v16 =	vmul.f32 v19, v7;
	(pc) =	sbr.rel @p0 .LBB2_10-.Ltmp4, $4  }
0x15f: {  	v9 =	vadd.s32 v2, v14;
	[tilespmem:v22+s12+$0x0] =	vst.idx.add.f32.msk $0xffff, v3;
	v22 =	vcvt.f32.s32 v10  }
0x160: {  	v21 =	vmul.f32 v21, v7;
	v16 =	vadd.f32 v16, v6;
	[tilespmem:v20+s12+$0x0] =	vst.idx.add.f32.msk $0xffff, v3  }
0x161: {  	v14 =	vadd.f32 v13, v6;
	v19 =	vmul.f32 v18, v7;
	v10 =	vld [tilespmem:s20+$0x8030];
	v13 =	vadd.s32 v2, v22  }
0x162: {  	s18 =	sadd.s32 $0x400, s18;
	s19 =	sadd.s32 $0x80, s19;
	v18 =	vadd.f32 v21, v6;
	v17 =	vmul.f32 v17, v7;
	[tilespmem:v23+s12+$0x0] =	vst.idx.add.f32.msk $0xffff, v3  }
0x163: {  	_ = 	snop  }
0x164: {  	v15 =	vmul.f32 v15, v7;
	v16 =	vtrunc.f32 v16  }
0x165: {  	v11 =	vmul.f32 v11, v7;
	v14 =	vtrunc.f32 v14  }
0x166: {  	v19 =	vadd.f32 v19, v6;
	v18 =	vtrunc.f32 v18;
	v16 =	vcvt.f32.s32 v16  }
0x167: {  	[tilespmem:v12+s12+$0x0] =	vst.idx.add.f32.msk $0xffff, v3;
	v17 =	vadd.f32 v17, v6;
	v12 =	vcvt.f32.s32 v14;
	v18 =	vcvt.f32.s32 v18  }
0x168: {  	v19 =	vtrunc.f32 v19;
	v11 =	vadd.f32 v11, v6;
	v15 =	vadd.f32 v15, v6  }
0x169: {  	v17 =	vtrunc.f32 v17;
	v16 =	vadd.s32 v2, v16;
	v10 =	vmul.f32 v10, v7  }
0x16a: {  	[tilespmem:v9+s12+$0x0] =	vst.idx.add.f32.msk $0xffff, v3;
	v9 =	vcvt.f32.s32 v19;
	v12 =	vadd.s32 v2, v12;
	v17 =	vcvt.f32.s32 v17  }
0x16b: {  	[tilespmem:v8+s12+$0x0] =	vst.idx.add.f32.msk $0xffff, v3;
	v11 =	vtrunc.f32 v11;
	v8 =	vadd.s32 v2, v18;
	v10 =	vadd.f32 v10, v6  }
0x16c: {  	v15 =	vtrunc.f32 v15;
	v11 =	vcvt.f32.s32 v11;
	v9 =	vadd.s32 v2, v9  }
0x16d: {  	[tilespmem:v13+s12+$0x0] =	vst.idx.add.f32.msk $0xffff, v3;
	v13 =	vcvt.f32.s32 v15;
	v14 =	vadd.s32 v2, v17;
	v10 =	vtrunc.f32 v10  }
0x16e: {  	v11 =	vadd.s32 v2, v11;
	[tilespmem:v16+s12+$0x0] =	vst.idx.add.f32.msk $0xffff, v3;
	v10 =	vcvt.f32.s32 v10  }
0x16f: {  	v13 =	vadd.s32 v2, v13;
	[tilespmem:v12+s12+$0x0] =	vst.idx.add.f32.msk $0xffff, v3  }
0x170: {  	[tilespmem:v8+s12+$0x0] =	vst.idx.add.f32.msk $0xffff, v3;
	v8 =	vadd.s32 v2, v10  }
0x171: {  	[tilespmem:v9+s12+$0x0] =	vst.idx.add.f32.msk $0xffff, v3  }
0x172: {  	[tilespmem:v14+s12+$0x0] =	vst.idx.add.f32.msk $0xffff, v3  }
0x173: {  	[tilespmem:v11+s12+$0x0] =	vst.idx.add.f32.msk $0xffff, v3  }
0x174: {  	[tilespmem:v13+s12+$0x0] =	vst.idx.add.f32.msk $0xffff, v3  }
0x175: {  	[tilespmem:v8+s12+$0x0] =	vst.idx.add.f32.msk $0xffff, v3  }
0x176: {  	_ =	swait.ge [sflag:s10], $0x8000  }
0x177: {  	[sflag:s10] =	ssyncset.done $0x0  }
0x178: {  	s17 =	simm.s32 $0x0;
	s18 =	rddreg [dreg:$0xc];
	[sflag:s10] =	ssyncadd.s32 $0xFFFF8000  }
0x179: {  	[hbm4b:s18+s17] =	stream.linear.scatter [tilespmem:s17], [sflag:$0x3], $0x8000, $0x38;
	[tilespmem:$0x19080] =	vst v63  }
0x17a: {  	_ =	swait.ge [sflag:s15], $0x8000  }
0x17b: {  	[sflag:s15] =	ssyncset.done $0x0  }
0x17c: {  	s19 =	rddreg [dreg:$0xd];
	[sflag:s15] =	ssyncadd.s32 $0xFFFF8000  }
0x17d: {  	[tilespmem:s11], [sflag:$0x2] =	stream.linear.gather [hbm4b:s19+s17], $0x8000, $0x38;
	[tilespmem:$0x19080] =	vst v63  }
0x17e: {  	s20 =	simm.s32 $0x0;
	s19 =	sand.u32 $0x4000, s17;
	s17 =	sand.u32 $0x3C00, s17  }
0x17f: {  	s18 =	sand.u32 $0x380, s20;
	s17 =	sor.u32 s17, s19  }
0x180: {  	s18 =	sor.u32 s18, s17  }
0x181: {  	v8 =	vld [tilespmem:s18+$0x70]  }
0x182: {  	v9 =	vld [tilespmem:s18+$0x40]  }
0x183: {  	v10 =	vld [tilespmem:s18+$0x20]  }
0x184: {  	v11 =	vld [tilespmem:s18+$0x0]  }
0x185: {  	v12 =	vld [tilespmem:s18+$0x50]  }
0x186: {  	v13 =	vld [tilespmem:s18+$0x10]  }
0x187: {  	v14 =	vld [tilespmem:s18+$0x60]  }
0x188: {  	v15 =	vld [tilespmem:s18+$0x30]  }
0x189: {  	v8 =	vmul.f32 v8, v7;
	v9 =	vmul.f32 v9, v7  }
0x18a: {  	v10 =	vmul.f32 v10, v7;
	v11 =	vmul.f32 v11, v7  }
0x18b: {  	s21 =	simm.s32 $0x400;
	s20 =	simm.s32 $0x80;
	v12 =	vmul.f32 v12, v7;
	v13 =	vmul.f32 v13, v7;
	v8 =	vadd.f32 v8, v6  }
0x18c: {  	s20 =	sand.u32 $0x4000, s20;
	s19 =	sand.u32 $0x3C00, s21;
	s17 =	simm.s32 $0x8;
	v14 =	vmul.f32 v14, v7;
	v9 =	vadd.f32 v9, v6;
	v11 =	vadd.f32 v11, v6  }
0x18d: {  	s19 =	sor.u32 s19, s20;
	s22 =	sand.u32 $0x380, s17;
	v15 =	vmul.f32 v15, v7;
	v10 =	vadd.f32 v10, v6;
	v8 =	vtrunc.f32 v8  }
0x18e: {  	s18 =	sor.u32 s22, s19;
	v12 =	vadd.f32 v12, v6;
	v9 =	vtrunc.f32 v9;
	v11 =	vtrunc.f32 v11  }
0x18f: {  	v16 =	vld [tilespmem:s18+$0x20];
	v13 =	vadd.f32 v13, v6;
	v10 =	vtrunc.f32 v10;
	v8 =	vcvt.f32.s32 v8  }
0x190: {  	v17 =	vld [tilespmem:s18+$0x50];
	v14 =	vadd.f32 v14, v6;
	v9 =	vcvt.f32.s32 v9;
	v11 =	vcvt.f32.s32 v11  }
0x191: {  	v18 =	vld [tilespmem:s18+$0x70];
	v12 =	vtrunc.f32 v12;
	v10 =	vcvt.f32.s32 v10;
	v8 =	vadd.s32 v2, v8  }
0x192: {  	v19 =	vld [tilespmem:s18+$0x40];
	v20 =	vadd.s32 v2, v11;
	v21 =	vadd.s32 v2, v9;
	v11 =	vtrunc.f32 v14  }
0x193: {  	v23 =	vld [tilespmem:s18+$0x0];
	v9 =	vcvt.f32.s32 v12;
	v12 =	vadd.f32 v15, v6;
	v11 =	vcvt.f32.s32 v11  }
0x194: {  	v13 =	vtrunc.f32 v13;
	v15 =	vld [tilespmem:s18+$0x10];
	v22 =	vadd.s32 v2, v10  }
0x195: {  	v14 =	vmul.f32 v16, v7;
	v10 =	vtrunc.f32 v12;
	v12 =	vadd.s32 v2, v11;
	v11 =	vld [tilespmem:s18+$0x60]  }
0x196: {  	[tilespmem:v8+s12+$0x0] =	vst.idx.add.f32.msk $0xffff, v3;
	v8 =	vadd.s32 v2, v9;
	v9 =	vcvt.f32.s32 v13  }
0x197: {  	v14 =	vadd.f32 v14, v6;
	v13 =	vmul.f32 v18, v7;
	[tilespmem:v20+s12+$0x0] =	vst.idx.add.f32.msk $0xffff, v3;
	v18 =	vcvt.f32.s32 v10  }
0x198: {  	v20 =	vmul.f32 v19, v7;
	[tilespmem:v21+s12+$0x0] =	vst.idx.add.f32.msk $0xffff, v3;
	v9 =	vadd.s32 v2, v9  }
0x199: {  	v10 =	vld [tilespmem:s18+$0x30];
	v19 =	vmul.f32 v17, v7;
	v16 =	vadd.f32 v13, v6;
	v13 =	vadd.s32 v2, v18  }
0x19a: {  	s19 =	simm.s32 $0x100;
	v17 =	vmul.f32 v23, v7;
	s18 =	simm.s32 $0x800;
	[tilespmem:v22+s12+$0x0] =	vst.idx.add.f32.msk $0xffff, v3;
	v18 =	vadd.f32 v20, v6  }
.LBB2_12:
0x19b: {  	s17 =	sadd.s32 $0x8, s17;
	s20 =	sand.u32 $0x4000, s19;
	s21 =	sand.u32 $0x3C00, s18;
	v15 =	vmul.f32 v15, v7;
	v19 =	vadd.f32 v19, v6;
	v16 =	vtrunc.f32 v16;
	[tilespmem:v12+s12+$0x0] =	vst.idx.add.f32.msk $0xffff, v3  }
0x19c: {  	s22 =	sand.u32 $0x380, s17;
	s20 =	sor.u32 s21, s20;
	p0 =	slt.u32 s17, $0x7F8;
	v12 =	vtrunc.f32 v18;
	v16 =	vcvt.f32.s32 v16;
	[tilespmem:v8+s12+$0x0] =	vst.idx.add.f32.msk $0xffff, v3  }
0x19d: {  	v8 =	vadd.f32 v17, v6;
	s20 =	sor.u32 s22, s20;
	v12 =	vcvt.f32.s32 v12;
	v17 =	vtrunc.f32 v19;
	[tilespmem:v9+s12+$0x0] =	vst.idx.add.f32.msk $0xffff, v3  }
0x19e: {  	v9 =	vmul.f32 v11, v7;
	v11 =	vadd.s32 v2, v16;
	[tilespmem:v13+s12+$0x0] =	vst.idx.add.f32.msk $0xffff, v3  }
0x19f: {  	v8 =	vtrunc.f32 v8;
	v16 =	vadd.f32 v15, v6;
	v13 =	vld [tilespmem:s20+$0x20]  }
0x1a0: {  	v14 =	vtrunc.f32 v14;
	v8 =	vcvt.f32.s32 v8;
	v9 =	vadd.f32 v9, v6;
	v18 =	vld [tilespmem:s20+$0x50]  }
0x1a1: {  	v14 =	vcvt.f32.s32 v14;
	v10 =	vmul.f32 v10, v7;
	v20 =	vadd.s32 v2, v12;
	v19 =	vld [tilespmem:s20+$0x70]  }
0x1a2: {  	v22 =	vadd.s32 v2, v8;
	v8 =	vcvt.f32.s32 v17;
	v9 =	vtrunc.f32 v9;
	v21 =	vld [tilespmem:s20+$0x40]  }
0x1a3: {  	v23 =	vadd.s32 v2, v14;
	v10 =	vadd.f32 v10, v6;
	v9 =	vcvt.f32.s32 v9;
	[tilespmem:v11+s12+$0x0] =	vst.idx.add.f32.msk $0xffff, v3  }
0x1a4: {  	v11 =	vtrunc.f32 v16;
	v8 =	vadd.s32 v2, v8;
	v15 =	vld [tilespmem:s20+$0x10]  }
0x1a5: {  	v10 =	vtrunc.f32 v10;
	v14 =	vcvt.f32.s32 v11;
	v12 =	vadd.s32 v2, v9;
	v17 =	vld [tilespmem:s20+$0x0]  }
.Ltmp5:
0x1a6: {  	v13 =	vmul.f32 v13, v7;
	v11 =	vld [tilespmem:s20+$0x60];
	v16 =	vmul.f32 v19, v7;
	(pc) =	sbr.rel @p0 .LBB2_12-.Ltmp5, $4  }
0x1a7: {  	v9 =	vadd.s32 v2, v14;
	[tilespmem:v22+s12+$0x0] =	vst.idx.add.f32.msk $0xffff, v3;
	v22 =	vcvt.f32.s32 v10  }
0x1a8: {  	v21 =	vmul.f32 v21, v7;
	v16 =	vadd.f32 v16, v6;
	[tilespmem:v20+s12+$0x0] =	vst.idx.add.f32.msk $0xffff, v3  }
0x1a9: {  	v14 =	vadd.f32 v13, v6;
	v19 =	vmul.f32 v18, v7;
	v10 =	vld [tilespmem:s20+$0x30];
	v13 =	vadd.s32 v2, v22  }
0x1aa: {  	s18 =	sadd.s32 $0x400, s18;
	s19 =	sadd.s32 $0x80, s19;
	v18 =	vadd.f32 v21, v6;
	v17 =	vmul.f32 v17, v7;
	[tilespmem:v23+s12+$0x0] =	vst.idx.add.f32.msk $0xffff, v3  }
0x1ab: {  	_ = 	snop  }
0x1ac: {  	v15 =	vmul.f32 v15, v7;
	v16 =	vtrunc.f32 v16  }
0x1ad: {  	v11 =	vmul.f32 v11, v7;
	v14 =	vtrunc.f32 v14  }
0x1ae: {  	v19 =	vadd.f32 v19, v6;
	v18 =	vtrunc.f32 v18;
	v16 =	vcvt.f32.s32 v16  }
0x1af: {  	[tilespmem:v12+s12+$0x0] =	vst.idx.add.f32.msk $0xffff, v3;
	v17 =	vadd.f32 v17, v6;
	v12 =	vcvt.f32.s32 v14;
	v18 =	vcvt.f32.s32 v18  }
0x1b0: {  	v19 =	vtrunc.f32 v19;
	v11 =	vadd.f32 v11, v6;
	v15 =	vadd.f32 v15, v6  }
0x1b1: {  	v17 =	vtrunc.f32 v17;
	v16 =	vadd.s32 v2, v16;
	v10 =	vmul.f32 v10, v7  }
0x1b2: {  	[tilespmem:v9+s12+$0x0] =	vst.idx.add.f32.msk $0xffff, v3;
	v9 =	vcvt.f32.s32 v19;
	v12 =	vadd.s32 v2, v12;
	v17 =	vcvt.f32.s32 v17  }
0x1b3: {  	[tilespmem:v8+s12+$0x0] =	vst.idx.add.f32.msk $0xffff, v3;
	v11 =	vtrunc.f32 v11;
	v8 =	vadd.s32 v2, v18;
	v10 =	vadd.f32 v10, v6  }
0x1b4: {  	v15 =	vtrunc.f32 v15;
	v11 =	vcvt.f32.s32 v11;
	v9 =	vadd.s32 v2, v9  }
0x1b5: {  	[tilespmem:v13+s12+$0x0] =	vst.idx.add.f32.msk $0xffff, v3;
	v13 =	vcvt.f32.s32 v15;
	v14 =	vadd.s32 v2, v17;
	v10 =	vtrunc.f32 v10  }
0x1b6: {  	v11 =	vadd.s32 v2, v11;
	[tilespmem:v16+s12+$0x0] =	vst.idx.add.f32.msk $0xffff, v3;
	v10 =	vcvt.f32.s32 v10  }
0x1b7: {  	v13 =	vadd.s32 v2, v13;
	[tilespmem:v12+s12+$0x0] =	vst.idx.add.f32.msk $0xffff, v3  }
0x1b8: {  	[tilespmem:v8+s12+$0x0] =	vst.idx.add.f32.msk $0xffff, v3;
	v8 =	vadd.s32 v2, v10  }
0x1b9: {  	[tilespmem:v9+s12+$0x0] =	vst.idx.add.f32.msk $0xffff, v3  }
0x1ba: {  	[tilespmem:v14+s12+$0x0] =	vst.idx.add.f32.msk $0xffff, v3  }
0x1bb: {  	[tilespmem:v11+s12+$0x0] =	vst.idx.add.f32.msk $0xffff, v3  }
0x1bc: {  	[tilespmem:v13+s12+$0x0] =	vst.idx.add.f32.msk $0xffff, v3  }
0x1bd: {  	[tilespmem:v8+s12+$0x0] =	vst.idx.add.f32.msk $0xffff, v3  }
0x1be: {  	_ =	swait.ge [sflag:s13], $0x8000  }
0x1bf: {  	[sflag:s13] =	ssyncset.done $0x0  }
0x1c0: {  	s17 =	simm.s32 $0x0;
	s18 =	rddreg [dreg:$0xe];
	[sflag:s13] =	ssyncadd.s32 $0xFFFF8000  }
0x1c1: {  	[hbm4b:s18+s17] =	stream.linear.scatter [tilespmem:s11], [sflag:$0x4], $0x8000, $0x38;
	[tilespmem:$0x19080] =	vst v63  }
0x1c2: {  	_ =	swait.ge [sflag:s14], $0x8000  }
0x1c3: {  	[sflag:s14] =	ssyncset.done $0x0  }
0x1c4: {  	s19 =	rddreg [dreg:$0xf];
	[sflag:s14] =	ssyncadd.s32 $0xFFFF8000  }
0x1c5: {  	[tilespmem:s17], [sflag:$0x1] =	stream.linear.gather [hbm4b:s19+s17], $0x8000, $0x38;
	[tilespmem:$0x19080] =	vst v63  }
0x1c6: {  	s20 =	simm.s32 $0x0;
	s19 =	sand.u32 $0x4000, s17;
	s17 =	sand.u32 $0x3C00, s17  }
0x1c7: {  	s18 =	sand.u32 $0x380, s20;
	s17 =	sor.u32 s17, s19  }
0x1c8: {  	s18 =	sor.u32 s18, s17  }
0x1c9: {  	v8 =	vld [tilespmem:s18+$0x8070]  }
0x1ca: {  	v9 =	vld [tilespmem:s18+$0x8040]  }
0x1cb: {  	v10 =	vld [tilespmem:s18+$0x8020]  }
0x1cc: {  	v11 =	vld [tilespmem:s18+$0x8000]  }
0x1cd: {  	v12 =	vld [tilespmem:s18+$0x8050]  }
0x1ce: {  	v13 =	vld [tilespmem:s18+$0x8010]  }
0x1cf: {  	v14 =	vld [tilespmem:s18+$0x8060]  }
0x1d0: {  	v15 =	vld [tilespmem:s18+$0x8030]  }
0x1d1: {  	v8 =	vmul.f32 v8, v7;
	v9 =	vmul.f32 v9, v7  }
0x1d2: {  	v10 =	vmul.f32 v10, v7;
	v11 =	vmul.f32 v11, v7  }
0x1d3: {  	s21 =	simm.s32 $0x400;
	s20 =	simm.s32 $0x80;
	v12 =	vmul.f32 v12, v7;
	v13 =	vmul.f32 v13, v7;
	v8 =	vadd.f32 v8, v6  }
0x1d4: {  	s20 =	sand.u32 $0x4000, s20;
	s19 =	sand.u32 $0x3C00, s21;
	s17 =	simm.s32 $0x8;
	v14 =	vmul.f32 v14, v7;
	v9 =	vadd.f32 v9, v6;
	v11 =	vadd.f32 v11, v6  }
0x1d5: {  	s19 =	sor.u32 s19, s20;
	s22 =	sand.u32 $0x380, s17;
	v15 =	vmul.f32 v15, v7;
	v10 =	vadd.f32 v10, v6;
	v8 =	vtrunc.f32 v8  }
0x1d6: {  	s18 =	sor.u32 s22, s19;
	v12 =	vadd.f32 v12, v6;
	v9 =	vtrunc.f32 v9;
	v11 =	vtrunc.f32 v11  }
0x1d7: {  	v16 =	vld [tilespmem:s18+$0x8020];
	v13 =	vadd.f32 v13, v6;
	v10 =	vtrunc.f32 v10;
	v8 =	vcvt.f32.s32 v8  }
0x1d8: {  	v17 =	vld [tilespmem:s18+$0x8050];
	v14 =	vadd.f32 v14, v6;
	v9 =	vcvt.f32.s32 v9;
	v11 =	vcvt.f32.s32 v11  }
0x1d9: {  	v18 =	vld [tilespmem:s18+$0x8070];
	v12 =	vtrunc.f32 v12;
	v10 =	vcvt.f32.s32 v10;
	v8 =	vadd.s32 v2, v8  }
0x1da: {  	v19 =	vld [tilespmem:s18+$0x8040];
	v20 =	vadd.s32 v2, v11;
	v21 =	vadd.s32 v2, v9;
	v11 =	vtrunc.f32 v14  }
0x1db: {  	v23 =	vld [tilespmem:s18+$0x8000];
	v9 =	vcvt.f32.s32 v12;
	v12 =	vadd.f32 v15, v6;
	v11 =	vcvt.f32.s32 v11  }
0x1dc: {  	v13 =	vtrunc.f32 v13;
	v15 =	vld [tilespmem:s18+$0x8010];
	v22 =	vadd.s32 v2, v10  }
0x1dd: {  	v14 =	vmul.f32 v16, v7;
	v10 =	vtrunc.f32 v12;
	v12 =	vadd.s32 v2, v11;
	v11 =	vld [tilespmem:s18+$0x8060]  }
0x1de: {  	[tilespmem:v8+s12+$0x0] =	vst.idx.add.f32.msk $0xffff, v3;
	v8 =	vadd.s32 v2, v9;
	v9 =	vcvt.f32.s32 v13  }
0x1df: {  	v14 =	vadd.f32 v14, v6;
	v13 =	vmul.f32 v18, v7;
	[tilespmem:v20+s12+$0x0] =	vst.idx.add.f32.msk $0xffff, v3;
	v18 =	vcvt.f32.s32 v10  }
0x1e0: {  	v20 =	vmul.f32 v19, v7;
	[tilespmem:v21+s12+$0x0] =	vst.idx.add.f32.msk $0xffff, v3;
	v9 =	vadd.s32 v2, v9  }
0x1e1: {  	v10 =	vld [tilespmem:s18+$0x8030];
	v19 =	vmul.f32 v17, v7;
	v16 =	vadd.f32 v13, v6;
	v13 =	vadd.s32 v2, v18  }
0x1e2: {  	s19 =	simm.s32 $0x100;
	v17 =	vmul.f32 v23, v7;
	s18 =	simm.s32 $0x800;
	[tilespmem:v22+s12+$0x0] =	vst.idx.add.f32.msk $0xffff, v3;
	v18 =	vadd.f32 v20, v6  }
.LBB2_14:
0x1e3: {  	s17 =	sadd.s32 $0x8, s17;
	s20 =	sand.u32 $0x4000, s19;
	s21 =	sand.u32 $0x3C00, s18;
	v15 =	vmul.f32 v15, v7;
	v19 =	vadd.f32 v19, v6;
	v16 =	vtrunc.f32 v16;
	[tilespmem:v12+s12+$0x0] =	vst.idx.add.f32.msk $0xffff, v3  }
0x1e4: {  	s22 =	sand.u32 $0x380, s17;
	s20 =	sor.u32 s21, s20;
	p0 =	slt.u32 s17, $0x7F8;
	v12 =	vtrunc.f32 v18;
	v16 =	vcvt.f32.s32 v16;
	[tilespmem:v8+s12+$0x0] =	vst.idx.add.f32.msk $0xffff, v3  }
0x1e5: {  	v8 =	vadd.f32 v17, v6;
	s20 =	sor.u32 s22, s20;
	v12 =	vcvt.f32.s32 v12;
	v17 =	vtrunc.f32 v19;
	[tilespmem:v9+s12+$0x0] =	vst.idx.add.f32.msk $0xffff, v3  }
0x1e6: {  	v9 =	vmul.f32 v11, v7;
	v11 =	vadd.s32 v2, v16;
	[tilespmem:v13+s12+$0x0] =	vst.idx.add.f32.msk $0xffff, v3  }
0x1e7: {  	v8 =	vtrunc.f32 v8;
	v16 =	vadd.f32 v15, v6;
	v13 =	vld [tilespmem:s20+$0x8020]  }
0x1e8: {  	v14 =	vtrunc.f32 v14;
	v8 =	vcvt.f32.s32 v8;
	v9 =	vadd.f32 v9, v6;
	v18 =	vld [tilespmem:s20+$0x8050]  }
0x1e9: {  	v14 =	vcvt.f32.s32 v14;
	v10 =	vmul.f32 v10, v7;
	v20 =	vadd.s32 v2, v12;
	v19 =	vld [tilespmem:s20+$0x8070]  }
0x1ea: {  	v22 =	vadd.s32 v2, v8;
	v8 =	vcvt.f32.s32 v17;
	v9 =	vtrunc.f32 v9;
	v21 =	vld [tilespmem:s20+$0x8040]  }
0x1eb: {  	v23 =	vadd.s32 v2, v14;
	v10 =	vadd.f32 v10, v6;
	v9 =	vcvt.f32.s32 v9;
	[tilespmem:v11+s12+$0x0] =	vst.idx.add.f32.msk $0xffff, v3  }
0x1ec: {  	v11 =	vtrunc.f32 v16;
	v8 =	vadd.s32 v2, v8;
	v15 =	vld [tilespmem:s20+$0x8010]  }
0x1ed: {  	v10 =	vtrunc.f32 v10;
	v14 =	vcvt.f32.s32 v11;
	v12 =	vadd.s32 v2, v9;
	v17 =	vld [tilespmem:s20+$0x8000]  }
.Ltmp6:
0x1ee: {  	v13 =	vmul.f32 v13, v7;
	v11 =	vld [tilespmem:s20+$0x8060];
	v16 =	vmul.f32 v19, v7;
	(pc) =	sbr.rel @p0 .LBB2_14-.Ltmp6, $4  }
0x1ef: {  	v9 =	vadd.s32 v2, v14;
	[tilespmem:v22+s12+$0x0] =	vst.idx.add.f32.msk $0xffff, v3;
	v22 =	vcvt.f32.s32 v10  }
0x1f0: {  	v21 =	vmul.f32 v21, v7;
	v16 =	vadd.f32 v16, v6;
	[tilespmem:v20+s12+$0x0] =	vst.idx.add.f32.msk $0xffff, v3  }
0x1f1: {  	v14 =	vadd.f32 v13, v6;
	v19 =	vmul.f32 v18, v7;
	v10 =	vld [tilespmem:s20+$0x8030];
	v13 =	vadd.s32 v2, v22  }
0x1f2: {  	s18 =	sadd.s32 $0x400, s18;
	s19 =	sadd.s32 $0x80, s19;
	v18 =	vadd.f32 v21, v6;
	v17 =	vmul.f32 v17, v7;
	[tilespmem:v23+s12+$0x0] =	vst.idx.add.f32.msk $0xffff, v3  }
0x1f3: {  	_ = 	snop  }
0x1f4: {  	v15 =	vmul.f32 v15, v7;
	v16 =	vtrunc.f32 v16  }
0x1f5: {  	v11 =	vmul.f32 v11, v7;
	v14 =	vtrunc.f32 v14  }
0x1f6: {  	v19 =	vadd.f32 v19, v6;
	v18 =	vtrunc.f32 v18;
	v16 =	vcvt.f32.s32 v16  }
0x1f7: {  	[tilespmem:v12+s12+$0x0] =	vst.idx.add.f32.msk $0xffff, v3;
	v17 =	vadd.f32 v17, v6;
	v12 =	vcvt.f32.s32 v14;
	v18 =	vcvt.f32.s32 v18  }
0x1f8: {  	v19 =	vtrunc.f32 v19;
	v11 =	vadd.f32 v11, v6;
	v15 =	vadd.f32 v15, v6  }
0x1f9: {  	v17 =	vtrunc.f32 v17;
	v16 =	vadd.s32 v2, v16;
	v10 =	vmul.f32 v10, v7  }
0x1fa: {  	[tilespmem:v9+s12+$0x0] =	vst.idx.add.f32.msk $0xffff, v3;
	v9 =	vcvt.f32.s32 v19;
	v12 =	vadd.s32 v2, v12;
	v17 =	vcvt.f32.s32 v17  }
0x1fb: {  	[tilespmem:v8+s12+$0x0] =	vst.idx.add.f32.msk $0xffff, v3;
	v11 =	vtrunc.f32 v11;
	v8 =	vadd.s32 v2, v18;
	v10 =	vadd.f32 v10, v6  }
0x1fc: {  	v15 =	vtrunc.f32 v15;
	v11 =	vcvt.f32.s32 v11;
	v9 =	vadd.s32 v2, v9  }
0x1fd: {  	[tilespmem:v13+s12+$0x0] =	vst.idx.add.f32.msk $0xffff, v3;
	v13 =	vcvt.f32.s32 v15;
	v14 =	vadd.s32 v2, v17;
	v10 =	vtrunc.f32 v10  }
0x1fe: {  	v11 =	vadd.s32 v2, v11;
	[tilespmem:v16+s12+$0x0] =	vst.idx.add.f32.msk $0xffff, v3;
	v10 =	vcvt.f32.s32 v10  }
0x1ff: {  	v13 =	vadd.s32 v2, v13;
	[tilespmem:v12+s12+$0x0] =	vst.idx.add.f32.msk $0xffff, v3  }
0x200: {  	[tilespmem:v8+s12+$0x0] =	vst.idx.add.f32.msk $0xffff, v3;
	v8 =	vadd.s32 v2, v10  }
0x201: {  	[tilespmem:v9+s12+$0x0] =	vst.idx.add.f32.msk $0xffff, v3  }
0x202: {  	[tilespmem:v14+s12+$0x0] =	vst.idx.add.f32.msk $0xffff, v3  }
0x203: {  	[tilespmem:v11+s12+$0x0] =	vst.idx.add.f32.msk $0xffff, v3  }
0x204: {  	[tilespmem:v13+s12+$0x0] =	vst.idx.add.f32.msk $0xffff, v3  }
0x205: {  	[tilespmem:v8+s12+$0x0] =	vst.idx.add.f32.msk $0xffff, v3  }
0x206: {  	_ =	swait.ge [sflag:s10], $0x8000  }
0x207: {  	[sflag:s10] =	ssyncset.done $0x0  }
0x208: {  	s17 =	simm.s32 $0x0;
	s18 =	rddreg [dreg:$0x10];
	[sflag:s10] =	ssyncadd.s32 $0xFFFF8000  }
0x209: {  	[hbm4b:s18+s17] =	stream.linear.scatter [tilespmem:s17], [sflag:$0x3], $0x8000, $0x38;
	[tilespmem:$0x19080] =	vst v63  }
0x20a: {  	_ =	swait.ge [sflag:s15], $0x8000  }
0x20b: {  	[sflag:s15] =	ssyncset.done $0x0  }
0x20c: {  	s19 =	rddreg [dreg:$0x11];
	[sflag:s15] =	ssyncadd.s32 $0xFFFF8000  }
0x20d: {  	[tilespmem:s11], [sflag:$0x2] =	stream.linear.gather [hbm4b:s19+s17], $0x8000, $0x38;
	[tilespmem:$0x19080] =	vst v63  }
0x20e: {  	s20 =	simm.s32 $0x0;
	s19 =	sand.u32 $0x4000, s17;
	s17 =	sand.u32 $0x3C00, s17  }
0x20f: {  	s18 =	sand.u32 $0x380, s20;
	s17 =	sor.u32 s17, s19  }
0x210: {  	s18 =	sor.u32 s18, s17  }
0x211: {  	v8 =	vld [tilespmem:s18+$0x70]  }
0x212: {  	v9 =	vld [tilespmem:s18+$0x40]  }
0x213: {  	v10 =	vld [tilespmem:s18+$0x20]  }
0x214: {  	v11 =	vld [tilespmem:s18+$0x0]  }
0x215: {  	v12 =	vld [tilespmem:s18+$0x50]  }
0x216: {  	v13 =	vld [tilespmem:s18+$0x10]  }
0x217: {  	v14 =	vld [tilespmem:s18+$0x60]  }
0x218: {  	v15 =	vld [tilespmem:s18+$0x30]  }
0x219: {  	v8 =	vmul.f32 v8, v7;
	v9 =	vmul.f32 v9, v7  }
0x21a: {  	v10 =	vmul.f32 v10, v7;
	v11 =	vmul.f32 v11, v7  }
0x21b: {  	s21 =	simm.s32 $0x400;
	s20 =	simm.s32 $0x80;
	v12 =	vmul.f32 v12, v7;
	v13 =	vmul.f32 v13, v7;
	v8 =	vadd.f32 v8, v6  }
0x21c: {  	s20 =	sand.u32 $0x4000, s20;
	s19 =	sand.u32 $0x3C00, s21;
	s17 =	simm.s32 $0x8;
	v14 =	vmul.f32 v14, v7;
	v9 =	vadd.f32 v9, v6;
	v11 =	vadd.f32 v11, v6  }
0x21d: {  	s19 =	sor.u32 s19, s20;
	s22 =	sand.u32 $0x380, s17;
	v15 =	vmul.f32 v15, v7;
	v10 =	vadd.f32 v10, v6;
	v8 =	vtrunc.f32 v8  }
0x21e: {  	s18 =	sor.u32 s22, s19;
	v12 =	vadd.f32 v12, v6;
	v9 =	vtrunc.f32 v9;
	v11 =	vtrunc.f32 v11  }
0x21f: {  	v16 =	vld [tilespmem:s18+$0x20];
	v13 =	vadd.f32 v13, v6;
	v10 =	vtrunc.f32 v10;
	v8 =	vcvt.f32.s32 v8  }
0x220: {  	v17 =	vld [tilespmem:s18+$0x50];
	v14 =	vadd.f32 v14, v6;
	v9 =	vcvt.f32.s32 v9;
	v11 =	vcvt.f32.s32 v11  }
0x221: {  	v18 =	vld [tilespmem:s18+$0x70];
	v12 =	vtrunc.f32 v12;
	v10 =	vcvt.f32.s32 v10;
	v8 =	vadd.s32 v2, v8  }
0x222: {  	v19 =	vld [tilespmem:s18+$0x40];
	v20 =	vadd.s32 v2, v11;
	v21 =	vadd.s32 v2, v9;
	v11 =	vtrunc.f32 v14  }
0x223: {  	v23 =	vld [tilespmem:s18+$0x0];
	v9 =	vcvt.f32.s32 v12;
	v12 =	vadd.f32 v15, v6;
	v11 =	vcvt.f32.s32 v11  }
0x224: {  	v13 =	vtrunc.f32 v13;
	v15 =	vld [tilespmem:s18+$0x10];
	v22 =	vadd.s32 v2, v10  }
0x225: {  	v14 =	vmul.f32 v16, v7;
	v10 =	vtrunc.f32 v12;
	v12 =	vadd.s32 v2, v11;
	v11 =	vld [tilespmem:s18+$0x60]  }
0x226: {  	[tilespmem:v8+s12+$0x0] =	vst.idx.add.f32.msk $0xffff, v3;
	v8 =	vadd.s32 v2, v9;
	v9 =	vcvt.f32.s32 v13  }
0x227: {  	v14 =	vadd.f32 v14, v6;
	v13 =	vmul.f32 v18, v7;
	[tilespmem:v20+s12+$0x0] =	vst.idx.add.f32.msk $0xffff, v3;
	v18 =	vcvt.f32.s32 v10  }
0x228: {  	v20 =	vmul.f32 v19, v7;
	[tilespmem:v21+s12+$0x0] =	vst.idx.add.f32.msk $0xffff, v3;
	v9 =	vadd.s32 v2, v9  }
0x229: {  	v10 =	vld [tilespmem:s18+$0x30];
	v19 =	vmul.f32 v17, v7;
	v16 =	vadd.f32 v13, v6;
	v13 =	vadd.s32 v2, v18  }
0x22a: {  	s19 =	simm.s32 $0x100;
	v17 =	vmul.f32 v23, v7;
	s18 =	simm.s32 $0x800;
	[tilespmem:v22+s12+$0x0] =	vst.idx.add.f32.msk $0xffff, v3;
	v18 =	vadd.f32 v20, v6  }
.LBB2_16:
0x22b: {  	s17 =	sadd.s32 $0x8, s17;
	s20 =	sand.u32 $0x4000, s19;
	s21 =	sand.u32 $0x3C00, s18;
	v15 =	vmul.f32 v15, v7;
	v19 =	vadd.f32 v19, v6;
	v16 =	vtrunc.f32 v16;
	[tilespmem:v12+s12+$0x0] =	vst.idx.add.f32.msk $0xffff, v3  }
0x22c: {  	s22 =	sand.u32 $0x380, s17;
	s20 =	sor.u32 s21, s20;
	p0 =	slt.u32 s17, $0x7F8;
	v12 =	vtrunc.f32 v18;
	v16 =	vcvt.f32.s32 v16;
	[tilespmem:v8+s12+$0x0] =	vst.idx.add.f32.msk $0xffff, v3  }
0x22d: {  	v8 =	vadd.f32 v17, v6;
	s20 =	sor.u32 s22, s20;
	v12 =	vcvt.f32.s32 v12;
	v17 =	vtrunc.f32 v19;
	[tilespmem:v9+s12+$0x0] =	vst.idx.add.f32.msk $0xffff, v3  }
0x22e: {  	v9 =	vmul.f32 v11, v7;
	v11 =	vadd.s32 v2, v16;
	[tilespmem:v13+s12+$0x0] =	vst.idx.add.f32.msk $0xffff, v3  }
0x22f: {  	v8 =	vtrunc.f32 v8;
	v16 =	vadd.f32 v15, v6;
	v13 =	vld [tilespmem:s20+$0x20]  }
0x230: {  	v14 =	vtrunc.f32 v14;
	v8 =	vcvt.f32.s32 v8;
	v9 =	vadd.f32 v9, v6;
	v18 =	vld [tilespmem:s20+$0x50]  }
0x231: {  	v14 =	vcvt.f32.s32 v14;
	v10 =	vmul.f32 v10, v7;
	v20 =	vadd.s32 v2, v12;
	v19 =	vld [tilespmem:s20+$0x70]  }
0x232: {  	v22 =	vadd.s32 v2, v8;
	v8 =	vcvt.f32.s32 v17;
	v9 =	vtrunc.f32 v9;
	v21 =	vld [tilespmem:s20+$0x40]  }
0x233: {  	v23 =	vadd.s32 v2, v14;
	v10 =	vadd.f32 v10, v6;
	v9 =	vcvt.f32.s32 v9;
	[tilespmem:v11+s12+$0x0] =	vst.idx.add.f32.msk $0xffff, v3  }
0x234: {  	v11 =	vtrunc.f32 v16;
	v8 =	vadd.s32 v2, v8;
	v15 =	vld [tilespmem:s20+$0x10]  }
0x235: {  	v10 =	vtrunc.f32 v10;
	v14 =	vcvt.f32.s32 v11;
	v12 =	vadd.s32 v2, v9;
	v17 =	vld [tilespmem:s20+$0x0]  }
.Ltmp7:
0x236: {  	v13 =	vmul.f32 v13, v7;
	v11 =	vld [tilespmem:s20+$0x60];
	v16 =	vmul.f32 v19, v7;
	(pc) =	sbr.rel @p0 .LBB2_16-.Ltmp7, $4  }
0x237: {  	v9 =	vadd.s32 v2, v14;
	[tilespmem:v22+s12+$0x0] =	vst.idx.add.f32.msk $0xffff, v3;
	v22 =	vcvt.f32.s32 v10  }
0x238: {  	v21 =	vmul.f32 v21, v7;
	v16 =	vadd.f32 v16, v6;
	[tilespmem:v20+s12+$0x0] =	vst.idx.add.f32.msk $0xffff, v3  }
0x239: {  	v14 =	vadd.f32 v13, v6;
	v19 =	vmul.f32 v18, v7;
	v10 =	vld [tilespmem:s20+$0x30];
	v13 =	vadd.s32 v2, v22  }
0x23a: {  	s18 =	sadd.s32 $0x400, s18;
	s19 =	sadd.s32 $0x80, s19;
	v18 =	vadd.f32 v21, v6;
	v17 =	vmul.f32 v17, v7;
	[tilespmem:v23+s12+$0x0] =	vst.idx.add.f32.msk $0xffff, v3  }
0x23b: {  	_ = 	snop  }
0x23c: {  	v15 =	vmul.f32 v15, v7;
	v16 =	vtrunc.f32 v16  }
0x23d: {  	v11 =	vmul.f32 v11, v7;
	v14 =	vtrunc.f32 v14  }
0x23e: {  	v19 =	vadd.f32 v19, v6;
	v18 =	vtrunc.f32 v18;
	v16 =	vcvt.f32.s32 v16  }
0x23f: {  	[tilespmem:v12+s12+$0x0] =	vst.idx.add.f32.msk $0xffff, v3;
	v17 =	vadd.f32 v17, v6;
	v12 =	vcvt.f32.s32 v14;
	v18 =	vcvt.f32.s32 v18  }
0x240: {  	v19 =	vtrunc.f32 v19;
	v11 =	vadd.f32 v11, v6;
	v15 =	vadd.f32 v15, v6  }
0x241: {  	v17 =	vtrunc.f32 v17;
	v16 =	vadd.s32 v2, v16;
	v10 =	vmul.f32 v10, v7  }
0x242: {  	[tilespmem:v9+s12+$0x0] =	vst.idx.add.f32.msk $0xffff, v3;
	v9 =	vcvt.f32.s32 v19;
	v12 =	vadd.s32 v2, v12;
	v17 =	vcvt.f32.s32 v17  }
0x243: {  	[tilespmem:v8+s12+$0x0] =	vst.idx.add.f32.msk $0xffff, v3;
	v11 =	vtrunc.f32 v11;
	v8 =	vadd.s32 v2, v18;
	v10 =	vadd.f32 v10, v6  }
0x244: {  	v15 =	vtrunc.f32 v15;
	v11 =	vcvt.f32.s32 v11;
	v9 =	vadd.s32 v2, v9  }
0x245: {  	[tilespmem:v13+s12+$0x0] =	vst.idx.add.f32.msk $0xffff, v3;
	v13 =	vcvt.f32.s32 v15;
	v14 =	vadd.s32 v2, v17;
	v10 =	vtrunc.f32 v10  }
0x246: {  	v11 =	vadd.s32 v2, v11;
	[tilespmem:v16+s12+$0x0] =	vst.idx.add.f32.msk $0xffff, v3;
	v10 =	vcvt.f32.s32 v10  }
0x247: {  	v13 =	vadd.s32 v2, v13;
	[tilespmem:v12+s12+$0x0] =	vst.idx.add.f32.msk $0xffff, v3  }
0x248: {  	[tilespmem:v8+s12+$0x0] =	vst.idx.add.f32.msk $0xffff, v3;
	v8 =	vadd.s32 v2, v10  }
0x249: {  	[tilespmem:v9+s12+$0x0] =	vst.idx.add.f32.msk $0xffff, v3  }
0x24a: {  	[tilespmem:v14+s12+$0x0] =	vst.idx.add.f32.msk $0xffff, v3  }
0x24b: {  	[tilespmem:v11+s12+$0x0] =	vst.idx.add.f32.msk $0xffff, v3  }
0x24c: {  	[tilespmem:v13+s12+$0x0] =	vst.idx.add.f32.msk $0xffff, v3  }
0x24d: {  	[tilespmem:v8+s12+$0x0] =	vst.idx.add.f32.msk $0xffff, v3  }
0x24e: {  	_ =	swait.ge [sflag:s13], $0x8000  }
0x24f: {  	[sflag:s13] =	ssyncset.done $0x0  }
0x250: {  	s17 =	simm.s32 $0x0;
	s18 =	rddreg [dreg:$0x12];
	[sflag:s13] =	ssyncadd.s32 $0xFFFF8000  }
0x251: {  	[hbm4b:s18+s17] =	stream.linear.scatter [tilespmem:s11], [sflag:$0x4], $0x8000, $0x38;
	[tilespmem:$0x19080] =	vst v63  }
0x252: {  	_ =	swait.ge [sflag:s14], $0x8000  }
0x253: {  	[sflag:s14] =	ssyncset.done $0x0  }
0x254: {  	s19 =	rddreg [dreg:$0x13];
	[sflag:s14] =	ssyncadd.s32 $0xFFFF8000  }
0x255: {  	[tilespmem:s17], [sflag:$0x1] =	stream.linear.gather [hbm4b:s19+s17], $0x8000, $0x38;
	[tilespmem:$0x19080] =	vst v63  }
0x256: {  	s20 =	simm.s32 $0x0;
	s19 =	sand.u32 $0x4000, s17;
	s17 =	sand.u32 $0x3C00, s17  }
0x257: {  	s18 =	sand.u32 $0x380, s20;
	s17 =	sor.u32 s17, s19  }
0x258: {  	s18 =	sor.u32 s18, s17  }
0x259: {  	v8 =	vld [tilespmem:s18+$0x8070]  }
0x25a: {  	v9 =	vld [tilespmem:s18+$0x8040]  }
0x25b: {  	v10 =	vld [tilespmem:s18+$0x8020]  }
0x25c: {  	v11 =	vld [tilespmem:s18+$0x8000]  }
0x25d: {  	v12 =	vld [tilespmem:s18+$0x8050]  }
0x25e: {  	v13 =	vld [tilespmem:s18+$0x8010]  }
0x25f: {  	v14 =	vld [tilespmem:s18+$0x8060]  }
0x260: {  	v15 =	vld [tilespmem:s18+$0x8030]  }
0x261: {  	v8 =	vmul.f32 v8, v7;
	v9 =	vmul.f32 v9, v7  }
0x262: {  	v10 =	vmul.f32 v10, v7;
	v11 =	vmul.f32 v11, v7  }
0x263: {  	s21 =	simm.s32 $0x400;
	s20 =	simm.s32 $0x80;
	v12 =	vmul.f32 v12, v7;
	v13 =	vmul.f32 v13, v7;
	v8 =	vadd.f32 v8, v6  }
0x264: {  	s20 =	sand.u32 $0x4000, s20;
	s19 =	sand.u32 $0x3C00, s21;
	s17 =	simm.s32 $0x8;
	v14 =	vmul.f32 v14, v7;
	v9 =	vadd.f32 v9, v6;
	v11 =	vadd.f32 v11, v6  }
0x265: {  	s19 =	sor.u32 s19, s20;
	s22 =	sand.u32 $0x380, s17;
	v15 =	vmul.f32 v15, v7;
	v10 =	vadd.f32 v10, v6;
	v8 =	vtrunc.f32 v8  }
0x266: {  	s18 =	sor.u32 s22, s19;
	v12 =	vadd.f32 v12, v6;
	v9 =	vtrunc.f32 v9;
	v11 =	vtrunc.f32 v11  }
0x267: {  	v16 =	vld [tilespmem:s18+$0x8020];
	v13 =	vadd.f32 v13, v6;
	v10 =	vtrunc.f32 v10;
	v8 =	vcvt.f32.s32 v8  }
0x268: {  	v17 =	vld [tilespmem:s18+$0x8050];
	v14 =	vadd.f32 v14, v6;
	v9 =	vcvt.f32.s32 v9;
	v11 =	vcvt.f32.s32 v11  }
0x269: {  	v18 =	vld [tilespmem:s18+$0x8070];
	v12 =	vtrunc.f32 v12;
	v10 =	vcvt.f32.s32 v10;
	v8 =	vadd.s32 v2, v8  }
0x26a: {  	v19 =	vld [tilespmem:s18+$0x8040];
	v20 =	vadd.s32 v2, v11;
	v21 =	vadd.s32 v2, v9;
	v11 =	vtrunc.f32 v14  }
0x26b: {  	v23 =	vld [tilespmem:s18+$0x8000];
	v9 =	vcvt.f32.s32 v12;
	v12 =	vadd.f32 v15, v6;
	v11 =	vcvt.f32.s32 v11  }
0x26c: {  	v13 =	vtrunc.f32 v13;
	v15 =	vld [tilespmem:s18+$0x8010];
	v22 =	vadd.s32 v2, v10  }
0x26d: {  	v14 =	vmul.f32 v16, v7;
	v10 =	vtrunc.f32 v12;
	v12 =	vadd.s32 v2, v11;
	v11 =	vld [tilespmem:s18+$0x8060]  }
0x26e: {  	[tilespmem:v8+s12+$0x0] =	vst.idx.add.f32.msk $0xffff, v3;
	v8 =	vadd.s32 v2, v9;
	v9 =	vcvt.f32.s32 v13  }
0x26f: {  	v14 =	vadd.f32 v14, v6;
	v13 =	vmul.f32 v18, v7;
	[tilespmem:v20+s12+$0x0] =	vst.idx.add.f32.msk $0xffff, v3;
	v18 =	vcvt.f32.s32 v10  }
0x270: {  	v20 =	vmul.f32 v19, v7;
	[tilespmem:v21+s12+$0x0] =	vst.idx.add.f32.msk $0xffff, v3;
	v9 =	vadd.s32 v2, v9  }
0x271: {  	v10 =	vld [tilespmem:s18+$0x8030];
	v19 =	vmul.f32 v17, v7;
	v16 =	vadd.f32 v13, v6;
	v13 =	vadd.s32 v2, v18  }
0x272: {  	s19 =	simm.s32 $0x100;
	v17 =	vmul.f32 v23, v7;
	s18 =	simm.s32 $0x800;
	[tilespmem:v22+s12+$0x0] =	vst.idx.add.f32.msk $0xffff, v3;
	v18 =	vadd.f32 v20, v6  }
.LBB2_18:
0x273: {  	s17 =	sadd.s32 $0x8, s17;
	s20 =	sand.u32 $0x4000, s19;
	s21 =	sand.u32 $0x3C00, s18;
	v15 =	vmul.f32 v15, v7;
	v19 =	vadd.f32 v19, v6;
	v16 =	vtrunc.f32 v16;
	[tilespmem:v12+s12+$0x0] =	vst.idx.add.f32.msk $0xffff, v3  }
0x274: {  	s22 =	sand.u32 $0x380, s17;
	s20 =	sor.u32 s21, s20;
	p0 =	slt.u32 s17, $0x7F8;
	v12 =	vtrunc.f32 v18;
	v16 =	vcvt.f32.s32 v16;
	[tilespmem:v8+s12+$0x0] =	vst.idx.add.f32.msk $0xffff, v3  }
0x275: {  	v8 =	vadd.f32 v17, v6;
	s20 =	sor.u32 s22, s20;
	v12 =	vcvt.f32.s32 v12;
	v17 =	vtrunc.f32 v19;
	[tilespmem:v9+s12+$0x0] =	vst.idx.add.f32.msk $0xffff, v3  }
0x276: {  	v9 =	vmul.f32 v11, v7;
	v11 =	vadd.s32 v2, v16;
	[tilespmem:v13+s12+$0x0] =	vst.idx.add.f32.msk $0xffff, v3  }
0x277: {  	v8 =	vtrunc.f32 v8;
	v16 =	vadd.f32 v15, v6;
	v13 =	vld [tilespmem:s20+$0x8020]  }
0x278: {  	v14 =	vtrunc.f32 v14;
	v8 =	vcvt.f32.s32 v8;
	v9 =	vadd.f32 v9, v6;
	v18 =	vld [tilespmem:s20+$0x8050]  }
0x279: {  	v14 =	vcvt.f32.s32 v14;
	v10 =	vmul.f32 v10, v7;
	v20 =	vadd.s32 v2, v12;
	v19 =	vld [tilespmem:s20+$0x8070]  }
0x27a: {  	v22 =	vadd.s32 v2, v8;
	v8 =	vcvt.f32.s32 v17;
	v9 =	vtrunc.f32 v9;
	v21 =	vld [tilespmem:s20+$0x8040]  }
0x27b: {  	v23 =	vadd.s32 v2, v14;
	v10 =	vadd.f32 v10, v6;
	v9 =	vcvt.f32.s32 v9;
	[tilespmem:v11+s12+$0x0] =	vst.idx.add.f32.msk $0xffff, v3  }
0x27c: {  	v11 =	vtrunc.f32 v16;
	v8 =	vadd.s32 v2, v8;
	v15 =	vld [tilespmem:s20+$0x8010]  }
0x27d: {  	v10 =	vtrunc.f32 v10;
	v14 =	vcvt.f32.s32 v11;
	v12 =	vadd.s32 v2, v9;
	v17 =	vld [tilespmem:s20+$0x8000]  }
.Ltmp8:
0x27e: {  	v13 =	vmul.f32 v13, v7;
	v11 =	vld [tilespmem:s20+$0x8060];
	v16 =	vmul.f32 v19, v7;
	(pc) =	sbr.rel @p0 .LBB2_18-.Ltmp8, $4  }
0x27f: {  	v9 =	vadd.s32 v2, v14;
	[tilespmem:v22+s12+$0x0] =	vst.idx.add.f32.msk $0xffff, v3;
	v22 =	vcvt.f32.s32 v10  }
0x280: {  	v21 =	vmul.f32 v21, v7;
	v16 =	vadd.f32 v16, v6;
	[tilespmem:v20+s12+$0x0] =	vst.idx.add.f32.msk $0xffff, v3  }
0x281: {  	v14 =	vadd.f32 v13, v6;
	v19 =	vmul.f32 v18, v7;
	v10 =	vld [tilespmem:s20+$0x8030];
	v13 =	vadd.s32 v2, v22  }
0x282: {  	s18 =	sadd.s32 $0x400, s18;
	s19 =	sadd.s32 $0x80, s19;
	v18 =	vadd.f32 v21, v6;
	v17 =	vmul.f32 v17, v7;
	[tilespmem:v23+s12+$0x0] =	vst.idx.add.f32.msk $0xffff, v3  }
0x283: {  	_ = 	snop  }
0x284: {  	v15 =	vmul.f32 v15, v7;
	v16 =	vtrunc.f32 v16  }
0x285: {  	v11 =	vmul.f32 v11, v7;
	v14 =	vtrunc.f32 v14  }
0x286: {  	v19 =	vadd.f32 v19, v6;
	v18 =	vtrunc.f32 v18;
	v16 =	vcvt.f32.s32 v16  }
0x287: {  	[tilespmem:v12+s12+$0x0] =	vst.idx.add.f32.msk $0xffff, v3;
	v17 =	vadd.f32 v17, v6;
	v12 =	vcvt.f32.s32 v14;
	v18 =	vcvt.f32.s32 v18  }
0x288: {  	v19 =	vtrunc.f32 v19;
	v11 =	vadd.f32 v11, v6;
	v15 =	vadd.f32 v15, v6  }
0x289: {  	v17 =	vtrunc.f32 v17;
	v16 =	vadd.s32 v2, v16;
	v10 =	vmul.f32 v10, v7  }
0x28a: {  	[tilespmem:v9+s12+$0x0] =	vst.idx.add.f32.msk $0xffff, v3;
	v9 =	vcvt.f32.s32 v19;
	v12 =	vadd.s32 v2, v12;
	v17 =	vcvt.f32.s32 v17  }
0x28b: {  	[tilespmem:v8+s12+$0x0] =	vst.idx.add.f32.msk $0xffff, v3;
	v11 =	vtrunc.f32 v11;
	v8 =	vadd.s32 v2, v18;
	v10 =	vadd.f32 v10, v6  }
0x28c: {  	v15 =	vtrunc.f32 v15;
	v11 =	vcvt.f32.s32 v11;
	v9 =	vadd.s32 v2, v9  }
0x28d: {  	[tilespmem:v13+s12+$0x0] =	vst.idx.add.f32.msk $0xffff, v3;
	v13 =	vcvt.f32.s32 v15;
	v14 =	vadd.s32 v2, v17;
	v10 =	vtrunc.f32 v10  }
0x28e: {  	v11 =	vadd.s32 v2, v11;
	[tilespmem:v16+s12+$0x0] =	vst.idx.add.f32.msk $0xffff, v3;
	v10 =	vcvt.f32.s32 v10  }
0x28f: {  	v13 =	vadd.s32 v2, v13;
	[tilespmem:v12+s12+$0x0] =	vst.idx.add.f32.msk $0xffff, v3  }
0x290: {  	[tilespmem:v8+s12+$0x0] =	vst.idx.add.f32.msk $0xffff, v3;
	v8 =	vadd.s32 v2, v10  }
0x291: {  	[tilespmem:v9+s12+$0x0] =	vst.idx.add.f32.msk $0xffff, v3  }
0x292: {  	[tilespmem:v14+s12+$0x0] =	vst.idx.add.f32.msk $0xffff, v3  }
0x293: {  	[tilespmem:v11+s12+$0x0] =	vst.idx.add.f32.msk $0xffff, v3  }
0x294: {  	[tilespmem:v13+s12+$0x0] =	vst.idx.add.f32.msk $0xffff, v3  }
0x295: {  	[tilespmem:v8+s12+$0x0] =	vst.idx.add.f32.msk $0xffff, v3  }
0x296: {  	_ =	swait.ge [sflag:s10], $0x8000  }
0x297: {  	[sflag:s10] =	ssyncset.done $0x0  }
0x298: {  	s17 =	simm.s32 $0x0;
	s18 =	rddreg [dreg:$0x14];
	[sflag:s10] =	ssyncadd.s32 $0xFFFF8000  }
0x299: {  	[hbm4b:s18+s17] =	stream.linear.scatter [tilespmem:s17], [sflag:$0x3], $0x8000, $0x38;
	[tilespmem:$0x19080] =	vst v63  }
0x29a: {  	_ =	swait.ge [sflag:s15], $0x8000  }
0x29b: {  	[sflag:s15] =	ssyncset.done $0x0  }
0x29c: {  	s19 =	rddreg [dreg:$0x15];
	[sflag:s15] =	ssyncadd.s32 $0xFFFF8000  }
0x29d: {  	[tilespmem:s11], [sflag:$0x2] =	stream.linear.gather [hbm4b:s19+s17], $0x8000, $0x38;
	[tilespmem:$0x19080] =	vst v63  }
0x29e: {  	s20 =	simm.s32 $0x0;
	s19 =	sand.u32 $0x4000, s17;
	s17 =	sand.u32 $0x3C00, s17  }
0x29f: {  	s18 =	sand.u32 $0x380, s20;
	s17 =	sor.u32 s17, s19  }
0x2a0: {  	s18 =	sor.u32 s18, s17  }
0x2a1: {  	v8 =	vld [tilespmem:s18+$0x70]  }
0x2a2: {  	v9 =	vld [tilespmem:s18+$0x40]  }
0x2a3: {  	v10 =	vld [tilespmem:s18+$0x20]  }
0x2a4: {  	v11 =	vld [tilespmem:s18+$0x0]  }
0x2a5: {  	v12 =	vld [tilespmem:s18+$0x50]  }
0x2a6: {  	v13 =	vld [tilespmem:s18+$0x10]  }
0x2a7: {  	v14 =	vld [tilespmem:s18+$0x60]  }
0x2a8: {  	v15 =	vld [tilespmem:s18+$0x30]  }
0x2a9: {  	v8 =	vmul.f32 v8, v7;
	v9 =	vmul.f32 v9, v7  }
0x2aa: {  	v10 =	vmul.f32 v10, v7;
	v11 =	vmul.f32 v11, v7  }
0x2ab: {  	s21 =	simm.s32 $0x400;
	s20 =	simm.s32 $0x80;
	v12 =	vmul.f32 v12, v7;
	v13 =	vmul.f32 v13, v7;
	v8 =	vadd.f32 v8, v6  }
0x2ac: {  	s20 =	sand.u32 $0x4000, s20;
	s19 =	sand.u32 $0x3C00, s21;
	s17 =	simm.s32 $0x8;
	v14 =	vmul.f32 v14, v7;
	v9 =	vadd.f32 v9, v6;
	v11 =	vadd.f32 v11, v6  }
0x2ad: {  	s19 =	sor.u32 s19, s20;
	s22 =	sand.u32 $0x380, s17;
	v15 =	vmul.f32 v15, v7;
	v10 =	vadd.f32 v10, v6;
	v8 =	vtrunc.f32 v8  }
0x2ae: {  	s18 =	sor.u32 s22, s19;
	v12 =	vadd.f32 v12, v6;
	v9 =	vtrunc.f32 v9;
	v11 =	vtrunc.f32 v11  }
0x2af: {  	v16 =	vld [tilespmem:s18+$0x20];
	v13 =	vadd.f32 v13, v6;
	v10 =	vtrunc.f32 v10;
	v8 =	vcvt.f32.s32 v8  }
0x2b0: {  	v17 =	vld [tilespmem:s18+$0x50];
	v14 =	vadd.f32 v14, v6;
	v9 =	vcvt.f32.s32 v9;
	v11 =	vcvt.f32.s32 v11  }
0x2b1: {  	v18 =	vld [tilespmem:s18+$0x70];
	v12 =	vtrunc.f32 v12;
	v10 =	vcvt.f32.s32 v10;
	v8 =	vadd.s32 v2, v8  }
0x2b2: {  	v19 =	vld [tilespmem:s18+$0x40];
	v20 =	vadd.s32 v2, v11;
	v21 =	vadd.s32 v2, v9;
	v11 =	vtrunc.f32 v14  }
0x2b3: {  	v23 =	vld [tilespmem:s18+$0x0];
	v9 =	vcvt.f32.s32 v12;
	v12 =	vadd.f32 v15, v6;
	v11 =	vcvt.f32.s32 v11  }
0x2b4: {  	v13 =	vtrunc.f32 v13;
	v15 =	vld [tilespmem:s18+$0x10];
	v22 =	vadd.s32 v2, v10  }
0x2b5: {  	v14 =	vmul.f32 v16, v7;
	v10 =	vtrunc.f32 v12;
	v12 =	vadd.s32 v2, v11;
	v11 =	vld [tilespmem:s18+$0x60]  }
0x2b6: {  	[tilespmem:v8+s12+$0x0] =	vst.idx.add.f32.msk $0xffff, v3;
	v8 =	vadd.s32 v2, v9;
	v9 =	vcvt.f32.s32 v13  }
0x2b7: {  	v14 =	vadd.f32 v14, v6;
	v13 =	vmul.f32 v18, v7;
	[tilespmem:v20+s12+$0x0] =	vst.idx.add.f32.msk $0xffff, v3;
	v18 =	vcvt.f32.s32 v10  }
0x2b8: {  	v20 =	vmul.f32 v19, v7;
	[tilespmem:v21+s12+$0x0] =	vst.idx.add.f32.msk $0xffff, v3;
	v9 =	vadd.s32 v2, v9  }
0x2b9: {  	v10 =	vld [tilespmem:s18+$0x30];
	v19 =	vmul.f32 v17, v7;
	v16 =	vadd.f32 v13, v6;
	v13 =	vadd.s32 v2, v18  }
0x2ba: {  	s19 =	simm.s32 $0x100;
	v17 =	vmul.f32 v23, v7;
	s18 =	simm.s32 $0x800;
	[tilespmem:v22+s12+$0x0] =	vst.idx.add.f32.msk $0xffff, v3;
	v18 =	vadd.f32 v20, v6  }
.LBB2_20:
0x2bb: {  	s17 =	sadd.s32 $0x8, s17;
	s20 =	sand.u32 $0x4000, s19;
	s21 =	sand.u32 $0x3C00, s18;
	v15 =	vmul.f32 v15, v7;
	v19 =	vadd.f32 v19, v6;
	v16 =	vtrunc.f32 v16;
	[tilespmem:v12+s12+$0x0] =	vst.idx.add.f32.msk $0xffff, v3  }
0x2bc: {  	s22 =	sand.u32 $0x380, s17;
	s20 =	sor.u32 s21, s20;
	p0 =	slt.u32 s17, $0x7F8;
	v12 =	vtrunc.f32 v18;
	v16 =	vcvt.f32.s32 v16;
	[tilespmem:v8+s12+$0x0] =	vst.idx.add.f32.msk $0xffff, v3  }
0x2bd: {  	v8 =	vadd.f32 v17, v6;
	s20 =	sor.u32 s22, s20;
	v12 =	vcvt.f32.s32 v12;
	v17 =	vtrunc.f32 v19;
	[tilespmem:v9+s12+$0x0] =	vst.idx.add.f32.msk $0xffff, v3  }
0x2be: {  	v9 =	vmul.f32 v11, v7;
	v11 =	vadd.s32 v2, v16;
	[tilespmem:v13+s12+$0x0] =	vst.idx.add.f32.msk $0xffff, v3  }
0x2bf: {  	v8 =	vtrunc.f32 v8;
	v16 =	vadd.f32 v15, v6;
	v13 =	vld [tilespmem:s20+$0x20]  }
0x2c0: {  	v14 =	vtrunc.f32 v14;
	v8 =	vcvt.f32.s32 v8;
	v9 =	vadd.f32 v9, v6;
	v18 =	vld [tilespmem:s20+$0x50]  }
0x2c1: {  	v14 =	vcvt.f32.s32 v14;
	v10 =	vmul.f32 v10, v7;
	v20 =	vadd.s32 v2, v12;
	v19 =	vld [tilespmem:s20+$0x70]  }
0x2c2: {  	v22 =	vadd.s32 v2, v8;
	v8 =	vcvt.f32.s32 v17;
	v9 =	vtrunc.f32 v9;
	v21 =	vld [tilespmem:s20+$0x40]  }
0x2c3: {  	v23 =	vadd.s32 v2, v14;
	v10 =	vadd.f32 v10, v6;
	v9 =	vcvt.f32.s32 v9;
	[tilespmem:v11+s12+$0x0] =	vst.idx.add.f32.msk $0xffff, v3  }
0x2c4: {  	v11 =	vtrunc.f32 v16;
	v8 =	vadd.s32 v2, v8;
	v15 =	vld [tilespmem:s20+$0x10]  }
0x2c5: {  	v10 =	vtrunc.f32 v10;
	v14 =	vcvt.f32.s32 v11;
	v12 =	vadd.s32 v2, v9;
	v17 =	vld [tilespmem:s20+$0x0]  }
.Ltmp9:
0x2c6: {  	v13 =	vmul.f32 v13, v7;
	v11 =	vld [tilespmem:s20+$0x60];
	v16 =	vmul.f32 v19, v7;
	(pc) =	sbr.rel @p0 .LBB2_20-.Ltmp9, $4  }
0x2c7: {  	v9 =	vadd.s32 v2, v14;
	[tilespmem:v22+s12+$0x0] =	vst.idx.add.f32.msk $0xffff, v3;
	v22 =	vcvt.f32.s32 v10  }
0x2c8: {  	v21 =	vmul.f32 v21, v7;
	v16 =	vadd.f32 v16, v6;
	[tilespmem:v20+s12+$0x0] =	vst.idx.add.f32.msk $0xffff, v3  }
0x2c9: {  	v14 =	vadd.f32 v13, v6;
	v19 =	vmul.f32 v18, v7;
	v10 =	vld [tilespmem:s20+$0x30];
	v13 =	vadd.s32 v2, v22  }
0x2ca: {  	s18 =	sadd.s32 $0x400, s18;
	s19 =	sadd.s32 $0x80, s19;
	v18 =	vadd.f32 v21, v6;
	v17 =	vmul.f32 v17, v7;
	[tilespmem:v23+s12+$0x0] =	vst.idx.add.f32.msk $0xffff, v3  }
0x2cb: {  	_ = 	snop  }
0x2cc: {  	v15 =	vmul.f32 v15, v7;
	v16 =	vtrunc.f32 v16  }
0x2cd: {  	v11 =	vmul.f32 v11, v7;
	v14 =	vtrunc.f32 v14  }
0x2ce: {  	v19 =	vadd.f32 v19, v6;
	v18 =	vtrunc.f32 v18;
	v16 =	vcvt.f32.s32 v16  }
0x2cf: {  	[tilespmem:v12+s12+$0x0] =	vst.idx.add.f32.msk $0xffff, v3;
	v17 =	vadd.f32 v17, v6;
	v12 =	vcvt.f32.s32 v14;
	v18 =	vcvt.f32.s32 v18  }
0x2d0: {  	v19 =	vtrunc.f32 v19;
	v11 =	vadd.f32 v11, v6;
	v15 =	vadd.f32 v15, v6  }
0x2d1: {  	v17 =	vtrunc.f32 v17;
	v16 =	vadd.s32 v2, v16;
	v10 =	vmul.f32 v10, v7  }
0x2d2: {  	[tilespmem:v9+s12+$0x0] =	vst.idx.add.f32.msk $0xffff, v3;
	v9 =	vcvt.f32.s32 v19;
	v12 =	vadd.s32 v2, v12;
	v17 =	vcvt.f32.s32 v17  }
0x2d3: {  	[tilespmem:v8+s12+$0x0] =	vst.idx.add.f32.msk $0xffff, v3;
	v11 =	vtrunc.f32 v11;
	v8 =	vadd.s32 v2, v18;
	v10 =	vadd.f32 v10, v6  }
0x2d4: {  	v15 =	vtrunc.f32 v15;
	v11 =	vcvt.f32.s32 v11;
	v9 =	vadd.s32 v2, v9  }
0x2d5: {  	[tilespmem:v13+s12+$0x0] =	vst.idx.add.f32.msk $0xffff, v3;
	v13 =	vcvt.f32.s32 v15;
	v14 =	vadd.s32 v2, v17;
	v10 =	vtrunc.f32 v10  }
0x2d6: {  	v11 =	vadd.s32 v2, v11;
	[tilespmem:v16+s12+$0x0] =	vst.idx.add.f32.msk $0xffff, v3;
	v10 =	vcvt.f32.s32 v10  }
0x2d7: {  	v13 =	vadd.s32 v2, v13;
	[tilespmem:v12+s12+$0x0] =	vst.idx.add.f32.msk $0xffff, v3  }
0x2d8: {  	[tilespmem:v8+s12+$0x0] =	vst.idx.add.f32.msk $0xffff, v3;
	v8 =	vadd.s32 v2, v10  }
0x2d9: {  	[tilespmem:v9+s12+$0x0] =	vst.idx.add.f32.msk $0xffff, v3  }
0x2da: {  	[tilespmem:v14+s12+$0x0] =	vst.idx.add.f32.msk $0xffff, v3  }
0x2db: {  	[tilespmem:v11+s12+$0x0] =	vst.idx.add.f32.msk $0xffff, v3  }
0x2dc: {  	[tilespmem:v13+s12+$0x0] =	vst.idx.add.f32.msk $0xffff, v3  }
0x2dd: {  	[tilespmem:v8+s12+$0x0] =	vst.idx.add.f32.msk $0xffff, v3  }
0x2de: {  	_ =	swait.ge [sflag:s13], $0x8000  }
0x2df: {  	[sflag:s13] =	ssyncset.done $0x0  }
0x2e0: {  	s17 =	simm.s32 $0x0;
	s18 =	rddreg [dreg:$0x16];
	[sflag:s13] =	ssyncadd.s32 $0xFFFF8000  }
0x2e1: {  	[hbm4b:s18+s17] =	stream.linear.scatter [tilespmem:s11], [sflag:$0x4], $0x8000, $0x38;
	[tilespmem:$0x19080] =	vst v63  }
0x2e2: {  	_ =	swait.ge [sflag:s14], $0x8000  }
0x2e3: {  	[sflag:s14] =	ssyncset.done $0x0  }
0x2e4: {  	s19 =	rddreg [dreg:$0x17];
	[sflag:s14] =	ssyncadd.s32 $0xFFFF8000  }
0x2e5: {  	[tilespmem:s17], [sflag:$0x1] =	stream.linear.gather [hbm4b:s19+s17], $0x8000, $0x38;
	[tilespmem:$0x19080] =	vst v63  }
0x2e6: {  	s20 =	simm.s32 $0x0;
	s19 =	sand.u32 $0x4000, s17;
	s17 =	sand.u32 $0x3C00, s17  }
0x2e7: {  	s18 =	sand.u32 $0x380, s20;
	s17 =	sor.u32 s17, s19  }
0x2e8: {  	s18 =	sor.u32 s18, s17  }
0x2e9: {  	v8 =	vld [tilespmem:s18+$0x8070]  }
0x2ea: {  	v9 =	vld [tilespmem:s18+$0x8040]  }
0x2eb: {  	v10 =	vld [tilespmem:s18+$0x8020]  }
0x2ec: {  	v11 =	vld [tilespmem:s18+$0x8000]  }
0x2ed: {  	v12 =	vld [tilespmem:s18+$0x8050]  }
0x2ee: {  	v13 =	vld [tilespmem:s18+$0x8010]  }
0x2ef: {  	v14 =	vld [tilespmem:s18+$0x8060]  }
0x2f0: {  	v15 =	vld [tilespmem:s18+$0x8030]  }
0x2f1: {  	v8 =	vmul.f32 v8, v7;
	v9 =	vmul.f32 v9, v7  }
0x2f2: {  	v10 =	vmul.f32 v10, v7;
	v11 =	vmul.f32 v11, v7  }
0x2f3: {  	s21 =	simm.s32 $0x400;
	s20 =	simm.s32 $0x80;
	v12 =	vmul.f32 v12, v7;
	v13 =	vmul.f32 v13, v7;
	v8 =	vadd.f32 v8, v6  }
0x2f4: {  	s20 =	sand.u32 $0x4000, s20;
	s19 =	sand.u32 $0x3C00, s21;
	s17 =	simm.s32 $0x8;
	v14 =	vmul.f32 v14, v7;
	v9 =	vadd.f32 v9, v6;
	v11 =	vadd.f32 v11, v6  }
0x2f5: {  	s19 =	sor.u32 s19, s20;
	s22 =	sand.u32 $0x380, s17;
	v15 =	vmul.f32 v15, v7;
	v10 =	vadd.f32 v10, v6;
	v8 =	vtrunc.f32 v8  }
0x2f6: {  	s18 =	sor.u32 s22, s19;
	v12 =	vadd.f32 v12, v6;
	v9 =	vtrunc.f32 v9;
	v11 =	vtrunc.f32 v11  }
0x2f7: {  	v16 =	vld [tilespmem:s18+$0x8020];
	v13 =	vadd.f32 v13, v6;
	v10 =	vtrunc.f32 v10;
	v8 =	vcvt.f32.s32 v8  }
0x2f8: {  	v17 =	vld [tilespmem:s18+$0x8050];
	v14 =	vadd.f32 v14, v6;
	v9 =	vcvt.f32.s32 v9;
	v11 =	vcvt.f32.s32 v11  }
0x2f9: {  	v18 =	vld [tilespmem:s18+$0x8070];
	v12 =	vtrunc.f32 v12;
	v10 =	vcvt.f32.s32 v10;
	v8 =	vadd.s32 v2, v8  }
0x2fa: {  	v19 =	vld [tilespmem:s18+$0x8040];
	v20 =	vadd.s32 v2, v11;
	v21 =	vadd.s32 v2, v9;
	v11 =	vtrunc.f32 v14  }
0x2fb: {  	v23 =	vld [tilespmem:s18+$0x8000];
	v9 =	vcvt.f32.s32 v12;
	v12 =	vadd.f32 v15, v6;
	v11 =	vcvt.f32.s32 v11  }
0x2fc: {  	v13 =	vtrunc.f32 v13;
	v15 =	vld [tilespmem:s18+$0x8010];
	v22 =	vadd.s32 v2, v10  }
0x2fd: {  	v14 =	vmul.f32 v16, v7;
	v10 =	vtrunc.f32 v12;
	v12 =	vadd.s32 v2, v11;
	v11 =	vld [tilespmem:s18+$0x8060]  }
0x2fe: {  	[tilespmem:v8+s12+$0x0] =	vst.idx.add.f32.msk $0xffff, v3;
	v8 =	vadd.s32 v2, v9;
	v9 =	vcvt.f32.s32 v13  }
0x2ff: {  	v14 =	vadd.f32 v14, v6;
	v13 =	vmul.f32 v18, v7;
	[tilespmem:v20+s12+$0x0] =	vst.idx.add.f32.msk $0xffff, v3;
	v18 =	vcvt.f32.s32 v10  }
0x300: {  	v20 =	vmul.f32 v19, v7;
	[tilespmem:v21+s12+$0x0] =	vst.idx.add.f32.msk $0xffff, v3;
	v9 =	vadd.s32 v2, v9  }
0x301: {  	v10 =	vld [tilespmem:s18+$0x8030];
	v19 =	vmul.f32 v17, v7;
	v16 =	vadd.f32 v13, v6;
	v13 =	vadd.s32 v2, v18  }
0x302: {  	s19 =	simm.s32 $0x100;
	v17 =	vmul.f32 v23, v7;
	s18 =	simm.s32 $0x800;
	[tilespmem:v22+s12+$0x0] =	vst.idx.add.f32.msk $0xffff, v3;
	v18 =	vadd.f32 v20, v6  }
.LBB2_22:
0x303: {  	s17 =	sadd.s32 $0x8, s17;
	s20 =	sand.u32 $0x4000, s19;
	s21 =	sand.u32 $0x3C00, s18;
	v15 =	vmul.f32 v15, v7;
	v19 =	vadd.f32 v19, v6;
	v16 =	vtrunc.f32 v16;
	[tilespmem:v12+s12+$0x0] =	vst.idx.add.f32.msk $0xffff, v3  }
0x304: {  	s22 =	sand.u32 $0x380, s17;
	s20 =	sor.u32 s21, s20;
	p0 =	slt.u32 s17, $0x7F8;
	v12 =	vtrunc.f32 v18;
	v16 =	vcvt.f32.s32 v16;
	[tilespmem:v8+s12+$0x0] =	vst.idx.add.f32.msk $0xffff, v3  }
0x305: {  	v8 =	vadd.f32 v17, v6;
	s20 =	sor.u32 s22, s20;
	v12 =	vcvt.f32.s32 v12;
	v17 =	vtrunc.f32 v19;
	[tilespmem:v9+s12+$0x0] =	vst.idx.add.f32.msk $0xffff, v3  }
0x306: {  	v9 =	vmul.f32 v11, v7;
	v11 =	vadd.s32 v2, v16;
	[tilespmem:v13+s12+$0x0] =	vst.idx.add.f32.msk $0xffff, v3  }
0x307: {  	v8 =	vtrunc.f32 v8;
	v16 =	vadd.f32 v15, v6;
	v13 =	vld [tilespmem:s20+$0x8020]  }
0x308: {  	v14 =	vtrunc.f32 v14;
	v8 =	vcvt.f32.s32 v8;
	v9 =	vadd.f32 v9, v6;
	v18 =	vld [tilespmem:s20+$0x8050]  }
0x309: {  	v14 =	vcvt.f32.s32 v14;
	v10 =	vmul.f32 v10, v7;
	v20 =	vadd.s32 v2, v12;
	v19 =	vld [tilespmem:s20+$0x8070]  }
0x30a: {  	v22 =	vadd.s32 v2, v8;
	v8 =	vcvt.f32.s32 v17;
	v9 =	vtrunc.f32 v9;
	v21 =	vld [tilespmem:s20+$0x8040]  }
0x30b: {  	v23 =	vadd.s32 v2, v14;
	v10 =	vadd.f32 v10, v6;
	v9 =	vcvt.f32.s32 v9;
	[tilespmem:v11+s12+$0x0] =	vst.idx.add.f32.msk $0xffff, v3  }
0x30c: {  	v11 =	vtrunc.f32 v16;
	v8 =	vadd.s32 v2, v8;
	v15 =	vld [tilespmem:s20+$0x8010]  }
0x30d: {  	v10 =	vtrunc.f32 v10;
	v14 =	vcvt.f32.s32 v11;
	v12 =	vadd.s32 v2, v9;
	v17 =	vld [tilespmem:s20+$0x8000]  }
.Ltmp10:
0x30e: {  	v13 =	vmul.f32 v13, v7;
	v11 =	vld [tilespmem:s20+$0x8060];
	v16 =	vmul.f32 v19, v7;
	(pc) =	sbr.rel @p0 .LBB2_22-.Ltmp10, $4  }
0x30f: {  	v9 =	vadd.s32 v2, v14;
	[tilespmem:v22+s12+$0x0] =	vst.idx.add.f32.msk $0xffff, v3;
	v22 =	vcvt.f32.s32 v10  }
0x310: {  	v21 =	vmul.f32 v21, v7;
	v16 =	vadd.f32 v16, v6;
	[tilespmem:v20+s12+$0x0] =	vst.idx.add.f32.msk $0xffff, v3  }
0x311: {  	v14 =	vadd.f32 v13, v6;
	v19 =	vmul.f32 v18, v7;
	v10 =	vld [tilespmem:s20+$0x8030];
	v13 =	vadd.s32 v2, v22  }
0x312: {  	s18 =	sadd.s32 $0x400, s18;
	s19 =	sadd.s32 $0x80, s19;
	v18 =	vadd.f32 v21, v6;
	v17 =	vmul.f32 v17, v7;
	[tilespmem:v23+s12+$0x0] =	vst.idx.add.f32.msk $0xffff, v3  }
0x313: {  	_ = 	snop  }
0x314: {  	v15 =	vmul.f32 v15, v7;
	v16 =	vtrunc.f32 v16  }
0x315: {  	v11 =	vmul.f32 v11, v7;
	v14 =	vtrunc.f32 v14  }
0x316: {  	v19 =	vadd.f32 v19, v6;
	v18 =	vtrunc.f32 v18;
	v16 =	vcvt.f32.s32 v16  }
0x317: {  	[tilespmem:v12+s12+$0x0] =	vst.idx.add.f32.msk $0xffff, v3;
	v17 =	vadd.f32 v17, v6;
	v12 =	vcvt.f32.s32 v14;
	v18 =	vcvt.f32.s32 v18  }
0x318: {  	v19 =	vtrunc.f32 v19;
	v11 =	vadd.f32 v11, v6;
	v15 =	vadd.f32 v15, v6  }
0x319: {  	v17 =	vtrunc.f32 v17;
	v16 =	vadd.s32 v2, v16;
	v10 =	vmul.f32 v10, v7  }
0x31a: {  	[tilespmem:v9+s12+$0x0] =	vst.idx.add.f32.msk $0xffff, v3;
	v9 =	vcvt.f32.s32 v19;
	v12 =	vadd.s32 v2, v12;
	v17 =	vcvt.f32.s32 v17  }
0x31b: {  	[tilespmem:v8+s12+$0x0] =	vst.idx.add.f32.msk $0xffff, v3;
	v11 =	vtrunc.f32 v11;
	v8 =	vadd.s32 v2, v18;
	v10 =	vadd.f32 v10, v6  }
0x31c: {  	v15 =	vtrunc.f32 v15;
	v11 =	vcvt.f32.s32 v11;
	v9 =	vadd.s32 v2, v9  }
0x31d: {  	[tilespmem:v13+s12+$0x0] =	vst.idx.add.f32.msk $0xffff, v3;
	v13 =	vcvt.f32.s32 v15;
	v14 =	vadd.s32 v2, v17;
	v10 =	vtrunc.f32 v10  }
0x31e: {  	v11 =	vadd.s32 v2, v11;
	[tilespmem:v16+s12+$0x0] =	vst.idx.add.f32.msk $0xffff, v3;
	v10 =	vcvt.f32.s32 v10  }
0x31f: {  	v13 =	vadd.s32 v2, v13;
	[tilespmem:v12+s12+$0x0] =	vst.idx.add.f32.msk $0xffff, v3  }
0x320: {  	[tilespmem:v8+s12+$0x0] =	vst.idx.add.f32.msk $0xffff, v3;
	v8 =	vadd.s32 v2, v10  }
0x321: {  	[tilespmem:v9+s12+$0x0] =	vst.idx.add.f32.msk $0xffff, v3  }
0x322: {  	[tilespmem:v14+s12+$0x0] =	vst.idx.add.f32.msk $0xffff, v3  }
0x323: {  	[tilespmem:v11+s12+$0x0] =	vst.idx.add.f32.msk $0xffff, v3  }
0x324: {  	[tilespmem:v13+s12+$0x0] =	vst.idx.add.f32.msk $0xffff, v3  }
0x325: {  	[tilespmem:v8+s12+$0x0] =	vst.idx.add.f32.msk $0xffff, v3  }
0x326: {  	_ =	swait.ge [sflag:s10], $0x8000  }
0x327: {  	[sflag:s10] =	ssyncset.done $0x0  }
0x328: {  	s17 =	simm.s32 $0x0;
	s18 =	rddreg [dreg:$0x18];
	[sflag:s10] =	ssyncadd.s32 $0xFFFF8000  }
0x329: {  	[hbm4b:s18+s17] =	stream.linear.scatter [tilespmem:s17], [sflag:$0x3], $0x8000, $0x38;
	[tilespmem:$0x19080] =	vst v63  }
0x32a: {  	_ =	swait.ge [sflag:s15], $0x8000  }
0x32b: {  	[sflag:s15] =	ssyncset.done $0x0  }
0x32c: {  	s19 =	rddreg [dreg:$0x19];
	[sflag:s15] =	ssyncadd.s32 $0xFFFF8000  }
0x32d: {  	[tilespmem:s11], [sflag:$0x2] =	stream.linear.gather [hbm4b:s19+s17], $0x8000, $0x38;
	[tilespmem:$0x19080] =	vst v63  }
0x32e: {  	s20 =	simm.s32 $0x0;
	s19 =	sand.u32 $0x4000, s17;
	s17 =	sand.u32 $0x3C00, s17  }
0x32f: {  	s18 =	sand.u32 $0x380, s20;
	s17 =	sor.u32 s17, s19  }
0x330: {  	s18 =	sor.u32 s18, s17  }
0x331: {  	v8 =	vld [tilespmem:s18+$0x70]  }
0x332: {  	v9 =	vld [tilespmem:s18+$0x40]  }
0x333: {  	v10 =	vld [tilespmem:s18+$0x20]  }
0x334: {  	v11 =	vld [tilespmem:s18+$0x0]  }
0x335: {  	v12 =	vld [tilespmem:s18+$0x50]  }
0x336: {  	v13 =	vld [tilespmem:s18+$0x10]  }
0x337: {  	v14 =	vld [tilespmem:s18+$0x60]  }
0x338: {  	v15 =	vld [tilespmem:s18+$0x30]  }
0x339: {  	v8 =	vmul.f32 v8, v7;
	v9 =	vmul.f32 v9, v7  }
0x33a: {  	v10 =	vmul.f32 v10, v7;
	v11 =	vmul.f32 v11, v7  }
0x33b: {  	s21 =	simm.s32 $0x400;
	s20 =	simm.s32 $0x80;
	v12 =	vmul.f32 v12, v7;
	v13 =	vmul.f32 v13, v7;
	v8 =	vadd.f32 v8, v6  }
0x33c: {  	s20 =	sand.u32 $0x4000, s20;
	s19 =	sand.u32 $0x3C00, s21;
	s17 =	simm.s32 $0x8;
	v14 =	vmul.f32 v14, v7;
	v9 =	vadd.f32 v9, v6;
	v11 =	vadd.f32 v11, v6  }
0x33d: {  	s19 =	sor.u32 s19, s20;
	s22 =	sand.u32 $0x380, s17;
	v15 =	vmul.f32 v15, v7;
	v10 =	vadd.f32 v10, v6;
	v8 =	vtrunc.f32 v8  }
0x33e: {  	s18 =	sor.u32 s22, s19;
	v12 =	vadd.f32 v12, v6;
	v9 =	vtrunc.f32 v9;
	v11 =	vtrunc.f32 v11  }
0x33f: {  	v16 =	vld [tilespmem:s18+$0x20];
	v13 =	vadd.f32 v13, v6;
	v10 =	vtrunc.f32 v10;
	v8 =	vcvt.f32.s32 v8  }
0x340: {  	v17 =	vld [tilespmem:s18+$0x50];
	v14 =	vadd.f32 v14, v6;
	v9 =	vcvt.f32.s32 v9;
	v11 =	vcvt.f32.s32 v11  }
0x341: {  	v18 =	vld [tilespmem:s18+$0x70];
	v12 =	vtrunc.f32 v12;
	v10 =	vcvt.f32.s32 v10;
	v8 =	vadd.s32 v2, v8  }
0x342: {  	v19 =	vld [tilespmem:s18+$0x40];
	v20 =	vadd.s32 v2, v11;
	v21 =	vadd.s32 v2, v9;
	v11 =	vtrunc.f32 v14  }
0x343: {  	v23 =	vld [tilespmem:s18+$0x0];
	v9 =	vcvt.f32.s32 v12;
	v12 =	vadd.f32 v15, v6;
	v11 =	vcvt.f32.s32 v11  }
0x344: {  	v13 =	vtrunc.f32 v13;
	v15 =	vld [tilespmem:s18+$0x10];
	v22 =	vadd.s32 v2, v10  }
0x345: {  	v14 =	vmul.f32 v16, v7;
	v10 =	vtrunc.f32 v12;
	v12 =	vadd.s32 v2, v11;
	v11 =	vld [tilespmem:s18+$0x60]  }
0x346: {  	[tilespmem:v8+s12+$0x0] =	vst.idx.add.f32.msk $0xffff, v3;
	v8 =	vadd.s32 v2, v9;
	v9 =	vcvt.f32.s32 v13  }
0x347: {  	v14 =	vadd.f32 v14, v6;
	v13 =	vmul.f32 v18, v7;
	[tilespmem:v20+s12+$0x0] =	vst.idx.add.f32.msk $0xffff, v3;
	v18 =	vcvt.f32.s32 v10  }
0x348: {  	v20 =	vmul.f32 v19, v7;
	[tilespmem:v21+s12+$0x0] =	vst.idx.add.f32.msk $0xffff, v3;
	v9 =	vadd.s32 v2, v9  }
0x349: {  	v10 =	vld [tilespmem:s18+$0x30];
	v19 =	vmul.f32 v17, v7;
	v16 =	vadd.f32 v13, v6;
	v13 =	vadd.s32 v2, v18  }
0x34a: {  	s19 =	simm.s32 $0x100;
	v17 =	vmul.f32 v23, v7;
	s18 =	simm.s32 $0x800;
	[tilespmem:v22+s12+$0x0] =	vst.idx.add.f32.msk $0xffff, v3;
	v18 =	vadd.f32 v20, v6  }
.LBB2_24:
0x34b: {  	s17 =	sadd.s32 $0x8, s17;
	s20 =	sand.u32 $0x4000, s19;
	s21 =	sand.u32 $0x3C00, s18;
	v15 =	vmul.f32 v15, v7;
	v19 =	vadd.f32 v19, v6;
	v16 =	vtrunc.f32 v16;
	[tilespmem:v12+s12+$0x0] =	vst.idx.add.f32.msk $0xffff, v3  }
0x34c: {  	s22 =	sand.u32 $0x380, s17;
	s20 =	sor.u32 s21, s20;
	p0 =	slt.u32 s17, $0x7F8;
	v12 =	vtrunc.f32 v18;
	v16 =	vcvt.f32.s32 v16;
	[tilespmem:v8+s12+$0x0] =	vst.idx.add.f32.msk $0xffff, v3  }
0x34d: {  	v8 =	vadd.f32 v17, v6;
	s20 =	sor.u32 s22, s20;
	v12 =	vcvt.f32.s32 v12;
	v17 =	vtrunc.f32 v19;
	[tilespmem:v9+s12+$0x0] =	vst.idx.add.f32.msk $0xffff, v3  }
0x34e: {  	v9 =	vmul.f32 v11, v7;
	v11 =	vadd.s32 v2, v16;
	[tilespmem:v13+s12+$0x0] =	vst.idx.add.f32.msk $0xffff, v3  }
0x34f: {  	v8 =	vtrunc.f32 v8;
	v16 =	vadd.f32 v15, v6;
	v13 =	vld [tilespmem:s20+$0x20]  }
0x350: {  	v14 =	vtrunc.f32 v14;
	v8 =	vcvt.f32.s32 v8;
	v9 =	vadd.f32 v9, v6;
	v18 =	vld [tilespmem:s20+$0x50]  }
0x351: {  	v14 =	vcvt.f32.s32 v14;
	v10 =	vmul.f32 v10, v7;
	v20 =	vadd.s32 v2, v12;
	v19 =	vld [tilespmem:s20+$0x70]  }
0x352: {  	v22 =	vadd.s32 v2, v8;
	v8 =	vcvt.f32.s32 v17;
	v9 =	vtrunc.f32 v9;
	v21 =	vld [tilespmem:s20+$0x40]  }
0x353: {  	v23 =	vadd.s32 v2, v14;
	v10 =	vadd.f32 v10, v6;
	v9 =	vcvt.f32.s32 v9;
	[tilespmem:v11+s12+$0x0] =	vst.idx.add.f32.msk $0xffff, v3  }
0x354: {  	v11 =	vtrunc.f32 v16;
	v8 =	vadd.s32 v2, v8;
	v15 =	vld [tilespmem:s20+$0x10]  }
0x355: {  	v10 =	vtrunc.f32 v10;
	v14 =	vcvt.f32.s32 v11;
	v12 =	vadd.s32 v2, v9;
	v17 =	vld [tilespmem:s20+$0x0]  }
.Ltmp11:
0x356: {  	v13 =	vmul.f32 v13, v7;
	v11 =	vld [tilespmem:s20+$0x60];
	v16 =	vmul.f32 v19, v7;
	(pc) =	sbr.rel @p0 .LBB2_24-.Ltmp11, $4  }
0x357: {  	v9 =	vadd.s32 v2, v14;
	[tilespmem:v22+s12+$0x0] =	vst.idx.add.f32.msk $0xffff, v3;
	v22 =	vcvt.f32.s32 v10  }
0x358: {  	v21 =	vmul.f32 v21, v7;
	v16 =	vadd.f32 v16, v6;
	[tilespmem:v20+s12+$0x0] =	vst.idx.add.f32.msk $0xffff, v3  }
0x359: {  	v14 =	vadd.f32 v13, v6;
	v19 =	vmul.f32 v18, v7;
	v10 =	vld [tilespmem:s20+$0x30];
	v13 =	vadd.s32 v2, v22  }
0x35a: {  	s18 =	sadd.s32 $0x400, s18;
	s19 =	sadd.s32 $0x80, s19;
	v18 =	vadd.f32 v21, v6;
	v17 =	vmul.f32 v17, v7;
	[tilespmem:v23+s12+$0x0] =	vst.idx.add.f32.msk $0xffff, v3  }
0x35b: {  	_ = 	snop  }
0x35c: {  	v15 =	vmul.f32 v15, v7;
	v16 =	vtrunc.f32 v16  }
0x35d: {  	v11 =	vmul.f32 v11, v7;
	v14 =	vtrunc.f32 v14  }
0x35e: {  	v19 =	vadd.f32 v19, v6;
	v18 =	vtrunc.f32 v18;
	v16 =	vcvt.f32.s32 v16  }
0x35f: {  	[tilespmem:v12+s12+$0x0] =	vst.idx.add.f32.msk $0xffff, v3;
	v17 =	vadd.f32 v17, v6;
	v12 =	vcvt.f32.s32 v14;
	v18 =	vcvt.f32.s32 v18  }
0x360: {  	v19 =	vtrunc.f32 v19;
	v11 =	vadd.f32 v11, v6;
	v15 =	vadd.f32 v15, v6  }
0x361: {  	v17 =	vtrunc.f32 v17;
	v16 =	vadd.s32 v2, v16;
	v10 =	vmul.f32 v10, v7  }
0x362: {  	[tilespmem:v9+s12+$0x0] =	vst.idx.add.f32.msk $0xffff, v3;
	v9 =	vcvt.f32.s32 v19;
	v12 =	vadd.s32 v2, v12;
	v17 =	vcvt.f32.s32 v17  }
0x363: {  	[tilespmem:v8+s12+$0x0] =	vst.idx.add.f32.msk $0xffff, v3;
	v11 =	vtrunc.f32 v11;
	v8 =	vadd.s32 v2, v18;
	v10 =	vadd.f32 v10, v6  }
0x364: {  	v15 =	vtrunc.f32 v15;
	v11 =	vcvt.f32.s32 v11;
	v9 =	vadd.s32 v2, v9  }
0x365: {  	[tilespmem:v13+s12+$0x0] =	vst.idx.add.f32.msk $0xffff, v3;
	v13 =	vcvt.f32.s32 v15;
	v14 =	vadd.s32 v2, v17;
	v10 =	vtrunc.f32 v10  }
0x366: {  	v11 =	vadd.s32 v2, v11;
	[tilespmem:v16+s12+$0x0] =	vst.idx.add.f32.msk $0xffff, v3;
	v10 =	vcvt.f32.s32 v10  }
0x367: {  	v13 =	vadd.s32 v2, v13;
	[tilespmem:v12+s12+$0x0] =	vst.idx.add.f32.msk $0xffff, v3  }
0x368: {  	[tilespmem:v8+s12+$0x0] =	vst.idx.add.f32.msk $0xffff, v3;
	v8 =	vadd.s32 v2, v10  }
0x369: {  	[tilespmem:v9+s12+$0x0] =	vst.idx.add.f32.msk $0xffff, v3  }
0x36a: {  	[tilespmem:v14+s12+$0x0] =	vst.idx.add.f32.msk $0xffff, v3  }
0x36b: {  	[tilespmem:v11+s12+$0x0] =	vst.idx.add.f32.msk $0xffff, v3  }
0x36c: {  	[tilespmem:v13+s12+$0x0] =	vst.idx.add.f32.msk $0xffff, v3  }
0x36d: {  	[tilespmem:v8+s12+$0x0] =	vst.idx.add.f32.msk $0xffff, v3  }
0x36e: {  	_ =	swait.ge [sflag:s13], $0x8000  }
0x36f: {  	[sflag:s13] =	ssyncset.done $0x0  }
0x370: {  	s17 =	simm.s32 $0x0;
	s18 =	rddreg [dreg:$0x1a];
	[sflag:s13] =	ssyncadd.s32 $0xFFFF8000  }
0x371: {  	[hbm4b:s18+s17] =	stream.linear.scatter [tilespmem:s11], [sflag:$0x4], $0x8000, $0x38;
	[tilespmem:$0x19080] =	vst v63  }
0x372: {  	_ =	swait.ge [sflag:s14], $0x8000  }
0x373: {  	[sflag:s14] =	ssyncset.done $0x0  }
0x374: {  	s19 =	rddreg [dreg:$0x1b];
	[sflag:s14] =	ssyncadd.s32 $0xFFFF8000  }
0x375: {  	[tilespmem:s17], [sflag:$0x1] =	stream.linear.gather [hbm4b:s19+s17], $0x8000, $0x38;
	[tilespmem:$0x19080] =	vst v63  }
0x376: {  	s20 =	simm.s32 $0x0;
	s19 =	sand.u32 $0x4000, s17;
	s17 =	sand.u32 $0x3C00, s17  }
0x377: {  	s18 =	sand.u32 $0x380, s20;
	s17 =	sor.u32 s17, s19  }
0x378: {  	s18 =	sor.u32 s18, s17  }
0x379: {  	v8 =	vld [tilespmem:s18+$0x8070]  }
0x37a: {  	v9 =	vld [tilespmem:s18+$0x8040]  }
0x37b: {  	v10 =	vld [tilespmem:s18+$0x8020]  }
0x37c: {  	v11 =	vld [tilespmem:s18+$0x8000]  }
0x37d: {  	v12 =	vld [tilespmem:s18+$0x8050]  }
0x37e: {  	v13 =	vld [tilespmem:s18+$0x8010]  }
0x37f: {  	v14 =	vld [tilespmem:s18+$0x8060]  }
0x380: {  	v15 =	vld [tilespmem:s18+$0x8030]  }
0x381: {  	v8 =	vmul.f32 v8, v7;
	v9 =	vmul.f32 v9, v7  }
0x382: {  	v10 =	vmul.f32 v10, v7;
	v11 =	vmul.f32 v11, v7  }
0x383: {  	s21 =	simm.s32 $0x400;
	s20 =	simm.s32 $0x80;
	v12 =	vmul.f32 v12, v7;
	v13 =	vmul.f32 v13, v7;
	v8 =	vadd.f32 v8, v6  }
0x384: {  	s20 =	sand.u32 $0x4000, s20;
	s19 =	sand.u32 $0x3C00, s21;
	s17 =	simm.s32 $0x8;
	v14 =	vmul.f32 v14, v7;
	v9 =	vadd.f32 v9, v6;
	v11 =	vadd.f32 v11, v6  }
0x385: {  	s19 =	sor.u32 s19, s20;
	s22 =	sand.u32 $0x380, s17;
	v15 =	vmul.f32 v15, v7;
	v10 =	vadd.f32 v10, v6;
	v8 =	vtrunc.f32 v8  }
0x386: {  	s18 =	sor.u32 s22, s19;
	v12 =	vadd.f32 v12, v6;
	v9 =	vtrunc.f32 v9;
	v11 =	vtrunc.f32 v11  }
0x387: {  	v16 =	vld [tilespmem:s18+$0x8020];
	v13 =	vadd.f32 v13, v6;
	v10 =	vtrunc.f32 v10;
	v8 =	vcvt.f32.s32 v8  }
0x388: {  	v17 =	vld [tilespmem:s18+$0x8050];
	v14 =	vadd.f32 v14, v6;
	v9 =	vcvt.f32.s32 v9;
	v11 =	vcvt.f32.s32 v11  }
0x389: {  	v18 =	vld [tilespmem:s18+$0x8070];
	v12 =	vtrunc.f32 v12;
	v10 =	vcvt.f32.s32 v10;
	v8 =	vadd.s32 v2, v8  }
0x38a: {  	v19 =	vld [tilespmem:s18+$0x8040];
	v20 =	vadd.s32 v2, v11;
	v21 =	vadd.s32 v2, v9;
	v11 =	vtrunc.f32 v14  }
0x38b: {  	v23 =	vld [tilespmem:s18+$0x8000];
	v9 =	vcvt.f32.s32 v12;
	v12 =	vadd.f32 v15, v6;
	v11 =	vcvt.f32.s32 v11  }
0x38c: {  	v13 =	vtrunc.f32 v13;
	v15 =	vld [tilespmem:s18+$0x8010];
	v22 =	vadd.s32 v2, v10  }
0x38d: {  	v14 =	vmul.f32 v16, v7;
	v10 =	vtrunc.f32 v12;
	v12 =	vadd.s32 v2, v11;
	v11 =	vld [tilespmem:s18+$0x8060]  }
0x38e: {  	[tilespmem:v8+s12+$0x0] =	vst.idx.add.f32.msk $0xffff, v3;
	v8 =	vadd.s32 v2, v9;
	v9 =	vcvt.f32.s32 v13  }
0x38f: {  	v14 =	vadd.f32 v14, v6;
	v13 =	vmul.f32 v18, v7;
	[tilespmem:v20+s12+$0x0] =	vst.idx.add.f32.msk $0xffff, v3;
	v18 =	vcvt.f32.s32 v10  }
0x390: {  	v20 =	vmul.f32 v19, v7;
	[tilespmem:v21+s12+$0x0] =	vst.idx.add.f32.msk $0xffff, v3;
	v9 =	vadd.s32 v2, v9  }
0x391: {  	v10 =	vld [tilespmem:s18+$0x8030];
	v19 =	vmul.f32 v17, v7;
	v16 =	vadd.f32 v13, v6;
	v13 =	vadd.s32 v2, v18  }
0x392: {  	s19 =	simm.s32 $0x100;
	v17 =	vmul.f32 v23, v7;
	s18 =	simm.s32 $0x800;
	[tilespmem:v22+s12+$0x0] =	vst.idx.add.f32.msk $0xffff, v3;
	v18 =	vadd.f32 v20, v6  }
.LBB2_26:
0x393: {  	s17 =	sadd.s32 $0x8, s17;
	s20 =	sand.u32 $0x4000, s19;
	s21 =	sand.u32 $0x3C00, s18;
	v15 =	vmul.f32 v15, v7;
	v19 =	vadd.f32 v19, v6;
	v16 =	vtrunc.f32 v16;
	[tilespmem:v12+s12+$0x0] =	vst.idx.add.f32.msk $0xffff, v3  }
0x394: {  	s22 =	sand.u32 $0x380, s17;
	s20 =	sor.u32 s21, s20;
	p0 =	slt.u32 s17, $0x7F8;
	v12 =	vtrunc.f32 v18;
	v16 =	vcvt.f32.s32 v16;
	[tilespmem:v8+s12+$0x0] =	vst.idx.add.f32.msk $0xffff, v3  }
0x395: {  	v8 =	vadd.f32 v17, v6;
	s20 =	sor.u32 s22, s20;
	v12 =	vcvt.f32.s32 v12;
	v17 =	vtrunc.f32 v19;
	[tilespmem:v9+s12+$0x0] =	vst.idx.add.f32.msk $0xffff, v3  }
0x396: {  	v9 =	vmul.f32 v11, v7;
	v11 =	vadd.s32 v2, v16;
	[tilespmem:v13+s12+$0x0] =	vst.idx.add.f32.msk $0xffff, v3  }
0x397: {  	v8 =	vtrunc.f32 v8;
	v16 =	vadd.f32 v15, v6;
	v13 =	vld [tilespmem:s20+$0x8020]  }
0x398: {  	v14 =	vtrunc.f32 v14;
	v8 =	vcvt.f32.s32 v8;
	v9 =	vadd.f32 v9, v6;
	v18 =	vld [tilespmem:s20+$0x8050]  }
0x399: {  	v14 =	vcvt.f32.s32 v14;
	v10 =	vmul.f32 v10, v7;
	v20 =	vadd.s32 v2, v12;
	v19 =	vld [tilespmem:s20+$0x8070]  }
0x39a: {  	v22 =	vadd.s32 v2, v8;
	v8 =	vcvt.f32.s32 v17;
	v9 =	vtrunc.f32 v9;
	v21 =	vld [tilespmem:s20+$0x8040]  }
0x39b: {  	v23 =	vadd.s32 v2, v14;
	v10 =	vadd.f32 v10, v6;
	v9 =	vcvt.f32.s32 v9;
	[tilespmem:v11+s12+$0x0] =	vst.idx.add.f32.msk $0xffff, v3  }
0x39c: {  	v11 =	vtrunc.f32 v16;
	v8 =	vadd.s32 v2, v8;
	v15 =	vld [tilespmem:s20+$0x8010]  }
0x39d: {  	v10 =	vtrunc.f32 v10;
	v14 =	vcvt.f32.s32 v11;
	v12 =	vadd.s32 v2, v9;
	v17 =	vld [tilespmem:s20+$0x8000]  }
.Ltmp12:
0x39e: {  	v13 =	vmul.f32 v13, v7;
	v11 =	vld [tilespmem:s20+$0x8060];
	v16 =	vmul.f32 v19, v7;
	(pc) =	sbr.rel @p0 .LBB2_26-.Ltmp12, $4  }
0x39f: {  	v9 =	vadd.s32 v2, v14;
	[tilespmem:v22+s12+$0x0] =	vst.idx.add.f32.msk $0xffff, v3;
	v22 =	vcvt.f32.s32 v10  }
0x3a0: {  	v21 =	vmul.f32 v21, v7;
	v16 =	vadd.f32 v16, v6;
	[tilespmem:v20+s12+$0x0] =	vst.idx.add.f32.msk $0xffff, v3  }
0x3a1: {  	v14 =	vadd.f32 v13, v6;
	v19 =	vmul.f32 v18, v7;
	v10 =	vld [tilespmem:s20+$0x8030];
	v13 =	vadd.s32 v2, v22  }
0x3a2: {  	s18 =	sadd.s32 $0x400, s18;
	s19 =	sadd.s32 $0x80, s19;
	v18 =	vadd.f32 v21, v6;
	v17 =	vmul.f32 v17, v7;
	[tilespmem:v23+s12+$0x0] =	vst.idx.add.f32.msk $0xffff, v3  }
0x3a3: {  	_ = 	snop  }
0x3a4: {  	v15 =	vmul.f32 v15, v7;
	v16 =	vtrunc.f32 v16  }
0x3a5: {  	v11 =	vmul.f32 v11, v7;
	v14 =	vtrunc.f32 v14  }
0x3a6: {  	v19 =	vadd.f32 v19, v6;
	v18 =	vtrunc.f32 v18;
	v16 =	vcvt.f32.s32 v16  }
0x3a7: {  	[tilespmem:v12+s12+$0x0] =	vst.idx.add.f32.msk $0xffff, v3;
	v17 =	vadd.f32 v17, v6;
	v12 =	vcvt.f32.s32 v14;
	v18 =	vcvt.f32.s32 v18  }
0x3a8: {  	v19 =	vtrunc.f32 v19;
	v11 =	vadd.f32 v11, v6;
	v15 =	vadd.f32 v15, v6  }
0x3a9: {  	v17 =	vtrunc.f32 v17;
	v16 =	vadd.s32 v2, v16;
	v10 =	vmul.f32 v10, v7  }
0x3aa: {  	[tilespmem:v9+s12+$0x0] =	vst.idx.add.f32.msk $0xffff, v3;
	v9 =	vcvt.f32.s32 v19;
	v12 =	vadd.s32 v2, v12;
	v17 =	vcvt.f32.s32 v17  }
0x3ab: {  	[tilespmem:v8+s12+$0x0] =	vst.idx.add.f32.msk $0xffff, v3;
	v11 =	vtrunc.f32 v11;
	v8 =	vadd.s32 v2, v18;
	v10 =	vadd.f32 v10, v6  }
0x3ac: {  	v15 =	vtrunc.f32 v15;
	v11 =	vcvt.f32.s32 v11;
	v9 =	vadd.s32 v2, v9  }
0x3ad: {  	[tilespmem:v13+s12+$0x0] =	vst.idx.add.f32.msk $0xffff, v3;
	v13 =	vcvt.f32.s32 v15;
	v14 =	vadd.s32 v2, v17;
	v10 =	vtrunc.f32 v10  }
0x3ae: {  	v11 =	vadd.s32 v2, v11;
	[tilespmem:v16+s12+$0x0] =	vst.idx.add.f32.msk $0xffff, v3;
	v10 =	vcvt.f32.s32 v10  }
0x3af: {  	v13 =	vadd.s32 v2, v13;
	[tilespmem:v12+s12+$0x0] =	vst.idx.add.f32.msk $0xffff, v3  }
0x3b0: {  	[tilespmem:v8+s12+$0x0] =	vst.idx.add.f32.msk $0xffff, v3;
	v8 =	vadd.s32 v2, v10  }
0x3b1: {  	[tilespmem:v9+s12+$0x0] =	vst.idx.add.f32.msk $0xffff, v3  }
0x3b2: {  	[tilespmem:v14+s12+$0x0] =	vst.idx.add.f32.msk $0xffff, v3  }
0x3b3: {  	[tilespmem:v11+s12+$0x0] =	vst.idx.add.f32.msk $0xffff, v3  }
0x3b4: {  	[tilespmem:v13+s12+$0x0] =	vst.idx.add.f32.msk $0xffff, v3  }
0x3b5: {  	[tilespmem:v8+s12+$0x0] =	vst.idx.add.f32.msk $0xffff, v3  }
0x3b6: {  	_ =	swait.ge [sflag:s10], $0x8000  }
0x3b7: {  	[sflag:s10] =	ssyncset.done $0x0  }
0x3b8: {  	s17 =	simm.s32 $0x0;
	s18 =	rddreg [dreg:$0x1c];
	[sflag:s10] =	ssyncadd.s32 $0xFFFF8000  }
0x3b9: {  	[hbm4b:s18+s17] =	stream.linear.scatter [tilespmem:s17], [sflag:$0x3], $0x8000, $0x38;
	[tilespmem:$0x19080] =	vst v63  }
0x3ba: {  	_ =	swait.ge [sflag:s15], $0x8000  }
0x3bb: {  	[sflag:s15] =	ssyncset.done $0x0  }
0x3bc: {  	s19 =	rddreg [dreg:$0x1d];
	[sflag:s15] =	ssyncadd.s32 $0xFFFF8000  }
0x3bd: {  	[tilespmem:s11], [sflag:$0x2] =	stream.linear.gather [hbm4b:s19+s17], $0x8000, $0x38;
	[tilespmem:$0x19080] =	vst v63  }
0x3be: {  	s20 =	simm.s32 $0x0;
	s19 =	sand.u32 $0x4000, s17;
	s17 =	sand.u32 $0x3C00, s17  }
0x3bf: {  	s18 =	sand.u32 $0x380, s20;
	s17 =	sor.u32 s17, s19  }
0x3c0: {  	s18 =	sor.u32 s18, s17  }
0x3c1: {  	v8 =	vld [tilespmem:s18+$0x70]  }
0x3c2: {  	v9 =	vld [tilespmem:s18+$0x40]  }
0x3c3: {  	v10 =	vld [tilespmem:s18+$0x20]  }
0x3c4: {  	v11 =	vld [tilespmem:s18+$0x0]  }
0x3c5: {  	v12 =	vld [tilespmem:s18+$0x50]  }
0x3c6: {  	v13 =	vld [tilespmem:s18+$0x10]  }
0x3c7: {  	v14 =	vld [tilespmem:s18+$0x60]  }
0x3c8: {  	v15 =	vld [tilespmem:s18+$0x30]  }
0x3c9: {  	v8 =	vmul.f32 v8, v7;
	v9 =	vmul.f32 v9, v7  }
0x3ca: {  	v10 =	vmul.f32 v10, v7;
	v11 =	vmul.f32 v11, v7  }
0x3cb: {  	s21 =	simm.s32 $0x400;
	s20 =	simm.s32 $0x80;
	v12 =	vmul.f32 v12, v7;
	v13 =	vmul.f32 v13, v7;
	v8 =	vadd.f32 v8, v6  }
0x3cc: {  	s20 =	sand.u32 $0x4000, s20;
	s19 =	sand.u32 $0x3C00, s21;
	s17 =	simm.s32 $0x8;
	v14 =	vmul.f32 v14, v7;
	v9 =	vadd.f32 v9, v6;
	v11 =	vadd.f32 v11, v6  }
0x3cd: {  	s19 =	sor.u32 s19, s20;
	s22 =	sand.u32 $0x380, s17;
	v15 =	vmul.f32 v15, v7;
	v10 =	vadd.f32 v10, v6;
	v8 =	vtrunc.f32 v8  }
0x3ce: {  	s18 =	sor.u32 s22, s19;
	v12 =	vadd.f32 v12, v6;
	v9 =	vtrunc.f32 v9;
	v11 =	vtrunc.f32 v11  }
0x3cf: {  	v16 =	vld [tilespmem:s18+$0x20];
	v13 =	vadd.f32 v13, v6;
	v10 =	vtrunc.f32 v10;
	v8 =	vcvt.f32.s32 v8  }
0x3d0: {  	v17 =	vld [tilespmem:s18+$0x50];
	v14 =	vadd.f32 v14, v6;
	v9 =	vcvt.f32.s32 v9;
	v11 =	vcvt.f32.s32 v11  }
0x3d1: {  	v18 =	vld [tilespmem:s18+$0x70];
	v12 =	vtrunc.f32 v12;
	v10 =	vcvt.f32.s32 v10;
	v8 =	vadd.s32 v2, v8  }
0x3d2: {  	v19 =	vld [tilespmem:s18+$0x40];
	v20 =	vadd.s32 v2, v11;
	v21 =	vadd.s32 v2, v9;
	v11 =	vtrunc.f32 v14  }
0x3d3: {  	v23 =	vld [tilespmem:s18+$0x0];
	v9 =	vcvt.f32.s32 v12;
	v12 =	vadd.f32 v15, v6;
	v11 =	vcvt.f32.s32 v11  }
0x3d4: {  	v13 =	vtrunc.f32 v13;
	v15 =	vld [tilespmem:s18+$0x10];
	v22 =	vadd.s32 v2, v10  }
0x3d5: {  	v14 =	vmul.f32 v16, v7;
	v10 =	vtrunc.f32 v12;
	v12 =	vadd.s32 v2, v11;
	v11 =	vld [tilespmem:s18+$0x60]  }
0x3d6: {  	[tilespmem:v8+s12+$0x0] =	vst.idx.add.f32.msk $0xffff, v3;
	v8 =	vadd.s32 v2, v9;
	v9 =	vcvt.f32.s32 v13  }
0x3d7: {  	v14 =	vadd.f32 v14, v6;
	v13 =	vmul.f32 v18, v7;
	[tilespmem:v20+s12+$0x0] =	vst.idx.add.f32.msk $0xffff, v3;
	v18 =	vcvt.f32.s32 v10  }
0x3d8: {  	v20 =	vmul.f32 v19, v7;
	[tilespmem:v21+s12+$0x0] =	vst.idx.add.f32.msk $0xffff, v3;
	v9 =	vadd.s32 v2, v9  }
0x3d9: {  	v10 =	vld [tilespmem:s18+$0x30];
	v19 =	vmul.f32 v17, v7;
	v16 =	vadd.f32 v13, v6;
	v13 =	vadd.s32 v2, v18  }
0x3da: {  	s19 =	simm.s32 $0x100;
	v17 =	vmul.f32 v23, v7;
	s18 =	simm.s32 $0x800;
	[tilespmem:v22+s12+$0x0] =	vst.idx.add.f32.msk $0xffff, v3;
	v18 =	vadd.f32 v20, v6  }
.LBB2_28:
0x3db: {  	s17 =	sadd.s32 $0x8, s17;
	s20 =	sand.u32 $0x4000, s19;
	s21 =	sand.u32 $0x3C00, s18;
	v15 =	vmul.f32 v15, v7;
	v19 =	vadd.f32 v19, v6;
	v16 =	vtrunc.f32 v16;
	[tilespmem:v12+s12+$0x0] =	vst.idx.add.f32.msk $0xffff, v3  }
0x3dc: {  	s22 =	sand.u32 $0x380, s17;
	s20 =	sor.u32 s21, s20;
	p0 =	slt.u32 s17, $0x7F8;
	v12 =	vtrunc.f32 v18;
	v16 =	vcvt.f32.s32 v16;
	[tilespmem:v8+s12+$0x0] =	vst.idx.add.f32.msk $0xffff, v3  }
0x3dd: {  	v8 =	vadd.f32 v17, v6;
	s20 =	sor.u32 s22, s20;
	v12 =	vcvt.f32.s32 v12;
	v17 =	vtrunc.f32 v19;
	[tilespmem:v9+s12+$0x0] =	vst.idx.add.f32.msk $0xffff, v3  }
0x3de: {  	v9 =	vmul.f32 v11, v7;
	v11 =	vadd.s32 v2, v16;
	[tilespmem:v13+s12+$0x0] =	vst.idx.add.f32.msk $0xffff, v3  }
0x3df: {  	v8 =	vtrunc.f32 v8;
	v16 =	vadd.f32 v15, v6;
	v13 =	vld [tilespmem:s20+$0x20]  }
0x3e0: {  	v14 =	vtrunc.f32 v14;
	v8 =	vcvt.f32.s32 v8;
	v9 =	vadd.f32 v9, v6;
	v18 =	vld [tilespmem:s20+$0x50]  }
0x3e1: {  	v14 =	vcvt.f32.s32 v14;
	v10 =	vmul.f32 v10, v7;
	v20 =	vadd.s32 v2, v12;
	v19 =	vld [tilespmem:s20+$0x70]  }
0x3e2: {  	v22 =	vadd.s32 v2, v8;
	v8 =	vcvt.f32.s32 v17;
	v9 =	vtrunc.f32 v9;
	v21 =	vld [tilespmem:s20+$0x40]  }
0x3e3: {  	v23 =	vadd.s32 v2, v14;
	v10 =	vadd.f32 v10, v6;
	v9 =	vcvt.f32.s32 v9;
	[tilespmem:v11+s12+$0x0] =	vst.idx.add.f32.msk $0xffff, v3  }
0x3e4: {  	v11 =	vtrunc.f32 v16;
	v8 =	vadd.s32 v2, v8;
	v15 =	vld [tilespmem:s20+$0x10]  }
0x3e5: {  	v10 =	vtrunc.f32 v10;
	v14 =	vcvt.f32.s32 v11;
	v12 =	vadd.s32 v2, v9;
	v17 =	vld [tilespmem:s20+$0x0]  }
.Ltmp13:
0x3e6: {  	v13 =	vmul.f32 v13, v7;
	v11 =	vld [tilespmem:s20+$0x60];
	v16 =	vmul.f32 v19, v7;
	(pc) =	sbr.rel @p0 .LBB2_28-.Ltmp13, $4  }
0x3e7: {  	v9 =	vadd.s32 v2, v14;
	[tilespmem:v22+s12+$0x0] =	vst.idx.add.f32.msk $0xffff, v3;
	v22 =	vcvt.f32.s32 v10  }
0x3e8: {  	v21 =	vmul.f32 v21, v7;
	v16 =	vadd.f32 v16, v6;
	[tilespmem:v20+s12+$0x0] =	vst.idx.add.f32.msk $0xffff, v3  }
0x3e9: {  	v14 =	vadd.f32 v13, v6;
	v19 =	vmul.f32 v18, v7;
	v10 =	vld [tilespmem:s20+$0x30];
	v13 =	vadd.s32 v2, v22  }
0x3ea: {  	s18 =	sadd.s32 $0x400, s18;
	s19 =	sadd.s32 $0x80, s19;
	v18 =	vadd.f32 v21, v6;
	v17 =	vmul.f32 v17, v7;
	[tilespmem:v23+s12+$0x0] =	vst.idx.add.f32.msk $0xffff, v3  }
0x3eb: {  	_ = 	snop  }
0x3ec: {  	v15 =	vmul.f32 v15, v7;
	v16 =	vtrunc.f32 v16  }
0x3ed: {  	v11 =	vmul.f32 v11, v7;
	v14 =	vtrunc.f32 v14  }
0x3ee: {  	v19 =	vadd.f32 v19, v6;
	v18 =	vtrunc.f32 v18;
	v16 =	vcvt.f32.s32 v16  }
0x3ef: {  	[tilespmem:v12+s12+$0x0] =	vst.idx.add.f32.msk $0xffff, v3;
	v17 =	vadd.f32 v17, v6;
	v12 =	vcvt.f32.s32 v14;
	v18 =	vcvt.f32.s32 v18  }
0x3f0: {  	v19 =	vtrunc.f32 v19;
	v11 =	vadd.f32 v11, v6;
	v15 =	vadd.f32 v15, v6  }
0x3f1: {  	v17 =	vtrunc.f32 v17;
	v16 =	vadd.s32 v2, v16;
	v10 =	vmul.f32 v10, v7  }
0x3f2: {  	[tilespmem:v9+s12+$0x0] =	vst.idx.add.f32.msk $0xffff, v3;
	v9 =	vcvt.f32.s32 v19;
	v12 =	vadd.s32 v2, v12;
	v17 =	vcvt.f32.s32 v17  }
0x3f3: {  	[tilespmem:v8+s12+$0x0] =	vst.idx.add.f32.msk $0xffff, v3;
	v11 =	vtrunc.f32 v11;
	v8 =	vadd.s32 v2, v18;
	v10 =	vadd.f32 v10, v6  }
0x3f4: {  	v15 =	vtrunc.f32 v15;
	v11 =	vcvt.f32.s32 v11;
	v9 =	vadd.s32 v2, v9  }
0x3f5: {  	[tilespmem:v13+s12+$0x0] =	vst.idx.add.f32.msk $0xffff, v3;
	v13 =	vcvt.f32.s32 v15;
	v14 =	vadd.s32 v2, v17;
	v10 =	vtrunc.f32 v10  }
0x3f6: {  	v11 =	vadd.s32 v2, v11;
	[tilespmem:v16+s12+$0x0] =	vst.idx.add.f32.msk $0xffff, v3;
	v10 =	vcvt.f32.s32 v10  }
0x3f7: {  	v13 =	vadd.s32 v2, v13;
	[tilespmem:v12+s12+$0x0] =	vst.idx.add.f32.msk $0xffff, v3  }
0x3f8: {  	[tilespmem:v8+s12+$0x0] =	vst.idx.add.f32.msk $0xffff, v3;
	v8 =	vadd.s32 v2, v10  }
0x3f9: {  	[tilespmem:v9+s12+$0x0] =	vst.idx.add.f32.msk $0xffff, v3  }
0x3fa: {  	[tilespmem:v14+s12+$0x0] =	vst.idx.add.f32.msk $0xffff, v3  }
0x3fb: {  	[tilespmem:v11+s12+$0x0] =	vst.idx.add.f32.msk $0xffff, v3  }
0x3fc: {  	[tilespmem:v13+s12+$0x0] =	vst.idx.add.f32.msk $0xffff, v3  }
0x3fd: {  	[tilespmem:v8+s12+$0x0] =	vst.idx.add.f32.msk $0xffff, v3  }
0x3fe: {  	_ =	swait.ge [sflag:s13], $0x8000  }
0x3ff: {  	[sflag:s13] =	ssyncset.done $0x0  }
0x400: {  	s17 =	simm.s32 $0x0;
	s18 =	rddreg [dreg:$0x1e];
	[sflag:s13] =	ssyncadd.s32 $0xFFFF8000  }
0x401: {  	[hbm4b:s18+s17] =	stream.linear.scatter [tilespmem:s11], [sflag:$0x4], $0x8000, $0x38;
	[tilespmem:$0x19080] =	vst v63  }
0x402: {  	_ =	swait.ge [sflag:s14], $0x8000  }
0x403: {  	[sflag:s14] =	ssyncset.done $0x0  }
0x404: {  	s19 =	rddreg [dreg:$0x1f];
	[sflag:s14] =	ssyncadd.s32 $0xFFFF8000  }
0x405: {  	[tilespmem:s17], [sflag:$0x1] =	stream.linear.gather [hbm4b:s19+s17], $0x8000, $0x38;
	[tilespmem:$0x19080] =	vst v63  }
0x406: {  	s20 =	simm.s32 $0x0;
	s19 =	sand.u32 $0x4000, s17;
	s17 =	sand.u32 $0x3C00, s17  }
0x407: {  	s18 =	sand.u32 $0x380, s20;
	s17 =	sor.u32 s17, s19  }
0x408: {  	s18 =	sor.u32 s18, s17  }
0x409: {  	v8 =	vld [tilespmem:s18+$0x8070]  }
0x40a: {  	v9 =	vld [tilespmem:s18+$0x8040]  }
0x40b: {  	v10 =	vld [tilespmem:s18+$0x8020]  }
0x40c: {  	v11 =	vld [tilespmem:s18+$0x8000]  }
0x40d: {  	v12 =	vld [tilespmem:s18+$0x8050]  }
0x40e: {  	v13 =	vld [tilespmem:s18+$0x8010]  }
0x40f: {  	v14 =	vld [tilespmem:s18+$0x8060]  }
0x410: {  	v15 =	vld [tilespmem:s18+$0x8030]  }
0x411: {  	v8 =	vmul.f32 v8, v7;
	v9 =	vmul.f32 v9, v7  }
0x412: {  	v10 =	vmul.f32 v10, v7;
	v11 =	vmul.f32 v11, v7  }
0x413: {  	s21 =	simm.s32 $0x400;
	s20 =	simm.s32 $0x80;
	v12 =	vmul.f32 v12, v7;
	v13 =	vmul.f32 v13, v7;
	v8 =	vadd.f32 v8, v6  }
0x414: {  	s20 =	sand.u32 $0x4000, s20;
	s19 =	sand.u32 $0x3C00, s21;
	s17 =	simm.s32 $0x8;
	v14 =	vmul.f32 v14, v7;
	v9 =	vadd.f32 v9, v6;
	v11 =	vadd.f32 v11, v6  }
0x415: {  	s19 =	sor.u32 s19, s20;
	s22 =	sand.u32 $0x380, s17;
	v15 =	vmul.f32 v15, v7;
	v10 =	vadd.f32 v10, v6;
	v8 =	vtrunc.f32 v8  }
0x416: {  	s18 =	sor.u32 s22, s19;
	v12 =	vadd.f32 v12, v6;
	v9 =	vtrunc.f32 v9;
	v11 =	vtrunc.f32 v11  }
0x417: {  	v16 =	vld [tilespmem:s18+$0x8020];
	v13 =	vadd.f32 v13, v6;
	v10 =	vtrunc.f32 v10;
	v8 =	vcvt.f32.s32 v8  }
0x418: {  	v17 =	vld [tilespmem:s18+$0x8050];
	v14 =	vadd.f32 v14, v6;
	v9 =	vcvt.f32.s32 v9;
	v11 =	vcvt.f32.s32 v11  }
0x419: {  	v18 =	vld [tilespmem:s18+$0x8070];
	v12 =	vtrunc.f32 v12;
	v10 =	vcvt.f32.s32 v10;
	v8 =	vadd.s32 v2, v8  }
0x41a: {  	v19 =	vld [tilespmem:s18+$0x8040];
	v20 =	vadd.s32 v2, v11;
	v21 =	vadd.s32 v2, v9;
	v11 =	vtrunc.f32 v14  }
0x41b: {  	v23 =	vld [tilespmem:s18+$0x8000];
	v9 =	vcvt.f32.s32 v12;
	v12 =	vadd.f32 v15, v6;
	v11 =	vcvt.f32.s32 v11  }
0x41c: {  	v13 =	vtrunc.f32 v13;
	v15 =	vld [tilespmem:s18+$0x8010];
	v22 =	vadd.s32 v2, v10  }
0x41d: {  	v14 =	vmul.f32 v16, v7;
	v10 =	vtrunc.f32 v12;
	v12 =	vadd.s32 v2, v11;
	v11 =	vld [tilespmem:s18+$0x8060]  }
0x41e: {  	[tilespmem:v8+s12+$0x0] =	vst.idx.add.f32.msk $0xffff, v3;
	v8 =	vadd.s32 v2, v9;
	v9 =	vcvt.f32.s32 v13  }
0x41f: {  	v14 =	vadd.f32 v14, v6;
	v13 =	vmul.f32 v18, v7;
	[tilespmem:v20+s12+$0x0] =	vst.idx.add.f32.msk $0xffff, v3;
	v18 =	vcvt.f32.s32 v10  }
0x420: {  	v20 =	vmul.f32 v19, v7;
	[tilespmem:v21+s12+$0x0] =	vst.idx.add.f32.msk $0xffff, v3;
	v9 =	vadd.s32 v2, v9  }
0x421: {  	v10 =	vld [tilespmem:s18+$0x8030];
	v19 =	vmul.f32 v17, v7;
	v16 =	vadd.f32 v13, v6;
	v13 =	vadd.s32 v2, v18  }
0x422: {  	s19 =	simm.s32 $0x100;
	v17 =	vmul.f32 v23, v7;
	s18 =	simm.s32 $0x800;
	[tilespmem:v22+s12+$0x0] =	vst.idx.add.f32.msk $0xffff, v3;
	v18 =	vadd.f32 v20, v6  }
.LBB2_30:
0x423: {  	s17 =	sadd.s32 $0x8, s17;
	s20 =	sand.u32 $0x4000, s19;
	s21 =	sand.u32 $0x3C00, s18;
	v15 =	vmul.f32 v15, v7;
	v19 =	vadd.f32 v19, v6;
	v16 =	vtrunc.f32 v16;
	[tilespmem:v12+s12+$0x0] =	vst.idx.add.f32.msk $0xffff, v3  }
0x424: {  	s22 =	sand.u32 $0x380, s17;
	s20 =	sor.u32 s21, s20;
	p0 =	slt.u32 s17, $0x7F8;
	v12 =	vtrunc.f32 v18;
	v16 =	vcvt.f32.s32 v16;
	[tilespmem:v8+s12+$0x0] =	vst.idx.add.f32.msk $0xffff, v3  }
0x425: {  	v8 =	vadd.f32 v17, v6;
	s20 =	sor.u32 s22, s20;
	v12 =	vcvt.f32.s32 v12;
	v17 =	vtrunc.f32 v19;
	[tilespmem:v9+s12+$0x0] =	vst.idx.add.f32.msk $0xffff, v3  }
0x426: {  	v9 =	vmul.f32 v11, v7;
	v11 =	vadd.s32 v2, v16;
	[tilespmem:v13+s12+$0x0] =	vst.idx.add.f32.msk $0xffff, v3  }
0x427: {  	v8 =	vtrunc.f32 v8;
	v16 =	vadd.f32 v15, v6;
	v13 =	vld [tilespmem:s20+$0x8020]  }
0x428: {  	v14 =	vtrunc.f32 v14;
	v8 =	vcvt.f32.s32 v8;
	v9 =	vadd.f32 v9, v6;
	v18 =	vld [tilespmem:s20+$0x8050]  }
0x429: {  	v14 =	vcvt.f32.s32 v14;
	v10 =	vmul.f32 v10, v7;
	v20 =	vadd.s32 v2, v12;
	v19 =	vld [tilespmem:s20+$0x8070]  }
0x42a: {  	v22 =	vadd.s32 v2, v8;
	v8 =	vcvt.f32.s32 v17;
	v9 =	vtrunc.f32 v9;
	v21 =	vld [tilespmem:s20+$0x8040]  }
0x42b: {  	v23 =	vadd.s32 v2, v14;
	v10 =	vadd.f32 v10, v6;
	v9 =	vcvt.f32.s32 v9;
	[tilespmem:v11+s12+$0x0] =	vst.idx.add.f32.msk $0xffff, v3  }
0x42c: {  	v11 =	vtrunc.f32 v16;
	v8 =	vadd.s32 v2, v8;
	v15 =	vld [tilespmem:s20+$0x8010]  }
0x42d: {  	v10 =	vtrunc.f32 v10;
	v14 =	vcvt.f32.s32 v11;
	v12 =	vadd.s32 v2, v9;
	v17 =	vld [tilespmem:s20+$0x8000]  }
.Ltmp14:
0x42e: {  	v13 =	vmul.f32 v13, v7;
	v11 =	vld [tilespmem:s20+$0x8060];
	v16 =	vmul.f32 v19, v7;
	(pc) =	sbr.rel @p0 .LBB2_30-.Ltmp14, $4  }
0x42f: {  	v9 =	vadd.s32 v2, v14;
	[tilespmem:v22+s12+$0x0] =	vst.idx.add.f32.msk $0xffff, v3;
	v22 =	vcvt.f32.s32 v10  }
0x430: {  	v21 =	vmul.f32 v21, v7;
	v16 =	vadd.f32 v16, v6;
	[tilespmem:v20+s12+$0x0] =	vst.idx.add.f32.msk $0xffff, v3  }
0x431: {  	v14 =	vadd.f32 v13, v6;
	v19 =	vmul.f32 v18, v7;
	v10 =	vld [tilespmem:s20+$0x8030];
	v13 =	vadd.s32 v2, v22  }
0x432: {  	s18 =	sadd.s32 $0x400, s18;
	s19 =	sadd.s32 $0x80, s19;
	v18 =	vadd.f32 v21, v6;
	v17 =	vmul.f32 v17, v7;
	[tilespmem:v23+s12+$0x0] =	vst.idx.add.f32.msk $0xffff, v3  }
0x433: {  	_ = 	snop  }
0x434: {  	v15 =	vmul.f32 v15, v7;
	v16 =	vtrunc.f32 v16  }
0x435: {  	v11 =	vmul.f32 v11, v7;
	v14 =	vtrunc.f32 v14  }
0x436: {  	v19 =	vadd.f32 v19, v6;
	v18 =	vtrunc.f32 v18;
	v16 =	vcvt.f32.s32 v16  }
0x437: {  	[tilespmem:v12+s12+$0x0] =	vst.idx.add.f32.msk $0xffff, v3;
	v17 =	vadd.f32 v17, v6;
	v12 =	vcvt.f32.s32 v14;
	v18 =	vcvt.f32.s32 v18  }
0x438: {  	v19 =	vtrunc.f32 v19;
	v11 =	vadd.f32 v11, v6;
	v15 =	vadd.f32 v15, v6  }
0x439: {  	v17 =	vtrunc.f32 v17;
	v16 =	vadd.s32 v2, v16;
	v10 =	vmul.f32 v10, v7  }
0x43a: {  	[tilespmem:v9+s12+$0x0] =	vst.idx.add.f32.msk $0xffff, v3;
	v9 =	vcvt.f32.s32 v19;
	v12 =	vadd.s32 v2, v12;
	v17 =	vcvt.f32.s32 v17  }
0x43b: {  	[tilespmem:v8+s12+$0x0] =	vst.idx.add.f32.msk $0xffff, v3;
	v11 =	vtrunc.f32 v11;
	v8 =	vadd.s32 v2, v18;
	v10 =	vadd.f32 v10, v6  }
0x43c: {  	v15 =	vtrunc.f32 v15;
	v11 =	vcvt.f32.s32 v11;
	v9 =	vadd.s32 v2, v9  }
0x43d: {  	[tilespmem:v13+s12+$0x0] =	vst.idx.add.f32.msk $0xffff, v3;
	v13 =	vcvt.f32.s32 v15;
	v14 =	vadd.s32 v2, v17;
	v10 =	vtrunc.f32 v10  }
0x43e: {  	v11 =	vadd.s32 v2, v11;
	[tilespmem:v16+s12+$0x0] =	vst.idx.add.f32.msk $0xffff, v3;
	v10 =	vcvt.f32.s32 v10  }
0x43f: {  	v13 =	vadd.s32 v2, v13;
	[tilespmem:v12+s12+$0x0] =	vst.idx.add.f32.msk $0xffff, v3  }
0x440: {  	[tilespmem:v8+s12+$0x0] =	vst.idx.add.f32.msk $0xffff, v3;
	v8 =	vadd.s32 v2, v10  }
0x441: {  	[tilespmem:v9+s12+$0x0] =	vst.idx.add.f32.msk $0xffff, v3  }
0x442: {  	[tilespmem:v14+s12+$0x0] =	vst.idx.add.f32.msk $0xffff, v3  }
0x443: {  	[tilespmem:v11+s12+$0x0] =	vst.idx.add.f32.msk $0xffff, v3  }
0x444: {  	[tilespmem:v13+s12+$0x0] =	vst.idx.add.f32.msk $0xffff, v3  }
0x445: {  	[tilespmem:v8+s12+$0x0] =	vst.idx.add.f32.msk $0xffff, v3  }
0x446: {  	_ =	swait.ge [sflag:s10], $0x8000  }
0x447: {  	s18 =	sld [smem:$0x7E6]  }
0x448: {  	[sflag:s10] =	ssyncset.done $0x0  }
0x449: {  	s17 =	simm.s32 $0x0;
	[sflag:s10] =	ssyncadd.s32 $0xFFFF8000  }
0x44a: {  	[hbm4b:s18+s17] =	stream.linear.scatter [tilespmem:s17], [sflag:$0x3], $0x8000, $0x38;
	[tilespmem:$0x19080] =	vst v63  }
0x44b: {  	_ =	swait.ge [sflag:s15], $0x8000  }
0x44c: {  	s19 =	sld [smem:$0x7E7]  }
0x44d: {  	[sflag:s15] =	ssyncset.done $0x0  }
0x44e: {  	[sflag:s15] =	ssyncadd.s32 $0xFFFF8000  }
0x44f: {  	[tilespmem:s11], [sflag:$0x2] =	stream.linear.gather [hbm4b:s19+s17], $0x8000, $0x38;
	[tilespmem:$0x19080] =	vst v63  }
0x450: {  	s20 =	simm.s32 $0x0;
	s19 =	sand.u32 $0x4000, s17;
	s17 =	sand.u32 $0x3C00, s17  }
0x451: {  	s18 =	sand.u32 $0x380, s20;
	s17 =	sor.u32 s17, s19  }
0x452: {  	s18 =	sor.u32 s18, s17  }
0x453: {  	v8 =	vld [tilespmem:s18+$0x70]  }
0x454: {  	v9 =	vld [tilespmem:s18+$0x40]  }
0x455: {  	v10 =	vld [tilespmem:s18+$0x20]  }
0x456: {  	v11 =	vld [tilespmem:s18+$0x0]  }
0x457: {  	v12 =	vld [tilespmem:s18+$0x50]  }
0x458: {  	v13 =	vld [tilespmem:s18+$0x10]  }
0x459: {  	v14 =	vld [tilespmem:s18+$0x60]  }
0x45a: {  	v15 =	vld [tilespmem:s18+$0x30]  }
0x45b: {  	v8 =	vmul.f32 v8, v7;
	v9 =	vmul.f32 v9, v7  }
0x45c: {  	v10 =	vmul.f32 v10, v7;
	v11 =	vmul.f32 v11, v7  }
0x45d: {  	s21 =	simm.s32 $0x400;
	s20 =	simm.s32 $0x80;
	v12 =	vmul.f32 v12, v7;
	v13 =	vmul.f32 v13, v7;
	v8 =	vadd.f32 v8, v6  }
0x45e: {  	s20 =	sand.u32 $0x4000, s20;
	s19 =	sand.u32 $0x3C00, s21;
	s17 =	simm.s32 $0x8;
	v14 =	vmul.f32 v14, v7;
	v9 =	vadd.f32 v9, v6;
	v11 =	vadd.f32 v11, v6  }
0x45f: {  	s19 =	sor.u32 s19, s20;
	s22 =	sand.u32 $0x380, s17;
	v15 =	vmul.f32 v15, v7;
	v10 =	vadd.f32 v10, v6;
	v8 =	vtrunc.f32 v8  }
0x460: {  	s18 =	sor.u32 s22, s19;
	v12 =	vadd.f32 v12, v6;
	v9 =	vtrunc.f32 v9;
	v11 =	vtrunc.f32 v11  }
0x461: {  	v16 =	vld [tilespmem:s18+$0x20];
	v13 =	vadd.f32 v13, v6;
	v10 =	vtrunc.f32 v10;
	v8 =	vcvt.f32.s32 v8  }
0x462: {  	v17 =	vld [tilespmem:s18+$0x50];
	v14 =	vadd.f32 v14, v6;
	v9 =	vcvt.f32.s32 v9;
	v11 =	vcvt.f32.s32 v11  }
0x463: {  	v18 =	vld [tilespmem:s18+$0x70];
	v12 =	vtrunc.f32 v12;
	v10 =	vcvt.f32.s32 v10;
	v8 =	vadd.s32 v2, v8  }
0x464: {  	v19 =	vld [tilespmem:s18+$0x40];
	v20 =	vadd.s32 v2, v11;
	v21 =	vadd.s32 v2, v9;
	v11 =	vtrunc.f32 v14  }
0x465: {  	v23 =	vld [tilespmem:s18+$0x0];
	v9 =	vcvt.f32.s32 v12;
	v12 =	vadd.f32 v15, v6;
	v11 =	vcvt.f32.s32 v11  }
0x466: {  	v13 =	vtrunc.f32 v13;
	v15 =	vld [tilespmem:s18+$0x10];
	v22 =	vadd.s32 v2, v10  }
0x467: {  	v14 =	vmul.f32 v16, v7;
	v10 =	vtrunc.f32 v12;
	v12 =	vadd.s32 v2, v11;
	v11 =	vld [tilespmem:s18+$0x60]  }
0x468: {  	[tilespmem:v8+s12+$0x0] =	vst.idx.add.f32.msk $0xffff, v3;
	v8 =	vadd.s32 v2, v9;
	v9 =	vcvt.f32.s32 v13  }
0x469: {  	v14 =	vadd.f32 v14, v6;
	v13 =	vmul.f32 v18, v7;
	[tilespmem:v20+s12+$0x0] =	vst.idx.add.f32.msk $0xffff, v3;
	v18 =	vcvt.f32.s32 v10  }
0x46a: {  	v20 =	vmul.f32 v19, v7;
	[tilespmem:v21+s12+$0x0] =	vst.idx.add.f32.msk $0xffff, v3;
	v9 =	vadd.s32 v2, v9  }
0x46b: {  	v10 =	vld [tilespmem:s18+$0x30];
	v19 =	vmul.f32 v17, v7;
	v16 =	vadd.f32 v13, v6;
	v13 =	vadd.s32 v2, v18  }
0x46c: {  	s19 =	simm.s32 $0x100;
	v17 =	vmul.f32 v23, v7;
	s18 =	simm.s32 $0x800;
	[tilespmem:v22+s12+$0x0] =	vst.idx.add.f32.msk $0xffff, v3;
	v18 =	vadd.f32 v20, v6  }
.LBB2_32:
0x46d: {  	s17 =	sadd.s32 $0x8, s17;
	s20 =	sand.u32 $0x4000, s19;
	s21 =	sand.u32 $0x3C00, s18;
	v15 =	vmul.f32 v15, v7;
	v19 =	vadd.f32 v19, v6;
	v16 =	vtrunc.f32 v16;
	[tilespmem:v12+s12+$0x0] =	vst.idx.add.f32.msk $0xffff, v3  }
0x46e: {  	s22 =	sand.u32 $0x380, s17;
	s20 =	sor.u32 s21, s20;
	p0 =	slt.u32 s17, $0x7F8;
	v12 =	vtrunc.f32 v18;
	v16 =	vcvt.f32.s32 v16;
	[tilespmem:v8+s12+$0x0] =	vst.idx.add.f32.msk $0xffff, v3  }
0x46f: {  	v8 =	vadd.f32 v17, v6;
	s20 =	sor.u32 s22, s20;
	v12 =	vcvt.f32.s32 v12;
	v17 =	vtrunc.f32 v19;
	[tilespmem:v9+s12+$0x0] =	vst.idx.add.f32.msk $0xffff, v3  }
0x470: {  	v9 =	vmul.f32 v11, v7;
	v11 =	vadd.s32 v2, v16;
	[tilespmem:v13+s12+$0x0] =	vst.idx.add.f32.msk $0xffff, v3  }
0x471: {  	v8 =	vtrunc.f32 v8;
	v16 =	vadd.f32 v15, v6;
	v13 =	vld [tilespmem:s20+$0x20]  }
0x472: {  	v14 =	vtrunc.f32 v14;
	v8 =	vcvt.f32.s32 v8;
	v9 =	vadd.f32 v9, v6;
	v18 =	vld [tilespmem:s20+$0x50]  }
0x473: {  	v14 =	vcvt.f32.s32 v14;
	v10 =	vmul.f32 v10, v7;
	v20 =	vadd.s32 v2, v12;
	v19 =	vld [tilespmem:s20+$0x70]  }
0x474: {  	v22 =	vadd.s32 v2, v8;
	v8 =	vcvt.f32.s32 v17;
	v9 =	vtrunc.f32 v9;
	v21 =	vld [tilespmem:s20+$0x40]  }
0x475: {  	v23 =	vadd.s32 v2, v14;
	v10 =	vadd.f32 v10, v6;
	v9 =	vcvt.f32.s32 v9;
	[tilespmem:v11+s12+$0x0] =	vst.idx.add.f32.msk $0xffff, v3  }
0x476: {  	v11 =	vtrunc.f32 v16;
	v8 =	vadd.s32 v2, v8;
	v15 =	vld [tilespmem:s20+$0x10]  }
0x477: {  	v10 =	vtrunc.f32 v10;
	v14 =	vcvt.f32.s32 v11;
	v12 =	vadd.s32 v2, v9;
	v17 =	vld [tilespmem:s20+$0x0]  }
.Ltmp15:
0x478: {  	v13 =	vmul.f32 v13, v7;
	v11 =	vld [tilespmem:s20+$0x60];
	v16 =	vmul.f32 v19, v7;
	(pc) =	sbr.rel @p0 .LBB2_32-.Ltmp15, $4  }
0x479: {  	v9 =	vadd.s32 v2, v14;
	[tilespmem:v22+s12+$0x0] =	vst.idx.add.f32.msk $0xffff, v3;
	v22 =	vcvt.f32.s32 v10  }
0x47a: {  	v21 =	vmul.f32 v21, v7;
	v16 =	vadd.f32 v16, v6;
	[tilespmem:v20+s12+$0x0] =	vst.idx.add.f32.msk $0xffff, v3  }
0x47b: {  	v14 =	vadd.f32 v13, v6;
	v19 =	vmul.f32 v18, v7;
	v10 =	vld [tilespmem:s20+$0x30];
	v13 =	vadd.s32 v2, v22  }
0x47c: {  	s18 =	sadd.s32 $0x400, s18;
	s19 =	sadd.s32 $0x80, s19;
	v18 =	vadd.f32 v21, v6;
	v17 =	vmul.f32 v17, v7;
	[tilespmem:v23+s12+$0x0] =	vst.idx.add.f32.msk $0xffff, v3  }
0x47d: {  	_ = 	snop  }
0x47e: {  	v15 =	vmul.f32 v15, v7;
	v16 =	vtrunc.f32 v16  }
0x47f: {  	v11 =	vmul.f32 v11, v7;
	v14 =	vtrunc.f32 v14  }
0x480: {  	v19 =	vadd.f32 v19, v6;
	v18 =	vtrunc.f32 v18;
	v16 =	vcvt.f32.s32 v16  }
0x481: {  	[tilespmem:v12+s12+$0x0] =	vst.idx.add.f32.msk $0xffff, v3;
	v17 =	vadd.f32 v17, v6;
	v12 =	vcvt.f32.s32 v14;
	v18 =	vcvt.f32.s32 v18  }
0x482: {  	v19 =	vtrunc.f32 v19;
	v11 =	vadd.f32 v11, v6;
	v15 =	vadd.f32 v15, v6  }
0x483: {  	v17 =	vtrunc.f32 v17;
	v16 =	vadd.s32 v2, v16;
	v10 =	vmul.f32 v10, v7  }
0x484: {  	[tilespmem:v9+s12+$0x0] =	vst.idx.add.f32.msk $0xffff, v3;
	v9 =	vcvt.f32.s32 v19;
	v12 =	vadd.s32 v2, v12;
	v17 =	vcvt.f32.s32 v17  }
0x485: {  	[tilespmem:v8+s12+$0x0] =	vst.idx.add.f32.msk $0xffff, v3;
	v11 =	vtrunc.f32 v11;
	v8 =	vadd.s32 v2, v18;
	v10 =	vadd.f32 v10, v6  }
0x486: {  	v15 =	vtrunc.f32 v15;
	v11 =	vcvt.f32.s32 v11;
	v9 =	vadd.s32 v2, v9  }
0x487: {  	[tilespmem:v13+s12+$0x0] =	vst.idx.add.f32.msk $0xffff, v3;
	v13 =	vcvt.f32.s32 v15;
	v14 =	vadd.s32 v2, v17;
	v10 =	vtrunc.f32 v10  }
0x488: {  	v11 =	vadd.s32 v2, v11;
	[tilespmem:v16+s12+$0x0] =	vst.idx.add.f32.msk $0xffff, v3;
	v10 =	vcvt.f32.s32 v10  }
0x489: {  	v13 =	vadd.s32 v2, v13;
	[tilespmem:v12+s12+$0x0] =	vst.idx.add.f32.msk $0xffff, v3  }
0x48a: {  	[tilespmem:v8+s12+$0x0] =	vst.idx.add.f32.msk $0xffff, v3;
	v8 =	vadd.s32 v2, v10  }
0x48b: {  	[tilespmem:v9+s12+$0x0] =	vst.idx.add.f32.msk $0xffff, v3  }
0x48c: {  	[tilespmem:v14+s12+$0x0] =	vst.idx.add.f32.msk $0xffff, v3  }
0x48d: {  	[tilespmem:v11+s12+$0x0] =	vst.idx.add.f32.msk $0xffff, v3  }
0x48e: {  	[tilespmem:v13+s12+$0x0] =	vst.idx.add.f32.msk $0xffff, v3  }
0x48f: {  	[tilespmem:v8+s12+$0x0] =	vst.idx.add.f32.msk $0xffff, v3  }
0x490: {  	_ =	swait.ge [sflag:s13], $0x8000  }
0x491: {  	s18 =	sld [smem:$0x7E8]  }
0x492: {  	[sflag:s13] =	ssyncset.done $0x0  }
0x493: {  	s17 =	simm.s32 $0x0;
	[sflag:s13] =	ssyncadd.s32 $0xFFFF8000  }
0x494: {  	[hbm4b:s18+s17] =	stream.linear.scatter [tilespmem:s11], [sflag:$0x4], $0x8000, $0x38;
	[tilespmem:$0x19080] =	vst v63  }
0x495: {  	_ =	swait.ge [sflag:s14], $0x8000  }
0x496: {  	s19 =	sld [smem:$0x7E9]  }
0x497: {  	[sflag:s14] =	ssyncset.done $0x0  }
0x498: {  	[sflag:s14] =	ssyncadd.s32 $0xFFFF8000  }
0x499: {  	[tilespmem:s17], [sflag:$0x1] =	stream.linear.gather [hbm4b:s19+s17], $0x8000, $0x38;
	[tilespmem:$0x19080] =	vst v63  }
0x49a: {  	s20 =	simm.s32 $0x0;
	s19 =	sand.u32 $0x4000, s17;
	s17 =	sand.u32 $0x3C00, s17  }
0x49b: {  	s18 =	sand.u32 $0x380, s20;
	s17 =	sor.u32 s17, s19  }
0x49c: {  	s18 =	sor.u32 s18, s17  }
0x49d: {  	v8 =	vld [tilespmem:s18+$0x8070]  }
0x49e: {  	v9 =	vld [tilespmem:s18+$0x8040]  }
0x49f: {  	v10 =	vld [tilespmem:s18+$0x8020]  }
0x4a0: {  	v11 =	vld [tilespmem:s18+$0x8000]  }
0x4a1: {  	v12 =	vld [tilespmem:s18+$0x8050]  }
0x4a2: {  	v13 =	vld [tilespmem:s18+$0x8010]  }
0x4a3: {  	v14 =	vld [tilespmem:s18+$0x8060]  }
0x4a4: {  	v15 =	vld [tilespmem:s18+$0x8030]  }
0x4a5: {  	v8 =	vmul.f32 v8, v7;
	v9 =	vmul.f32 v9, v7  }
0x4a6: {  	v10 =	vmul.f32 v10, v7;
	v11 =	vmul.f32 v11, v7  }
0x4a7: {  	s21 =	simm.s32 $0x400;
	s20 =	simm.s32 $0x80;
	v12 =	vmul.f32 v12, v7;
	v13 =	vmul.f32 v13, v7;
	v8 =	vadd.f32 v8, v6  }
0x4a8: {  	s20 =	sand.u32 $0x4000, s20;
	s19 =	sand.u32 $0x3C00, s21;
	s17 =	simm.s32 $0x8;
	v14 =	vmul.f32 v14, v7;
	v9 =	vadd.f32 v9, v6;
	v11 =	vadd.f32 v11, v6  }
0x4a9: {  	s19 =	sor.u32 s19, s20;
	s22 =	sand.u32 $0x380, s17;
	v15 =	vmul.f32 v15, v7;
	v10 =	vadd.f32 v10, v6;
	v8 =	vtrunc.f32 v8  }
0x4aa: {  	s18 =	sor.u32 s22, s19;
	v12 =	vadd.f32 v12, v6;
	v9 =	vtrunc.f32 v9;
	v11 =	vtrunc.f32 v11  }
0x4ab: {  	v16 =	vld [tilespmem:s18+$0x8020];
	v13 =	vadd.f32 v13, v6;
	v10 =	vtrunc.f32 v10;
	v8 =	vcvt.f32.s32 v8  }
0x4ac: {  	v17 =	vld [tilespmem:s18+$0x8050];
	v14 =	vadd.f32 v14, v6;
	v9 =	vcvt.f32.s32 v9;
	v11 =	vcvt.f32.s32 v11  }
0x4ad: {  	v18 =	vld [tilespmem:s18+$0x8070];
	v12 =	vtrunc.f32 v12;
	v10 =	vcvt.f32.s32 v10;
	v8 =	vadd.s32 v2, v8  }
0x4ae: {  	v19 =	vld [tilespmem:s18+$0x8040];
	v20 =	vadd.s32 v2, v11;
	v21 =	vadd.s32 v2, v9;
	v11 =	vtrunc.f32 v14  }
0x4af: {  	v23 =	vld [tilespmem:s18+$0x8000];
	v9 =	vcvt.f32.s32 v12;
	v12 =	vadd.f32 v15, v6;
	v11 =	vcvt.f32.s32 v11  }
0x4b0: {  	v13 =	vtrunc.f32 v13;
	v15 =	vld [tilespmem:s18+$0x8010];
	v22 =	vadd.s32 v2, v10  }
0x4b1: {  	v14 =	vmul.f32 v16, v7;
	v10 =	vtrunc.f32 v12;
	v12 =	vadd.s32 v2, v11;
	v11 =	vld [tilespmem:s18+$0x8060]  }
0x4b2: {  	[tilespmem:v8+s12+$0x0] =	vst.idx.add.f32.msk $0xffff, v3;
	v8 =	vadd.s32 v2, v9;
	v9 =	vcvt.f32.s32 v13  }
0x4b3: {  	v14 =	vadd.f32 v14, v6;
	v13 =	vmul.f32 v18, v7;
	[tilespmem:v20+s12+$0x0] =	vst.idx.add.f32.msk $0xffff, v3;
	v18 =	vcvt.f32.s32 v10  }
0x4b4: {  	v20 =	vmul.f32 v19, v7;
	[tilespmem:v21+s12+$0x0] =	vst.idx.add.f32.msk $0xffff, v3;
	v9 =	vadd.s32 v2, v9  }
0x4b5: {  	v10 =	vld [tilespmem:s18+$0x8030];
	v19 =	vmul.f32 v17, v7;
	v16 =	vadd.f32 v13, v6;
	v13 =	vadd.s32 v2, v18  }
0x4b6: {  	s19 =	simm.s32 $0x100;
	v17 =	vmul.f32 v23, v7;
	s18 =	simm.s32 $0x800;
	[tilespmem:v22+s12+$0x0] =	vst.idx.add.f32.msk $0xffff, v3;
	v18 =	vadd.f32 v20, v6  }
.LBB2_34:
0x4b7: {  	s17 =	sadd.s32 $0x8, s17;
	s20 =	sand.u32 $0x4000, s19;
	s21 =	sand.u32 $0x3C00, s18;
	v15 =	vmul.f32 v15, v7;
	v19 =	vadd.f32 v19, v6;
	v16 =	vtrunc.f32 v16;
	[tilespmem:v12+s12+$0x0] =	vst.idx.add.f32.msk $0xffff, v3  }
0x4b8: {  	s22 =	sand.u32 $0x380, s17;
	s20 =	sor.u32 s21, s20;
	p0 =	slt.u32 s17, $0x7F8;
	v12 =	vtrunc.f32 v18;
	v16 =	vcvt.f32.s32 v16;
	[tilespmem:v8+s12+$0x0] =	vst.idx.add.f32.msk $0xffff, v3  }
0x4b9: {  	v8 =	vadd.f32 v17, v6;
	s20 =	sor.u32 s22, s20;
	v12 =	vcvt.f32.s32 v12;
	v17 =	vtrunc.f32 v19;
	[tilespmem:v9+s12+$0x0] =	vst.idx.add.f32.msk $0xffff, v3  }
0x4ba: {  	v9 =	vmul.f32 v11, v7;
	v11 =	vadd.s32 v2, v16;
	[tilespmem:v13+s12+$0x0] =	vst.idx.add.f32.msk $0xffff, v3  }
0x4bb: {  	v8 =	vtrunc.f32 v8;
	v16 =	vadd.f32 v15, v6;
	v13 =	vld [tilespmem:s20+$0x8020]  }
0x4bc: {  	v14 =	vtrunc.f32 v14;
	v8 =	vcvt.f32.s32 v8;
	v9 =	vadd.f32 v9, v6;
	v18 =	vld [tilespmem:s20+$0x8050]  }
0x4bd: {  	v14 =	vcvt.f32.s32 v14;
	v10 =	vmul.f32 v10, v7;
	v20 =	vadd.s32 v2, v12;
	v19 =	vld [tilespmem:s20+$0x8070]  }
0x4be: {  	v22 =	vadd.s32 v2, v8;
	v8 =	vcvt.f32.s32 v17;
	v9 =	vtrunc.f32 v9;
	v21 =	vld [tilespmem:s20+$0x8040]  }
0x4bf: {  	v23 =	vadd.s32 v2, v14;
	v10 =	vadd.f32 v10, v6;
	v9 =	vcvt.f32.s32 v9;
	[tilespmem:v11+s12+$0x0] =	vst.idx.add.f32.msk $0xffff, v3  }
0x4c0: {  	v11 =	vtrunc.f32 v16;
	v8 =	vadd.s32 v2, v8;
	v15 =	vld [tilespmem:s20+$0x8010]  }
0x4c1: {  	v10 =	vtrunc.f32 v10;
	v14 =	vcvt.f32.s32 v11;
	v12 =	vadd.s32 v2, v9;
	v17 =	vld [tilespmem:s20+$0x8000]  }
.Ltmp16:
0x4c2: {  	v13 =	vmul.f32 v13, v7;
	v11 =	vld [tilespmem:s20+$0x8060];
	v16 =	vmul.f32 v19, v7;
	(pc) =	sbr.rel @p0 .LBB2_34-.Ltmp16, $4  }
0x4c3: {  	v9 =	vadd.s32 v2, v14;
	[tilespmem:v22+s12+$0x0] =	vst.idx.add.f32.msk $0xffff, v3;
	v22 =	vcvt.f32.s32 v10  }
0x4c4: {  	v21 =	vmul.f32 v21, v7;
	v16 =	vadd.f32 v16, v6;
	[tilespmem:v20+s12+$0x0] =	vst.idx.add.f32.msk $0xffff, v3  }
0x4c5: {  	v14 =	vadd.f32 v13, v6;
	v19 =	vmul.f32 v18, v7;
	v10 =	vld [tilespmem:s20+$0x8030];
	v13 =	vadd.s32 v2, v22  }
0x4c6: {  	s18 =	sadd.s32 $0x400, s18;
	s19 =	sadd.s32 $0x80, s19;
	v18 =	vadd.f32 v21, v6;
	v17 =	vmul.f32 v17, v7;
	[tilespmem:v23+s12+$0x0] =	vst.idx.add.f32.msk $0xffff, v3  }
0x4c7: {  	_ = 	snop  }
0x4c8: {  	v15 =	vmul.f32 v15, v7;
	v16 =	vtrunc.f32 v16  }
0x4c9: {  	v11 =	vmul.f32 v11, v7;
	v14 =	vtrunc.f32 v14  }
0x4ca: {  	v19 =	vadd.f32 v19, v6;
	v18 =	vtrunc.f32 v18;
	v16 =	vcvt.f32.s32 v16  }
0x4cb: {  	[tilespmem:v12+s12+$0x0] =	vst.idx.add.f32.msk $0xffff, v3;
	v17 =	vadd.f32 v17, v6;
	v12 =	vcvt.f32.s32 v14;
	v18 =	vcvt.f32.s32 v18  }
0x4cc: {  	v19 =	vtrunc.f32 v19;
	v11 =	vadd.f32 v11, v6;
	v15 =	vadd.f32 v15, v6  }
0x4cd: {  	v17 =	vtrunc.f32 v17;
	v16 =	vadd.s32 v2, v16;
	v10 =	vmul.f32 v10, v7  }
0x4ce: {  	[tilespmem:v9+s12+$0x0] =	vst.idx.add.f32.msk $0xffff, v3;
	v9 =	vcvt.f32.s32 v19;
	v12 =	vadd.s32 v2, v12;
	v17 =	vcvt.f32.s32 v17  }
0x4cf: {  	[tilespmem:v8+s12+$0x0] =	vst.idx.add.f32.msk $0xffff, v3;
	v11 =	vtrunc.f32 v11;
	v8 =	vadd.s32 v2, v18;
	v10 =	vadd.f32 v10, v6  }
0x4d0: {  	v15 =	vtrunc.f32 v15;
	v11 =	vcvt.f32.s32 v11;
	v9 =	vadd.s32 v2, v9  }
0x4d1: {  	[tilespmem:v13+s12+$0x0] =	vst.idx.add.f32.msk $0xffff, v3;
	v13 =	vcvt.f32.s32 v15;
	v14 =	vadd.s32 v2, v17;
	v10 =	vtrunc.f32 v10  }
0x4d2: {  	v11 =	vadd.s32 v2, v11;
	[tilespmem:v16+s12+$0x0] =	vst.idx.add.f32.msk $0xffff, v3;
	v10 =	vcvt.f32.s32 v10  }
0x4d3: {  	v13 =	vadd.s32 v2, v13;
	[tilespmem:v12+s12+$0x0] =	vst.idx.add.f32.msk $0xffff, v3  }
0x4d4: {  	[tilespmem:v8+s12+$0x0] =	vst.idx.add.f32.msk $0xffff, v3;
	v8 =	vadd.s32 v2, v10  }
0x4d5: {  	[tilespmem:v9+s12+$0x0] =	vst.idx.add.f32.msk $0xffff, v3  }
0x4d6: {  	[tilespmem:v14+s12+$0x0] =	vst.idx.add.f32.msk $0xffff, v3  }
0x4d7: {  	[tilespmem:v11+s12+$0x0] =	vst.idx.add.f32.msk $0xffff, v3  }
0x4d8: {  	[tilespmem:v13+s12+$0x0] =	vst.idx.add.f32.msk $0xffff, v3  }
0x4d9: {  	[tilespmem:v8+s12+$0x0] =	vst.idx.add.f32.msk $0xffff, v3  }
0x4da: {  	_ =	swait.ge [sflag:s10], $0x8000  }
0x4db: {  	s18 =	sld [smem:$0x7EA]  }
0x4dc: {  	[sflag:s10] =	ssyncset.done $0x0  }
0x4dd: {  	s17 =	simm.s32 $0x0;
	[sflag:s10] =	ssyncadd.s32 $0xFFFF8000  }
0x4de: {  	[hbm4b:s18+s17] =	stream.linear.scatter [tilespmem:s17], [sflag:$0x3], $0x8000, $0x38;
	[tilespmem:$0x19080] =	vst v63  }
0x4df: {  	_ =	swait.ge [sflag:s15], $0x8000  }
0x4e0: {  	s19 =	sld [smem:$0x7EB]  }
0x4e1: {  	[sflag:s15] =	ssyncset.done $0x0  }
0x4e2: {  	[sflag:s15] =	ssyncadd.s32 $0xFFFF8000  }
0x4e3: {  	[tilespmem:s11], [sflag:$0x2] =	stream.linear.gather [hbm4b:s19+s17], $0x8000, $0x38;
	[tilespmem:$0x19080] =	vst v63  }
0x4e4: {  	s20 =	simm.s32 $0x0;
	s19 =	sand.u32 $0x4000, s17;
	s17 =	sand.u32 $0x3C00, s17  }
0x4e5: {  	s18 =	sand.u32 $0x380, s20;
	s17 =	sor.u32 s17, s19  }
0x4e6: {  	s18 =	sor.u32 s18, s17  }
0x4e7: {  	v8 =	vld [tilespmem:s18+$0x70]  }
0x4e8: {  	v9 =	vld [tilespmem:s18+$0x40]  }
0x4e9: {  	v10 =	vld [tilespmem:s18+$0x20]  }
0x4ea: {  	v11 =	vld [tilespmem:s18+$0x0]  }
0x4eb: {  	v12 =	vld [tilespmem:s18+$0x50]  }
0x4ec: {  	v13 =	vld [tilespmem:s18+$0x10]  }
0x4ed: {  	v14 =	vld [tilespmem:s18+$0x60]  }
0x4ee: {  	v15 =	vld [tilespmem:s18+$0x30]  }
0x4ef: {  	v8 =	vmul.f32 v8, v7;
	v9 =	vmul.f32 v9, v7  }
0x4f0: {  	v10 =	vmul.f32 v10, v7;
	v11 =	vmul.f32 v11, v7  }
0x4f1: {  	s21 =	simm.s32 $0x400;
	s20 =	simm.s32 $0x80;
	v12 =	vmul.f32 v12, v7;
	v13 =	vmul.f32 v13, v7;
	v8 =	vadd.f32 v8, v6  }
0x4f2: {  	s20 =	sand.u32 $0x4000, s20;
	s19 =	sand.u32 $0x3C00, s21;
	s17 =	simm.s32 $0x8;
	v14 =	vmul.f32 v14, v7;
	v9 =	vadd.f32 v9, v6;
	v11 =	vadd.f32 v11, v6  }
0x4f3: {  	s19 =	sor.u32 s19, s20;
	s22 =	sand.u32 $0x380, s17;
	v15 =	vmul.f32 v15, v7;
	v10 =	vadd.f32 v10, v6;
	v8 =	vtrunc.f32 v8  }
0x4f4: {  	s18 =	sor.u32 s22, s19;
	v12 =	vadd.f32 v12, v6;
	v9 =	vtrunc.f32 v9;
	v11 =	vtrunc.f32 v11  }
0x4f5: {  	v16 =	vld [tilespmem:s18+$0x20];
	v13 =	vadd.f32 v13, v6;
	v10 =	vtrunc.f32 v10;
	v8 =	vcvt.f32.s32 v8  }
0x4f6: {  	v17 =	vld [tilespmem:s18+$0x50];
	v14 =	vadd.f32 v14, v6;
	v9 =	vcvt.f32.s32 v9;
	v11 =	vcvt.f32.s32 v11  }
0x4f7: {  	v18 =	vld [tilespmem:s18+$0x70];
	v12 =	vtrunc.f32 v12;
	v10 =	vcvt.f32.s32 v10;
	v8 =	vadd.s32 v2, v8  }
0x4f8: {  	v19 =	vld [tilespmem:s18+$0x40];
	v20 =	vadd.s32 v2, v11;
	v21 =	vadd.s32 v2, v9;
	v11 =	vtrunc.f32 v14  }
0x4f9: {  	v23 =	vld [tilespmem:s18+$0x0];
	v9 =	vcvt.f32.s32 v12;
	v12 =	vadd.f32 v15, v6;
	v11 =	vcvt.f32.s32 v11  }
0x4fa: {  	v13 =	vtrunc.f32 v13;
	v15 =	vld [tilespmem:s18+$0x10];
	v22 =	vadd.s32 v2, v10  }
0x4fb: {  	v14 =	vmul.f32 v16, v7;
	v10 =	vtrunc.f32 v12;
	v12 =	vadd.s32 v2, v11;
	v11 =	vld [tilespmem:s18+$0x60]  }
0x4fc: {  	[tilespmem:v8+s12+$0x0] =	vst.idx.add.f32.msk $0xffff, v3;
	v8 =	vadd.s32 v2, v9;
	v9 =	vcvt.f32.s32 v13  }
0x4fd: {  	v14 =	vadd.f32 v14, v6;
	v13 =	vmul.f32 v18, v7;
	[tilespmem:v20+s12+$0x0] =	vst.idx.add.f32.msk $0xffff, v3;
	v18 =	vcvt.f32.s32 v10  }
0x4fe: {  	v20 =	vmul.f32 v19, v7;
	[tilespmem:v21+s12+$0x0] =	vst.idx.add.f32.msk $0xffff, v3;
	v9 =	vadd.s32 v2, v9  }
0x4ff: {  	v10 =	vld [tilespmem:s18+$0x30];
	v19 =	vmul.f32 v17, v7;
	v16 =	vadd.f32 v13, v6;
	v13 =	vadd.s32 v2, v18  }
0x500: {  	s19 =	simm.s32 $0x100;
	v17 =	vmul.f32 v23, v7;
	s18 =	simm.s32 $0x800;
	[tilespmem:v22+s12+$0x0] =	vst.idx.add.f32.msk $0xffff, v3;
	v18 =	vadd.f32 v20, v6  }
.LBB2_36:
0x501: {  	s17 =	sadd.s32 $0x8, s17;
	s20 =	sand.u32 $0x4000, s19;
	s21 =	sand.u32 $0x3C00, s18;
	v15 =	vmul.f32 v15, v7;
	v19 =	vadd.f32 v19, v6;
	v16 =	vtrunc.f32 v16;
	[tilespmem:v12+s12+$0x0] =	vst.idx.add.f32.msk $0xffff, v3  }
0x502: {  	s22 =	sand.u32 $0x380, s17;
	s20 =	sor.u32 s21, s20;
	p0 =	slt.u32 s17, $0x7F8;
	v12 =	vtrunc.f32 v18;
	v16 =	vcvt.f32.s32 v16;
	[tilespmem:v8+s12+$0x0] =	vst.idx.add.f32.msk $0xffff, v3  }
0x503: {  	v8 =	vadd.f32 v17, v6;
	s20 =	sor.u32 s22, s20;
	v12 =	vcvt.f32.s32 v12;
	v17 =	vtrunc.f32 v19;
	[tilespmem:v9+s12+$0x0] =	vst.idx.add.f32.msk $0xffff, v3  }
0x504: {  	v9 =	vmul.f32 v11, v7;
	v11 =	vadd.s32 v2, v16;
	[tilespmem:v13+s12+$0x0] =	vst.idx.add.f32.msk $0xffff, v3  }
0x505: {  	v8 =	vtrunc.f32 v8;
	v16 =	vadd.f32 v15, v6;
	v13 =	vld [tilespmem:s20+$0x20]  }
0x506: {  	v14 =	vtrunc.f32 v14;
	v8 =	vcvt.f32.s32 v8;
	v9 =	vadd.f32 v9, v6;
	v18 =	vld [tilespmem:s20+$0x50]  }
0x507: {  	v14 =	vcvt.f32.s32 v14;
	v10 =	vmul.f32 v10, v7;
	v20 =	vadd.s32 v2, v12;
	v19 =	vld [tilespmem:s20+$0x70]  }
0x508: {  	v22 =	vadd.s32 v2, v8;
	v8 =	vcvt.f32.s32 v17;
	v9 =	vtrunc.f32 v9;
	v21 =	vld [tilespmem:s20+$0x40]  }
0x509: {  	v23 =	vadd.s32 v2, v14;
	v10 =	vadd.f32 v10, v6;
	v9 =	vcvt.f32.s32 v9;
	[tilespmem:v11+s12+$0x0] =	vst.idx.add.f32.msk $0xffff, v3  }
0x50a: {  	v11 =	vtrunc.f32 v16;
	v8 =	vadd.s32 v2, v8;
	v15 =	vld [tilespmem:s20+$0x10]  }
0x50b: {  	v10 =	vtrunc.f32 v10;
	v14 =	vcvt.f32.s32 v11;
	v12 =	vadd.s32 v2, v9;
	v17 =	vld [tilespmem:s20+$0x0]  }
.Ltmp17:
0x50c: {  	v13 =	vmul.f32 v13, v7;
	v11 =	vld [tilespmem:s20+$0x60];
	v16 =	vmul.f32 v19, v7;
	(pc) =	sbr.rel @p0 .LBB2_36-.Ltmp17, $4  }
0x50d: {  	v9 =	vadd.s32 v2, v14;
	[tilespmem:v22+s12+$0x0] =	vst.idx.add.f32.msk $0xffff, v3;
	v22 =	vcvt.f32.s32 v10  }
0x50e: {  	v21 =	vmul.f32 v21, v7;
	v16 =	vadd.f32 v16, v6;
	[tilespmem:v20+s12+$0x0] =	vst.idx.add.f32.msk $0xffff, v3  }
0x50f: {  	v14 =	vadd.f32 v13, v6;
	v19 =	vmul.f32 v18, v7;
	v10 =	vld [tilespmem:s20+$0x30];
	v13 =	vadd.s32 v2, v22  }
0x510: {  	s18 =	sadd.s32 $0x400, s18;
	s19 =	sadd.s32 $0x80, s19;
	v18 =	vadd.f32 v21, v6;
	v17 =	vmul.f32 v17, v7;
	[tilespmem:v23+s12+$0x0] =	vst.idx.add.f32.msk $0xffff, v3  }
0x511: {  	_ = 	snop  }
0x512: {  	v15 =	vmul.f32 v15, v7;
	v16 =	vtrunc.f32 v16  }
0x513: {  	v11 =	vmul.f32 v11, v7;
	v14 =	vtrunc.f32 v14  }
0x514: {  	v19 =	vadd.f32 v19, v6;
	v18 =	vtrunc.f32 v18;
	v16 =	vcvt.f32.s32 v16  }
0x515: {  	[tilespmem:v12+s12+$0x0] =	vst.idx.add.f32.msk $0xffff, v3;
	v17 =	vadd.f32 v17, v6;
	v12 =	vcvt.f32.s32 v14;
	v18 =	vcvt.f32.s32 v18  }
0x516: {  	v19 =	vtrunc.f32 v19;
	v11 =	vadd.f32 v11, v6;
	v15 =	vadd.f32 v15, v6  }
0x517: {  	v17 =	vtrunc.f32 v17;
	v16 =	vadd.s32 v2, v16;
	v10 =	vmul.f32 v10, v7  }
0x518: {  	[tilespmem:v9+s12+$0x0] =	vst.idx.add.f32.msk $0xffff, v3;
	v9 =	vcvt.f32.s32 v19;
	v12 =	vadd.s32 v2, v12;
	v17 =	vcvt.f32.s32 v17  }
0x519: {  	[tilespmem:v8+s12+$0x0] =	vst.idx.add.f32.msk $0xffff, v3;
	v11 =	vtrunc.f32 v11;
	v8 =	vadd.s32 v2, v18;
	v10 =	vadd.f32 v10, v6  }
0x51a: {  	v15 =	vtrunc.f32 v15;
	v11 =	vcvt.f32.s32 v11;
	v9 =	vadd.s32 v2, v9  }
0x51b: {  	[tilespmem:v13+s12+$0x0] =	vst.idx.add.f32.msk $0xffff, v3;
	v13 =	vcvt.f32.s32 v15;
	v14 =	vadd.s32 v2, v17;
	v10 =	vtrunc.f32 v10  }
0x51c: {  	v11 =	vadd.s32 v2, v11;
	[tilespmem:v16+s12+$0x0] =	vst.idx.add.f32.msk $0xffff, v3;
	v10 =	vcvt.f32.s32 v10  }
0x51d: {  	v13 =	vadd.s32 v2, v13;
	[tilespmem:v12+s12+$0x0] =	vst.idx.add.f32.msk $0xffff, v3  }
0x51e: {  	[tilespmem:v8+s12+$0x0] =	vst.idx.add.f32.msk $0xffff, v3;
	v8 =	vadd.s32 v2, v10  }
0x51f: {  	[tilespmem:v9+s12+$0x0] =	vst.idx.add.f32.msk $0xffff, v3  }
0x520: {  	[tilespmem:v14+s12+$0x0] =	vst.idx.add.f32.msk $0xffff, v3  }
0x521: {  	[tilespmem:v11+s12+$0x0] =	vst.idx.add.f32.msk $0xffff, v3  }
0x522: {  	[tilespmem:v13+s12+$0x0] =	vst.idx.add.f32.msk $0xffff, v3  }
0x523: {  	[tilespmem:v8+s12+$0x0] =	vst.idx.add.f32.msk $0xffff, v3  }
0x524: {  	_ =	swait.ge [sflag:s13], $0x8000  }
0x525: {  	s18 =	sld [smem:$0x7EC]  }
0x526: {  	[sflag:s13] =	ssyncset.done $0x0  }
0x527: {  	s17 =	simm.s32 $0x0;
	[sflag:s13] =	ssyncadd.s32 $0xFFFF8000  }
0x528: {  	[hbm4b:s18+s17] =	stream.linear.scatter [tilespmem:s11], [sflag:$0x4], $0x8000, $0x38;
	[tilespmem:$0x19080] =	vst v63  }
0x529: {  	_ =	swait.ge [sflag:s14], $0x8000  }
0x52a: {  	s19 =	sld [smem:$0x7ED]  }
0x52b: {  	[sflag:s14] =	ssyncset.done $0x0  }
0x52c: {  	[sflag:s14] =	ssyncadd.s32 $0xFFFF8000  }
0x52d: {  	[tilespmem:s17], [sflag:$0x1] =	stream.linear.gather [hbm4b:s19+s17], $0x8000, $0x38;
	[tilespmem:$0x19080] =	vst v63  }
0x52e: {  	s20 =	simm.s32 $0x0;
	s19 =	sand.u32 $0x4000, s17;
	s17 =	sand.u32 $0x3C00, s17  }
0x52f: {  	s18 =	sand.u32 $0x380, s20;
	s17 =	sor.u32 s17, s19  }
0x530: {  	s18 =	sor.u32 s18, s17  }
0x531: {  	v8 =	vld [tilespmem:s18+$0x8070]  }
0x532: {  	v9 =	vld [tilespmem:s18+$0x8040]  }
0x533: {  	v10 =	vld [tilespmem:s18+$0x8020]  }
0x534: {  	v11 =	vld [tilespmem:s18+$0x8000]  }
0x535: {  	v12 =	vld [tilespmem:s18+$0x8050]  }
0x536: {  	v13 =	vld [tilespmem:s18+$0x8010]  }
0x537: {  	v14 =	vld [tilespmem:s18+$0x8060]  }
0x538: {  	v15 =	vld [tilespmem:s18+$0x8030]  }
0x539: {  	v8 =	vmul.f32 v8, v7;
	v9 =	vmul.f32 v9, v7  }
0x53a: {  	v10 =	vmul.f32 v10, v7;
	v11 =	vmul.f32 v11, v7  }
0x53b: {  	s21 =	simm.s32 $0x400;
	s20 =	simm.s32 $0x80;
	v12 =	vmul.f32 v12, v7;
	v13 =	vmul.f32 v13, v7;
	v8 =	vadd.f32 v8, v6  }
0x53c: {  	s20 =	sand.u32 $0x4000, s20;
	s19 =	sand.u32 $0x3C00, s21;
	s17 =	simm.s32 $0x8;
	v14 =	vmul.f32 v14, v7;
	v9 =	vadd.f32 v9, v6;
	v11 =	vadd.f32 v11, v6  }
0x53d: {  	s19 =	sor.u32 s19, s20;
	s22 =	sand.u32 $0x380, s17;
	v15 =	vmul.f32 v15, v7;
	v10 =	vadd.f32 v10, v6;
	v8 =	vtrunc.f32 v8  }
0x53e: {  	s18 =	sor.u32 s22, s19;
	v12 =	vadd.f32 v12, v6;
	v9 =	vtrunc.f32 v9;
	v11 =	vtrunc.f32 v11  }
0x53f: {  	v16 =	vld [tilespmem:s18+$0x8020];
	v13 =	vadd.f32 v13, v6;
	v10 =	vtrunc.f32 v10;
	v8 =	vcvt.f32.s32 v8  }
0x540: {  	v17 =	vld [tilespmem:s18+$0x8050];
	v14 =	vadd.f32 v14, v6;
	v9 =	vcvt.f32.s32 v9;
	v11 =	vcvt.f32.s32 v11  }
0x541: {  	v18 =	vld [tilespmem:s18+$0x8070];
	v12 =	vtrunc.f32 v12;
	v10 =	vcvt.f32.s32 v10;
	v8 =	vadd.s32 v2, v8  }
0x542: {  	v19 =	vld [tilespmem:s18+$0x8040];
	v20 =	vadd.s32 v2, v11;
	v21 =	vadd.s32 v2, v9;
	v11 =	vtrunc.f32 v14  }
0x543: {  	v23 =	vld [tilespmem:s18+$0x8000];
	v9 =	vcvt.f32.s32 v12;
	v12 =	vadd.f32 v15, v6;
	v11 =	vcvt.f32.s32 v11  }
0x544: {  	v13 =	vtrunc.f32 v13;
	v15 =	vld [tilespmem:s18+$0x8010];
	v22 =	vadd.s32 v2, v10  }
0x545: {  	v14 =	vmul.f32 v16, v7;
	v10 =	vtrunc.f32 v12;
	v12 =	vadd.s32 v2, v11;
	v11 =	vld [tilespmem:s18+$0x8060]  }
0x546: {  	[tilespmem:v8+s12+$0x0] =	vst.idx.add.f32.msk $0xffff, v3;
	v8 =	vadd.s32 v2, v9;
	v9 =	vcvt.f32.s32 v13  }
0x547: {  	v14 =	vadd.f32 v14, v6;
	v13 =	vmul.f32 v18, v7;
	[tilespmem:v20+s12+$0x0] =	vst.idx.add.f32.msk $0xffff, v3;
	v18 =	vcvt.f32.s32 v10  }
0x548: {  	v20 =	vmul.f32 v19, v7;
	[tilespmem:v21+s12+$0x0] =	vst.idx.add.f32.msk $0xffff, v3;
	v9 =	vadd.s32 v2, v9  }
0x549: {  	v10 =	vld [tilespmem:s18+$0x8030];
	v19 =	vmul.f32 v17, v7;
	v16 =	vadd.f32 v13, v6;
	v13 =	vadd.s32 v2, v18  }
0x54a: {  	s19 =	simm.s32 $0x100;
	v17 =	vmul.f32 v23, v7;
	s18 =	simm.s32 $0x800;
	[tilespmem:v22+s12+$0x0] =	vst.idx.add.f32.msk $0xffff, v3;
	v18 =	vadd.f32 v20, v6  }
.LBB2_38:
0x54b: {  	s17 =	sadd.s32 $0x8, s17;
	s20 =	sand.u32 $0x4000, s19;
	s21 =	sand.u32 $0x3C00, s18;
	v15 =	vmul.f32 v15, v7;
	v19 =	vadd.f32 v19, v6;
	v16 =	vtrunc.f32 v16;
	[tilespmem:v12+s12+$0x0] =	vst.idx.add.f32.msk $0xffff, v3  }
0x54c: {  	s22 =	sand.u32 $0x380, s17;
	s20 =	sor.u32 s21, s20;
	p0 =	slt.u32 s17, $0x7F8;
	v12 =	vtrunc.f32 v18;
	v16 =	vcvt.f32.s32 v16;
	[tilespmem:v8+s12+$0x0] =	vst.idx.add.f32.msk $0xffff, v3  }
0x54d: {  	v8 =	vadd.f32 v17, v6;
	s20 =	sor.u32 s22, s20;
	v12 =	vcvt.f32.s32 v12;
	v17 =	vtrunc.f32 v19;
	[tilespmem:v9+s12+$0x0] =	vst.idx.add.f32.msk $0xffff, v3  }
0x54e: {  	v9 =	vmul.f32 v11, v7;
	v11 =	vadd.s32 v2, v16;
	[tilespmem:v13+s12+$0x0] =	vst.idx.add.f32.msk $0xffff, v3  }
0x54f: {  	v8 =	vtrunc.f32 v8;
	v16 =	vadd.f32 v15, v6;
	v13 =	vld [tilespmem:s20+$0x8020]  }
0x550: {  	v14 =	vtrunc.f32 v14;
	v8 =	vcvt.f32.s32 v8;
	v9 =	vadd.f32 v9, v6;
	v18 =	vld [tilespmem:s20+$0x8050]  }
0x551: {  	v14 =	vcvt.f32.s32 v14;
	v10 =	vmul.f32 v10, v7;
	v20 =	vadd.s32 v2, v12;
	v19 =	vld [tilespmem:s20+$0x8070]  }
0x552: {  	v22 =	vadd.s32 v2, v8;
	v8 =	vcvt.f32.s32 v17;
	v9 =	vtrunc.f32 v9;
	v21 =	vld [tilespmem:s20+$0x8040]  }
0x553: {  	v23 =	vadd.s32 v2, v14;
	v10 =	vadd.f32 v10, v6;
	v9 =	vcvt.f32.s32 v9;
	[tilespmem:v11+s12+$0x0] =	vst.idx.add.f32.msk $0xffff, v3  }
0x554: {  	v11 =	vtrunc.f32 v16;
	v8 =	vadd.s32 v2, v8;
	v15 =	vld [tilespmem:s20+$0x8010]  }
0x555: {  	v10 =	vtrunc.f32 v10;
	v14 =	vcvt.f32.s32 v11;
	v12 =	vadd.s32 v2, v9;
	v17 =	vld [tilespmem:s20+$0x8000]  }
.Ltmp18:
0x556: {  	v13 =	vmul.f32 v13, v7;
	v11 =	vld [tilespmem:s20+$0x8060];
	v16 =	vmul.f32 v19, v7;
	(pc) =	sbr.rel @p0 .LBB2_38-.Ltmp18, $4  }
0x557: {  	v9 =	vadd.s32 v2, v14;
	[tilespmem:v22+s12+$0x0] =	vst.idx.add.f32.msk $0xffff, v3;
	v22 =	vcvt.f32.s32 v10  }
0x558: {  	v21 =	vmul.f32 v21, v7;
	v16 =	vadd.f32 v16, v6;
	[tilespmem:v20+s12+$0x0] =	vst.idx.add.f32.msk $0xffff, v3  }
0x559: {  	v14 =	vadd.f32 v13, v6;
	v19 =	vmul.f32 v18, v7;
	v10 =	vld [tilespmem:s20+$0x8030];
	v13 =	vadd.s32 v2, v22  }
0x55a: {  	s18 =	sadd.s32 $0x400, s18;
	s19 =	sadd.s32 $0x80, s19;
	v18 =	vadd.f32 v21, v6;
	v17 =	vmul.f32 v17, v7;
	[tilespmem:v23+s12+$0x0] =	vst.idx.add.f32.msk $0xffff, v3  }
0x55b: {  	_ = 	snop  }
0x55c: {  	v15 =	vmul.f32 v15, v7;
	v16 =	vtrunc.f32 v16  }
0x55d: {  	v11 =	vmul.f32 v11, v7;
	v14 =	vtrunc.f32 v14  }
0x55e: {  	v19 =	vadd.f32 v19, v6;
	v18 =	vtrunc.f32 v18;
	v16 =	vcvt.f32.s32 v16  }
0x55f: {  	[tilespmem:v12+s12+$0x0] =	vst.idx.add.f32.msk $0xffff, v3;
	v17 =	vadd.f32 v17, v6;
	v12 =	vcvt.f32.s32 v14;
	v18 =	vcvt.f32.s32 v18  }
0x560: {  	v19 =	vtrunc.f32 v19;
	v11 =	vadd.f32 v11, v6;
	v15 =	vadd.f32 v15, v6  }
0x561: {  	v17 =	vtrunc.f32 v17;
	v16 =	vadd.s32 v2, v16;
	v10 =	vmul.f32 v10, v7  }
0x562: {  	[tilespmem:v9+s12+$0x0] =	vst.idx.add.f32.msk $0xffff, v3;
	v9 =	vcvt.f32.s32 v19;
	v12 =	vadd.s32 v2, v12;
	v17 =	vcvt.f32.s32 v17  }
0x563: {  	[tilespmem:v8+s12+$0x0] =	vst.idx.add.f32.msk $0xffff, v3;
	v11 =	vtrunc.f32 v11;
	v8 =	vadd.s32 v2, v18;
	v10 =	vadd.f32 v10, v6  }
0x564: {  	v15 =	vtrunc.f32 v15;
	v11 =	vcvt.f32.s32 v11;
	v9 =	vadd.s32 v2, v9  }
0x565: {  	[tilespmem:v13+s12+$0x0] =	vst.idx.add.f32.msk $0xffff, v3;
	v13 =	vcvt.f32.s32 v15;
	v14 =	vadd.s32 v2, v17;
	v10 =	vtrunc.f32 v10  }
0x566: {  	v11 =	vadd.s32 v2, v11;
	[tilespmem:v16+s12+$0x0] =	vst.idx.add.f32.msk $0xffff, v3;
	v10 =	vcvt.f32.s32 v10  }
0x567: {  	v13 =	vadd.s32 v2, v13;
	[tilespmem:v12+s12+$0x0] =	vst.idx.add.f32.msk $0xffff, v3  }
0x568: {  	[tilespmem:v8+s12+$0x0] =	vst.idx.add.f32.msk $0xffff, v3;
	v8 =	vadd.s32 v2, v10  }
0x569: {  	[tilespmem:v9+s12+$0x0] =	vst.idx.add.f32.msk $0xffff, v3  }
0x56a: {  	[tilespmem:v14+s12+$0x0] =	vst.idx.add.f32.msk $0xffff, v3  }
0x56b: {  	[tilespmem:v11+s12+$0x0] =	vst.idx.add.f32.msk $0xffff, v3  }
0x56c: {  	[tilespmem:v13+s12+$0x0] =	vst.idx.add.f32.msk $0xffff, v3  }
0x56d: {  	[tilespmem:v8+s12+$0x0] =	vst.idx.add.f32.msk $0xffff, v3  }
0x56e: {  	_ =	swait.ge [sflag:s10], $0x8000  }
0x56f: {  	s18 =	sld [smem:$0x7EE]  }
0x570: {  	[sflag:s10] =	ssyncset.done $0x0  }
0x571: {  	s17 =	simm.s32 $0x0;
	[sflag:s10] =	ssyncadd.s32 $0xFFFF8000  }
0x572: {  	[hbm4b:s18+s17] =	stream.linear.scatter [tilespmem:s17], [sflag:$0x3], $0x8000, $0x38;
	[tilespmem:$0x19080] =	vst v63  }
0x573: {  	_ =	swait.ge [sflag:s15], $0x8000  }
0x574: {  	s19 =	sld [smem:$0x7EF]  }
0x575: {  	[sflag:s15] =	ssyncset.done $0x0  }
0x576: {  	[sflag:s15] =	ssyncadd.s32 $0xFFFF8000  }
0x577: {  	[tilespmem:s11], [sflag:$0x2] =	stream.linear.gather [hbm4b:s19+s17], $0x8000, $0x38;
	[tilespmem:$0x19080] =	vst v63  }
0x578: {  	s20 =	simm.s32 $0x0;
	s19 =	sand.u32 $0x4000, s17;
	s17 =	sand.u32 $0x3C00, s17  }
0x579: {  	s18 =	sand.u32 $0x380, s20;
	s17 =	sor.u32 s17, s19  }
0x57a: {  	s18 =	sor.u32 s18, s17  }
0x57b: {  	v8 =	vld [tilespmem:s18+$0x70]  }
0x57c: {  	v9 =	vld [tilespmem:s18+$0x40]  }
0x57d: {  	v10 =	vld [tilespmem:s18+$0x20]  }
0x57e: {  	v11 =	vld [tilespmem:s18+$0x0]  }
0x57f: {  	v12 =	vld [tilespmem:s18+$0x50]  }
0x580: {  	v13 =	vld [tilespmem:s18+$0x10]  }
0x581: {  	v14 =	vld [tilespmem:s18+$0x60]  }
0x582: {  	v15 =	vld [tilespmem:s18+$0x30]  }
0x583: {  	v8 =	vmul.f32 v8, v7;
	v9 =	vmul.f32 v9, v7  }
0x584: {  	v10 =	vmul.f32 v10, v7;
	v11 =	vmul.f32 v11, v7  }
0x585: {  	s21 =	simm.s32 $0x400;
	s20 =	simm.s32 $0x80;
	v12 =	vmul.f32 v12, v7;
	v13 =	vmul.f32 v13, v7;
	v8 =	vadd.f32 v8, v6  }
0x586: {  	s20 =	sand.u32 $0x4000, s20;
	s19 =	sand.u32 $0x3C00, s21;
	s17 =	simm.s32 $0x8;
	v14 =	vmul.f32 v14, v7;
	v9 =	vadd.f32 v9, v6;
	v11 =	vadd.f32 v11, v6  }
0x587: {  	s19 =	sor.u32 s19, s20;
	s22 =	sand.u32 $0x380, s17;
	v15 =	vmul.f32 v15, v7;
	v10 =	vadd.f32 v10, v6;
	v8 =	vtrunc.f32 v8  }
0x588: {  	s18 =	sor.u32 s22, s19;
	v12 =	vadd.f32 v12, v6;
	v9 =	vtrunc.f32 v9;
	v11 =	vtrunc.f32 v11  }
0x589: {  	v16 =	vld [tilespmem:s18+$0x20];
	v13 =	vadd.f32 v13, v6;
	v10 =	vtrunc.f32 v10;
	v8 =	vcvt.f32.s32 v8  }
0x58a: {  	v17 =	vld [tilespmem:s18+$0x50];
	v14 =	vadd.f32 v14, v6;
	v9 =	vcvt.f32.s32 v9;
	v11 =	vcvt.f32.s32 v11  }
0x58b: {  	v18 =	vld [tilespmem:s18+$0x70];
	v12 =	vtrunc.f32 v12;
	v10 =	vcvt.f32.s32 v10;
	v8 =	vadd.s32 v2, v8  }
0x58c: {  	v19 =	vld [tilespmem:s18+$0x40];
	v20 =	vadd.s32 v2, v11;
	v21 =	vadd.s32 v2, v9;
	v11 =	vtrunc.f32 v14  }
0x58d: {  	v23 =	vld [tilespmem:s18+$0x0];
	v9 =	vcvt.f32.s32 v12;
	v12 =	vadd.f32 v15, v6;
	v11 =	vcvt.f32.s32 v11  }
0x58e: {  	v13 =	vtrunc.f32 v13;
	v15 =	vld [tilespmem:s18+$0x10];
	v22 =	vadd.s32 v2, v10  }
0x58f: {  	v14 =	vmul.f32 v16, v7;
	v10 =	vtrunc.f32 v12;
	v12 =	vadd.s32 v2, v11;
	v11 =	vld [tilespmem:s18+$0x60]  }
0x590: {  	[tilespmem:v8+s12+$0x0] =	vst.idx.add.f32.msk $0xffff, v3;
	v8 =	vadd.s32 v2, v9;
	v9 =	vcvt.f32.s32 v13  }
0x591: {  	v14 =	vadd.f32 v14, v6;
	v13 =	vmul.f32 v18, v7;
	[tilespmem:v20+s12+$0x0] =	vst.idx.add.f32.msk $0xffff, v3;
	v18 =	vcvt.f32.s32 v10  }
0x592: {  	v20 =	vmul.f32 v19, v7;
	[tilespmem:v21+s12+$0x0] =	vst.idx.add.f32.msk $0xffff, v3;
	v9 =	vadd.s32 v2, v9  }
0x593: {  	v10 =	vld [tilespmem:s18+$0x30];
	v19 =	vmul.f32 v17, v7;
	v16 =	vadd.f32 v13, v6;
	v13 =	vadd.s32 v2, v18  }
0x594: {  	s19 =	simm.s32 $0x100;
	v17 =	vmul.f32 v23, v7;
	s18 =	simm.s32 $0x800;
	[tilespmem:v22+s12+$0x0] =	vst.idx.add.f32.msk $0xffff, v3;
	v18 =	vadd.f32 v20, v6  }
.LBB2_40:
0x595: {  	s17 =	sadd.s32 $0x8, s17;
	s20 =	sand.u32 $0x4000, s19;
	s21 =	sand.u32 $0x3C00, s18;
	v15 =	vmul.f32 v15, v7;
	v19 =	vadd.f32 v19, v6;
	v16 =	vtrunc.f32 v16;
	[tilespmem:v12+s12+$0x0] =	vst.idx.add.f32.msk $0xffff, v3  }
0x596: {  	s22 =	sand.u32 $0x380, s17;
	s20 =	sor.u32 s21, s20;
	p0 =	slt.u32 s17, $0x7F8;
	v12 =	vtrunc.f32 v18;
	v16 =	vcvt.f32.s32 v16;
	[tilespmem:v8+s12+$0x0] =	vst.idx.add.f32.msk $0xffff, v3  }
0x597: {  	v8 =	vadd.f32 v17, v6;
	s20 =	sor.u32 s22, s20;
	v12 =	vcvt.f32.s32 v12;
	v17 =	vtrunc.f32 v19;
	[tilespmem:v9+s12+$0x0] =	vst.idx.add.f32.msk $0xffff, v3  }
0x598: {  	v9 =	vmul.f32 v11, v7;
	v11 =	vadd.s32 v2, v16;
	[tilespmem:v13+s12+$0x0] =	vst.idx.add.f32.msk $0xffff, v3  }
0x599: {  	v8 =	vtrunc.f32 v8;
	v16 =	vadd.f32 v15, v6;
	v13 =	vld [tilespmem:s20+$0x20]  }
0x59a: {  	v14 =	vtrunc.f32 v14;
	v8 =	vcvt.f32.s32 v8;
	v9 =	vadd.f32 v9, v6;
	v18 =	vld [tilespmem:s20+$0x50]  }
0x59b: {  	v14 =	vcvt.f32.s32 v14;
	v10 =	vmul.f32 v10, v7;
	v20 =	vadd.s32 v2, v12;
	v19 =	vld [tilespmem:s20+$0x70]  }
0x59c: {  	v22 =	vadd.s32 v2, v8;
	v8 =	vcvt.f32.s32 v17;
	v9 =	vtrunc.f32 v9;
	v21 =	vld [tilespmem:s20+$0x40]  }
0x59d: {  	v23 =	vadd.s32 v2, v14;
	v10 =	vadd.f32 v10, v6;
	v9 =	vcvt.f32.s32 v9;
	[tilespmem:v11+s12+$0x0] =	vst.idx.add.f32.msk $0xffff, v3  }
0x59e: {  	v11 =	vtrunc.f32 v16;
	v8 =	vadd.s32 v2, v8;
	v15 =	vld [tilespmem:s20+$0x10]  }
0x59f: {  	v10 =	vtrunc.f32 v10;
	v14 =	vcvt.f32.s32 v11;
	v12 =	vadd.s32 v2, v9;
	v17 =	vld [tilespmem:s20+$0x0]  }
.Ltmp19:
0x5a0: {  	v13 =	vmul.f32 v13, v7;
	v11 =	vld [tilespmem:s20+$0x60];
	v16 =	vmul.f32 v19, v7;
	(pc) =	sbr.rel @p0 .LBB2_40-.Ltmp19, $4  }
0x5a1: {  	v9 =	vadd.s32 v2, v14;
	[tilespmem:v22+s12+$0x0] =	vst.idx.add.f32.msk $0xffff, v3;
	v22 =	vcvt.f32.s32 v10  }
0x5a2: {  	v21 =	vmul.f32 v21, v7;
	v16 =	vadd.f32 v16, v6;
	[tilespmem:v20+s12+$0x0] =	vst.idx.add.f32.msk $0xffff, v3  }
0x5a3: {  	v14 =	vadd.f32 v13, v6;
	v19 =	vmul.f32 v18, v7;
	v10 =	vld [tilespmem:s20+$0x30];
	v13 =	vadd.s32 v2, v22  }
0x5a4: {  	s18 =	sadd.s32 $0x400, s18;
	s19 =	sadd.s32 $0x80, s19;
	v18 =	vadd.f32 v21, v6;
	v17 =	vmul.f32 v17, v7;
	[tilespmem:v23+s12+$0x0] =	vst.idx.add.f32.msk $0xffff, v3  }
0x5a5: {  	_ = 	snop  }
0x5a6: {  	v15 =	vmul.f32 v15, v7;
	v16 =	vtrunc.f32 v16  }
0x5a7: {  	v11 =	vmul.f32 v11, v7;
	v14 =	vtrunc.f32 v14  }
0x5a8: {  	v19 =	vadd.f32 v19, v6;
	v18 =	vtrunc.f32 v18;
	v16 =	vcvt.f32.s32 v16  }
0x5a9: {  	[tilespmem:v12+s12+$0x0] =	vst.idx.add.f32.msk $0xffff, v3;
	v17 =	vadd.f32 v17, v6;
	v12 =	vcvt.f32.s32 v14;
	v18 =	vcvt.f32.s32 v18  }
0x5aa: {  	v19 =	vtrunc.f32 v19;
	v11 =	vadd.f32 v11, v6;
	v15 =	vadd.f32 v15, v6  }
0x5ab: {  	v17 =	vtrunc.f32 v17;
	v16 =	vadd.s32 v2, v16;
	v10 =	vmul.f32 v10, v7  }
0x5ac: {  	[tilespmem:v9+s12+$0x0] =	vst.idx.add.f32.msk $0xffff, v3;
	v9 =	vcvt.f32.s32 v19;
	v12 =	vadd.s32 v2, v12;
	v17 =	vcvt.f32.s32 v17  }
0x5ad: {  	[tilespmem:v8+s12+$0x0] =	vst.idx.add.f32.msk $0xffff, v3;
	v11 =	vtrunc.f32 v11;
	v8 =	vadd.s32 v2, v18;
	v10 =	vadd.f32 v10, v6  }
0x5ae: {  	v15 =	vtrunc.f32 v15;
	v11 =	vcvt.f32.s32 v11;
	v9 =	vadd.s32 v2, v9  }
0x5af: {  	[tilespmem:v13+s12+$0x0] =	vst.idx.add.f32.msk $0xffff, v3;
	v13 =	vcvt.f32.s32 v15;
	v14 =	vadd.s32 v2, v17;
	v10 =	vtrunc.f32 v10  }
0x5b0: {  	v11 =	vadd.s32 v2, v11;
	[tilespmem:v16+s12+$0x0] =	vst.idx.add.f32.msk $0xffff, v3;
	v10 =	vcvt.f32.s32 v10  }
0x5b1: {  	v13 =	vadd.s32 v2, v13;
	[tilespmem:v12+s12+$0x0] =	vst.idx.add.f32.msk $0xffff, v3  }
0x5b2: {  	[tilespmem:v8+s12+$0x0] =	vst.idx.add.f32.msk $0xffff, v3;
	v8 =	vadd.s32 v2, v10  }
0x5b3: {  	[tilespmem:v9+s12+$0x0] =	vst.idx.add.f32.msk $0xffff, v3  }
0x5b4: {  	[tilespmem:v14+s12+$0x0] =	vst.idx.add.f32.msk $0xffff, v3  }
0x5b5: {  	[tilespmem:v11+s12+$0x0] =	vst.idx.add.f32.msk $0xffff, v3  }
0x5b6: {  	[tilespmem:v13+s12+$0x0] =	vst.idx.add.f32.msk $0xffff, v3  }
0x5b7: {  	[tilespmem:v8+s12+$0x0] =	vst.idx.add.f32.msk $0xffff, v3  }
0x5b8: {  	_ =	swait.ge [sflag:s13], $0x8000  }
0x5b9: {  	s18 =	sld [smem:$0x7F0]  }
0x5ba: {  	[sflag:s13] =	ssyncset.done $0x0  }
0x5bb: {  	s17 =	simm.s32 $0x0;
	[sflag:s13] =	ssyncadd.s32 $0xFFFF8000  }
0x5bc: {  	[hbm4b:s18+s17] =	stream.linear.scatter [tilespmem:s11], [sflag:$0x4], $0x8000, $0x38;
	[tilespmem:$0x19080] =	vst v63  }
0x5bd: {  	_ =	swait.ge [sflag:s14], $0x8000  }
0x5be: {  	s19 =	sld [smem:$0x7F1]  }
0x5bf: {  	[sflag:s14] =	ssyncset.done $0x0  }
0x5c0: {  	[sflag:s14] =	ssyncadd.s32 $0xFFFF8000  }
0x5c1: {  	[tilespmem:s17], [sflag:$0x1] =	stream.linear.gather [hbm4b:s19+s17], $0x8000, $0x38;
	[tilespmem:$0x19080] =	vst v63  }
0x5c2: {  	s20 =	simm.s32 $0x0;
	s19 =	sand.u32 $0x4000, s17;
	s17 =	sand.u32 $0x3C00, s17  }
0x5c3: {  	s18 =	sand.u32 $0x380, s20;
	s17 =	sor.u32 s17, s19  }
0x5c4: {  	s18 =	sor.u32 s18, s17  }
0x5c5: {  	v8 =	vld [tilespmem:s18+$0x8070]  }
0x5c6: {  	v9 =	vld [tilespmem:s18+$0x8040]  }
0x5c7: {  	v10 =	vld [tilespmem:s18+$0x8020]  }
0x5c8: {  	v11 =	vld [tilespmem:s18+$0x8000]  }
0x5c9: {  	v12 =	vld [tilespmem:s18+$0x8050]  }
0x5ca: {  	v13 =	vld [tilespmem:s18+$0x8010]  }
0x5cb: {  	v14 =	vld [tilespmem:s18+$0x8060]  }
0x5cc: {  	v15 =	vld [tilespmem:s18+$0x8030]  }
0x5cd: {  	v8 =	vmul.f32 v8, v7;
	v9 =	vmul.f32 v9, v7  }
0x5ce: {  	v10 =	vmul.f32 v10, v7;
	v11 =	vmul.f32 v11, v7  }
0x5cf: {  	s21 =	simm.s32 $0x400;
	s20 =	simm.s32 $0x80;
	v12 =	vmul.f32 v12, v7;
	v13 =	vmul.f32 v13, v7;
	v8 =	vadd.f32 v8, v6  }
0x5d0: {  	s20 =	sand.u32 $0x4000, s20;
	s19 =	sand.u32 $0x3C00, s21;
	s17 =	simm.s32 $0x8;
	v14 =	vmul.f32 v14, v7;
	v9 =	vadd.f32 v9, v6;
	v11 =	vadd.f32 v11, v6  }
0x5d1: {  	s19 =	sor.u32 s19, s20;
	s22 =	sand.u32 $0x380, s17;
	v15 =	vmul.f32 v15, v7;
	v10 =	vadd.f32 v10, v6;
	v8 =	vtrunc.f32 v8  }
0x5d2: {  	s18 =	sor.u32 s22, s19;
	v12 =	vadd.f32 v12, v6;
	v9 =	vtrunc.f32 v9;
	v11 =	vtrunc.f32 v11  }
0x5d3: {  	v16 =	vld [tilespmem:s18+$0x8020];
	v13 =	vadd.f32 v13, v6;
	v10 =	vtrunc.f32 v10;
	v8 =	vcvt.f32.s32 v8  }
0x5d4: {  	v17 =	vld [tilespmem:s18+$0x8050];
	v14 =	vadd.f32 v14, v6;
	v9 =	vcvt.f32.s32 v9;
	v11 =	vcvt.f32.s32 v11  }
0x5d5: {  	v18 =	vld [tilespmem:s18+$0x8070];
	v12 =	vtrunc.f32 v12;
	v10 =	vcvt.f32.s32 v10;
	v8 =	vadd.s32 v2, v8  }
0x5d6: {  	v19 =	vld [tilespmem:s18+$0x8040];
	v20 =	vadd.s32 v2, v11;
	v21 =	vadd.s32 v2, v9;
	v11 =	vtrunc.f32 v14  }
0x5d7: {  	v23 =	vld [tilespmem:s18+$0x8000];
	v9 =	vcvt.f32.s32 v12;
	v12 =	vadd.f32 v15, v6;
	v11 =	vcvt.f32.s32 v11  }
0x5d8: {  	v13 =	vtrunc.f32 v13;
	v15 =	vld [tilespmem:s18+$0x8010];
	v22 =	vadd.s32 v2, v10  }
0x5d9: {  	v14 =	vmul.f32 v16, v7;
	v10 =	vtrunc.f32 v12;
	v12 =	vadd.s32 v2, v11;
	v11 =	vld [tilespmem:s18+$0x8060]  }
0x5da: {  	[tilespmem:v8+s12+$0x0] =	vst.idx.add.f32.msk $0xffff, v3;
	v8 =	vadd.s32 v2, v9;
	v9 =	vcvt.f32.s32 v13  }
0x5db: {  	v14 =	vadd.f32 v14, v6;
	v13 =	vmul.f32 v18, v7;
	[tilespmem:v20+s12+$0x0] =	vst.idx.add.f32.msk $0xffff, v3;
	v18 =	vcvt.f32.s32 v10  }
0x5dc: {  	v20 =	vmul.f32 v19, v7;
	[tilespmem:v21+s12+$0x0] =	vst.idx.add.f32.msk $0xffff, v3;
	v9 =	vadd.s32 v2, v9  }
0x5dd: {  	v10 =	vld [tilespmem:s18+$0x8030];
	v19 =	vmul.f32 v17, v7;
	v16 =	vadd.f32 v13, v6;
	v13 =	vadd.s32 v2, v18  }
0x5de: {  	s19 =	simm.s32 $0x100;
	v17 =	vmul.f32 v23, v7;
	s18 =	simm.s32 $0x800;
	[tilespmem:v22+s12+$0x0] =	vst.idx.add.f32.msk $0xffff, v3;
	v18 =	vadd.f32 v20, v6  }
.LBB2_42:
0x5df: {  	s17 =	sadd.s32 $0x8, s17;
	s20 =	sand.u32 $0x4000, s19;
	s21 =	sand.u32 $0x3C00, s18;
	v15 =	vmul.f32 v15, v7;
	v19 =	vadd.f32 v19, v6;
	v16 =	vtrunc.f32 v16;
	[tilespmem:v12+s12+$0x0] =	vst.idx.add.f32.msk $0xffff, v3  }
0x5e0: {  	s22 =	sand.u32 $0x380, s17;
	s20 =	sor.u32 s21, s20;
	p0 =	slt.u32 s17, $0x7F8;
	v12 =	vtrunc.f32 v18;
	v16 =	vcvt.f32.s32 v16;
	[tilespmem:v8+s12+$0x0] =	vst.idx.add.f32.msk $0xffff, v3  }
0x5e1: {  	v8 =	vadd.f32 v17, v6;
	s20 =	sor.u32 s22, s20;
	v12 =	vcvt.f32.s32 v12;
	v17 =	vtrunc.f32 v19;
	[tilespmem:v9+s12+$0x0] =	vst.idx.add.f32.msk $0xffff, v3  }
0x5e2: {  	v9 =	vmul.f32 v11, v7;
	v11 =	vadd.s32 v2, v16;
	[tilespmem:v13+s12+$0x0] =	vst.idx.add.f32.msk $0xffff, v3  }
0x5e3: {  	v8 =	vtrunc.f32 v8;
	v16 =	vadd.f32 v15, v6;
	v13 =	vld [tilespmem:s20+$0x8020]  }
0x5e4: {  	v14 =	vtrunc.f32 v14;
	v8 =	vcvt.f32.s32 v8;
	v9 =	vadd.f32 v9, v6;
	v18 =	vld [tilespmem:s20+$0x8050]  }
0x5e5: {  	v14 =	vcvt.f32.s32 v14;
	v10 =	vmul.f32 v10, v7;
	v20 =	vadd.s32 v2, v12;
	v19 =	vld [tilespmem:s20+$0x8070]  }
0x5e6: {  	v22 =	vadd.s32 v2, v8;
	v8 =	vcvt.f32.s32 v17;
	v9 =	vtrunc.f32 v9;
	v21 =	vld [tilespmem:s20+$0x8040]  }
0x5e7: {  	v23 =	vadd.s32 v2, v14;
	v10 =	vadd.f32 v10, v6;
	v9 =	vcvt.f32.s32 v9;
	[tilespmem:v11+s12+$0x0] =	vst.idx.add.f32.msk $0xffff, v3  }
0x5e8: {  	v11 =	vtrunc.f32 v16;
	v8 =	vadd.s32 v2, v8;
	v15 =	vld [tilespmem:s20+$0x8010]  }
0x5e9: {  	v10 =	vtrunc.f32 v10;
	v14 =	vcvt.f32.s32 v11;
	v12 =	vadd.s32 v2, v9;
	v17 =	vld [tilespmem:s20+$0x8000]  }
.Ltmp20:
0x5ea: {  	v13 =	vmul.f32 v13, v7;
	v11 =	vld [tilespmem:s20+$0x8060];
	v16 =	vmul.f32 v19, v7;
	(pc) =	sbr.rel @p0 .LBB2_42-.Ltmp20, $4  }
0x5eb: {  	v9 =	vadd.s32 v2, v14;
	[tilespmem:v22+s12+$0x0] =	vst.idx.add.f32.msk $0xffff, v3;
	v22 =	vcvt.f32.s32 v10  }
0x5ec: {  	v21 =	vmul.f32 v21, v7;
	v16 =	vadd.f32 v16, v6;
	[tilespmem:v20+s12+$0x0] =	vst.idx.add.f32.msk $0xffff, v3  }
0x5ed: {  	v14 =	vadd.f32 v13, v6;
	v19 =	vmul.f32 v18, v7;
	v10 =	vld [tilespmem:s20+$0x8030];
	v13 =	vadd.s32 v2, v22  }
0x5ee: {  	s18 =	sadd.s32 $0x400, s18;
	s19 =	sadd.s32 $0x80, s19;
	v18 =	vadd.f32 v21, v6;
	v17 =	vmul.f32 v17, v7;
	[tilespmem:v23+s12+$0x0] =	vst.idx.add.f32.msk $0xffff, v3  }
0x5ef: {  	_ = 	snop  }
0x5f0: {  	v15 =	vmul.f32 v15, v7;
	v16 =	vtrunc.f32 v16  }
0x5f1: {  	v11 =	vmul.f32 v11, v7;
	v14 =	vtrunc.f32 v14  }
0x5f2: {  	v19 =	vadd.f32 v19, v6;
	v18 =	vtrunc.f32 v18;
	v16 =	vcvt.f32.s32 v16  }
0x5f3: {  	[tilespmem:v12+s12+$0x0] =	vst.idx.add.f32.msk $0xffff, v3;
	v17 =	vadd.f32 v17, v6;
	v12 =	vcvt.f32.s32 v14;
	v18 =	vcvt.f32.s32 v18  }
0x5f4: {  	v19 =	vtrunc.f32 v19;
	v11 =	vadd.f32 v11, v6;
	v15 =	vadd.f32 v15, v6  }
0x5f5: {  	v17 =	vtrunc.f32 v17;
	v16 =	vadd.s32 v2, v16;
	v10 =	vmul.f32 v10, v7  }
0x5f6: {  	[tilespmem:v9+s12+$0x0] =	vst.idx.add.f32.msk $0xffff, v3;
	v9 =	vcvt.f32.s32 v19;
	v12 =	vadd.s32 v2, v12;
	v17 =	vcvt.f32.s32 v17  }
0x5f7: {  	[tilespmem:v8+s12+$0x0] =	vst.idx.add.f32.msk $0xffff, v3;
	v11 =	vtrunc.f32 v11;
	v8 =	vadd.s32 v2, v18;
	v10 =	vadd.f32 v10, v6  }
0x5f8: {  	v15 =	vtrunc.f32 v15;
	v11 =	vcvt.f32.s32 v11;
	v9 =	vadd.s32 v2, v9  }
0x5f9: {  	[tilespmem:v13+s12+$0x0] =	vst.idx.add.f32.msk $0xffff, v3;
	v13 =	vcvt.f32.s32 v15;
	v14 =	vadd.s32 v2, v17;
	v10 =	vtrunc.f32 v10  }
0x5fa: {  	v11 =	vadd.s32 v2, v11;
	[tilespmem:v16+s12+$0x0] =	vst.idx.add.f32.msk $0xffff, v3;
	v10 =	vcvt.f32.s32 v10  }
0x5fb: {  	v13 =	vadd.s32 v2, v13;
	[tilespmem:v12+s12+$0x0] =	vst.idx.add.f32.msk $0xffff, v3  }
0x5fc: {  	[tilespmem:v8+s12+$0x0] =	vst.idx.add.f32.msk $0xffff, v3;
	v8 =	vadd.s32 v2, v10  }
0x5fd: {  	[tilespmem:v9+s12+$0x0] =	vst.idx.add.f32.msk $0xffff, v3  }
0x5fe: {  	[tilespmem:v14+s12+$0x0] =	vst.idx.add.f32.msk $0xffff, v3  }
0x5ff: {  	[tilespmem:v11+s12+$0x0] =	vst.idx.add.f32.msk $0xffff, v3  }
0x600: {  	[tilespmem:v13+s12+$0x0] =	vst.idx.add.f32.msk $0xffff, v3  }
0x601: {  	[tilespmem:v8+s12+$0x0] =	vst.idx.add.f32.msk $0xffff, v3  }
0x602: {  	_ =	swait.ge [sflag:s10], $0x8000  }
0x603: {  	s18 =	sld [smem:$0x7F2]  }
0x604: {  	[sflag:s10] =	ssyncset.done $0x0  }
0x605: {  	s17 =	simm.s32 $0x0;
	[sflag:s10] =	ssyncadd.s32 $0xFFFF8000  }
0x606: {  	[hbm4b:s18+s17] =	stream.linear.scatter [tilespmem:s17], [sflag:$0x3], $0x8000, $0x38;
	[tilespmem:$0x19080] =	vst v63  }
0x607: {  	_ =	swait.ge [sflag:s15], $0x8000  }
0x608: {  	s19 =	sld [smem:$0x7F3]  }
0x609: {  	[sflag:s15] =	ssyncset.done $0x0  }
0x60a: {  	[sflag:s15] =	ssyncadd.s32 $0xFFFF8000  }
0x60b: {  	[tilespmem:s11], [sflag:$0x2] =	stream.linear.gather [hbm4b:s19+s17], $0x8000, $0x38;
	[tilespmem:$0x19080] =	vst v63  }
0x60c: {  	s20 =	simm.s32 $0x0;
	s19 =	sand.u32 $0x4000, s17;
	s17 =	sand.u32 $0x3C00, s17  }
0x60d: {  	s18 =	sand.u32 $0x380, s20;
	s17 =	sor.u32 s17, s19  }
0x60e: {  	s18 =	sor.u32 s18, s17  }
0x60f: {  	v8 =	vld [tilespmem:s18+$0x70]  }
0x610: {  	v9 =	vld [tilespmem:s18+$0x40]  }
0x611: {  	v10 =	vld [tilespmem:s18+$0x20]  }
0x612: {  	v11 =	vld [tilespmem:s18+$0x0]  }
0x613: {  	v12 =	vld [tilespmem:s18+$0x50]  }
0x614: {  	v13 =	vld [tilespmem:s18+$0x10]  }
0x615: {  	v14 =	vld [tilespmem:s18+$0x60]  }
0x616: {  	v15 =	vld [tilespmem:s18+$0x30]  }
0x617: {  	v8 =	vmul.f32 v8, v7;
	v9 =	vmul.f32 v9, v7  }
0x618: {  	v10 =	vmul.f32 v10, v7;
	v11 =	vmul.f32 v11, v7  }
0x619: {  	s21 =	simm.s32 $0x400;
	s20 =	simm.s32 $0x80;
	v12 =	vmul.f32 v12, v7;
	v13 =	vmul.f32 v13, v7;
	v8 =	vadd.f32 v8, v6  }
0x61a: {  	s20 =	sand.u32 $0x4000, s20;
	s19 =	sand.u32 $0x3C00, s21;
	s17 =	simm.s32 $0x8;
	v14 =	vmul.f32 v14, v7;
	v9 =	vadd.f32 v9, v6;
	v11 =	vadd.f32 v11, v6  }
0x61b: {  	s19 =	sor.u32 s19, s20;
	s22 =	sand.u32 $0x380, s17;
	v15 =	vmul.f32 v15, v7;
	v10 =	vadd.f32 v10, v6;
	v8 =	vtrunc.f32 v8  }
0x61c: {  	s18 =	sor.u32 s22, s19;
	v12 =	vadd.f32 v12, v6;
	v9 =	vtrunc.f32 v9;
	v11 =	vtrunc.f32 v11  }
0x61d: {  	v16 =	vld [tilespmem:s18+$0x20];
	v13 =	vadd.f32 v13, v6;
	v10 =	vtrunc.f32 v10;
	v8 =	vcvt.f32.s32 v8  }
0x61e: {  	v17 =	vld [tilespmem:s18+$0x50];
	v14 =	vadd.f32 v14, v6;
	v9 =	vcvt.f32.s32 v9;
	v11 =	vcvt.f32.s32 v11  }
0x61f: {  	v18 =	vld [tilespmem:s18+$0x70];
	v12 =	vtrunc.f32 v12;
	v10 =	vcvt.f32.s32 v10;
	v8 =	vadd.s32 v2, v8  }
0x620: {  	v19 =	vld [tilespmem:s18+$0x40];
	v20 =	vadd.s32 v2, v11;
	v21 =	vadd.s32 v2, v9;
	v11 =	vtrunc.f32 v14  }
0x621: {  	v23 =	vld [tilespmem:s18+$0x0];
	v9 =	vcvt.f32.s32 v12;
	v12 =	vadd.f32 v15, v6;
	v11 =	vcvt.f32.s32 v11  }
0x622: {  	v13 =	vtrunc.f32 v13;
	v15 =	vld [tilespmem:s18+$0x10];
	v22 =	vadd.s32 v2, v10  }
0x623: {  	v14 =	vmul.f32 v16, v7;
	v10 =	vtrunc.f32 v12;
	v12 =	vadd.s32 v2, v11;
	v11 =	vld [tilespmem:s18+$0x60]  }
0x624: {  	[tilespmem:v8+s12+$0x0] =	vst.idx.add.f32.msk $0xffff, v3;
	v8 =	vadd.s32 v2, v9;
	v9 =	vcvt.f32.s32 v13  }
0x625: {  	v14 =	vadd.f32 v14, v6;
	v13 =	vmul.f32 v18, v7;
	[tilespmem:v20+s12+$0x0] =	vst.idx.add.f32.msk $0xffff, v3;
	v18 =	vcvt.f32.s32 v10  }
0x626: {  	v20 =	vmul.f32 v19, v7;
	[tilespmem:v21+s12+$0x0] =	vst.idx.add.f32.msk $0xffff, v3;
	v9 =	vadd.s32 v2, v9  }
0x627: {  	v10 =	vld [tilespmem:s18+$0x30];
	v19 =	vmul.f32 v17, v7;
	v16 =	vadd.f32 v13, v6;
	v13 =	vadd.s32 v2, v18  }
0x628: {  	s19 =	simm.s32 $0x100;
	v17 =	vmul.f32 v23, v7;
	s18 =	simm.s32 $0x800;
	[tilespmem:v22+s12+$0x0] =	vst.idx.add.f32.msk $0xffff, v3;
	v18 =	vadd.f32 v20, v6  }
.LBB2_44:
0x629: {  	s17 =	sadd.s32 $0x8, s17;
	s20 =	sand.u32 $0x4000, s19;
	s21 =	sand.u32 $0x3C00, s18;
	v15 =	vmul.f32 v15, v7;
	v19 =	vadd.f32 v19, v6;
	v16 =	vtrunc.f32 v16;
	[tilespmem:v12+s12+$0x0] =	vst.idx.add.f32.msk $0xffff, v3  }
0x62a: {  	s22 =	sand.u32 $0x380, s17;
	s20 =	sor.u32 s21, s20;
	p0 =	slt.u32 s17, $0x7F8;
	v12 =	vtrunc.f32 v18;
	v16 =	vcvt.f32.s32 v16;
	[tilespmem:v8+s12+$0x0] =	vst.idx.add.f32.msk $0xffff, v3  }
0x62b: {  	v8 =	vadd.f32 v17, v6;
	s20 =	sor.u32 s22, s20;
	v12 =	vcvt.f32.s32 v12;
	v17 =	vtrunc.f32 v19;
	[tilespmem:v9+s12+$0x0] =	vst.idx.add.f32.msk $0xffff, v3  }
0x62c: {  	v9 =	vmul.f32 v11, v7;
	v11 =	vadd.s32 v2, v16;
	[tilespmem:v13+s12+$0x0] =	vst.idx.add.f32.msk $0xffff, v3  }
0x62d: {  	v8 =	vtrunc.f32 v8;
	v16 =	vadd.f32 v15, v6;
	v13 =	vld [tilespmem:s20+$0x20]  }
0x62e: {  	v14 =	vtrunc.f32 v14;
	v8 =	vcvt.f32.s32 v8;
	v9 =	vadd.f32 v9, v6;
	v18 =	vld [tilespmem:s20+$0x50]  }
0x62f: {  	v14 =	vcvt.f32.s32 v14;
	v10 =	vmul.f32 v10, v7;
	v20 =	vadd.s32 v2, v12;
	v19 =	vld [tilespmem:s20+$0x70]  }
0x630: {  	v22 =	vadd.s32 v2, v8;
	v8 =	vcvt.f32.s32 v17;
	v9 =	vtrunc.f32 v9;
	v21 =	vld [tilespmem:s20+$0x40]  }
0x631: {  	v23 =	vadd.s32 v2, v14;
	v10 =	vadd.f32 v10, v6;
	v9 =	vcvt.f32.s32 v9;
	[tilespmem:v11+s12+$0x0] =	vst.idx.add.f32.msk $0xffff, v3  }
0x632: {  	v11 =	vtrunc.f32 v16;
	v8 =	vadd.s32 v2, v8;
	v15 =	vld [tilespmem:s20+$0x10]  }
0x633: {  	v10 =	vtrunc.f32 v10;
	v14 =	vcvt.f32.s32 v11;
	v12 =	vadd.s32 v2, v9;
	v17 =	vld [tilespmem:s20+$0x0]  }
.Ltmp21:
0x634: {  	v13 =	vmul.f32 v13, v7;
	v11 =	vld [tilespmem:s20+$0x60];
	v16 =	vmul.f32 v19, v7;
	(pc) =	sbr.rel @p0 .LBB2_44-.Ltmp21, $4  }
0x635: {  	v9 =	vadd.s32 v2, v14;
	[tilespmem:v22+s12+$0x0] =	vst.idx.add.f32.msk $0xffff, v3;
	v22 =	vcvt.f32.s32 v10  }
0x636: {  	v21 =	vmul.f32 v21, v7;
	v16 =	vadd.f32 v16, v6;
	[tilespmem:v20+s12+$0x0] =	vst.idx.add.f32.msk $0xffff, v3  }
0x637: {  	v14 =	vadd.f32 v13, v6;
	v19 =	vmul.f32 v18, v7;
	v10 =	vld [tilespmem:s20+$0x30];
	v13 =	vadd.s32 v2, v22  }
0x638: {  	s18 =	sadd.s32 $0x400, s18;
	s19 =	sadd.s32 $0x80, s19;
	v18 =	vadd.f32 v21, v6;
	v17 =	vmul.f32 v17, v7;
	[tilespmem:v23+s12+$0x0] =	vst.idx.add.f32.msk $0xffff, v3  }
0x639: {  	_ = 	snop  }
0x63a: {  	v15 =	vmul.f32 v15, v7;
	v16 =	vtrunc.f32 v16  }
0x63b: {  	v11 =	vmul.f32 v11, v7;
	v14 =	vtrunc.f32 v14  }
0x63c: {  	v19 =	vadd.f32 v19, v6;
	v18 =	vtrunc.f32 v18;
	v16 =	vcvt.f32.s32 v16  }
0x63d: {  	[tilespmem:v12+s12+$0x0] =	vst.idx.add.f32.msk $0xffff, v3;
	v17 =	vadd.f32 v17, v6;
	v12 =	vcvt.f32.s32 v14;
	v18 =	vcvt.f32.s32 v18  }
0x63e: {  	v19 =	vtrunc.f32 v19;
	v11 =	vadd.f32 v11, v6;
	v15 =	vadd.f32 v15, v6  }
0x63f: {  	v17 =	vtrunc.f32 v17;
	v16 =	vadd.s32 v2, v16;
	v10 =	vmul.f32 v10, v7  }
0x640: {  	[tilespmem:v9+s12+$0x0] =	vst.idx.add.f32.msk $0xffff, v3;
	v9 =	vcvt.f32.s32 v19;
	v12 =	vadd.s32 v2, v12;
	v17 =	vcvt.f32.s32 v17  }
0x641: {  	[tilespmem:v8+s12+$0x0] =	vst.idx.add.f32.msk $0xffff, v3;
	v11 =	vtrunc.f32 v11;
	v8 =	vadd.s32 v2, v18;
	v10 =	vadd.f32 v10, v6  }
0x642: {  	v15 =	vtrunc.f32 v15;
	v11 =	vcvt.f32.s32 v11;
	v9 =	vadd.s32 v2, v9  }
0x643: {  	[tilespmem:v13+s12+$0x0] =	vst.idx.add.f32.msk $0xffff, v3;
	v13 =	vcvt.f32.s32 v15;
	v14 =	vadd.s32 v2, v17;
	v10 =	vtrunc.f32 v10  }
0x644: {  	v11 =	vadd.s32 v2, v11;
	[tilespmem:v16+s12+$0x0] =	vst.idx.add.f32.msk $0xffff, v3;
	v10 =	vcvt.f32.s32 v10  }
0x645: {  	v13 =	vadd.s32 v2, v13;
	[tilespmem:v12+s12+$0x0] =	vst.idx.add.f32.msk $0xffff, v3  }
0x646: {  	[tilespmem:v8+s12+$0x0] =	vst.idx.add.f32.msk $0xffff, v3;
	v8 =	vadd.s32 v2, v10  }
0x647: {  	[tilespmem:v9+s12+$0x0] =	vst.idx.add.f32.msk $0xffff, v3  }
0x648: {  	[tilespmem:v14+s12+$0x0] =	vst.idx.add.f32.msk $0xffff, v3  }
0x649: {  	[tilespmem:v11+s12+$0x0] =	vst.idx.add.f32.msk $0xffff, v3  }
0x64a: {  	[tilespmem:v13+s12+$0x0] =	vst.idx.add.f32.msk $0xffff, v3  }
0x64b: {  	[tilespmem:v8+s12+$0x0] =	vst.idx.add.f32.msk $0xffff, v3  }
0x64c: {  	_ =	swait.ge [sflag:s13], $0x8000  }
0x64d: {  	s18 =	sld [smem:$0x7F4]  }
0x64e: {  	[sflag:s13] =	ssyncset.done $0x0  }
0x64f: {  	s17 =	simm.s32 $0x0;
	[sflag:s13] =	ssyncadd.s32 $0xFFFF8000  }
0x650: {  	[hbm4b:s18+s17] =	stream.linear.scatter [tilespmem:s11], [sflag:$0x4], $0x8000, $0x38;
	[tilespmem:$0x19080] =	vst v63  }
0x651: {  	_ =	swait.ge [sflag:s14], $0x8000  }
0x652: {  	s19 =	sld [smem:$0x7F5]  }
0x653: {  	[sflag:s14] =	ssyncset.done $0x0  }
0x654: {  	[sflag:s14] =	ssyncadd.s32 $0xFFFF8000  }
0x655: {  	[tilespmem:s17], [sflag:$0x1] =	stream.linear.gather [hbm4b:s19+s17], $0x8000, $0x38;
	[tilespmem:$0x19080] =	vst v63  }
0x656: {  	s20 =	simm.s32 $0x0;
	s19 =	sand.u32 $0x4000, s17;
	s17 =	sand.u32 $0x3C00, s17  }
0x657: {  	s18 =	sand.u32 $0x380, s20;
	s17 =	sor.u32 s17, s19  }
0x658: {  	s18 =	sor.u32 s18, s17  }
0x659: {  	v8 =	vld [tilespmem:s18+$0x8070]  }
0x65a: {  	v9 =	vld [tilespmem:s18+$0x8040]  }
0x65b: {  	v10 =	vld [tilespmem:s18+$0x8020]  }
0x65c: {  	v11 =	vld [tilespmem:s18+$0x8000]  }
0x65d: {  	v12 =	vld [tilespmem:s18+$0x8050]  }
0x65e: {  	v13 =	vld [tilespmem:s18+$0x8010]  }
0x65f: {  	v14 =	vld [tilespmem:s18+$0x8060]  }
0x660: {  	v15 =	vld [tilespmem:s18+$0x8030]  }
0x661: {  	v8 =	vmul.f32 v8, v7;
	v9 =	vmul.f32 v9, v7  }
0x662: {  	v10 =	vmul.f32 v10, v7;
	v11 =	vmul.f32 v11, v7  }
0x663: {  	s21 =	simm.s32 $0x400;
	s20 =	simm.s32 $0x80;
	v12 =	vmul.f32 v12, v7;
	v13 =	vmul.f32 v13, v7;
	v8 =	vadd.f32 v8, v6  }
0x664: {  	s20 =	sand.u32 $0x4000, s20;
	s19 =	sand.u32 $0x3C00, s21;
	s17 =	simm.s32 $0x8;
	v14 =	vmul.f32 v14, v7;
	v9 =	vadd.f32 v9, v6;
	v11 =	vadd.f32 v11, v6  }
0x665: {  	s19 =	sor.u32 s19, s20;
	s22 =	sand.u32 $0x380, s17;
	v15 =	vmul.f32 v15, v7;
	v10 =	vadd.f32 v10, v6;
	v8 =	vtrunc.f32 v8  }
0x666: {  	s18 =	sor.u32 s22, s19;
	v12 =	vadd.f32 v12, v6;
	v9 =	vtrunc.f32 v9;
	v11 =	vtrunc.f32 v11  }
0x667: {  	v16 =	vld [tilespmem:s18+$0x8020];
	v13 =	vadd.f32 v13, v6;
	v10 =	vtrunc.f32 v10;
	v8 =	vcvt.f32.s32 v8  }
0x668: {  	v17 =	vld [tilespmem:s18+$0x8050];
	v14 =	vadd.f32 v14, v6;
	v9 =	vcvt.f32.s32 v9;
	v11 =	vcvt.f32.s32 v11  }
0x669: {  	v18 =	vld [tilespmem:s18+$0x8070];
	v12 =	vtrunc.f32 v12;
	v10 =	vcvt.f32.s32 v10;
	v8 =	vadd.s32 v2, v8  }
0x66a: {  	v19 =	vld [tilespmem:s18+$0x8040];
	v20 =	vadd.s32 v2, v11;
	v21 =	vadd.s32 v2, v9;
	v11 =	vtrunc.f32 v14  }
0x66b: {  	v23 =	vld [tilespmem:s18+$0x8000];
	v9 =	vcvt.f32.s32 v12;
	v12 =	vadd.f32 v15, v6;
	v11 =	vcvt.f32.s32 v11  }
0x66c: {  	v13 =	vtrunc.f32 v13;
	v15 =	vld [tilespmem:s18+$0x8010];
	v22 =	vadd.s32 v2, v10  }
0x66d: {  	v14 =	vmul.f32 v16, v7;
	v10 =	vtrunc.f32 v12;
	v12 =	vadd.s32 v2, v11;
	v11 =	vld [tilespmem:s18+$0x8060]  }
0x66e: {  	[tilespmem:v8+s12+$0x0] =	vst.idx.add.f32.msk $0xffff, v3;
	v8 =	vadd.s32 v2, v9;
	v9 =	vcvt.f32.s32 v13  }
0x66f: {  	v14 =	vadd.f32 v14, v6;
	v13 =	vmul.f32 v18, v7;
	[tilespmem:v20+s12+$0x0] =	vst.idx.add.f32.msk $0xffff, v3;
	v18 =	vcvt.f32.s32 v10  }
0x670: {  	v20 =	vmul.f32 v19, v7;
	[tilespmem:v21+s12+$0x0] =	vst.idx.add.f32.msk $0xffff, v3;
	v9 =	vadd.s32 v2, v9  }
0x671: {  	v10 =	vld [tilespmem:s18+$0x8030];
	v19 =	vmul.f32 v17, v7;
	v16 =	vadd.f32 v13, v6;
	v13 =	vadd.s32 v2, v18  }
0x672: {  	s19 =	simm.s32 $0x100;
	v17 =	vmul.f32 v23, v7;
	s18 =	simm.s32 $0x800;
	[tilespmem:v22+s12+$0x0] =	vst.idx.add.f32.msk $0xffff, v3;
	v18 =	vadd.f32 v20, v6  }
.LBB2_46:
0x673: {  	s17 =	sadd.s32 $0x8, s17;
	s20 =	sand.u32 $0x4000, s19;
	s21 =	sand.u32 $0x3C00, s18;
	v15 =	vmul.f32 v15, v7;
	v19 =	vadd.f32 v19, v6;
	v16 =	vtrunc.f32 v16;
	[tilespmem:v12+s12+$0x0] =	vst.idx.add.f32.msk $0xffff, v3  }
0x674: {  	s22 =	sand.u32 $0x380, s17;
	s20 =	sor.u32 s21, s20;
	p0 =	slt.u32 s17, $0x7F8;
	v12 =	vtrunc.f32 v18;
	v16 =	vcvt.f32.s32 v16;
	[tilespmem:v8+s12+$0x0] =	vst.idx.add.f32.msk $0xffff, v3  }
0x675: {  	v8 =	vadd.f32 v17, v6;
	s20 =	sor.u32 s22, s20;
	v12 =	vcvt.f32.s32 v12;
	v17 =	vtrunc.f32 v19;
	[tilespmem:v9+s12+$0x0] =	vst.idx.add.f32.msk $0xffff, v3  }
0x676: {  	v9 =	vmul.f32 v11, v7;
	v11 =	vadd.s32 v2, v16;
	[tilespmem:v13+s12+$0x0] =	vst.idx.add.f32.msk $0xffff, v3  }
0x677: {  	v8 =	vtrunc.f32 v8;
	v16 =	vadd.f32 v15, v6;
	v13 =	vld [tilespmem:s20+$0x8020]  }
0x678: {  	v14 =	vtrunc.f32 v14;
	v8 =	vcvt.f32.s32 v8;
	v9 =	vadd.f32 v9, v6;
	v18 =	vld [tilespmem:s20+$0x8050]  }
0x679: {  	v14 =	vcvt.f32.s32 v14;
	v10 =	vmul.f32 v10, v7;
	v20 =	vadd.s32 v2, v12;
	v19 =	vld [tilespmem:s20+$0x8070]  }
0x67a: {  	v22 =	vadd.s32 v2, v8;
	v8 =	vcvt.f32.s32 v17;
	v9 =	vtrunc.f32 v9;
	v21 =	vld [tilespmem:s20+$0x8040]  }
0x67b: {  	v23 =	vadd.s32 v2, v14;
	v10 =	vadd.f32 v10, v6;
	v9 =	vcvt.f32.s32 v9;
	[tilespmem:v11+s12+$0x0] =	vst.idx.add.f32.msk $0xffff, v3  }
0x67c: {  	v11 =	vtrunc.f32 v16;
	v8 =	vadd.s32 v2, v8;
	v15 =	vld [tilespmem:s20+$0x8010]  }
0x67d: {  	v10 =	vtrunc.f32 v10;
	v14 =	vcvt.f32.s32 v11;
	v12 =	vadd.s32 v2, v9;
	v17 =	vld [tilespmem:s20+$0x8000]  }
.Ltmp22:
0x67e: {  	v13 =	vmul.f32 v13, v7;
	v11 =	vld [tilespmem:s20+$0x8060];
	v16 =	vmul.f32 v19, v7;
	(pc) =	sbr.rel @p0 .LBB2_46-.Ltmp22, $4  }
0x67f: {  	v9 =	vadd.s32 v2, v14;
	[tilespmem:v22+s12+$0x0] =	vst.idx.add.f32.msk $0xffff, v3;
	v22 =	vcvt.f32.s32 v10  }
0x680: {  	v21 =	vmul.f32 v21, v7;
	v16 =	vadd.f32 v16, v6;
	[tilespmem:v20+s12+$0x0] =	vst.idx.add.f32.msk $0xffff, v3  }
0x681: {  	v14 =	vadd.f32 v13, v6;
	v19 =	vmul.f32 v18, v7;
	v10 =	vld [tilespmem:s20+$0x8030];
	v13 =	vadd.s32 v2, v22  }
0x682: {  	s18 =	sadd.s32 $0x400, s18;
	s19 =	sadd.s32 $0x80, s19;
	v18 =	vadd.f32 v21, v6;
	v17 =	vmul.f32 v17, v7;
	[tilespmem:v23+s12+$0x0] =	vst.idx.add.f32.msk $0xffff, v3  }
0x683: {  	_ = 	snop  }
0x684: {  	v15 =	vmul.f32 v15, v7;
	v16 =	vtrunc.f32 v16  }
0x685: {  	v11 =	vmul.f32 v11, v7;
	v14 =	vtrunc.f32 v14  }
0x686: {  	v19 =	vadd.f32 v19, v6;
	v18 =	vtrunc.f32 v18;
	v16 =	vcvt.f32.s32 v16  }
0x687: {  	[tilespmem:v12+s12+$0x0] =	vst.idx.add.f32.msk $0xffff, v3;
	v17 =	vadd.f32 v17, v6;
	v12 =	vcvt.f32.s32 v14;
	v18 =	vcvt.f32.s32 v18  }
0x688: {  	v19 =	vtrunc.f32 v19;
	v11 =	vadd.f32 v11, v6;
	v15 =	vadd.f32 v15, v6  }
0x689: {  	v17 =	vtrunc.f32 v17;
	v16 =	vadd.s32 v2, v16;
	v10 =	vmul.f32 v10, v7  }
0x68a: {  	[tilespmem:v9+s12+$0x0] =	vst.idx.add.f32.msk $0xffff, v3;
	v9 =	vcvt.f32.s32 v19;
	v12 =	vadd.s32 v2, v12;
	v17 =	vcvt.f32.s32 v17  }
0x68b: {  	[tilespmem:v8+s12+$0x0] =	vst.idx.add.f32.msk $0xffff, v3;
	v11 =	vtrunc.f32 v11;
	v8 =	vadd.s32 v2, v18;
	v10 =	vadd.f32 v10, v6  }
0x68c: {  	v15 =	vtrunc.f32 v15;
	v11 =	vcvt.f32.s32 v11;
	v9 =	vadd.s32 v2, v9  }
0x68d: {  	[tilespmem:v13+s12+$0x0] =	vst.idx.add.f32.msk $0xffff, v3;
	v13 =	vcvt.f32.s32 v15;
	v14 =	vadd.s32 v2, v17;
	v10 =	vtrunc.f32 v10  }
0x68e: {  	v11 =	vadd.s32 v2, v11;
	[tilespmem:v16+s12+$0x0] =	vst.idx.add.f32.msk $0xffff, v3;
	v10 =	vcvt.f32.s32 v10  }
0x68f: {  	v13 =	vadd.s32 v2, v13;
	[tilespmem:v12+s12+$0x0] =	vst.idx.add.f32.msk $0xffff, v3  }
0x690: {  	[tilespmem:v8+s12+$0x0] =	vst.idx.add.f32.msk $0xffff, v3;
	v8 =	vadd.s32 v2, v10  }
0x691: {  	[tilespmem:v9+s12+$0x0] =	vst.idx.add.f32.msk $0xffff, v3  }
0x692: {  	[tilespmem:v14+s12+$0x0] =	vst.idx.add.f32.msk $0xffff, v3  }
0x693: {  	[tilespmem:v11+s12+$0x0] =	vst.idx.add.f32.msk $0xffff, v3  }
0x694: {  	[tilespmem:v13+s12+$0x0] =	vst.idx.add.f32.msk $0xffff, v3  }
0x695: {  	[tilespmem:v8+s12+$0x0] =	vst.idx.add.f32.msk $0xffff, v3  }
0x696: {  	_ =	swait.ge [sflag:s10], $0x8000  }
0x697: {  	s18 =	sld [smem:$0x7F6]  }
0x698: {  	[sflag:s10] =	ssyncset.done $0x0  }
0x699: {  	s17 =	simm.s32 $0x0;
	[sflag:s10] =	ssyncadd.s32 $0xFFFF8000  }
0x69a: {  	[hbm4b:s18+s17] =	stream.linear.scatter [tilespmem:s17], [sflag:$0x3], $0x8000, $0x38;
	[tilespmem:$0x19080] =	vst v63  }
0x69b: {  	_ =	swait.ge [sflag:s15], $0x8000  }
0x69c: {  	s19 =	sld [smem:$0x7F7]  }
0x69d: {  	[sflag:s15] =	ssyncset.done $0x0  }
0x69e: {  	[sflag:s15] =	ssyncadd.s32 $0xFFFF8000  }
0x69f: {  	[tilespmem:s11], [sflag:$0x2] =	stream.linear.gather [hbm4b:s19+s17], $0x8000, $0x38;
	[tilespmem:$0x19080] =	vst v63  }
0x6a0: {  	s20 =	simm.s32 $0x0;
	s19 =	sand.u32 $0x4000, s17;
	s17 =	sand.u32 $0x3C00, s17  }
0x6a1: {  	s18 =	sand.u32 $0x380, s20;
	s17 =	sor.u32 s17, s19  }
0x6a2: {  	s18 =	sor.u32 s18, s17  }
0x6a3: {  	v8 =	vld [tilespmem:s18+$0x70]  }
0x6a4: {  	v9 =	vld [tilespmem:s18+$0x40]  }
0x6a5: {  	v10 =	vld [tilespmem:s18+$0x20]  }
0x6a6: {  	v11 =	vld [tilespmem:s18+$0x0]  }
0x6a7: {  	v12 =	vld [tilespmem:s18+$0x50]  }
0x6a8: {  	v13 =	vld [tilespmem:s18+$0x10]  }
0x6a9: {  	v14 =	vld [tilespmem:s18+$0x60]  }
0x6aa: {  	v15 =	vld [tilespmem:s18+$0x30]  }
0x6ab: {  	v8 =	vmul.f32 v8, v7;
	v9 =	vmul.f32 v9, v7  }
0x6ac: {  	v10 =	vmul.f32 v10, v7;
	v11 =	vmul.f32 v11, v7  }
0x6ad: {  	s21 =	simm.s32 $0x400;
	s20 =	simm.s32 $0x80;
	v12 =	vmul.f32 v12, v7;
	v13 =	vmul.f32 v13, v7;
	v8 =	vadd.f32 v8, v6  }
0x6ae: {  	s20 =	sand.u32 $0x4000, s20;
	s19 =	sand.u32 $0x3C00, s21;
	s17 =	simm.s32 $0x8;
	v14 =	vmul.f32 v14, v7;
	v9 =	vadd.f32 v9, v6;
	v11 =	vadd.f32 v11, v6  }
0x6af: {  	s19 =	sor.u32 s19, s20;
	s22 =	sand.u32 $0x380, s17;
	v15 =	vmul.f32 v15, v7;
	v10 =	vadd.f32 v10, v6;
	v8 =	vtrunc.f32 v8  }
0x6b0: {  	s18 =	sor.u32 s22, s19;
	v12 =	vadd.f32 v12, v6;
	v9 =	vtrunc.f32 v9;
	v11 =	vtrunc.f32 v11  }
0x6b1: {  	v16 =	vld [tilespmem:s18+$0x20];
	v13 =	vadd.f32 v13, v6;
	v10 =	vtrunc.f32 v10;
	v8 =	vcvt.f32.s32 v8  }
0x6b2: {  	v17 =	vld [tilespmem:s18+$0x50];
	v14 =	vadd.f32 v14, v6;
	v9 =	vcvt.f32.s32 v9;
	v11 =	vcvt.f32.s32 v11  }
0x6b3: {  	v18 =	vld [tilespmem:s18+$0x70];
	v12 =	vtrunc.f32 v12;
	v10 =	vcvt.f32.s32 v10;
	v8 =	vadd.s32 v2, v8  }
0x6b4: {  	v19 =	vld [tilespmem:s18+$0x40];
	v20 =	vadd.s32 v2, v11;
	v21 =	vadd.s32 v2, v9;
	v11 =	vtrunc.f32 v14  }
0x6b5: {  	v23 =	vld [tilespmem:s18+$0x0];
	v9 =	vcvt.f32.s32 v12;
	v12 =	vadd.f32 v15, v6;
	v11 =	vcvt.f32.s32 v11  }
0x6b6: {  	v13 =	vtrunc.f32 v13;
	v15 =	vld [tilespmem:s18+$0x10];
	v22 =	vadd.s32 v2, v10  }
0x6b7: {  	v14 =	vmul.f32 v16, v7;
	v10 =	vtrunc.f32 v12;
	v12 =	vadd.s32 v2, v11;
	v11 =	vld [tilespmem:s18+$0x60]  }
0x6b8: {  	[tilespmem:v8+s12+$0x0] =	vst.idx.add.f32.msk $0xffff, v3;
	v8 =	vadd.s32 v2, v9;
	v9 =	vcvt.f32.s32 v13  }
0x6b9: {  	v14 =	vadd.f32 v14, v6;
	v13 =	vmul.f32 v18, v7;
	[tilespmem:v20+s12+$0x0] =	vst.idx.add.f32.msk $0xffff, v3;
	v18 =	vcvt.f32.s32 v10  }
0x6ba: {  	v20 =	vmul.f32 v19, v7;
	[tilespmem:v21+s12+$0x0] =	vst.idx.add.f32.msk $0xffff, v3;
	v9 =	vadd.s32 v2, v9  }
0x6bb: {  	v10 =	vld [tilespmem:s18+$0x30];
	v19 =	vmul.f32 v17, v7;
	v16 =	vadd.f32 v13, v6;
	v13 =	vadd.s32 v2, v18  }
0x6bc: {  	s19 =	simm.s32 $0x100;
	v17 =	vmul.f32 v23, v7;
	s18 =	simm.s32 $0x800;
	[tilespmem:v22+s12+$0x0] =	vst.idx.add.f32.msk $0xffff, v3;
	v18 =	vadd.f32 v20, v6  }
.LBB2_48:
0x6bd: {  	s17 =	sadd.s32 $0x8, s17;
	s20 =	sand.u32 $0x4000, s19;
	s21 =	sand.u32 $0x3C00, s18;
	v15 =	vmul.f32 v15, v7;
	v19 =	vadd.f32 v19, v6;
	v16 =	vtrunc.f32 v16;
	[tilespmem:v12+s12+$0x0] =	vst.idx.add.f32.msk $0xffff, v3  }
0x6be: {  	s22 =	sand.u32 $0x380, s17;
	s20 =	sor.u32 s21, s20;
	p0 =	slt.u32 s17, $0x7F8;
	v12 =	vtrunc.f32 v18;
	v16 =	vcvt.f32.s32 v16;
	[tilespmem:v8+s12+$0x0] =	vst.idx.add.f32.msk $0xffff, v3  }
0x6bf: {  	v8 =	vadd.f32 v17, v6;
	s20 =	sor.u32 s22, s20;
	v12 =	vcvt.f32.s32 v12;
	v17 =	vtrunc.f32 v19;
	[tilespmem:v9+s12+$0x0] =	vst.idx.add.f32.msk $0xffff, v3  }
0x6c0: {  	v9 =	vmul.f32 v11, v7;
	v11 =	vadd.s32 v2, v16;
	[tilespmem:v13+s12+$0x0] =	vst.idx.add.f32.msk $0xffff, v3  }
0x6c1: {  	v8 =	vtrunc.f32 v8;
	v16 =	vadd.f32 v15, v6;
	v13 =	vld [tilespmem:s20+$0x20]  }
0x6c2: {  	v14 =	vtrunc.f32 v14;
	v8 =	vcvt.f32.s32 v8;
	v9 =	vadd.f32 v9, v6;
	v18 =	vld [tilespmem:s20+$0x50]  }
0x6c3: {  	v14 =	vcvt.f32.s32 v14;
	v10 =	vmul.f32 v10, v7;
	v20 =	vadd.s32 v2, v12;
	v19 =	vld [tilespmem:s20+$0x70]  }
0x6c4: {  	v22 =	vadd.s32 v2, v8;
	v8 =	vcvt.f32.s32 v17;
	v9 =	vtrunc.f32 v9;
	v21 =	vld [tilespmem:s20+$0x40]  }
0x6c5: {  	v23 =	vadd.s32 v2, v14;
	v10 =	vadd.f32 v10, v6;
	v9 =	vcvt.f32.s32 v9;
	[tilespmem:v11+s12+$0x0] =	vst.idx.add.f32.msk $0xffff, v3  }
0x6c6: {  	v11 =	vtrunc.f32 v16;
	v8 =	vadd.s32 v2, v8;
	v15 =	vld [tilespmem:s20+$0x10]  }
0x6c7: {  	v10 =	vtrunc.f32 v10;
	v14 =	vcvt.f32.s32 v11;
	v12 =	vadd.s32 v2, v9;
	v17 =	vld [tilespmem:s20+$0x0]  }
.Ltmp23:
0x6c8: {  	v13 =	vmul.f32 v13, v7;
	v11 =	vld [tilespmem:s20+$0x60];
	v16 =	vmul.f32 v19, v7;
	(pc) =	sbr.rel @p0 .LBB2_48-.Ltmp23, $4  }
0x6c9: {  	v9 =	vadd.s32 v2, v14;
	[tilespmem:v22+s12+$0x0] =	vst.idx.add.f32.msk $0xffff, v3;
	v22 =	vcvt.f32.s32 v10  }
0x6ca: {  	v21 =	vmul.f32 v21, v7;
	v16 =	vadd.f32 v16, v6;
	[tilespmem:v20+s12+$0x0] =	vst.idx.add.f32.msk $0xffff, v3  }
0x6cb: {  	v14 =	vadd.f32 v13, v6;
	v19 =	vmul.f32 v18, v7;
	v10 =	vld [tilespmem:s20+$0x30];
	v13 =	vadd.s32 v2, v22  }
0x6cc: {  	s18 =	sadd.s32 $0x400, s18;
	s19 =	sadd.s32 $0x80, s19;
	v18 =	vadd.f32 v21, v6;
	v17 =	vmul.f32 v17, v7;
	[tilespmem:v23+s12+$0x0] =	vst.idx.add.f32.msk $0xffff, v3  }
0x6cd: {  	_ = 	snop  }
0x6ce: {  	v15 =	vmul.f32 v15, v7;
	v16 =	vtrunc.f32 v16  }
0x6cf: {  	v11 =	vmul.f32 v11, v7;
	v14 =	vtrunc.f32 v14  }
0x6d0: {  	v19 =	vadd.f32 v19, v6;
	v18 =	vtrunc.f32 v18;
	v16 =	vcvt.f32.s32 v16  }
0x6d1: {  	[tilespmem:v12+s12+$0x0] =	vst.idx.add.f32.msk $0xffff, v3;
	v17 =	vadd.f32 v17, v6;
	v12 =	vcvt.f32.s32 v14;
	v18 =	vcvt.f32.s32 v18  }
0x6d2: {  	v19 =	vtrunc.f32 v19;
	v11 =	vadd.f32 v11, v6;
	v15 =	vadd.f32 v15, v6  }
0x6d3: {  	v17 =	vtrunc.f32 v17;
	v16 =	vadd.s32 v2, v16;
	v10 =	vmul.f32 v10, v7  }
0x6d4: {  	[tilespmem:v9+s12+$0x0] =	vst.idx.add.f32.msk $0xffff, v3;
	v9 =	vcvt.f32.s32 v19;
	v12 =	vadd.s32 v2, v12;
	v17 =	vcvt.f32.s32 v17  }
0x6d5: {  	[tilespmem:v8+s12+$0x0] =	vst.idx.add.f32.msk $0xffff, v3;
	v11 =	vtrunc.f32 v11;
	v8 =	vadd.s32 v2, v18;
	v10 =	vadd.f32 v10, v6  }
0x6d6: {  	v15 =	vtrunc.f32 v15;
	v11 =	vcvt.f32.s32 v11;
	v9 =	vadd.s32 v2, v9  }
0x6d7: {  	[tilespmem:v13+s12+$0x0] =	vst.idx.add.f32.msk $0xffff, v3;
	v13 =	vcvt.f32.s32 v15;
	v14 =	vadd.s32 v2, v17;
	v10 =	vtrunc.f32 v10  }
0x6d8: {  	v11 =	vadd.s32 v2, v11;
	[tilespmem:v16+s12+$0x0] =	vst.idx.add.f32.msk $0xffff, v3;
	v10 =	vcvt.f32.s32 v10  }
0x6d9: {  	v13 =	vadd.s32 v2, v13;
	[tilespmem:v12+s12+$0x0] =	vst.idx.add.f32.msk $0xffff, v3  }
0x6da: {  	[tilespmem:v8+s12+$0x0] =	vst.idx.add.f32.msk $0xffff, v3;
	v8 =	vadd.s32 v2, v10  }
0x6db: {  	[tilespmem:v9+s12+$0x0] =	vst.idx.add.f32.msk $0xffff, v3  }
0x6dc: {  	[tilespmem:v14+s12+$0x0] =	vst.idx.add.f32.msk $0xffff, v3  }
0x6dd: {  	[tilespmem:v11+s12+$0x0] =	vst.idx.add.f32.msk $0xffff, v3  }
0x6de: {  	[tilespmem:v13+s12+$0x0] =	vst.idx.add.f32.msk $0xffff, v3  }
0x6df: {  	[tilespmem:v8+s12+$0x0] =	vst.idx.add.f32.msk $0xffff, v3  }
0x6e0: {  	_ =	swait.ge [sflag:s13], $0x8000  }
0x6e1: {  	s18 =	sld [smem:$0x7F8]  }
0x6e2: {  	[sflag:s13] =	ssyncset.done $0x0  }
0x6e3: {  	s17 =	simm.s32 $0x0;
	[sflag:s13] =	ssyncadd.s32 $0xFFFF8000  }
0x6e4: {  	[hbm4b:s18+s17] =	stream.linear.scatter [tilespmem:s11], [sflag:$0x4], $0x8000, $0x38;
	[tilespmem:$0x19080] =	vst v63  }
0x6e5: {  	_ =	swait.ge [sflag:s14], $0x8000  }
0x6e6: {  	s19 =	sld [smem:$0x7F9]  }
0x6e7: {  	[sflag:s14] =	ssyncset.done $0x0  }
0x6e8: {  	[sflag:s14] =	ssyncadd.s32 $0xFFFF8000  }
0x6e9: {  	[tilespmem:s17], [sflag:$0x1] =	stream.linear.gather [hbm4b:s19+s17], $0x8000, $0x38;
	[tilespmem:$0x19080] =	vst v63  }
0x6ea: {  	s20 =	simm.s32 $0x0;
	s19 =	sand.u32 $0x4000, s17;
	s17 =	sand.u32 $0x3C00, s17  }
0x6eb: {  	s18 =	sand.u32 $0x380, s20;
	s17 =	sor.u32 s17, s19  }
0x6ec: {  	s18 =	sor.u32 s18, s17  }
0x6ed: {  	v8 =	vld [tilespmem:s18+$0x8070]  }
0x6ee: {  	v9 =	vld [tilespmem:s18+$0x8040]  }
0x6ef: {  	v10 =	vld [tilespmem:s18+$0x8020]  }
0x6f0: {  	v11 =	vld [tilespmem:s18+$0x8000]  }
0x6f1: {  	v12 =	vld [tilespmem:s18+$0x8050]  }
0x6f2: {  	v13 =	vld [tilespmem:s18+$0x8010]  }
0x6f3: {  	v14 =	vld [tilespmem:s18+$0x8060]  }
0x6f4: {  	v15 =	vld [tilespmem:s18+$0x8030]  }
0x6f5: {  	v8 =	vmul.f32 v8, v7;
	v9 =	vmul.f32 v9, v7  }
0x6f6: {  	v10 =	vmul.f32 v10, v7;
	v11 =	vmul.f32 v11, v7  }
0x6f7: {  	s21 =	simm.s32 $0x400;
	s20 =	simm.s32 $0x80;
	v12 =	vmul.f32 v12, v7;
	v13 =	vmul.f32 v13, v7;
	v8 =	vadd.f32 v8, v6  }
0x6f8: {  	s20 =	sand.u32 $0x4000, s20;
	s19 =	sand.u32 $0x3C00, s21;
	s17 =	simm.s32 $0x8;
	v14 =	vmul.f32 v14, v7;
	v9 =	vadd.f32 v9, v6;
	v11 =	vadd.f32 v11, v6  }
0x6f9: {  	s19 =	sor.u32 s19, s20;
	s22 =	sand.u32 $0x380, s17;
	v15 =	vmul.f32 v15, v7;
	v10 =	vadd.f32 v10, v6;
	v8 =	vtrunc.f32 v8  }
0x6fa: {  	s18 =	sor.u32 s22, s19;
	v12 =	vadd.f32 v12, v6;
	v9 =	vtrunc.f32 v9;
	v11 =	vtrunc.f32 v11  }
0x6fb: {  	v16 =	vld [tilespmem:s18+$0x8020];
	v13 =	vadd.f32 v13, v6;
	v10 =	vtrunc.f32 v10;
	v8 =	vcvt.f32.s32 v8  }
0x6fc: {  	v17 =	vld [tilespmem:s18+$0x8050];
	v14 =	vadd.f32 v14, v6;
	v9 =	vcvt.f32.s32 v9;
	v11 =	vcvt.f32.s32 v11  }
0x6fd: {  	v18 =	vld [tilespmem:s18+$0x8070];
	v12 =	vtrunc.f32 v12;
	v10 =	vcvt.f32.s32 v10;
	v8 =	vadd.s32 v2, v8  }
0x6fe: {  	v19 =	vld [tilespmem:s18+$0x8040];
	v20 =	vadd.s32 v2, v11;
	v21 =	vadd.s32 v2, v9;
	v11 =	vtrunc.f32 v14  }
0x6ff: {  	v23 =	vld [tilespmem:s18+$0x8000];
	v9 =	vcvt.f32.s32 v12;
	v12 =	vadd.f32 v15, v6;
	v11 =	vcvt.f32.s32 v11  }
0x700: {  	v13 =	vtrunc.f32 v13;
	v15 =	vld [tilespmem:s18+$0x8010];
	v22 =	vadd.s32 v2, v10  }
0x701: {  	v14 =	vmul.f32 v16, v7;
	v10 =	vtrunc.f32 v12;
	v12 =	vadd.s32 v2, v11;
	v11 =	vld [tilespmem:s18+$0x8060]  }
0x702: {  	[tilespmem:v8+s12+$0x0] =	vst.idx.add.f32.msk $0xffff, v3;
	v8 =	vadd.s32 v2, v9;
	v9 =	vcvt.f32.s32 v13  }
0x703: {  	v14 =	vadd.f32 v14, v6;
	v13 =	vmul.f32 v18, v7;
	[tilespmem:v20+s12+$0x0] =	vst.idx.add.f32.msk $0xffff, v3;
	v18 =	vcvt.f32.s32 v10  }
0x704: {  	v20 =	vmul.f32 v19, v7;
	[tilespmem:v21+s12+$0x0] =	vst.idx.add.f32.msk $0xffff, v3;
	v9 =	vadd.s32 v2, v9  }
0x705: {  	v10 =	vld [tilespmem:s18+$0x8030];
	v19 =	vmul.f32 v17, v7;
	v16 =	vadd.f32 v13, v6;
	v13 =	vadd.s32 v2, v18  }
0x706: {  	s19 =	simm.s32 $0x100;
	v17 =	vmul.f32 v23, v7;
	s18 =	simm.s32 $0x800;
	[tilespmem:v22+s12+$0x0] =	vst.idx.add.f32.msk $0xffff, v3;
	v18 =	vadd.f32 v20, v6  }
.LBB2_50:
0x707: {  	s17 =	sadd.s32 $0x8, s17;
	s20 =	sand.u32 $0x4000, s19;
	s21 =	sand.u32 $0x3C00, s18;
	v15 =	vmul.f32 v15, v7;
	v19 =	vadd.f32 v19, v6;
	v16 =	vtrunc.f32 v16;
	[tilespmem:v12+s12+$0x0] =	vst.idx.add.f32.msk $0xffff, v3  }
0x708: {  	s22 =	sand.u32 $0x380, s17;
	s20 =	sor.u32 s21, s20;
	p0 =	slt.u32 s17, $0x7F8;
	v12 =	vtrunc.f32 v18;
	v16 =	vcvt.f32.s32 v16;
	[tilespmem:v8+s12+$0x0] =	vst.idx.add.f32.msk $0xffff, v3  }
0x709: {  	v8 =	vadd.f32 v17, v6;
	s20 =	sor.u32 s22, s20;
	v12 =	vcvt.f32.s32 v12;
	v17 =	vtrunc.f32 v19;
	[tilespmem:v9+s12+$0x0] =	vst.idx.add.f32.msk $0xffff, v3  }
0x70a: {  	v9 =	vmul.f32 v11, v7;
	v11 =	vadd.s32 v2, v16;
	[tilespmem:v13+s12+$0x0] =	vst.idx.add.f32.msk $0xffff, v3  }
0x70b: {  	v8 =	vtrunc.f32 v8;
	v16 =	vadd.f32 v15, v6;
	v13 =	vld [tilespmem:s20+$0x8020]  }
0x70c: {  	v14 =	vtrunc.f32 v14;
	v8 =	vcvt.f32.s32 v8;
	v9 =	vadd.f32 v9, v6;
	v18 =	vld [tilespmem:s20+$0x8050]  }
0x70d: {  	v14 =	vcvt.f32.s32 v14;
	v10 =	vmul.f32 v10, v7;
	v20 =	vadd.s32 v2, v12;
	v19 =	vld [tilespmem:s20+$0x8070]  }
0x70e: {  	v22 =	vadd.s32 v2, v8;
	v8 =	vcvt.f32.s32 v17;
	v9 =	vtrunc.f32 v9;
	v21 =	vld [tilespmem:s20+$0x8040]  }
0x70f: {  	v23 =	vadd.s32 v2, v14;
	v10 =	vadd.f32 v10, v6;
	v9 =	vcvt.f32.s32 v9;
	[tilespmem:v11+s12+$0x0] =	vst.idx.add.f32.msk $0xffff, v3  }
0x710: {  	v11 =	vtrunc.f32 v16;
	v8 =	vadd.s32 v2, v8;
	v15 =	vld [tilespmem:s20+$0x8010]  }
0x711: {  	v10 =	vtrunc.f32 v10;
	v14 =	vcvt.f32.s32 v11;
	v12 =	vadd.s32 v2, v9;
	v17 =	vld [tilespmem:s20+$0x8000]  }
.Ltmp24:
0x712: {  	v13 =	vmul.f32 v13, v7;
	v11 =	vld [tilespmem:s20+$0x8060];
	v16 =	vmul.f32 v19, v7;
	(pc) =	sbr.rel @p0 .LBB2_50-.Ltmp24, $4  }
0x713: {  	v9 =	vadd.s32 v2, v14;
	[tilespmem:v22+s12+$0x0] =	vst.idx.add.f32.msk $0xffff, v3;
	v22 =	vcvt.f32.s32 v10  }
0x714: {  	v21 =	vmul.f32 v21, v7;
	v16 =	vadd.f32 v16, v6;
	[tilespmem:v20+s12+$0x0] =	vst.idx.add.f32.msk $0xffff, v3  }
0x715: {  	v14 =	vadd.f32 v13, v6;
	v19 =	vmul.f32 v18, v7;
	v10 =	vld [tilespmem:s20+$0x8030];
	v13 =	vadd.s32 v2, v22  }
0x716: {  	s18 =	sadd.s32 $0x400, s18;
	s19 =	sadd.s32 $0x80, s19;
	v18 =	vadd.f32 v21, v6;
	v17 =	vmul.f32 v17, v7;
	[tilespmem:v23+s12+$0x0] =	vst.idx.add.f32.msk $0xffff, v3  }
0x717: {  	_ = 	snop  }
0x718: {  	v15 =	vmul.f32 v15, v7;
	v16 =	vtrunc.f32 v16  }
0x719: {  	v11 =	vmul.f32 v11, v7;
	v14 =	vtrunc.f32 v14  }
0x71a: {  	v19 =	vadd.f32 v19, v6;
	v18 =	vtrunc.f32 v18;
	v16 =	vcvt.f32.s32 v16  }
0x71b: {  	[tilespmem:v12+s12+$0x0] =	vst.idx.add.f32.msk $0xffff, v3;
	v17 =	vadd.f32 v17, v6;
	v12 =	vcvt.f32.s32 v14;
	v18 =	vcvt.f32.s32 v18  }
0x71c: {  	v19 =	vtrunc.f32 v19;
	v11 =	vadd.f32 v11, v6;
	v15 =	vadd.f32 v15, v6  }
0x71d: {  	v17 =	vtrunc.f32 v17;
	v16 =	vadd.s32 v2, v16;
	v10 =	vmul.f32 v10, v7  }
0x71e: {  	[tilespmem:v9+s12+$0x0] =	vst.idx.add.f32.msk $0xffff, v3;
	v9 =	vcvt.f32.s32 v19;
	v12 =	vadd.s32 v2, v12;
	v17 =	vcvt.f32.s32 v17  }
0x71f: {  	[tilespmem:v8+s12+$0x0] =	vst.idx.add.f32.msk $0xffff, v3;
	v11 =	vtrunc.f32 v11;
	v8 =	vadd.s32 v2, v18;
	v10 =	vadd.f32 v10, v6  }
0x720: {  	v15 =	vtrunc.f32 v15;
	v11 =	vcvt.f32.s32 v11;
	v9 =	vadd.s32 v2, v9  }
0x721: {  	[tilespmem:v13+s12+$0x0] =	vst.idx.add.f32.msk $0xffff, v3;
	v13 =	vcvt.f32.s32 v15;
	v14 =	vadd.s32 v2, v17;
	v10 =	vtrunc.f32 v10  }
0x722: {  	v11 =	vadd.s32 v2, v11;
	[tilespmem:v16+s12+$0x0] =	vst.idx.add.f32.msk $0xffff, v3;
	v10 =	vcvt.f32.s32 v10  }
0x723: {  	v13 =	vadd.s32 v2, v13;
	[tilespmem:v12+s12+$0x0] =	vst.idx.add.f32.msk $0xffff, v3  }
0x724: {  	[tilespmem:v8+s12+$0x0] =	vst.idx.add.f32.msk $0xffff, v3;
	v8 =	vadd.s32 v2, v10  }
0x725: {  	[tilespmem:v9+s12+$0x0] =	vst.idx.add.f32.msk $0xffff, v3  }
0x726: {  	[tilespmem:v14+s12+$0x0] =	vst.idx.add.f32.msk $0xffff, v3  }
0x727: {  	[tilespmem:v11+s12+$0x0] =	vst.idx.add.f32.msk $0xffff, v3  }
0x728: {  	[tilespmem:v13+s12+$0x0] =	vst.idx.add.f32.msk $0xffff, v3  }
0x729: {  	[tilespmem:v8+s12+$0x0] =	vst.idx.add.f32.msk $0xffff, v3  }
0x72a: {  	_ =	swait.ge [sflag:s10], $0x8000  }
0x72b: {  	s18 =	sld [smem:$0x7FA]  }
0x72c: {  	[sflag:s10] =	ssyncset.done $0x0  }
0x72d: {  	s17 =	simm.s32 $0x0;
	[sflag:s10] =	ssyncadd.s32 $0xFFFF8000  }
0x72e: {  	[hbm4b:s18+s17] =	stream.linear.scatter [tilespmem:s17], [sflag:$0x3], $0x8000, $0x38;
	[tilespmem:$0x19080] =	vst v63  }
0x72f: {  	_ =	swait.ge [sflag:s15], $0x8000  }
0x730: {  	s19 =	sld [smem:$0x7FB]  }
0x731: {  	[sflag:s15] =	ssyncset.done $0x0  }
0x732: {  	[sflag:s15] =	ssyncadd.s32 $0xFFFF8000  }
0x733: {  	[tilespmem:s11], [sflag:$0x2] =	stream.linear.gather [hbm4b:s19+s17], $0x8000, $0x38;
	[tilespmem:$0x19080] =	vst v63  }
0x734: {  	s20 =	simm.s32 $0x0;
	s19 =	sand.u32 $0x4000, s17;
	s17 =	sand.u32 $0x3C00, s17  }
0x735: {  	s18 =	sand.u32 $0x380, s20;
	s17 =	sor.u32 s17, s19  }
0x736: {  	s18 =	sor.u32 s18, s17  }
0x737: {  	v8 =	vld [tilespmem:s18+$0x70]  }
0x738: {  	v9 =	vld [tilespmem:s18+$0x40]  }
0x739: {  	v10 =	vld [tilespmem:s18+$0x20]  }
0x73a: {  	v11 =	vld [tilespmem:s18+$0x0]  }
0x73b: {  	v12 =	vld [tilespmem:s18+$0x50]  }
0x73c: {  	v13 =	vld [tilespmem:s18+$0x10]  }
0x73d: {  	v14 =	vld [tilespmem:s18+$0x60]  }
0x73e: {  	v15 =	vld [tilespmem:s18+$0x30]  }
0x73f: {  	v8 =	vmul.f32 v8, v7;
	v9 =	vmul.f32 v9, v7  }
0x740: {  	v10 =	vmul.f32 v10, v7;
	v11 =	vmul.f32 v11, v7  }
0x741: {  	s21 =	simm.s32 $0x400;
	s20 =	simm.s32 $0x80;
	v12 =	vmul.f32 v12, v7;
	v13 =	vmul.f32 v13, v7;
	v8 =	vadd.f32 v8, v6  }
0x742: {  	s20 =	sand.u32 $0x4000, s20;
	s19 =	sand.u32 $0x3C00, s21;
	s17 =	simm.s32 $0x8;
	v14 =	vmul.f32 v14, v7;
	v9 =	vadd.f32 v9, v6;
	v11 =	vadd.f32 v11, v6  }
0x743: {  	s19 =	sor.u32 s19, s20;
	s22 =	sand.u32 $0x380, s17;
	v15 =	vmul.f32 v15, v7;
	v10 =	vadd.f32 v10, v6;
	v8 =	vtrunc.f32 v8  }
0x744: {  	s18 =	sor.u32 s22, s19;
	v12 =	vadd.f32 v12, v6;
	v9 =	vtrunc.f32 v9;
	v11 =	vtrunc.f32 v11  }
0x745: {  	v16 =	vld [tilespmem:s18+$0x20];
	v13 =	vadd.f32 v13, v6;
	v10 =	vtrunc.f32 v10;
	v8 =	vcvt.f32.s32 v8  }
0x746: {  	v17 =	vld [tilespmem:s18+$0x50];
	v14 =	vadd.f32 v14, v6;
	v9 =	vcvt.f32.s32 v9;
	v11 =	vcvt.f32.s32 v11  }
0x747: {  	v18 =	vld [tilespmem:s18+$0x70];
	v12 =	vtrunc.f32 v12;
	v10 =	vcvt.f32.s32 v10;
	v8 =	vadd.s32 v2, v8  }
0x748: {  	v19 =	vld [tilespmem:s18+$0x40];
	v20 =	vadd.s32 v2, v11;
	v21 =	vadd.s32 v2, v9;
	v11 =	vtrunc.f32 v14  }
0x749: {  	v23 =	vld [tilespmem:s18+$0x0];
	v9 =	vcvt.f32.s32 v12;
	v12 =	vadd.f32 v15, v6;
	v11 =	vcvt.f32.s32 v11  }
0x74a: {  	v13 =	vtrunc.f32 v13;
	v15 =	vld [tilespmem:s18+$0x10];
	v22 =	vadd.s32 v2, v10  }
0x74b: {  	v14 =	vmul.f32 v16, v7;
	v10 =	vtrunc.f32 v12;
	v12 =	vadd.s32 v2, v11;
	v11 =	vld [tilespmem:s18+$0x60]  }
0x74c: {  	[tilespmem:v8+s12+$0x0] =	vst.idx.add.f32.msk $0xffff, v3;
	v8 =	vadd.s32 v2, v9;
	v9 =	vcvt.f32.s32 v13  }
0x74d: {  	v14 =	vadd.f32 v14, v6;
	v13 =	vmul.f32 v18, v7;
	[tilespmem:v20+s12+$0x0] =	vst.idx.add.f32.msk $0xffff, v3;
	v18 =	vcvt.f32.s32 v10  }
0x74e: {  	v20 =	vmul.f32 v19, v7;
	[tilespmem:v21+s12+$0x0] =	vst.idx.add.f32.msk $0xffff, v3;
	v9 =	vadd.s32 v2, v9  }
0x74f: {  	v10 =	vld [tilespmem:s18+$0x30];
	v19 =	vmul.f32 v17, v7;
	v16 =	vadd.f32 v13, v6;
	v13 =	vadd.s32 v2, v18  }
0x750: {  	s19 =	simm.s32 $0x100;
	v17 =	vmul.f32 v23, v7;
	s18 =	simm.s32 $0x800;
	[tilespmem:v22+s12+$0x0] =	vst.idx.add.f32.msk $0xffff, v3;
	v18 =	vadd.f32 v20, v6  }
.LBB2_52:
0x751: {  	s17 =	sadd.s32 $0x8, s17;
	s20 =	sand.u32 $0x4000, s19;
	s21 =	sand.u32 $0x3C00, s18;
	v15 =	vmul.f32 v15, v7;
	v19 =	vadd.f32 v19, v6;
	v16 =	vtrunc.f32 v16;
	[tilespmem:v12+s12+$0x0] =	vst.idx.add.f32.msk $0xffff, v3  }
0x752: {  	s22 =	sand.u32 $0x380, s17;
	s20 =	sor.u32 s21, s20;
	p0 =	slt.u32 s17, $0x7F8;
	v12 =	vtrunc.f32 v18;
	v16 =	vcvt.f32.s32 v16;
	[tilespmem:v8+s12+$0x0] =	vst.idx.add.f32.msk $0xffff, v3  }
0x753: {  	v8 =	vadd.f32 v17, v6;
	s20 =	sor.u32 s22, s20;
	v12 =	vcvt.f32.s32 v12;
	v17 =	vtrunc.f32 v19;
	[tilespmem:v9+s12+$0x0] =	vst.idx.add.f32.msk $0xffff, v3  }
0x754: {  	v9 =	vmul.f32 v11, v7;
	v11 =	vadd.s32 v2, v16;
	[tilespmem:v13+s12+$0x0] =	vst.idx.add.f32.msk $0xffff, v3  }
0x755: {  	v8 =	vtrunc.f32 v8;
	v16 =	vadd.f32 v15, v6;
	v13 =	vld [tilespmem:s20+$0x20]  }
0x756: {  	v14 =	vtrunc.f32 v14;
	v8 =	vcvt.f32.s32 v8;
	v9 =	vadd.f32 v9, v6;
	v18 =	vld [tilespmem:s20+$0x50]  }
0x757: {  	v14 =	vcvt.f32.s32 v14;
	v10 =	vmul.f32 v10, v7;
	v20 =	vadd.s32 v2, v12;
	v19 =	vld [tilespmem:s20+$0x70]  }
0x758: {  	v22 =	vadd.s32 v2, v8;
	v8 =	vcvt.f32.s32 v17;
	v9 =	vtrunc.f32 v9;
	v21 =	vld [tilespmem:s20+$0x40]  }
0x759: {  	v23 =	vadd.s32 v2, v14;
	v10 =	vadd.f32 v10, v6;
	v9 =	vcvt.f32.s32 v9;
	[tilespmem:v11+s12+$0x0] =	vst.idx.add.f32.msk $0xffff, v3  }
0x75a: {  	v11 =	vtrunc.f32 v16;
	v8 =	vadd.s32 v2, v8;
	v15 =	vld [tilespmem:s20+$0x10]  }
0x75b: {  	v10 =	vtrunc.f32 v10;
	v14 =	vcvt.f32.s32 v11;
	v12 =	vadd.s32 v2, v9;
	v17 =	vld [tilespmem:s20+$0x0]  }
.Ltmp25:
0x75c: {  	v13 =	vmul.f32 v13, v7;
	v11 =	vld [tilespmem:s20+$0x60];
	v16 =	vmul.f32 v19, v7;
	(pc) =	sbr.rel @p0 .LBB2_52-.Ltmp25, $4  }
0x75d: {  	v9 =	vadd.s32 v2, v14;
	[tilespmem:v22+s12+$0x0] =	vst.idx.add.f32.msk $0xffff, v3;
	v22 =	vcvt.f32.s32 v10  }
0x75e: {  	v21 =	vmul.f32 v21, v7;
	v16 =	vadd.f32 v16, v6;
	[tilespmem:v20+s12+$0x0] =	vst.idx.add.f32.msk $0xffff, v3  }
0x75f: {  	v14 =	vadd.f32 v13, v6;
	v19 =	vmul.f32 v18, v7;
	v10 =	vld [tilespmem:s20+$0x30];
	v13 =	vadd.s32 v2, v22  }
0x760: {  	s18 =	sadd.s32 $0x400, s18;
	s19 =	sadd.s32 $0x80, s19;
	v18 =	vadd.f32 v21, v6;
	v17 =	vmul.f32 v17, v7;
	[tilespmem:v23+s12+$0x0] =	vst.idx.add.f32.msk $0xffff, v3  }
0x761: {  	_ = 	snop  }
0x762: {  	v15 =	vmul.f32 v15, v7;
	v16 =	vtrunc.f32 v16  }
0x763: {  	v11 =	vmul.f32 v11, v7;
	v14 =	vtrunc.f32 v14  }
0x764: {  	v19 =	vadd.f32 v19, v6;
	v18 =	vtrunc.f32 v18;
	v16 =	vcvt.f32.s32 v16  }
0x765: {  	[tilespmem:v12+s12+$0x0] =	vst.idx.add.f32.msk $0xffff, v3;
	v17 =	vadd.f32 v17, v6;
	v12 =	vcvt.f32.s32 v14;
	v18 =	vcvt.f32.s32 v18  }
0x766: {  	v19 =	vtrunc.f32 v19;
	v11 =	vadd.f32 v11, v6;
	v15 =	vadd.f32 v15, v6  }
0x767: {  	v17 =	vtrunc.f32 v17;
	v16 =	vadd.s32 v2, v16;
	v10 =	vmul.f32 v10, v7  }
0x768: {  	[tilespmem:v9+s12+$0x0] =	vst.idx.add.f32.msk $0xffff, v3;
	v9 =	vcvt.f32.s32 v19;
	v12 =	vadd.s32 v2, v12;
	v17 =	vcvt.f32.s32 v17  }
0x769: {  	[tilespmem:v8+s12+$0x0] =	vst.idx.add.f32.msk $0xffff, v3;
	v11 =	vtrunc.f32 v11;
	v8 =	vadd.s32 v2, v18;
	v10 =	vadd.f32 v10, v6  }
0x76a: {  	v15 =	vtrunc.f32 v15;
	v11 =	vcvt.f32.s32 v11;
	v9 =	vadd.s32 v2, v9  }
0x76b: {  	[tilespmem:v13+s12+$0x0] =	vst.idx.add.f32.msk $0xffff, v3;
	v13 =	vcvt.f32.s32 v15;
	v14 =	vadd.s32 v2, v17;
	v10 =	vtrunc.f32 v10  }
0x76c: {  	v11 =	vadd.s32 v2, v11;
	[tilespmem:v16+s12+$0x0] =	vst.idx.add.f32.msk $0xffff, v3;
	v10 =	vcvt.f32.s32 v10  }
0x76d: {  	v13 =	vadd.s32 v2, v13;
	[tilespmem:v12+s12+$0x0] =	vst.idx.add.f32.msk $0xffff, v3  }
0x76e: {  	[tilespmem:v8+s12+$0x0] =	vst.idx.add.f32.msk $0xffff, v3;
	v8 =	vadd.s32 v2, v10  }
0x76f: {  	[tilespmem:v9+s12+$0x0] =	vst.idx.add.f32.msk $0xffff, v3  }
0x770: {  	[tilespmem:v14+s12+$0x0] =	vst.idx.add.f32.msk $0xffff, v3  }
0x771: {  	[tilespmem:v11+s12+$0x0] =	vst.idx.add.f32.msk $0xffff, v3  }
0x772: {  	[tilespmem:v13+s12+$0x0] =	vst.idx.add.f32.msk $0xffff, v3  }
0x773: {  	[tilespmem:v8+s12+$0x0] =	vst.idx.add.f32.msk $0xffff, v3  }
0x774: {  	_ =	swait.ge [sflag:s13], $0x8000  }
0x775: {  	s18 =	sld [smem:$0x7FC]  }
0x776: {  	[sflag:s13] =	ssyncset.done $0x0  }
0x777: {  	s17 =	simm.s32 $0x0;
	[sflag:s13] =	ssyncadd.s32 $0xFFFF8000  }
0x778: {  	[hbm4b:s18+s17] =	stream.linear.scatter [tilespmem:s11], [sflag:$0x4], $0x8000, $0x38;
	[tilespmem:$0x19080] =	vst v63  }
0x779: {  	_ =	swait.ge [sflag:s14], $0x8000  }
0x77a: {  	s19 =	sld [smem:$0x7FD]  }
0x77b: {  	[sflag:s14] =	ssyncset.done $0x0  }
0x77c: {  	[sflag:s14] =	ssyncadd.s32 $0xFFFF8000  }
0x77d: {  	[tilespmem:s17], [sflag:$0x1] =	stream.linear.gather [hbm4b:s19+s17], $0x8000, $0x38;
	[tilespmem:$0x19080] =	vst v63  }
0x77e: {  	s20 =	simm.s32 $0x0;
	s19 =	sand.u32 $0x4000, s17;
	s17 =	sand.u32 $0x3C00, s17  }
0x77f: {  	s18 =	sand.u32 $0x380, s20;
	s17 =	sor.u32 s17, s19  }
0x780: {  	s18 =	sor.u32 s18, s17  }
0x781: {  	v8 =	vld [tilespmem:s18+$0x8070]  }
0x782: {  	v9 =	vld [tilespmem:s18+$0x8040]  }
0x783: {  	v10 =	vld [tilespmem:s18+$0x8020]  }
0x784: {  	v11 =	vld [tilespmem:s18+$0x8000]  }
0x785: {  	v12 =	vld [tilespmem:s18+$0x8050]  }
0x786: {  	v13 =	vld [tilespmem:s18+$0x8010]  }
0x787: {  	v14 =	vld [tilespmem:s18+$0x8060]  }
0x788: {  	v15 =	vld [tilespmem:s18+$0x8030]  }
0x789: {  	v8 =	vmul.f32 v8, v7;
	v9 =	vmul.f32 v9, v7  }
0x78a: {  	v10 =	vmul.f32 v10, v7;
	v11 =	vmul.f32 v11, v7  }
0x78b: {  	s21 =	simm.s32 $0x400;
	s20 =	simm.s32 $0x80;
	v12 =	vmul.f32 v12, v7;
	v13 =	vmul.f32 v13, v7;
	v8 =	vadd.f32 v8, v6  }
0x78c: {  	s20 =	sand.u32 $0x4000, s20;
	s19 =	sand.u32 $0x3C00, s21;
	s17 =	simm.s32 $0x8;
	v14 =	vmul.f32 v14, v7;
	v9 =	vadd.f32 v9, v6;
	v11 =	vadd.f32 v11, v6  }
0x78d: {  	s19 =	sor.u32 s19, s20;
	s22 =	sand.u32 $0x380, s17;
	v15 =	vmul.f32 v15, v7;
	v10 =	vadd.f32 v10, v6;
	v8 =	vtrunc.f32 v8  }
0x78e: {  	s18 =	sor.u32 s22, s19;
	v12 =	vadd.f32 v12, v6;
	v9 =	vtrunc.f32 v9;
	v11 =	vtrunc.f32 v11  }
0x78f: {  	v16 =	vld [tilespmem:s18+$0x8020];
	v13 =	vadd.f32 v13, v6;
	v10 =	vtrunc.f32 v10;
	v8 =	vcvt.f32.s32 v8  }
0x790: {  	v17 =	vld [tilespmem:s18+$0x8050];
	v14 =	vadd.f32 v14, v6;
	v9 =	vcvt.f32.s32 v9;
	v11 =	vcvt.f32.s32 v11  }
0x791: {  	v18 =	vld [tilespmem:s18+$0x8070];
	v12 =	vtrunc.f32 v12;
	v10 =	vcvt.f32.s32 v10;
	v8 =	vadd.s32 v2, v8  }
0x792: {  	v19 =	vld [tilespmem:s18+$0x8040];
	v20 =	vadd.s32 v2, v11;
	v21 =	vadd.s32 v2, v9;
	v11 =	vtrunc.f32 v14  }
0x793: {  	v23 =	vld [tilespmem:s18+$0x8000];
	v9 =	vcvt.f32.s32 v12;
	v12 =	vadd.f32 v15, v6;
	v11 =	vcvt.f32.s32 v11  }
0x794: {  	v13 =	vtrunc.f32 v13;
	v15 =	vld [tilespmem:s18+$0x8010];
	v22 =	vadd.s32 v2, v10  }
0x795: {  	v14 =	vmul.f32 v16, v7;
	v10 =	vtrunc.f32 v12;
	v12 =	vadd.s32 v2, v11;
	v11 =	vld [tilespmem:s18+$0x8060]  }
0x796: {  	[tilespmem:v8+s12+$0x0] =	vst.idx.add.f32.msk $0xffff, v3;
	v8 =	vadd.s32 v2, v9;
	v9 =	vcvt.f32.s32 v13  }
0x797: {  	v14 =	vadd.f32 v14, v6;
	v13 =	vmul.f32 v18, v7;
	[tilespmem:v20+s12+$0x0] =	vst.idx.add.f32.msk $0xffff, v3;
	v18 =	vcvt.f32.s32 v10  }
0x798: {  	v20 =	vmul.f32 v19, v7;
	[tilespmem:v21+s12+$0x0] =	vst.idx.add.f32.msk $0xffff, v3;
	v9 =	vadd.s32 v2, v9  }
0x799: {  	v10 =	vld [tilespmem:s18+$0x8030];
	v19 =	vmul.f32 v17, v7;
	v16 =	vadd.f32 v13, v6;
	v13 =	vadd.s32 v2, v18  }
0x79a: {  	s19 =	simm.s32 $0x100;
	v17 =	vmul.f32 v23, v7;
	s18 =	simm.s32 $0x800;
	[tilespmem:v22+s12+$0x0] =	vst.idx.add.f32.msk $0xffff, v3;
	v18 =	vadd.f32 v20, v6  }
.LBB2_54:
0x79b: {  	s17 =	sadd.s32 $0x8, s17;
	s20 =	sand.u32 $0x4000, s19;
	s21 =	sand.u32 $0x3C00, s18;
	v15 =	vmul.f32 v15, v7;
	v19 =	vadd.f32 v19, v6;
	v16 =	vtrunc.f32 v16;
	[tilespmem:v12+s12+$0x0] =	vst.idx.add.f32.msk $0xffff, v3  }
0x79c: {  	s22 =	sand.u32 $0x380, s17;
	s20 =	sor.u32 s21, s20;
	p0 =	slt.u32 s17, $0x7F8;
	v12 =	vtrunc.f32 v18;
	v16 =	vcvt.f32.s32 v16;
	[tilespmem:v8+s12+$0x0] =	vst.idx.add.f32.msk $0xffff, v3  }
0x79d: {  	v8 =	vadd.f32 v17, v6;
	s20 =	sor.u32 s22, s20;
	v12 =	vcvt.f32.s32 v12;
	v17 =	vtrunc.f32 v19;
	[tilespmem:v9+s12+$0x0] =	vst.idx.add.f32.msk $0xffff, v3  }
0x79e: {  	v9 =	vmul.f32 v11, v7;
	v11 =	vadd.s32 v2, v16;
	[tilespmem:v13+s12+$0x0] =	vst.idx.add.f32.msk $0xffff, v3  }
0x79f: {  	v8 =	vtrunc.f32 v8;
	v16 =	vadd.f32 v15, v6;
	v13 =	vld [tilespmem:s20+$0x8020]  }
0x7a0: {  	v14 =	vtrunc.f32 v14;
	v8 =	vcvt.f32.s32 v8;
	v9 =	vadd.f32 v9, v6;
	v18 =	vld [tilespmem:s20+$0x8050]  }
0x7a1: {  	v14 =	vcvt.f32.s32 v14;
	v10 =	vmul.f32 v10, v7;
	v20 =	vadd.s32 v2, v12;
	v19 =	vld [tilespmem:s20+$0x8070]  }
0x7a2: {  	v22 =	vadd.s32 v2, v8;
	v8 =	vcvt.f32.s32 v17;
	v9 =	vtrunc.f32 v9;
	v21 =	vld [tilespmem:s20+$0x8040]  }
0x7a3: {  	v23 =	vadd.s32 v2, v14;
	v10 =	vadd.f32 v10, v6;
	v9 =	vcvt.f32.s32 v9;
	[tilespmem:v11+s12+$0x0] =	vst.idx.add.f32.msk $0xffff, v3  }
0x7a4: {  	v11 =	vtrunc.f32 v16;
	v8 =	vadd.s32 v2, v8;
	v15 =	vld [tilespmem:s20+$0x8010]  }
0x7a5: {  	v10 =	vtrunc.f32 v10;
	v14 =	vcvt.f32.s32 v11;
	v12 =	vadd.s32 v2, v9;
	v17 =	vld [tilespmem:s20+$0x8000]  }
.Ltmp26:
0x7a6: {  	v13 =	vmul.f32 v13, v7;
	v11 =	vld [tilespmem:s20+$0x8060];
	v16 =	vmul.f32 v19, v7;
	(pc) =	sbr.rel @p0 .LBB2_54-.Ltmp26, $4  }
0x7a7: {  	v9 =	vadd.s32 v2, v14;
	[tilespmem:v22+s12+$0x0] =	vst.idx.add.f32.msk $0xffff, v3;
	v22 =	vcvt.f32.s32 v10  }
0x7a8: {  	v21 =	vmul.f32 v21, v7;
	v16 =	vadd.f32 v16, v6;
	[tilespmem:v20+s12+$0x0] =	vst.idx.add.f32.msk $0xffff, v3  }
0x7a9: {  	v14 =	vadd.f32 v13, v6;
	v19 =	vmul.f32 v18, v7;
	v10 =	vld [tilespmem:s20+$0x8030];
	v13 =	vadd.s32 v2, v22  }
0x7aa: {  	s18 =	sadd.s32 $0x400, s18;
	s19 =	sadd.s32 $0x80, s19;
	v18 =	vadd.f32 v21, v6;
	v17 =	vmul.f32 v17, v7;
	[tilespmem:v23+s12+$0x0] =	vst.idx.add.f32.msk $0xffff, v3  }
0x7ab: {  	_ = 	snop  }
0x7ac: {  	v15 =	vmul.f32 v15, v7;
	v16 =	vtrunc.f32 v16  }
0x7ad: {  	v11 =	vmul.f32 v11, v7;
	v14 =	vtrunc.f32 v14  }
0x7ae: {  	v19 =	vadd.f32 v19, v6;
	v18 =	vtrunc.f32 v18;
	v16 =	vcvt.f32.s32 v16  }
0x7af: {  	[tilespmem:v12+s12+$0x0] =	vst.idx.add.f32.msk $0xffff, v3;
	v17 =	vadd.f32 v17, v6;
	v12 =	vcvt.f32.s32 v14;
	v18 =	vcvt.f32.s32 v18  }
0x7b0: {  	v19 =	vtrunc.f32 v19;
	v11 =	vadd.f32 v11, v6;
	v15 =	vadd.f32 v15, v6  }
0x7b1: {  	v17 =	vtrunc.f32 v17;
	v16 =	vadd.s32 v2, v16;
	v10 =	vmul.f32 v10, v7  }
0x7b2: {  	[tilespmem:v9+s12+$0x0] =	vst.idx.add.f32.msk $0xffff, v3;
	v9 =	vcvt.f32.s32 v19;
	v12 =	vadd.s32 v2, v12;
	v17 =	vcvt.f32.s32 v17  }
0x7b3: {  	[tilespmem:v8+s12+$0x0] =	vst.idx.add.f32.msk $0xffff, v3;
	v11 =	vtrunc.f32 v11;
	v8 =	vadd.s32 v2, v18;
	v10 =	vadd.f32 v10, v6  }
0x7b4: {  	v15 =	vtrunc.f32 v15;
	v11 =	vcvt.f32.s32 v11;
	v9 =	vadd.s32 v2, v9  }
0x7b5: {  	[tilespmem:v13+s12+$0x0] =	vst.idx.add.f32.msk $0xffff, v3;
	v13 =	vcvt.f32.s32 v15;
	v14 =	vadd.s32 v2, v17;
	v10 =	vtrunc.f32 v10  }
0x7b6: {  	v11 =	vadd.s32 v2, v11;
	[tilespmem:v16+s12+$0x0] =	vst.idx.add.f32.msk $0xffff, v3;
	v10 =	vcvt.f32.s32 v10  }
0x7b7: {  	v13 =	vadd.s32 v2, v13;
	[tilespmem:v12+s12+$0x0] =	vst.idx.add.f32.msk $0xffff, v3  }
0x7b8: {  	[tilespmem:v8+s12+$0x0] =	vst.idx.add.f32.msk $0xffff, v3;
	v8 =	vadd.s32 v2, v10  }
0x7b9: {  	[tilespmem:v9+s12+$0x0] =	vst.idx.add.f32.msk $0xffff, v3  }
0x7ba: {  	[tilespmem:v14+s12+$0x0] =	vst.idx.add.f32.msk $0xffff, v3  }
0x7bb: {  	[tilespmem:v11+s12+$0x0] =	vst.idx.add.f32.msk $0xffff, v3  }
0x7bc: {  	[tilespmem:v13+s12+$0x0] =	vst.idx.add.f32.msk $0xffff, v3  }
0x7bd: {  	[tilespmem:v8+s12+$0x0] =	vst.idx.add.f32.msk $0xffff, v3  }
0x7be: {  	_ =	swait.ge [sflag:s10], $0x8000  }
0x7bf: {  	[sflag:s10] =	ssyncset.done $0x0  }
0x7c0: {  	s17 =	simm.s32 $0x0;
	[sflag:s10] =	ssyncadd.s32 $0xFFFF8000  }
0x7c1: {  	[hbm4b:s23+s17] =	stream.linear.scatter [tilespmem:s17], [sflag:$0x3], $0x8000, $0x38;
	[tilespmem:$0x19080] =	vst v63  }
0x7c2: {  	_ =	swait.ge [sflag:s15], $0x8000  }
0x7c3: {  	[sflag:s15] =	ssyncset.done $0x0  }
0x7c4: {  	[sflag:s15] =	ssyncadd.s32 $0xFFFF8000  }
0x7c5: {  	[tilespmem:s11], [sflag:$0x2] =	stream.linear.gather [hbm4b:s24+s17], $0x8000, $0x38;
	[tilespmem:$0x19080] =	vst v63  }
0x7c6: {  	s18 =	simm.s32 $0x0;
	s19 =	sand.u32 $0x4000, s17;
	s17 =	sand.u32 $0x3C00, s17  }
0x7c7: {  	s18 =	sand.u32 $0x380, s18;
	s17 =	sor.u32 s17, s19  }
0x7c8: {  	s18 =	sor.u32 s18, s17  }
0x7c9: {  	v8 =	vld [tilespmem:s18+$0x70]  }
0x7ca: {  	v9 =	vld [tilespmem:s18+$0x40]  }
0x7cb: {  	v10 =	vld [tilespmem:s18+$0x20]  }
0x7cc: {  	v11 =	vld [tilespmem:s18+$0x0]  }
0x7cd: {  	v12 =	vld [tilespmem:s18+$0x50]  }
0x7ce: {  	v13 =	vld [tilespmem:s18+$0x10]  }
0x7cf: {  	v14 =	vld [tilespmem:s18+$0x60]  }
0x7d0: {  	v15 =	vld [tilespmem:s18+$0x30]  }
0x7d1: {  	v8 =	vmul.f32 v8, v7;
	v9 =	vmul.f32 v9, v7  }
0x7d2: {  	v10 =	vmul.f32 v10, v7;
	v11 =	vmul.f32 v11, v7  }
0x7d3: {  	s21 =	simm.s32 $0x400;
	s20 =	simm.s32 $0x80;
	v12 =	vmul.f32 v12, v7;
	v13 =	vmul.f32 v13, v7;
	v8 =	vadd.f32 v8, v6  }
0x7d4: {  	s20 =	sand.u32 $0x4000, s20;
	s19 =	sand.u32 $0x3C00, s21;
	s17 =	simm.s32 $0x8;
	v14 =	vmul.f32 v14, v7;
	v9 =	vadd.f32 v9, v6;
	v11 =	vadd.f32 v11, v6  }
0x7d5: {  	s19 =	sor.u32 s19, s20;
	s22 =	sand.u32 $0x380, s17;
	v15 =	vmul.f32 v15, v7;
	v10 =	vadd.f32 v10, v6;
	v8 =	vtrunc.f32 v8  }
0x7d6: {  	s18 =	sor.u32 s22, s19;
	v12 =	vadd.f32 v12, v6;
	v9 =	vtrunc.f32 v9;
	v11 =	vtrunc.f32 v11  }
0x7d7: {  	v16 =	vld [tilespmem:s18+$0x20];
	v13 =	vadd.f32 v13, v6;
	v10 =	vtrunc.f32 v10;
	v8 =	vcvt.f32.s32 v8  }
0x7d8: {  	v17 =	vld [tilespmem:s18+$0x50];
	v14 =	vadd.f32 v14, v6;
	v9 =	vcvt.f32.s32 v9;
	v11 =	vcvt.f32.s32 v11  }
0x7d9: {  	v18 =	vld [tilespmem:s18+$0x70];
	v12 =	vtrunc.f32 v12;
	v10 =	vcvt.f32.s32 v10;
	v8 =	vadd.s32 v2, v8  }
0x7da: {  	v19 =	vld [tilespmem:s18+$0x40];
	v20 =	vadd.s32 v2, v11;
	v21 =	vadd.s32 v2, v9;
	v11 =	vtrunc.f32 v14  }
0x7db: {  	v23 =	vld [tilespmem:s18+$0x0];
	v9 =	vcvt.f32.s32 v12;
	v12 =	vadd.f32 v15, v6;
	v11 =	vcvt.f32.s32 v11  }
0x7dc: {  	v13 =	vtrunc.f32 v13;
	v15 =	vld [tilespmem:s18+$0x10];
	v22 =	vadd.s32 v2, v10  }
0x7dd: {  	v14 =	vmul.f32 v16, v7;
	v10 =	vtrunc.f32 v12;
	v12 =	vadd.s32 v2, v11;
	v11 =	vld [tilespmem:s18+$0x60]  }
0x7de: {  	[tilespmem:v8+s12+$0x0] =	vst.idx.add.f32.msk $0xffff, v3;
	v8 =	vadd.s32 v2, v9;
	v9 =	vcvt.f32.s32 v13  }
0x7df: {  	v14 =	vadd.f32 v14, v6;
	v13 =	vmul.f32 v18, v7;
	[tilespmem:v20+s12+$0x0] =	vst.idx.add.f32.msk $0xffff, v3;
	v18 =	vcvt.f32.s32 v10  }
0x7e0: {  	v20 =	vmul.f32 v19, v7;
	[tilespmem:v21+s12+$0x0] =	vst.idx.add.f32.msk $0xffff, v3;
	v9 =	vadd.s32 v2, v9  }
0x7e1: {  	v10 =	vld [tilespmem:s18+$0x30];
	v19 =	vmul.f32 v17, v7;
	v16 =	vadd.f32 v13, v6;
	v13 =	vadd.s32 v2, v18  }
0x7e2: {  	s19 =	simm.s32 $0x100;
	v17 =	vmul.f32 v23, v7;
	s18 =	simm.s32 $0x800;
	[tilespmem:v22+s12+$0x0] =	vst.idx.add.f32.msk $0xffff, v3;
	v18 =	vadd.f32 v20, v6  }
.LBB2_56:
0x7e3: {  	s17 =	sadd.s32 $0x8, s17;
	s20 =	sand.u32 $0x4000, s19;
	s21 =	sand.u32 $0x3C00, s18;
	v15 =	vmul.f32 v15, v7;
	v19 =	vadd.f32 v19, v6;
	v16 =	vtrunc.f32 v16;
	[tilespmem:v12+s12+$0x0] =	vst.idx.add.f32.msk $0xffff, v3  }
0x7e4: {  	s22 =	sand.u32 $0x380, s17;
	s20 =	sor.u32 s21, s20;
	p0 =	slt.u32 s17, $0x7F8;
	v12 =	vtrunc.f32 v18;
	v16 =	vcvt.f32.s32 v16;
	[tilespmem:v8+s12+$0x0] =	vst.idx.add.f32.msk $0xffff, v3  }
0x7e5: {  	v8 =	vadd.f32 v17, v6;
	s20 =	sor.u32 s22, s20;
	v12 =	vcvt.f32.s32 v12;
	v17 =	vtrunc.f32 v19;
	[tilespmem:v9+s12+$0x0] =	vst.idx.add.f32.msk $0xffff, v3  }
0x7e6: {  	v9 =	vmul.f32 v11, v7;
	v11 =	vadd.s32 v2, v16;
	[tilespmem:v13+s12+$0x0] =	vst.idx.add.f32.msk $0xffff, v3  }
0x7e7: {  	v8 =	vtrunc.f32 v8;
	v16 =	vadd.f32 v15, v6;
	v13 =	vld [tilespmem:s20+$0x20]  }
0x7e8: {  	v14 =	vtrunc.f32 v14;
	v8 =	vcvt.f32.s32 v8;
	v9 =	vadd.f32 v9, v6;
	v18 =	vld [tilespmem:s20+$0x50]  }
0x7e9: {  	v14 =	vcvt.f32.s32 v14;
	v10 =	vmul.f32 v10, v7;
	v20 =	vadd.s32 v2, v12;
	v19 =	vld [tilespmem:s20+$0x70]  }
0x7ea: {  	v22 =	vadd.s32 v2, v8;
	v8 =	vcvt.f32.s32 v17;
	v9 =	vtrunc.f32 v9;
	v21 =	vld [tilespmem:s20+$0x40]  }
0x7eb: {  	v23 =	vadd.s32 v2, v14;
	v10 =	vadd.f32 v10, v6;
	v9 =	vcvt.f32.s32 v9;
	[tilespmem:v11+s12+$0x0] =	vst.idx.add.f32.msk $0xffff, v3  }
0x7ec: {  	v11 =	vtrunc.f32 v16;
	v8 =	vadd.s32 v2, v8;
	v15 =	vld [tilespmem:s20+$0x10]  }
0x7ed: {  	v10 =	vtrunc.f32 v10;
	v14 =	vcvt.f32.s32 v11;
	v12 =	vadd.s32 v2, v9;
	v17 =	vld [tilespmem:s20+$0x0]  }
.Ltmp27:
0x7ee: {  	v13 =	vmul.f32 v13, v7;
	v11 =	vld [tilespmem:s20+$0x60];
	v16 =	vmul.f32 v19, v7;
	(pc) =	sbr.rel @p0 .LBB2_56-.Ltmp27, $4  }
0x7ef: {  	v9 =	vadd.s32 v2, v14;
	[tilespmem:v22+s12+$0x0] =	vst.idx.add.f32.msk $0xffff, v3;
	v22 =	vcvt.f32.s32 v10  }
0x7f0: {  	v21 =	vmul.f32 v21, v7;
	v16 =	vadd.f32 v16, v6;
	[tilespmem:v20+s12+$0x0] =	vst.idx.add.f32.msk $0xffff, v3  }
0x7f1: {  	v14 =	vadd.f32 v13, v6;
	v19 =	vmul.f32 v18, v7;
	v10 =	vld [tilespmem:s20+$0x30];
	v13 =	vadd.s32 v2, v22  }
0x7f2: {  	s18 =	sadd.s32 $0x400, s18;
	s19 =	sadd.s32 $0x80, s19;
	v18 =	vadd.f32 v21, v6;
	v17 =	vmul.f32 v17, v7;
	[tilespmem:v23+s12+$0x0] =	vst.idx.add.f32.msk $0xffff, v3  }
0x7f3: {  	_ = 	snop  }
0x7f4: {  	v15 =	vmul.f32 v15, v7;
	v16 =	vtrunc.f32 v16  }
0x7f5: {  	v11 =	vmul.f32 v11, v7;
	v14 =	vtrunc.f32 v14  }
0x7f6: {  	v19 =	vadd.f32 v19, v6;
	v18 =	vtrunc.f32 v18;
	v16 =	vcvt.f32.s32 v16  }
0x7f7: {  	[tilespmem:v12+s12+$0x0] =	vst.idx.add.f32.msk $0xffff, v3;
	v17 =	vadd.f32 v17, v6;
	v12 =	vcvt.f32.s32 v14;
	v18 =	vcvt.f32.s32 v18  }
0x7f8: {  	v19 =	vtrunc.f32 v19;
	v11 =	vadd.f32 v11, v6;
	v15 =	vadd.f32 v15, v6  }
0x7f9: {  	v17 =	vtrunc.f32 v17;
	v16 =	vadd.s32 v2, v16;
	v10 =	vmul.f32 v10, v7  }
0x7fa: {  	[tilespmem:v9+s12+$0x0] =	vst.idx.add.f32.msk $0xffff, v3;
	v9 =	vcvt.f32.s32 v19;
	v12 =	vadd.s32 v2, v12;
	v17 =	vcvt.f32.s32 v17  }
0x7fb: {  	[tilespmem:v8+s12+$0x0] =	vst.idx.add.f32.msk $0xffff, v3;
	v11 =	vtrunc.f32 v11;
	v8 =	vadd.s32 v2, v18;
	v10 =	vadd.f32 v10, v6  }
0x7fc: {  	v15 =	vtrunc.f32 v15;
	v11 =	vcvt.f32.s32 v11;
	v9 =	vadd.s32 v2, v9  }
0x7fd: {  	[tilespmem:v13+s12+$0x0] =	vst.idx.add.f32.msk $0xffff, v3;
	v13 =	vcvt.f32.s32 v15;
	v14 =	vadd.s32 v2, v17;
	v10 =	vtrunc.f32 v10  }
0x7fe: {  	v11 =	vadd.s32 v2, v11;
	[tilespmem:v16+s12+$0x0] =	vst.idx.add.f32.msk $0xffff, v3;
	v10 =	vcvt.f32.s32 v10  }
0x7ff: {  	v13 =	vadd.s32 v2, v13;
	[tilespmem:v12+s12+$0x0] =	vst.idx.add.f32.msk $0xffff, v3  }
0x800: {  	[tilespmem:v8+s12+$0x0] =	vst.idx.add.f32.msk $0xffff, v3;
	v8 =	vadd.s32 v2, v10  }
0x801: {  	[tilespmem:v9+s12+$0x0] =	vst.idx.add.f32.msk $0xffff, v3  }
0x802: {  	[tilespmem:v14+s12+$0x0] =	vst.idx.add.f32.msk $0xffff, v3  }
0x803: {  	[tilespmem:v11+s12+$0x0] =	vst.idx.add.f32.msk $0xffff, v3  }
0x804: {  	[tilespmem:v13+s12+$0x0] =	vst.idx.add.f32.msk $0xffff, v3  }
0x805: {  	[tilespmem:v8+s12+$0x0] =	vst.idx.add.f32.msk $0xffff, v3  }
0x806: {  	_ =	swait.ge [sflag:s13], $0x8000  }
0x807: {  	[sflag:s13] =	ssyncset.done $0x0  }
0x808: {  	s17 =	simm.s32 $0x0;
	[sflag:s13] =	ssyncadd.s32 $0xFFFF8000  }
0x809: {  	[hbm4b:s25+s17] =	stream.linear.scatter [tilespmem:s11], [sflag:$0x4], $0x8000, $0x38;
	[tilespmem:$0x19080] =	vst v63  }
0x80a: {  	_ =	swait.ge [sflag:s14], $0x8000  }
0x80b: {  	[sflag:s14] =	ssyncset.done $0x0  }
0x80c: {  	[sflag:s14] =	ssyncadd.s32 $0xFFFF8000  }
0x80d: {  	[tilespmem:s17], [sflag:$0x1] =	stream.linear.gather [hbm4b:s26+s17], $0x8000, $0x38;
	[tilespmem:$0x19080] =	vst v63  }
0x80e: {  	s18 =	simm.s32 $0x0;
	s19 =	sand.u32 $0x4000, s17;
	s17 =	sand.u32 $0x3C00, s17  }
0x80f: {  	s18 =	sand.u32 $0x380, s18;
	s17 =	sor.u32 s17, s19  }
0x810: {  	s18 =	sor.u32 s18, s17  }
0x811: {  	v8 =	vld [tilespmem:s18+$0x8070]  }
0x812: {  	v9 =	vld [tilespmem:s18+$0x8040]  }
0x813: {  	v10 =	vld [tilespmem:s18+$0x8020]  }
0x814: {  	v11 =	vld [tilespmem:s18+$0x8000]  }
0x815: {  	v12 =	vld [tilespmem:s18+$0x8050]  }
0x816: {  	v13 =	vld [tilespmem:s18+$0x8010]  }
0x817: {  	v14 =	vld [tilespmem:s18+$0x8060]  }
0x818: {  	v15 =	vld [tilespmem:s18+$0x8030]  }
0x819: {  	v8 =	vmul.f32 v8, v7;
	v9 =	vmul.f32 v9, v7  }
0x81a: {  	v10 =	vmul.f32 v10, v7;
	v11 =	vmul.f32 v11, v7  }
0x81b: {  	s21 =	simm.s32 $0x400;
	s20 =	simm.s32 $0x80;
	v12 =	vmul.f32 v12, v7;
	v13 =	vmul.f32 v13, v7;
	v8 =	vadd.f32 v8, v6  }
0x81c: {  	s20 =	sand.u32 $0x4000, s20;
	s19 =	sand.u32 $0x3C00, s21;
	s17 =	simm.s32 $0x8;
	v14 =	vmul.f32 v14, v7;
	v9 =	vadd.f32 v9, v6;
	v11 =	vadd.f32 v11, v6  }
0x81d: {  	s19 =	sor.u32 s19, s20;
	s22 =	sand.u32 $0x380, s17;
	v15 =	vmul.f32 v15, v7;
	v10 =	vadd.f32 v10, v6;
	v8 =	vtrunc.f32 v8  }
0x81e: {  	s18 =	sor.u32 s22, s19;
	v12 =	vadd.f32 v12, v6;
	v9 =	vtrunc.f32 v9;
	v11 =	vtrunc.f32 v11  }
0x81f: {  	v16 =	vld [tilespmem:s18+$0x8020];
	v13 =	vadd.f32 v13, v6;
	v10 =	vtrunc.f32 v10;
	v8 =	vcvt.f32.s32 v8  }
0x820: {  	v17 =	vld [tilespmem:s18+$0x8050];
	v14 =	vadd.f32 v14, v6;
	v9 =	vcvt.f32.s32 v9;
	v11 =	vcvt.f32.s32 v11  }
0x821: {  	v18 =	vld [tilespmem:s18+$0x8070];
	v12 =	vtrunc.f32 v12;
	v10 =	vcvt.f32.s32 v10;
	v8 =	vadd.s32 v2, v8  }
0x822: {  	v19 =	vld [tilespmem:s18+$0x8040];
	v20 =	vadd.s32 v2, v11;
	v21 =	vadd.s32 v2, v9;
	v11 =	vtrunc.f32 v14  }
0x823: {  	v23 =	vld [tilespmem:s18+$0x8000];
	v9 =	vcvt.f32.s32 v12;
	v12 =	vadd.f32 v15, v6;
	v11 =	vcvt.f32.s32 v11  }
0x824: {  	v13 =	vtrunc.f32 v13;
	v15 =	vld [tilespmem:s18+$0x8010];
	v22 =	vadd.s32 v2, v10  }
0x825: {  	v14 =	vmul.f32 v16, v7;
	v10 =	vtrunc.f32 v12;
	v12 =	vadd.s32 v2, v11;
	v11 =	vld [tilespmem:s18+$0x8060]  }
0x826: {  	[tilespmem:v8+s12+$0x0] =	vst.idx.add.f32.msk $0xffff, v3;
	v8 =	vadd.s32 v2, v9;
	v9 =	vcvt.f32.s32 v13  }
0x827: {  	v14 =	vadd.f32 v14, v6;
	v13 =	vmul.f32 v18, v7;
	[tilespmem:v20+s12+$0x0] =	vst.idx.add.f32.msk $0xffff, v3;
	v18 =	vcvt.f32.s32 v10  }
0x828: {  	v20 =	vmul.f32 v19, v7;
	[tilespmem:v21+s12+$0x0] =	vst.idx.add.f32.msk $0xffff, v3;
	v9 =	vadd.s32 v2, v9  }
0x829: {  	v10 =	vld [tilespmem:s18+$0x8030];
	v19 =	vmul.f32 v17, v7;
	v16 =	vadd.f32 v13, v6;
	v13 =	vadd.s32 v2, v18  }
0x82a: {  	s19 =	simm.s32 $0x100;
	v17 =	vmul.f32 v23, v7;
	s18 =	simm.s32 $0x800;
	[tilespmem:v22+s12+$0x0] =	vst.idx.add.f32.msk $0xffff, v3;
	v18 =	vadd.f32 v20, v6  }
.LBB2_58:
0x82b: {  	s17 =	sadd.s32 $0x8, s17;
	s20 =	sand.u32 $0x4000, s19;
	s21 =	sand.u32 $0x3C00, s18;
	v15 =	vmul.f32 v15, v7;
	v19 =	vadd.f32 v19, v6;
	v16 =	vtrunc.f32 v16;
	[tilespmem:v12+s12+$0x0] =	vst.idx.add.f32.msk $0xffff, v3  }
0x82c: {  	s22 =	sand.u32 $0x380, s17;
	s20 =	sor.u32 s21, s20;
	p0 =	slt.u32 s17, $0x7F8;
	v12 =	vtrunc.f32 v18;
	v16 =	vcvt.f32.s32 v16;
	[tilespmem:v8+s12+$0x0] =	vst.idx.add.f32.msk $0xffff, v3  }
0x82d: {  	v8 =	vadd.f32 v17, v6;
	s20 =	sor.u32 s22, s20;
	v12 =	vcvt.f32.s32 v12;
	v17 =	vtrunc.f32 v19;
	[tilespmem:v9+s12+$0x0] =	vst.idx.add.f32.msk $0xffff, v3  }
0x82e: {  	v9 =	vmul.f32 v11, v7;
	v11 =	vadd.s32 v2, v16;
	[tilespmem:v13+s12+$0x0] =	vst.idx.add.f32.msk $0xffff, v3  }
0x82f: {  	v8 =	vtrunc.f32 v8;
	v16 =	vadd.f32 v15, v6;
	v13 =	vld [tilespmem:s20+$0x8020]  }
0x830: {  	v14 =	vtrunc.f32 v14;
	v8 =	vcvt.f32.s32 v8;
	v9 =	vadd.f32 v9, v6;
	v18 =	vld [tilespmem:s20+$0x8050]  }
0x831: {  	v14 =	vcvt.f32.s32 v14;
	v10 =	vmul.f32 v10, v7;
	v20 =	vadd.s32 v2, v12;
	v19 =	vld [tilespmem:s20+$0x8070]  }
0x832: {  	v22 =	vadd.s32 v2, v8;
	v8 =	vcvt.f32.s32 v17;
	v9 =	vtrunc.f32 v9;
	v21 =	vld [tilespmem:s20+$0x8040]  }
0x833: {  	v23 =	vadd.s32 v2, v14;
	v10 =	vadd.f32 v10, v6;
	v9 =	vcvt.f32.s32 v9;
	[tilespmem:v11+s12+$0x0] =	vst.idx.add.f32.msk $0xffff, v3  }
0x834: {  	v11 =	vtrunc.f32 v16;
	v8 =	vadd.s32 v2, v8;
	v15 =	vld [tilespmem:s20+$0x8010]  }
0x835: {  	v10 =	vtrunc.f32 v10;
	v14 =	vcvt.f32.s32 v11;
	v12 =	vadd.s32 v2, v9;
	v17 =	vld [tilespmem:s20+$0x8000]  }
.Ltmp28:
0x836: {  	v13 =	vmul.f32 v13, v7;
	v11 =	vld [tilespmem:s20+$0x8060];
	v16 =	vmul.f32 v19, v7;
	(pc) =	sbr.rel @p0 .LBB2_58-.Ltmp28, $4  }
0x837: {  	v9 =	vadd.s32 v2, v14;
	[tilespmem:v22+s12+$0x0] =	vst.idx.add.f32.msk $0xffff, v3;
	v22 =	vcvt.f32.s32 v10  }
0x838: {  	v21 =	vmul.f32 v21, v7;
	v16 =	vadd.f32 v16, v6;
	[tilespmem:v20+s12+$0x0] =	vst.idx.add.f32.msk $0xffff, v3  }
0x839: {  	v14 =	vadd.f32 v13, v6;
	v19 =	vmul.f32 v18, v7;
	v10 =	vld [tilespmem:s20+$0x8030];
	v13 =	vadd.s32 v2, v22  }
0x83a: {  	s18 =	sadd.s32 $0x400, s18;
	s19 =	sadd.s32 $0x80, s19;
	v18 =	vadd.f32 v21, v6;
	v17 =	vmul.f32 v17, v7;
	[tilespmem:v23+s12+$0x0] =	vst.idx.add.f32.msk $0xffff, v3  }
0x83b: {  	_ = 	snop  }
0x83c: {  	v15 =	vmul.f32 v15, v7;
	v16 =	vtrunc.f32 v16  }
0x83d: {  	v11 =	vmul.f32 v11, v7;
	v14 =	vtrunc.f32 v14  }
0x83e: {  	v19 =	vadd.f32 v19, v6;
	v18 =	vtrunc.f32 v18;
	v16 =	vcvt.f32.s32 v16  }
0x83f: {  	[tilespmem:v12+s12+$0x0] =	vst.idx.add.f32.msk $0xffff, v3;
	v17 =	vadd.f32 v17, v6;
	v12 =	vcvt.f32.s32 v14;
	v18 =	vcvt.f32.s32 v18  }
0x840: {  	v19 =	vtrunc.f32 v19;
	v11 =	vadd.f32 v11, v6;
	v15 =	vadd.f32 v15, v6  }
0x841: {  	v17 =	vtrunc.f32 v17;
	v16 =	vadd.s32 v2, v16;
	v10 =	vmul.f32 v10, v7  }
0x842: {  	[tilespmem:v9+s12+$0x0] =	vst.idx.add.f32.msk $0xffff, v3;
	v9 =	vcvt.f32.s32 v19;
	v12 =	vadd.s32 v2, v12;
	v17 =	vcvt.f32.s32 v17  }
0x843: {  	[tilespmem:v8+s12+$0x0] =	vst.idx.add.f32.msk $0xffff, v3;
	v11 =	vtrunc.f32 v11;
	v8 =	vadd.s32 v2, v18;
	v10 =	vadd.f32 v10, v6  }
0x844: {  	v15 =	vtrunc.f32 v15;
	v11 =	vcvt.f32.s32 v11;
	v9 =	vadd.s32 v2, v9  }
0x845: {  	[tilespmem:v13+s12+$0x0] =	vst.idx.add.f32.msk $0xffff, v3;
	v13 =	vcvt.f32.s32 v15;
	v14 =	vadd.s32 v2, v17;
	v10 =	vtrunc.f32 v10  }
0x846: {  	v11 =	vadd.s32 v2, v11;
	[tilespmem:v16+s12+$0x0] =	vst.idx.add.f32.msk $0xffff, v3;
	v10 =	vcvt.f32.s32 v10  }
0x847: {  	v13 =	vadd.s32 v2, v13;
	[tilespmem:v12+s12+$0x0] =	vst.idx.add.f32.msk $0xffff, v3  }
0x848: {  	[tilespmem:v8+s12+$0x0] =	vst.idx.add.f32.msk $0xffff, v3;
	v8 =	vadd.s32 v2, v10  }
0x849: {  	[tilespmem:v9+s12+$0x0] =	vst.idx.add.f32.msk $0xffff, v3  }
0x84a: {  	[tilespmem:v14+s12+$0x0] =	vst.idx.add.f32.msk $0xffff, v3  }
0x84b: {  	[tilespmem:v11+s12+$0x0] =	vst.idx.add.f32.msk $0xffff, v3  }
0x84c: {  	[tilespmem:v13+s12+$0x0] =	vst.idx.add.f32.msk $0xffff, v3  }
0x84d: {  	[tilespmem:v8+s12+$0x0] =	vst.idx.add.f32.msk $0xffff, v3  }
0x84e: {  	_ =	swait.ge [sflag:s10], $0x8000  }
0x84f: {  	[sflag:s10] =	ssyncset.done $0x0  }
0x850: {  	s17 =	simm.s32 $0x0;
	[sflag:s10] =	ssyncadd.s32 $0xFFFF8000  }
0x851: {  	[hbm4b:s28+s17] =	stream.linear.scatter [tilespmem:s17], [sflag:$0x3], $0x8000, $0x38;
	[tilespmem:$0x19080] =	vst v63  }
0x852: {  	_ =	swait.ge [sflag:s15], $0x8000  }
0x853: {  	[sflag:s15] =	ssyncset.done $0x0  }
0x854: {  	[sflag:s15] =	ssyncadd.s32 $0xFFFF8000  }
0x855: {  	[tilespmem:s11], [sflag:$0x2] =	stream.linear.gather [hbm4b:s29+s17], $0x8000, $0x38;
	[tilespmem:$0x19080] =	vst v63  }
0x856: {  	s18 =	simm.s32 $0x0;
	s19 =	sand.u32 $0x4000, s17;
	s17 =	sand.u32 $0x3C00, s17  }
0x857: {  	s18 =	sand.u32 $0x380, s18;
	s17 =	sor.u32 s17, s19  }
0x858: {  	s18 =	sor.u32 s18, s17  }
0x859: {  	v8 =	vld [tilespmem:s18+$0x70]  }
0x85a: {  	v9 =	vld [tilespmem:s18+$0x40]  }
0x85b: {  	v10 =	vld [tilespmem:s18+$0x20]  }
0x85c: {  	v11 =	vld [tilespmem:s18+$0x0]  }
0x85d: {  	v12 =	vld [tilespmem:s18+$0x50]  }
0x85e: {  	v13 =	vld [tilespmem:s18+$0x10]  }
0x85f: {  	v14 =	vld [tilespmem:s18+$0x60]  }
0x860: {  	v15 =	vld [tilespmem:s18+$0x30]  }
0x861: {  	v8 =	vmul.f32 v8, v7;
	v9 =	vmul.f32 v9, v7  }
0x862: {  	v10 =	vmul.f32 v10, v7;
	v11 =	vmul.f32 v11, v7  }
0x863: {  	s21 =	simm.s32 $0x400;
	s20 =	simm.s32 $0x80;
	v12 =	vmul.f32 v12, v7;
	v13 =	vmul.f32 v13, v7;
	v8 =	vadd.f32 v8, v6  }
0x864: {  	s20 =	sand.u32 $0x4000, s20;
	s19 =	sand.u32 $0x3C00, s21;
	s17 =	simm.s32 $0x8;
	v14 =	vmul.f32 v14, v7;
	v9 =	vadd.f32 v9, v6;
	v11 =	vadd.f32 v11, v6  }
0x865: {  	s19 =	sor.u32 s19, s20;
	s22 =	sand.u32 $0x380, s17;
	v15 =	vmul.f32 v15, v7;
	v10 =	vadd.f32 v10, v6;
	v8 =	vtrunc.f32 v8  }
0x866: {  	s18 =	sor.u32 s22, s19;
	v12 =	vadd.f32 v12, v6;
	v9 =	vtrunc.f32 v9;
	v11 =	vtrunc.f32 v11  }
0x867: {  	v16 =	vld [tilespmem:s18+$0x20];
	v13 =	vadd.f32 v13, v6;
	v10 =	vtrunc.f32 v10;
	v8 =	vcvt.f32.s32 v8  }
0x868: {  	v17 =	vld [tilespmem:s18+$0x50];
	v14 =	vadd.f32 v14, v6;
	v9 =	vcvt.f32.s32 v9;
	v11 =	vcvt.f32.s32 v11  }
0x869: {  	v18 =	vld [tilespmem:s18+$0x70];
	v12 =	vtrunc.f32 v12;
	v10 =	vcvt.f32.s32 v10;
	v8 =	vadd.s32 v2, v8  }
0x86a: {  	v19 =	vld [tilespmem:s18+$0x40];
	v20 =	vadd.s32 v2, v11;
	v21 =	vadd.s32 v2, v9;
	v11 =	vtrunc.f32 v14  }
0x86b: {  	v23 =	vld [tilespmem:s18+$0x0];
	v9 =	vcvt.f32.s32 v12;
	v12 =	vadd.f32 v15, v6;
	v11 =	vcvt.f32.s32 v11  }
0x86c: {  	v13 =	vtrunc.f32 v13;
	v15 =	vld [tilespmem:s18+$0x10];
	v22 =	vadd.s32 v2, v10  }
0x86d: {  	v14 =	vmul.f32 v16, v7;
	v10 =	vtrunc.f32 v12;
	v12 =	vadd.s32 v2, v11;
	v11 =	vld [tilespmem:s18+$0x60]  }
0x86e: {  	[tilespmem:v8+s12+$0x0] =	vst.idx.add.f32.msk $0xffff, v3;
	v8 =	vadd.s32 v2, v9;
	v9 =	vcvt.f32.s32 v13  }
0x86f: {  	v14 =	vadd.f32 v14, v6;
	v13 =	vmul.f32 v18, v7;
	[tilespmem:v20+s12+$0x0] =	vst.idx.add.f32.msk $0xffff, v3;
	v18 =	vcvt.f32.s32 v10  }
0x870: {  	v20 =	vmul.f32 v19, v7;
	[tilespmem:v21+s12+$0x0] =	vst.idx.add.f32.msk $0xffff, v3;
	v9 =	vadd.s32 v2, v9  }
0x871: {  	v10 =	vld [tilespmem:s18+$0x30];
	v19 =	vmul.f32 v17, v7;
	v16 =	vadd.f32 v13, v6;
	v13 =	vadd.s32 v2, v18  }
0x872: {  	s19 =	simm.s32 $0x100;
	v17 =	vmul.f32 v23, v7;
	s18 =	simm.s32 $0x800;
	[tilespmem:v22+s12+$0x0] =	vst.idx.add.f32.msk $0xffff, v3;
	v18 =	vadd.f32 v20, v6  }
.LBB2_60:
0x873: {  	s17 =	sadd.s32 $0x8, s17;
	s20 =	sand.u32 $0x4000, s19;
	s21 =	sand.u32 $0x3C00, s18;
	v15 =	vmul.f32 v15, v7;
	v19 =	vadd.f32 v19, v6;
	v16 =	vtrunc.f32 v16;
	[tilespmem:v12+s12+$0x0] =	vst.idx.add.f32.msk $0xffff, v3  }
0x874: {  	s22 =	sand.u32 $0x380, s17;
	s20 =	sor.u32 s21, s20;
	p0 =	slt.u32 s17, $0x7F8;
	v12 =	vtrunc.f32 v18;
	v16 =	vcvt.f32.s32 v16;
	[tilespmem:v8+s12+$0x0] =	vst.idx.add.f32.msk $0xffff, v3  }
0x875: {  	v8 =	vadd.f32 v17, v6;
	s20 =	sor.u32 s22, s20;
	v12 =	vcvt.f32.s32 v12;
	v17 =	vtrunc.f32 v19;
	[tilespmem:v9+s12+$0x0] =	vst.idx.add.f32.msk $0xffff, v3  }
0x876: {  	v9 =	vmul.f32 v11, v7;
	v11 =	vadd.s32 v2, v16;
	[tilespmem:v13+s12+$0x0] =	vst.idx.add.f32.msk $0xffff, v3  }
0x877: {  	v8 =	vtrunc.f32 v8;
	v16 =	vadd.f32 v15, v6;
	v13 =	vld [tilespmem:s20+$0x20]  }
0x878: {  	v14 =	vtrunc.f32 v14;
	v8 =	vcvt.f32.s32 v8;
	v9 =	vadd.f32 v9, v6;
	v18 =	vld [tilespmem:s20+$0x50]  }
0x879: {  	v14 =	vcvt.f32.s32 v14;
	v10 =	vmul.f32 v10, v7;
	v20 =	vadd.s32 v2, v12;
	v19 =	vld [tilespmem:s20+$0x70]  }
0x87a: {  	v22 =	vadd.s32 v2, v8;
	v8 =	vcvt.f32.s32 v17;
	v9 =	vtrunc.f32 v9;
	v21 =	vld [tilespmem:s20+$0x40]  }
0x87b: {  	v23 =	vadd.s32 v2, v14;
	v10 =	vadd.f32 v10, v6;
	v9 =	vcvt.f32.s32 v9;
	[tilespmem:v11+s12+$0x0] =	vst.idx.add.f32.msk $0xffff, v3  }
0x87c: {  	v11 =	vtrunc.f32 v16;
	v8 =	vadd.s32 v2, v8;
	v15 =	vld [tilespmem:s20+$0x10]  }
0x87d: {  	v10 =	vtrunc.f32 v10;
	v14 =	vcvt.f32.s32 v11;
	v12 =	vadd.s32 v2, v9;
	v17 =	vld [tilespmem:s20+$0x0]  }
.Ltmp29:
0x87e: {  	v13 =	vmul.f32 v13, v7;
	v11 =	vld [tilespmem:s20+$0x60];
	v16 =	vmul.f32 v19, v7;
	(pc) =	sbr.rel @p0 .LBB2_60-.Ltmp29, $4  }
0x87f: {  	v9 =	vadd.s32 v2, v14;
	[tilespmem:v22+s12+$0x0] =	vst.idx.add.f32.msk $0xffff, v3;
	v22 =	vcvt.f32.s32 v10  }
0x880: {  	v21 =	vmul.f32 v21, v7;
	v16 =	vadd.f32 v16, v6;
	[tilespmem:v20+s12+$0x0] =	vst.idx.add.f32.msk $0xffff, v3  }
0x881: {  	v14 =	vadd.f32 v13, v6;
	v19 =	vmul.f32 v18, v7;
	v10 =	vld [tilespmem:s20+$0x30];
	v13 =	vadd.s32 v2, v22  }
0x882: {  	s18 =	sadd.s32 $0x400, s18;
	s19 =	sadd.s32 $0x80, s19;
	v18 =	vadd.f32 v21, v6;
	v17 =	vmul.f32 v17, v7;
	[tilespmem:v23+s12+$0x0] =	vst.idx.add.f32.msk $0xffff, v3  }
0x883: {  	_ = 	snop  }
0x884: {  	v15 =	vmul.f32 v15, v7;
	v16 =	vtrunc.f32 v16  }
0x885: {  	v11 =	vmul.f32 v11, v7;
	v14 =	vtrunc.f32 v14  }
0x886: {  	v19 =	vadd.f32 v19, v6;
	v18 =	vtrunc.f32 v18;
	v16 =	vcvt.f32.s32 v16  }
0x887: {  	[tilespmem:v12+s12+$0x0] =	vst.idx.add.f32.msk $0xffff, v3;
	v17 =	vadd.f32 v17, v6;
	v12 =	vcvt.f32.s32 v14;
	v18 =	vcvt.f32.s32 v18  }
0x888: {  	v19 =	vtrunc.f32 v19;
	v11 =	vadd.f32 v11, v6;
	v15 =	vadd.f32 v15, v6  }
0x889: {  	v17 =	vtrunc.f32 v17;
	v16 =	vadd.s32 v2, v16;
	v10 =	vmul.f32 v10, v7  }
0x88a: {  	[tilespmem:v9+s12+$0x0] =	vst.idx.add.f32.msk $0xffff, v3;
	v9 =	vcvt.f32.s32 v19;
	v12 =	vadd.s32 v2, v12;
	v17 =	vcvt.f32.s32 v17  }
0x88b: {  	[tilespmem:v8+s12+$0x0] =	vst.idx.add.f32.msk $0xffff, v3;
	v11 =	vtrunc.f32 v11;
	v8 =	vadd.s32 v2, v18;
	v10 =	vadd.f32 v10, v6  }
0x88c: {  	v15 =	vtrunc.f32 v15;
	v11 =	vcvt.f32.s32 v11;
	v9 =	vadd.s32 v2, v9  }
0x88d: {  	[tilespmem:v13+s12+$0x0] =	vst.idx.add.f32.msk $0xffff, v3;
	v13 =	vcvt.f32.s32 v15;
	v14 =	vadd.s32 v2, v17;
	v10 =	vtrunc.f32 v10  }
0x88e: {  	v11 =	vadd.s32 v2, v11;
	[tilespmem:v16+s12+$0x0] =	vst.idx.add.f32.msk $0xffff, v3;
	v10 =	vcvt.f32.s32 v10  }
0x88f: {  	v13 =	vadd.s32 v2, v13;
	[tilespmem:v12+s12+$0x0] =	vst.idx.add.f32.msk $0xffff, v3  }
0x890: {  	[tilespmem:v8+s12+$0x0] =	vst.idx.add.f32.msk $0xffff, v3;
	v8 =	vadd.s32 v2, v10  }
0x891: {  	[tilespmem:v9+s12+$0x0] =	vst.idx.add.f32.msk $0xffff, v3  }
0x892: {  	[tilespmem:v14+s12+$0x0] =	vst.idx.add.f32.msk $0xffff, v3  }
0x893: {  	[tilespmem:v11+s12+$0x0] =	vst.idx.add.f32.msk $0xffff, v3  }
0x894: {  	[tilespmem:v13+s12+$0x0] =	vst.idx.add.f32.msk $0xffff, v3  }
0x895: {  	[tilespmem:v8+s12+$0x0] =	vst.idx.add.f32.msk $0xffff, v3  }
0x896: {  	_ =	swait.ge [sflag:s13], $0x8000  }
0x897: {  	[sflag:s13] =	ssyncset.done $0x0  }
0x898: {  	s17 =	simm.s32 $0x0;
	[sflag:s13] =	ssyncadd.s32 $0xFFFF8000  }
0x899: {  	[hbm4b:s30+s17] =	stream.linear.scatter [tilespmem:s11], [sflag:$0x4], $0x8000, $0x38;
	[tilespmem:$0x19080] =	vst v63  }
0x89a: {  	_ =	swait.ge [sflag:s14], $0x8000  }
0x89b: {  	[sflag:s14] =	ssyncset.done $0x0  }
0x89c: {  	[sflag:s14] =	ssyncadd.s32 $0xFFFF8000  }
0x89d: {  	[tilespmem:s17], [sflag:$0x1] =	stream.linear.gather [hbm4b:s2+s17], $0x8000, $0x38;
	[tilespmem:$0x19080] =	vst v63  }
0x89e: {  	s18 =	simm.s32 $0x0;
	s19 =	sand.u32 $0x4000, s17;
	s17 =	sand.u32 $0x3C00, s17  }
0x89f: {  	s18 =	sand.u32 $0x380, s18;
	s17 =	sor.u32 s17, s19  }
0x8a0: {  	s18 =	sor.u32 s18, s17  }
0x8a1: {  	v8 =	vld [tilespmem:s18+$0x8070]  }
0x8a2: {  	v9 =	vld [tilespmem:s18+$0x8040]  }
0x8a3: {  	v10 =	vld [tilespmem:s18+$0x8020]  }
0x8a4: {  	v11 =	vld [tilespmem:s18+$0x8000]  }
0x8a5: {  	v12 =	vld [tilespmem:s18+$0x8050]  }
0x8a6: {  	v13 =	vld [tilespmem:s18+$0x8010]  }
0x8a7: {  	v14 =	vld [tilespmem:s18+$0x8060]  }
0x8a8: {  	v15 =	vld [tilespmem:s18+$0x8030]  }
0x8a9: {  	v8 =	vmul.f32 v8, v7;
	v9 =	vmul.f32 v9, v7  }
0x8aa: {  	v10 =	vmul.f32 v10, v7;
	v11 =	vmul.f32 v11, v7  }
0x8ab: {  	s21 =	simm.s32 $0x400;
	s20 =	simm.s32 $0x80;
	v12 =	vmul.f32 v12, v7;
	v13 =	vmul.f32 v13, v7;
	v8 =	vadd.f32 v8, v6  }
0x8ac: {  	s20 =	sand.u32 $0x4000, s20;
	s19 =	sand.u32 $0x3C00, s21;
	s17 =	simm.s32 $0x8;
	v14 =	vmul.f32 v14, v7;
	v9 =	vadd.f32 v9, v6;
	v11 =	vadd.f32 v11, v6  }
0x8ad: {  	s19 =	sor.u32 s19, s20;
	s22 =	sand.u32 $0x380, s17;
	v15 =	vmul.f32 v15, v7;
	v10 =	vadd.f32 v10, v6;
	v8 =	vtrunc.f32 v8  }
0x8ae: {  	s18 =	sor.u32 s22, s19;
	v12 =	vadd.f32 v12, v6;
	v9 =	vtrunc.f32 v9;
	v11 =	vtrunc.f32 v11  }
0x8af: {  	v16 =	vld [tilespmem:s18+$0x8020];
	v13 =	vadd.f32 v13, v6;
	v10 =	vtrunc.f32 v10;
	v8 =	vcvt.f32.s32 v8  }
0x8b0: {  	v17 =	vld [tilespmem:s18+$0x8050];
	v14 =	vadd.f32 v14, v6;
	v9 =	vcvt.f32.s32 v9;
	v11 =	vcvt.f32.s32 v11  }
0x8b1: {  	v18 =	vld [tilespmem:s18+$0x8070];
	v12 =	vtrunc.f32 v12;
	v10 =	vcvt.f32.s32 v10;
	v8 =	vadd.s32 v2, v8  }
0x8b2: {  	v19 =	vld [tilespmem:s18+$0x8040];
	v20 =	vadd.s32 v2, v11;
	v21 =	vadd.s32 v2, v9;
	v11 =	vtrunc.f32 v14  }
0x8b3: {  	v23 =	vld [tilespmem:s18+$0x8000];
	v9 =	vcvt.f32.s32 v12;
	v12 =	vadd.f32 v15, v6;
	v11 =	vcvt.f32.s32 v11  }
0x8b4: {  	v13 =	vtrunc.f32 v13;
	v15 =	vld [tilespmem:s18+$0x8010];
	v22 =	vadd.s32 v2, v10  }
0x8b5: {  	v14 =	vmul.f32 v16, v7;
	v10 =	vtrunc.f32 v12;
	v12 =	vadd.s32 v2, v11;
	v11 =	vld [tilespmem:s18+$0x8060]  }
0x8b6: {  	[tilespmem:v8+s12+$0x0] =	vst.idx.add.f32.msk $0xffff, v3;
	v8 =	vadd.s32 v2, v9;
	v9 =	vcvt.f32.s32 v13  }
0x8b7: {  	v14 =	vadd.f32 v14, v6;
	v13 =	vmul.f32 v18, v7;
	[tilespmem:v20+s12+$0x0] =	vst.idx.add.f32.msk $0xffff, v3;
	v18 =	vcvt.f32.s32 v10  }
0x8b8: {  	v20 =	vmul.f32 v19, v7;
	[tilespmem:v21+s12+$0x0] =	vst.idx.add.f32.msk $0xffff, v3;
	v9 =	vadd.s32 v2, v9  }
0x8b9: {  	v10 =	vld [tilespmem:s18+$0x8030];
	v19 =	vmul.f32 v17, v7;
	v16 =	vadd.f32 v13, v6;
	v13 =	vadd.s32 v2, v18  }
0x8ba: {  	s19 =	simm.s32 $0x100;
	v17 =	vmul.f32 v23, v7;
	s18 =	simm.s32 $0x800;
	[tilespmem:v22+s12+$0x0] =	vst.idx.add.f32.msk $0xffff, v3;
	v18 =	vadd.f32 v20, v6  }
.LBB2_62:
0x8bb: {  	s17 =	sadd.s32 $0x8, s17;
	s20 =	sand.u32 $0x4000, s19;
	s21 =	sand.u32 $0x3C00, s18;
	v15 =	vmul.f32 v15, v7;
	v19 =	vadd.f32 v19, v6;
	v16 =	vtrunc.f32 v16;
	[tilespmem:v12+s12+$0x0] =	vst.idx.add.f32.msk $0xffff, v3  }
0x8bc: {  	s22 =	sand.u32 $0x380, s17;
	s20 =	sor.u32 s21, s20;
	p0 =	slt.u32 s17, $0x7F8;
	v12 =	vtrunc.f32 v18;
	v16 =	vcvt.f32.s32 v16;
	[tilespmem:v8+s12+$0x0] =	vst.idx.add.f32.msk $0xffff, v3  }
0x8bd: {  	v8 =	vadd.f32 v17, v6;
	s20 =	sor.u32 s22, s20;
	v12 =	vcvt.f32.s32 v12;
	v17 =	vtrunc.f32 v19;
	[tilespmem:v9+s12+$0x0] =	vst.idx.add.f32.msk $0xffff, v3  }
0x8be: {  	v9 =	vmul.f32 v11, v7;
	v11 =	vadd.s32 v2, v16;
	[tilespmem:v13+s12+$0x0] =	vst.idx.add.f32.msk $0xffff, v3  }
0x8bf: {  	v8 =	vtrunc.f32 v8;
	v16 =	vadd.f32 v15, v6;
	v13 =	vld [tilespmem:s20+$0x8020]  }
0x8c0: {  	v14 =	vtrunc.f32 v14;
	v8 =	vcvt.f32.s32 v8;
	v9 =	vadd.f32 v9, v6;
	v18 =	vld [tilespmem:s20+$0x8050]  }
0x8c1: {  	v14 =	vcvt.f32.s32 v14;
	v10 =	vmul.f32 v10, v7;
	v20 =	vadd.s32 v2, v12;
	v19 =	vld [tilespmem:s20+$0x8070]  }
0x8c2: {  	v22 =	vadd.s32 v2, v8;
	v8 =	vcvt.f32.s32 v17;
	v9 =	vtrunc.f32 v9;
	v21 =	vld [tilespmem:s20+$0x8040]  }
0x8c3: {  	v23 =	vadd.s32 v2, v14;
	v10 =	vadd.f32 v10, v6;
	v9 =	vcvt.f32.s32 v9;
	[tilespmem:v11+s12+$0x0] =	vst.idx.add.f32.msk $0xffff, v3  }
0x8c4: {  	v11 =	vtrunc.f32 v16;
	v8 =	vadd.s32 v2, v8;
	v15 =	vld [tilespmem:s20+$0x8010]  }
0x8c5: {  	v10 =	vtrunc.f32 v10;
	v14 =	vcvt.f32.s32 v11;
	v12 =	vadd.s32 v2, v9;
	v17 =	vld [tilespmem:s20+$0x8000]  }
.Ltmp30:
0x8c6: {  	v13 =	vmul.f32 v13, v7;
	v11 =	vld [tilespmem:s20+$0x8060];
	v16 =	vmul.f32 v19, v7;
	(pc) =	sbr.rel @p0 .LBB2_62-.Ltmp30, $4  }
0x8c7: {  	v9 =	vadd.s32 v2, v14;
	[tilespmem:v22+s12+$0x0] =	vst.idx.add.f32.msk $0xffff, v3;
	v22 =	vcvt.f32.s32 v10  }
0x8c8: {  	v21 =	vmul.f32 v21, v7;
	v16 =	vadd.f32 v16, v6;
	[tilespmem:v20+s12+$0x0] =	vst.idx.add.f32.msk $0xffff, v3  }
0x8c9: {  	v14 =	vadd.f32 v13, v6;
	v19 =	vmul.f32 v18, v7;
	v10 =	vld [tilespmem:s20+$0x8030];
	v13 =	vadd.s32 v2, v22  }
0x8ca: {  	s18 =	sadd.s32 $0x400, s18;
	s19 =	sadd.s32 $0x80, s19;
	v18 =	vadd.f32 v21, v6;
	v17 =	vmul.f32 v17, v7;
	[tilespmem:v23+s12+$0x0] =	vst.idx.add.f32.msk $0xffff, v3  }
0x8cb: {  	_ = 	snop  }
0x8cc: {  	v15 =	vmul.f32 v15, v7;
	v16 =	vtrunc.f32 v16  }
0x8cd: {  	v11 =	vmul.f32 v11, v7;
	v14 =	vtrunc.f32 v14  }
0x8ce: {  	v19 =	vadd.f32 v19, v6;
	v18 =	vtrunc.f32 v18;
	v16 =	vcvt.f32.s32 v16  }
0x8cf: {  	[tilespmem:v12+s12+$0x0] =	vst.idx.add.f32.msk $0xffff, v3;
	v17 =	vadd.f32 v17, v6;
	v12 =	vcvt.f32.s32 v14;
	v18 =	vcvt.f32.s32 v18  }
0x8d0: {  	v19 =	vtrunc.f32 v19;
	v11 =	vadd.f32 v11, v6;
	v15 =	vadd.f32 v15, v6  }
0x8d1: {  	v17 =	vtrunc.f32 v17;
	v16 =	vadd.s32 v2, v16;
	v10 =	vmul.f32 v10, v7  }
0x8d2: {  	[tilespmem:v9+s12+$0x0] =	vst.idx.add.f32.msk $0xffff, v3;
	v9 =	vcvt.f32.s32 v19;
	v12 =	vadd.s32 v2, v12;
	v17 =	vcvt.f32.s32 v17  }
0x8d3: {  	[tilespmem:v8+s12+$0x0] =	vst.idx.add.f32.msk $0xffff, v3;
	v11 =	vtrunc.f32 v11;
	v8 =	vadd.s32 v2, v18;
	v10 =	vadd.f32 v10, v6  }
0x8d4: {  	v15 =	vtrunc.f32 v15;
	v11 =	vcvt.f32.s32 v11;
	v9 =	vadd.s32 v2, v9  }
0x8d5: {  	[tilespmem:v13+s12+$0x0] =	vst.idx.add.f32.msk $0xffff, v3;
	v13 =	vcvt.f32.s32 v15;
	v14 =	vadd.s32 v2, v17;
	v10 =	vtrunc.f32 v10  }
0x8d6: {  	v11 =	vadd.s32 v2, v11;
	[tilespmem:v16+s12+$0x0] =	vst.idx.add.f32.msk $0xffff, v3;
	v10 =	vcvt.f32.s32 v10  }
0x8d7: {  	v13 =	vadd.s32 v2, v13;
	[tilespmem:v12+s12+$0x0] =	vst.idx.add.f32.msk $0xffff, v3  }
0x8d8: {  	[tilespmem:v8+s12+$0x0] =	vst.idx.add.f32.msk $0xffff, v3;
	v8 =	vadd.s32 v2, v10  }
0x8d9: {  	[tilespmem:v9+s12+$0x0] =	vst.idx.add.f32.msk $0xffff, v3  }
0x8da: {  	[tilespmem:v14+s12+$0x0] =	vst.idx.add.f32.msk $0xffff, v3  }
0x8db: {  	[tilespmem:v11+s12+$0x0] =	vst.idx.add.f32.msk $0xffff, v3  }
0x8dc: {  	[tilespmem:v13+s12+$0x0] =	vst.idx.add.f32.msk $0xffff, v3  }
0x8dd: {  	[tilespmem:v8+s12+$0x0] =	vst.idx.add.f32.msk $0xffff, v3  }
0x8de: {  	_ =	swait.ge [sflag:s10], $0x8000  }
0x8df: {  	[sflag:s10] =	ssyncset.done $0x0  }
0x8e0: {  	s17 =	simm.s32 $0x0;
	[sflag:s10] =	ssyncadd.s32 $0xFFFF8000  }
0x8e1: {  	[hbm4b:s3+s17] =	stream.linear.scatter [tilespmem:s17], [sflag:$0x3], $0x8000, $0x38;
	[tilespmem:$0x19080] =	vst v63  }
0x8e2: {  	_ =	swait.ge [sflag:s15], $0x8000  }
0x8e3: {  	[sflag:s15] =	ssyncset.done $0x0  }
0x8e4: {  	[sflag:s15] =	ssyncadd.s32 $0xFFFF8000  }
0x8e5: {  	[tilespmem:s11], [sflag:$0x2] =	stream.linear.gather [hbm4b:s4+s17], $0x8000, $0x38;
	[tilespmem:$0x19080] =	vst v63  }
0x8e6: {  	s18 =	simm.s32 $0x0;
	s19 =	sand.u32 $0x4000, s17;
	s17 =	sand.u32 $0x3C00, s17  }
0x8e7: {  	s18 =	sand.u32 $0x380, s18;
	s17 =	sor.u32 s17, s19  }
0x8e8: {  	s18 =	sor.u32 s18, s17  }
0x8e9: {  	v8 =	vld [tilespmem:s18+$0x70]  }
0x8ea: {  	v9 =	vld [tilespmem:s18+$0x40]  }
0x8eb: {  	v10 =	vld [tilespmem:s18+$0x20]  }
0x8ec: {  	v11 =	vld [tilespmem:s18+$0x0]  }
0x8ed: {  	v12 =	vld [tilespmem:s18+$0x50]  }
0x8ee: {  	v13 =	vld [tilespmem:s18+$0x10]  }
0x8ef: {  	v14 =	vld [tilespmem:s18+$0x60]  }
0x8f0: {  	v15 =	vld [tilespmem:s18+$0x30]  }
0x8f1: {  	v8 =	vmul.f32 v8, v7;
	v9 =	vmul.f32 v9, v7  }
0x8f2: {  	v10 =	vmul.f32 v10, v7;
	v11 =	vmul.f32 v11, v7  }
0x8f3: {  	s21 =	simm.s32 $0x400;
	s20 =	simm.s32 $0x80;
	v12 =	vmul.f32 v12, v7;
	v13 =	vmul.f32 v13, v7;
	v8 =	vadd.f32 v8, v6  }
0x8f4: {  	s20 =	sand.u32 $0x4000, s20;
	s19 =	sand.u32 $0x3C00, s21;
	s17 =	simm.s32 $0x8;
	v14 =	vmul.f32 v14, v7;
	v9 =	vadd.f32 v9, v6;
	v11 =	vadd.f32 v11, v6  }
0x8f5: {  	s19 =	sor.u32 s19, s20;
	s22 =	sand.u32 $0x380, s17;
	v15 =	vmul.f32 v15, v7;
	v10 =	vadd.f32 v10, v6;
	v8 =	vtrunc.f32 v8  }
0x8f6: {  	s18 =	sor.u32 s22, s19;
	v12 =	vadd.f32 v12, v6;
	v9 =	vtrunc.f32 v9;
	v11 =	vtrunc.f32 v11  }
0x8f7: {  	v16 =	vld [tilespmem:s18+$0x20];
	v13 =	vadd.f32 v13, v6;
	v10 =	vtrunc.f32 v10;
	v8 =	vcvt.f32.s32 v8  }
0x8f8: {  	v17 =	vld [tilespmem:s18+$0x50];
	v14 =	vadd.f32 v14, v6;
	v9 =	vcvt.f32.s32 v9;
	v11 =	vcvt.f32.s32 v11  }
0x8f9: {  	v18 =	vld [tilespmem:s18+$0x70];
	v12 =	vtrunc.f32 v12;
	v10 =	vcvt.f32.s32 v10;
	v8 =	vadd.s32 v2, v8  }
0x8fa: {  	v19 =	vld [tilespmem:s18+$0x40];
	v20 =	vadd.s32 v2, v11;
	v21 =	vadd.s32 v2, v9;
	v11 =	vtrunc.f32 v14  }
0x8fb: {  	v23 =	vld [tilespmem:s18+$0x0];
	v9 =	vcvt.f32.s32 v12;
	v12 =	vadd.f32 v15, v6;
	v11 =	vcvt.f32.s32 v11  }
0x8fc: {  	v13 =	vtrunc.f32 v13;
	v15 =	vld [tilespmem:s18+$0x10];
	v22 =	vadd.s32 v2, v10  }
0x8fd: {  	v14 =	vmul.f32 v16, v7;
	v10 =	vtrunc.f32 v12;
	v12 =	vadd.s32 v2, v11;
	v11 =	vld [tilespmem:s18+$0x60]  }
0x8fe: {  	[tilespmem:v8+s12+$0x0] =	vst.idx.add.f32.msk $0xffff, v3;
	v8 =	vadd.s32 v2, v9;
	v9 =	vcvt.f32.s32 v13  }
0x8ff: {  	v14 =	vadd.f32 v14, v6;
	v13 =	vmul.f32 v18, v7;
	[tilespmem:v20+s12+$0x0] =	vst.idx.add.f32.msk $0xffff, v3;
	v18 =	vcvt.f32.s32 v10  }
0x900: {  	v20 =	vmul.f32 v19, v7;
	[tilespmem:v21+s12+$0x0] =	vst.idx.add.f32.msk $0xffff, v3;
	v9 =	vadd.s32 v2, v9  }
0x901: {  	v10 =	vld [tilespmem:s18+$0x30];
	v19 =	vmul.f32 v17, v7;
	v16 =	vadd.f32 v13, v6;
	v13 =	vadd.s32 v2, v18  }
0x902: {  	s19 =	simm.s32 $0x100;
	v17 =	vmul.f32 v23, v7;
	s18 =	simm.s32 $0x800;
	[tilespmem:v22+s12+$0x0] =	vst.idx.add.f32.msk $0xffff, v3;
	v18 =	vadd.f32 v20, v6  }
.LBB2_64:
0x903: {  	s17 =	sadd.s32 $0x8, s17;
	s20 =	sand.u32 $0x4000, s19;
	s21 =	sand.u32 $0x3C00, s18;
	v15 =	vmul.f32 v15, v7;
	v19 =	vadd.f32 v19, v6;
	v16 =	vtrunc.f32 v16;
	[tilespmem:v12+s12+$0x0] =	vst.idx.add.f32.msk $0xffff, v3  }
0x904: {  	s22 =	sand.u32 $0x380, s17;
	s20 =	sor.u32 s21, s20;
	p0 =	slt.u32 s17, $0x7F8;
	v12 =	vtrunc.f32 v18;
	v16 =	vcvt.f32.s32 v16;
	[tilespmem:v8+s12+$0x0] =	vst.idx.add.f32.msk $0xffff, v3  }
0x905: {  	v8 =	vadd.f32 v17, v6;
	s20 =	sor.u32 s22, s20;
	v12 =	vcvt.f32.s32 v12;
	v17 =	vtrunc.f32 v19;
	[tilespmem:v9+s12+$0x0] =	vst.idx.add.f32.msk $0xffff, v3  }
0x906: {  	v9 =	vmul.f32 v11, v7;
	v11 =	vadd.s32 v2, v16;
	[tilespmem:v13+s12+$0x0] =	vst.idx.add.f32.msk $0xffff, v3  }
0x907: {  	v8 =	vtrunc.f32 v8;
	v16 =	vadd.f32 v15, v6;
	v13 =	vld [tilespmem:s20+$0x20]  }
0x908: {  	v14 =	vtrunc.f32 v14;
	v8 =	vcvt.f32.s32 v8;
	v9 =	vadd.f32 v9, v6;
	v18 =	vld [tilespmem:s20+$0x50]  }
0x909: {  	v14 =	vcvt.f32.s32 v14;
	v10 =	vmul.f32 v10, v7;
	v20 =	vadd.s32 v2, v12;
	v19 =	vld [tilespmem:s20+$0x70]  }
0x90a: {  	v22 =	vadd.s32 v2, v8;
	v8 =	vcvt.f32.s32 v17;
	v9 =	vtrunc.f32 v9;
	v21 =	vld [tilespmem:s20+$0x40]  }
0x90b: {  	v23 =	vadd.s32 v2, v14;
	v10 =	vadd.f32 v10, v6;
	v9 =	vcvt.f32.s32 v9;
	[tilespmem:v11+s12+$0x0] =	vst.idx.add.f32.msk $0xffff, v3  }
0x90c: {  	v11 =	vtrunc.f32 v16;
	v8 =	vadd.s32 v2, v8;
	v15 =	vld [tilespmem:s20+$0x10]  }
0x90d: {  	v10 =	vtrunc.f32 v10;
	v14 =	vcvt.f32.s32 v11;
	v12 =	vadd.s32 v2, v9;
	v17 =	vld [tilespmem:s20+$0x0]  }
.Ltmp31:
0x90e: {  	v13 =	vmul.f32 v13, v7;
	v11 =	vld [tilespmem:s20+$0x60];
	v16 =	vmul.f32 v19, v7;
	(pc) =	sbr.rel @p0 .LBB2_64-.Ltmp31, $4  }
0x90f: {  	v9 =	vadd.s32 v2, v14;
	[tilespmem:v22+s12+$0x0] =	vst.idx.add.f32.msk $0xffff, v3;
	v22 =	vcvt.f32.s32 v10  }
0x910: {  	v21 =	vmul.f32 v21, v7;
	v16 =	vadd.f32 v16, v6;
	[tilespmem:v20+s12+$0x0] =	vst.idx.add.f32.msk $0xffff, v3  }
0x911: {  	v14 =	vadd.f32 v13, v6;
	v19 =	vmul.f32 v18, v7;
	v10 =	vld [tilespmem:s20+$0x30];
	v13 =	vadd.s32 v2, v22  }
0x912: {  	s18 =	sadd.s32 $0x400, s18;
	s19 =	sadd.s32 $0x80, s19;
	v18 =	vadd.f32 v21, v6;
	v17 =	vmul.f32 v17, v7;
	[tilespmem:v23+s12+$0x0] =	vst.idx.add.f32.msk $0xffff, v3  }
0x913: {  	_ = 	snop  }
0x914: {  	v15 =	vmul.f32 v15, v7;
	v16 =	vtrunc.f32 v16  }
0x915: {  	v11 =	vmul.f32 v11, v7;
	v14 =	vtrunc.f32 v14  }
0x916: {  	v19 =	vadd.f32 v19, v6;
	v18 =	vtrunc.f32 v18;
	v16 =	vcvt.f32.s32 v16  }
0x917: {  	[tilespmem:v12+s12+$0x0] =	vst.idx.add.f32.msk $0xffff, v3;
	v17 =	vadd.f32 v17, v6;
	v12 =	vcvt.f32.s32 v14;
	v18 =	vcvt.f32.s32 v18  }
0x918: {  	v19 =	vtrunc.f32 v19;
	v11 =	vadd.f32 v11, v6;
	v15 =	vadd.f32 v15, v6  }
0x919: {  	v17 =	vtrunc.f32 v17;
	v16 =	vadd.s32 v2, v16;
	v10 =	vmul.f32 v10, v7  }
0x91a: {  	[tilespmem:v9+s12+$0x0] =	vst.idx.add.f32.msk $0xffff, v3;
	v9 =	vcvt.f32.s32 v19;
	v12 =	vadd.s32 v2, v12;
	v17 =	vcvt.f32.s32 v17  }
0x91b: {  	[tilespmem:v8+s12+$0x0] =	vst.idx.add.f32.msk $0xffff, v3;
	v11 =	vtrunc.f32 v11;
	v8 =	vadd.s32 v2, v18;
	v10 =	vadd.f32 v10, v6  }
0x91c: {  	v15 =	vtrunc.f32 v15;
	v11 =	vcvt.f32.s32 v11;
	v9 =	vadd.s32 v2, v9  }
0x91d: {  	[tilespmem:v13+s12+$0x0] =	vst.idx.add.f32.msk $0xffff, v3;
	v13 =	vcvt.f32.s32 v15;
	v14 =	vadd.s32 v2, v17;
	v10 =	vtrunc.f32 v10  }
0x91e: {  	v11 =	vadd.s32 v2, v11;
	[tilespmem:v16+s12+$0x0] =	vst.idx.add.f32.msk $0xffff, v3;
	v10 =	vcvt.f32.s32 v10  }
0x91f: {  	v13 =	vadd.s32 v2, v13;
	[tilespmem:v12+s12+$0x0] =	vst.idx.add.f32.msk $0xffff, v3  }
0x920: {  	[tilespmem:v8+s12+$0x0] =	vst.idx.add.f32.msk $0xffff, v3;
	v8 =	vadd.s32 v2, v10  }
0x921: {  	[tilespmem:v9+s12+$0x0] =	vst.idx.add.f32.msk $0xffff, v3  }
0x922: {  	[tilespmem:v14+s12+$0x0] =	vst.idx.add.f32.msk $0xffff, v3  }
0x923: {  	[tilespmem:v11+s12+$0x0] =	vst.idx.add.f32.msk $0xffff, v3  }
0x924: {  	[tilespmem:v13+s12+$0x0] =	vst.idx.add.f32.msk $0xffff, v3  }
0x925: {  	[tilespmem:v8+s12+$0x0] =	vst.idx.add.f32.msk $0xffff, v3  }
0x926: {  	_ =	swait.ge [sflag:s13], $0x8000  }
0x927: {  	[sflag:s13] =	ssyncset.done $0x0  }
0x928: {  	s17 =	simm.s32 $0x0;
	[sflag:s13] =	ssyncadd.s32 $0xFFFF8000  }
0x929: {  	[hbm4b:s5+s17] =	stream.linear.scatter [tilespmem:s11], [sflag:$0x4], $0x8000, $0x38;
	[tilespmem:$0x19080] =	vst v63  }
0x92a: {  	s18 =	simm.s32 $0x0;
	s19 =	sand.u32 $0x4000, s17;
	s17 =	sand.u32 $0x3C00, s17  }
0x92b: {  	s18 =	sand.u32 $0x380, s18;
	s17 =	sor.u32 s17, s19  }
0x92c: {  	s18 =	sor.u32 s18, s17  }
0x92d: {  	v8 =	vld [tilespmem:s18+$0x8070]  }
0x92e: {  	v9 =	vld [tilespmem:s18+$0x8040]  }
0x92f: {  	v10 =	vld [tilespmem:s18+$0x8020]  }
0x930: {  	v11 =	vld [tilespmem:s18+$0x8000]  }
0x931: {  	v12 =	vld [tilespmem:s18+$0x8050]  }
0x932: {  	v13 =	vld [tilespmem:s18+$0x8010]  }
0x933: {  	v14 =	vld [tilespmem:s18+$0x8060]  }
0x934: {  	v15 =	vld [tilespmem:s18+$0x8030]  }
0x935: {  	v8 =	vmul.f32 v8, v7;
	v9 =	vmul.f32 v9, v7  }
0x936: {  	v10 =	vmul.f32 v10, v7;
	v11 =	vmul.f32 v11, v7  }
0x937: {  	s21 =	simm.s32 $0x400;
	s20 =	simm.s32 $0x80;
	v12 =	vmul.f32 v12, v7;
	v13 =	vmul.f32 v13, v7;
	v8 =	vadd.f32 v8, v6  }
0x938: {  	s20 =	sand.u32 $0x4000, s20;
	s19 =	sand.u32 $0x3C00, s21;
	s17 =	simm.s32 $0x8;
	v14 =	vmul.f32 v14, v7;
	v9 =	vadd.f32 v9, v6;
	v11 =	vadd.f32 v11, v6  }
0x939: {  	s19 =	sor.u32 s19, s20;
	s22 =	sand.u32 $0x380, s17;
	v15 =	vmul.f32 v15, v7;
	v10 =	vadd.f32 v10, v6;
	v8 =	vtrunc.f32 v8  }
0x93a: {  	s18 =	sor.u32 s22, s19;
	v12 =	vadd.f32 v12, v6;
	v9 =	vtrunc.f32 v9;
	v11 =	vtrunc.f32 v11  }
0x93b: {  	v16 =	vld [tilespmem:s18+$0x8020];
	v13 =	vadd.f32 v13, v6;
	v10 =	vtrunc.f32 v10;
	v8 =	vcvt.f32.s32 v8  }
0x93c: {  	v17 =	vld [tilespmem:s18+$0x8050];
	v14 =	vadd.f32 v14, v6;
	v9 =	vcvt.f32.s32 v9;
	v11 =	vcvt.f32.s32 v11  }
0x93d: {  	v18 =	vld [tilespmem:s18+$0x8070];
	v12 =	vtrunc.f32 v12;
	v10 =	vcvt.f32.s32 v10;
	v8 =	vadd.s32 v2, v8  }
0x93e: {  	v19 =	vld [tilespmem:s18+$0x8040];
	v20 =	vadd.s32 v2, v11;
	v21 =	vadd.s32 v2, v9;
	v11 =	vtrunc.f32 v14  }
0x93f: {  	v23 =	vld [tilespmem:s18+$0x8000];
	v9 =	vcvt.f32.s32 v12;
	v12 =	vadd.f32 v15, v6;
	v11 =	vcvt.f32.s32 v11  }
0x940: {  	v13 =	vtrunc.f32 v13;
	v15 =	vld [tilespmem:s18+$0x8010];
	v22 =	vadd.s32 v2, v10  }
0x941: {  	v14 =	vmul.f32 v16, v7;
	v10 =	vtrunc.f32 v12;
	v12 =	vadd.s32 v2, v11;
	v11 =	vld [tilespmem:s18+$0x8060]  }
0x942: {  	[tilespmem:v8+s12+$0x0] =	vst.idx.add.f32.msk $0xffff, v3;
	v8 =	vadd.s32 v2, v9;
	v9 =	vcvt.f32.s32 v13  }
0x943: {  	v14 =	vadd.f32 v14, v6;
	v13 =	vmul.f32 v18, v7;
	[tilespmem:v20+s12+$0x0] =	vst.idx.add.f32.msk $0xffff, v3;
	v18 =	vcvt.f32.s32 v10  }
0x944: {  	v20 =	vmul.f32 v19, v7;
	[tilespmem:v21+s12+$0x0] =	vst.idx.add.f32.msk $0xffff, v3;
	v9 =	vadd.s32 v2, v9  }
0x945: {  	v10 =	vld [tilespmem:s18+$0x8030];
	v19 =	vmul.f32 v17, v7;
	v16 =	vadd.f32 v13, v6;
	v13 =	vadd.s32 v2, v18  }
0x946: {  	s19 =	simm.s32 $0x100;
	v17 =	vmul.f32 v23, v7;
	s18 =	simm.s32 $0x800;
	[tilespmem:v22+s12+$0x0] =	vst.idx.add.f32.msk $0xffff, v3;
	v18 =	vadd.f32 v20, v6  }
.LBB2_66:
0x947: {  	s17 =	sadd.s32 $0x8, s17;
	s20 =	sand.u32 $0x4000, s19;
	s21 =	sand.u32 $0x3C00, s18;
	v15 =	vmul.f32 v15, v7;
	v19 =	vadd.f32 v19, v6;
	v16 =	vtrunc.f32 v16;
	[tilespmem:v12+s12+$0x0] =	vst.idx.add.f32.msk $0xffff, v3  }
0x948: {  	s22 =	sand.u32 $0x380, s17;
	s20 =	sor.u32 s21, s20;
	p0 =	slt.u32 s17, $0x7F8;
	v12 =	vtrunc.f32 v18;
	v16 =	vcvt.f32.s32 v16;
	[tilespmem:v8+s12+$0x0] =	vst.idx.add.f32.msk $0xffff, v3  }
0x949: {  	v8 =	vadd.f32 v17, v6;
	s20 =	sor.u32 s22, s20;
	v12 =	vcvt.f32.s32 v12;
	v17 =	vtrunc.f32 v19;
	[tilespmem:v9+s12+$0x0] =	vst.idx.add.f32.msk $0xffff, v3  }
0x94a: {  	v9 =	vmul.f32 v11, v7;
	v11 =	vadd.s32 v2, v16;
	[tilespmem:v13+s12+$0x0] =	vst.idx.add.f32.msk $0xffff, v3  }
0x94b: {  	v8 =	vtrunc.f32 v8;
	v16 =	vadd.f32 v15, v6;
	v13 =	vld [tilespmem:s20+$0x8020]  }
0x94c: {  	v14 =	vtrunc.f32 v14;
	v8 =	vcvt.f32.s32 v8;
	v9 =	vadd.f32 v9, v6;
	v18 =	vld [tilespmem:s20+$0x8050]  }
0x94d: {  	v14 =	vcvt.f32.s32 v14;
	v10 =	vmul.f32 v10, v7;
	v20 =	vadd.s32 v2, v12;
	v19 =	vld [tilespmem:s20+$0x8070]  }
0x94e: {  	v22 =	vadd.s32 v2, v8;
	v8 =	vcvt.f32.s32 v17;
	v9 =	vtrunc.f32 v9;
	v21 =	vld [tilespmem:s20+$0x8040]  }
0x94f: {  	v23 =	vadd.s32 v2, v14;
	v10 =	vadd.f32 v10, v6;
	v9 =	vcvt.f32.s32 v9;
	[tilespmem:v11+s12+$0x0] =	vst.idx.add.f32.msk $0xffff, v3  }
0x950: {  	v11 =	vtrunc.f32 v16;
	v8 =	vadd.s32 v2, v8;
	v15 =	vld [tilespmem:s20+$0x8010]  }
0x951: {  	v10 =	vtrunc.f32 v10;
	v14 =	vcvt.f32.s32 v11;
	v12 =	vadd.s32 v2, v9;
	v17 =	vld [tilespmem:s20+$0x8000]  }
.Ltmp32:
0x952: {  	v13 =	vmul.f32 v13, v7;
	v11 =	vld [tilespmem:s20+$0x8060];
	v16 =	vmul.f32 v19, v7;
	(pc) =	sbr.rel @p0 .LBB2_66-.Ltmp32, $4  }
0x953: {  	v9 =	vadd.s32 v2, v14;
	[tilespmem:v22+s12+$0x0] =	vst.idx.add.f32.msk $0xffff, v3;
	v22 =	vcvt.f32.s32 v10  }
0x954: {  	v21 =	vmul.f32 v21, v7;
	v16 =	vadd.f32 v16, v6;
	[tilespmem:v20+s12+$0x0] =	vst.idx.add.f32.msk $0xffff, v3  }
0x955: {  	v14 =	vadd.f32 v13, v6;
	v19 =	vmul.f32 v18, v7;
	v10 =	vld [tilespmem:s20+$0x8030];
	v13 =	vadd.s32 v2, v22  }
0x956: {  	s18 =	sadd.s32 $0x400, s18;
	s19 =	sadd.s32 $0x80, s19;
	v18 =	vadd.f32 v21, v6;
	v17 =	vmul.f32 v17, v7;
	[tilespmem:v23+s12+$0x0] =	vst.idx.add.f32.msk $0xffff, v3  }
0x957: {  	v15 =	vmul.f32 v15, v7;
	v16 =	vtrunc.f32 v16  }
0x958: {  	v19 =	vadd.f32 v19, v6;
	v11 =	vmul.f32 v11, v7;
	v14 =	vtrunc.f32 v14  }
0x959: {  	v18 =	vtrunc.f32 v18;
	v16 =	vcvt.f32.s32 v16;
	v17 =	vadd.f32 v17, v6  }
0x95a: {  	v18 =	vcvt.f32.s32 v18;
	v19 =	vtrunc.f32 v19  }
0x95b: {  	v11 =	vadd.f32 v11, v6;
	v15 =	vadd.f32 v15, v6;
	v17 =	vtrunc.f32 v17  }
0x95c: {  	[tilespmem:v8+s12+$0x0] =	vst.idx.add.f32.msk $0xffff, v3;
	v16 =	vadd.s32 v2, v16;
	v7 =	vmul.f32 v10, v7;
	v10 =	vcvt.f32.s32 v14  }
0x95d: {  	[tilespmem:v9+s12+$0x0] =	vst.idx.add.f32.msk $0xffff, v3;
	v9 =	vcvt.f32.s32 v19;
	v17 =	vcvt.f32.s32 v17;
	v8 =	vadd.s32 v2, v18  }
0x95e: {  	v11 =	vtrunc.f32 v11;
	v6 =	vadd.f32 v7, v6;
	v10 =	vadd.s32 v2, v10  }
0x95f: {  	[tilespmem:v12+s12+$0x0] =	vst.idx.add.f32.msk $0xffff, v3;
	v7 =	vcvt.f32.s32 v11;
	v11 =	vtrunc.f32 v15;
	v9 =	vadd.s32 v2, v9  }
0x960: {  	[tilespmem:v13+s12+$0x0] =	vst.idx.add.f32.msk $0xffff, v3;
	v12 =	vadd.s32 v2, v17;
	v11 =	vcvt.f32.s32 v11;
	v6 =	vtrunc.f32 v6  }
0x961: {  	v7 =	vadd.s32 v2, v7;
	[tilespmem:v16+s12+$0x0] =	vst.idx.add.f32.msk $0xffff, v3;
	v6 =	vcvt.f32.s32 v6  }
0x962: {  	v11 =	vadd.s32 v2, v11;
	[tilespmem:v8+s12+$0x0] =	vst.idx.add.f32.msk $0xffff, v3  }
0x963: {  	v6 =	vadd.s32 v2, v6;
	[tilespmem:v10+s12+$0x0] =	vst.idx.add.f32.msk $0xffff, v3  }
0x964: {  	[tilespmem:v9+s12+$0x0] =	vst.idx.add.f32.msk $0xffff, v3  }
0x965: {  	[tilespmem:v12+s12+$0x0] =	vst.idx.add.f32.msk $0xffff, v3  }
0x966: {  	[tilespmem:v7+s12+$0x0] =	vst.idx.add.f32.msk $0xffff, v3  }
0x967: {  	[tilespmem:v11+s12+$0x0] =	vst.idx.add.f32.msk $0xffff, v3  }
0x968: {  	[tilespmem:v6+s12+$0x0] =	vst.idx.add.f32.msk $0xffff, v3  }
0x969: {  	v6 =	vld.idx.msk [tilespmem:v0+s12+$0x0], $0xffff;
	_ =	sdelay $0x4  }
0x96a: {  	[tilespmem:v2+s12+$0x0] =	vst.idx.add.f32.msk $0xffff, v6  }
0x96b: {  	v6 =	vld.idx.msk [tilespmem:v4+s12+$0x0], $0xffff;
	_ =	sdelay $0x4  }
0x96c: {  	[tilespmem:v5+s12+$0x0] =	vst.idx.add.f32.msk $0xffff, v6  }
0x96d: {  	_ =	swait.ge [sflag:s15], $0x8000  }
0x96e: {  	[sflag:s15] =	ssyncset.done $0x0  }
0x96f: {  	[sflag:s15] =	ssyncadd.s32 $0xFFFF8000  }
0x970: {  	_ =	swait.ge [sflag:s14], $0x8000  }
0x971: {  	[sflag:s14] =	ssyncset.done $0x0  }
0x972: {  	s18 =	simm.s32 $0x0;
	[sflag:s14] =	ssyncadd.s32 $0xFFFF8000  }
0x973: {  	v6 =	vld [tilespmem:s18+$0x10801]  }
0x974: {  	v7 =	vld [tilespmem:s18+$0x11003];
	_ =	sdelay $0x1  }
0x975: {  	v8 =	vld [tilespmem:s18+$0x11805];
	_ =	sdelay $0x1  }
0x976: {  	v9 =	vld [tilespmem:s18+$0x12007]  }
0x977: {  	v6 =	vadd.f32 v7, v6  }
0x978: {  	v7 =	vld [tilespmem:s18+$0x12809]  }
0x979: {  	v6 =	vadd.f32 v8, v6  }
0x97a: {  	v8 =	vld [tilespmem:s18+$0x1300B]  }
0x97b: {  	v6 =	vadd.f32 v9, v6  }
0x97c: {  	v9 =	vld [tilespmem:s18+$0x1380D]  }
0x97d: {  	v6 =	vadd.f32 v7, v6  }
0x97e: {  	v7 =	vld [tilespmem:s18+$0x1400F]  }
0x97f: {  	s17 =	simm.s32 $0x10;
	v10 =	vld [tilespmem:s18+$0x14811];
	v6 =	vadd.f32 v8, v6  }
0x980: {  	v11 =	vld [tilespmem:s17+$0x10801]  }
0x981: {  	v8 =	vld [tilespmem:s18+$0x15013];
	v6 =	vadd.f32 v9, v6  }
0x982: {  	v9 =	vld [tilespmem:s17+$0x11003]  }
0x983: {  	v12 =	vld [tilespmem:s17+$0x11805];
	v6 =	vadd.f32 v7, v6  }
0x984: {  	v7 =	vld [tilespmem:s18+$0x15815]  }
0x985: {  	v13 =	vld [tilespmem:s17+$0x12007];
	v6 =	vadd.f32 v10, v6  }
0x986: {  	v10 =	vld [tilespmem:s18+$0x16017]  }
0x987: {  	v9 =	vadd.f32 v9, v11;
	v11 =	vld [tilespmem:s17+$0x12809];
	v6 =	vadd.f32 v8, v6  }
0x988: {  	v8 =	vld [tilespmem:s18+$0x16819]  }
0x989: {  	v9 =	vadd.f32 v12, v9;
	v12 =	vld [tilespmem:s17+$0x1300B];
	v6 =	vadd.f32 v7, v6  }
0x98a: {  	v7 =	vld [tilespmem:s18+$0x1701B]  }
0x98b: {  	v14 =	vld [tilespmem:s17+$0x1380D];
	v9 =	vadd.f32 v13, v9;
	v6 =	vadd.f32 v10, v6  }
0x98c: {  	v13 =	vld [tilespmem:s18+$0x1781D]  }
0x98d: {  	v10 =	vadd.f32 v11, v9;
	v9 =	vld [tilespmem:s17+$0x1400F];
	v11 =	vadd.f32 v8, v6  }
0x98e: {  	v8 =	vld [tilespmem:s18+$0x1801F]  }
0x98f: {  	v6 =	vld [tilespmem:s17+$0x15013];
	v12 =	vadd.f32 v12, v10;
	v15 =	vadd.f32 v7, v11  }
0x990: {  	s19 =	simm.s32 $0x20;
	v10 =	vld [tilespmem:s17+$0x14811]  }
0x991: {  	s20 =	simm.s32 $0xC0;
	v7 =	vld [tilespmem:s19+$0x10801];
	v11 =	vadd.f32 v14, v12;
	v12 =	vadd.f32 v13, v15  }
.LBB2_68:
0x992: {  	p0 =	sne.s32 s20, $0x1FC0;
	v13 =	vld [tilespmem:s19+$0x11003]  }
0x993: {  	v9 =	vadd.f32 v9, v11;
	v11 =	vld [tilespmem:s17+$0x15815];
	v8 =	vadd.f32 v8, v12  }
0x994: {  	v12 =	vld [tilespmem:s19+$0x11805]  }
0x995: {  	v9 =	vadd.f32 v10, v9;
	v10 =	vld [tilespmem:s17+$0x16017];
	[tilespmem:s18+$0x18880] =	vst v8;
	s18 =	smov.u32 s17;
	s17 =	smov.u32 s19  }
0x996: {  	v8 =	vld [tilespmem:s17+$0x12007]  }
0x997: {  	v7 =	vadd.f32 v13, v7;
	v6 =	vadd.f32 v6, v9;
	v9 =	vld [tilespmem:s18+$0x16819]  }
0x998: {  	v13 =	vld [tilespmem:s17+$0x12809]  }
0x999: {  	v7 =	vadd.f32 v12, v7;
	v6 =	vadd.f32 v11, v6;
	v11 =	vld [tilespmem:s18+$0x1701B]  }
0x99a: {  	v12 =	vld [tilespmem:s17+$0x1300B]  }
0x99b: {  	v7 =	vadd.f32 v8, v7;
	v6 =	vadd.f32 v10, v6;
	v14 =	vld [tilespmem:s18+$0x1781D]  }
0x99c: {  	v15 =	vld [tilespmem:s17+$0x1380D]  }
.Ltmp33:
0x99d: {  	v7 =	vadd.f32 v13, v7;
	v10 =	vadd.f32 v9, v6;
	v8 =	vld [tilespmem:s18+$0x1801F];
	(pc) =	sbr.rel @p0 .LBB2_68-.Ltmp33, $4  }
0x99e: {  	v9 =	vld [tilespmem:s17+$0x1400F]  }
0x99f: {  	v12 =	vadd.f32 v12, v7;
	v6 =	vld [tilespmem:s17+$0x15013];
	v13 =	vadd.f32 v11, v10  }
0x9a0: {  	s19 =	sshra.s32 s20, $0x2;
	v10 =	vld [tilespmem:s17+$0x14811]  }
0x9a1: {  	s20 =	sadd.s32 $0x40, s20;
	v7 =	vld [tilespmem:s19+$0x10801];
	v11 =	vadd.f32 v15, v12;
	v12 =	vadd.f32 v14, v13  }
0x9a2: {  	v13 =	vld [tilespmem:s19+$0x11003]  }
0x9a3: {  	v14 =	vld [tilespmem:s17+$0x15815];
	v8 =	vadd.f32 v8, v12  }
0x9a4: {  	v49 =	vld [tilespmem:s19+$0x11805]  }
0x9a5: {  	v15 =	vld [tilespmem:s17+$0x16017];
	v9 =	vadd.f32 v9, v11;
	[tilespmem:s18+$0x18880] =	vst v8  }
0x9a6: {  	v8 =	vld [tilespmem:s19+$0x12007]  }
0x9a7: {  	v9 =	vadd.f32 v10, v9;
	v7 =	vadd.f32 v13, v7  }
0x9a8: {  	v50 =	vld [tilespmem:s19+$0x12809]  }
0x9a9: {  	v51 =	vld [tilespmem:s17+$0x16819];
	v6 =	vadd.f32 v6, v9;
	v7 =	vadd.f32 v49, v7  }
0x9aa: {  	v52 =	vld [tilespmem:s19+$0x1300B]  }
0x9ab: {  	v53 =	vld [tilespmem:s17+$0x1701B];
	v6 =	vadd.f32 v14, v6;
	v7 =	vadd.f32 v8, v7  }
0x9ac: {  	v54 =	vld [tilespmem:s19+$0x1380D]  }
0x9ad: {  	v55 =	vld [tilespmem:s17+$0x1781D];
	v6 =	vadd.f32 v15, v6;
	v7 =	vadd.f32 v50, v7  }
0x9ae: {  	v56 =	vld [tilespmem:s19+$0x1400F]  }
0x9af: {  	v57 =	vld [tilespmem:s17+$0x1801F];
	v6 =	vadd.f32 v51, v6;
	v7 =	vadd.f32 v52, v7  }
0x9b0: {  	v58 =	vld [tilespmem:s19+$0x14811]  }
0x9b1: {  	v6 =	vadd.f32 v53, v6;
	v7 =	vadd.f32 v54, v7  }
0x9b2: {  	v59 =	vld [tilespmem:s19+$0x15013]  }
0x9b3: {  	v6 =	vadd.f32 v55, v6;
	v7 =	vadd.f32 v56, v7  }
0x9b4: {  	v60 =	vld [tilespmem:s19+$0x15815]  }
0x9b5: {  	v6 =	vadd.f32 v57, v6;
	v7 =	vadd.f32 v58, v7  }
0x9b6: {  	v61 =	vld [tilespmem:s19+$0x16017]  }
0x9b7: {  	[tilespmem:s17+$0x18880] =	vst v6;
	v6 =	vadd.f32 v59, v7  }
0x9b8: {  	v7 =	vld [tilespmem:s19+$0x16819]  }
0x9b9: {  	v6 =	vadd.f32 v60, v6  }
0x9ba: {  	v62 =	vld [tilespmem:s19+$0x1701B]  }
0x9bb: {  	v6 =	vadd.f32 v61, v6  }
0x9bc: {  	v63 =	vld [tilespmem:s19+$0x1781D]  }
0x9bd: {  	v6 =	vadd.f32 v7, v6  }
0x9be: {  	v7 =	vld [tilespmem:s19+$0x1801F]  }
0x9bf: {  	v6 =	vadd.f32 v62, v6;
	_ =	sdelay $0x1  }
0x9c0: {  	v6 =	vadd.f32 v63, v6;
	_ =	sdelay $0x1  }
0x9c1: {  	s16 =	sadd.s32 $0x1, s16;
	v6 =	vadd.f32 v7, v6  }
0x9c2: {  	s20 =	simm.s32 $0x80;
	p0 =	sne.s32 s16, s8  }
.Ltmp34:
0x9c3: {  	s21 =	simm.s32 $0x400;
	s22 =	simm.s32 $0x18880;
	[tilespmem:s19+$0x18880] =	vst v6;
	(pc) =	sbr.rel @p0 .LBB2_1-.Ltmp34, $4  }
0x9c4: {  	[hbm4b:s7+s20] =	stream.strided.scatter [tilespmem:s22], [sflag:$0x5], $0x800, s21, s20, $0x38;
	[tilespmem:$0x19080] =	vst v63  }
0x9c5: {  	_ =	swait.ge [sflag:s9], $0x800  }
0x9c6: {  	[sflag:s9] =	ssyncset.done $0x0  }
0x9c7: {  	[sflag:s9] =	ssyncadd.s32 $0xFFFFF800  }
0x9c8: {  	_ =	sfence.sel $0x180000  }
0x9c9: {  	[bflag:$0x0] =	sbarrier.arrive $0xFFFF  }
0x9ca: {  	_ =	strace $0x90000047  }
0x9cb: {  	s0 =	stileid.u32;
	[bflag:$0x2] =	sbarrier.arrive $0xFFFF  }
0x9cc: {  	p0 =	sne.s32 s0, $0x0;
	s0 =	rddreg [dreg:$0x4]  }
0x9cd: {  	s0 =	sadd.s32 @!p0 $0x100000, s0  }
0x9ce: {  	[sflag:s0] =	ssyncadd.tile.s32 @!p0 $0x1;
	_ =	shalt  }
.Lfunc_end2:
_tile_overlayer_lowered:
.L_overlay_start_2:
0x9cf: {  	(tag) =	ssettag $0x2  }
0x9d0: {  	s0 =	rddreg [dreg:$0x0];
	s2 =	stileid.u32  }
0x9d1: {  	s1 =	rddreg [dreg:$0x1];
	p0 =	sne.s32 s2, $0x0  }
0x9d2: {  	s3 =	rddreg [dreg:$0x2];
	[bflag:$0x3] =	sbarrier.arrive $0xFFFF;
	s2 =	simm.s32 @!p0 $0x1C05  }
0x9d3: {  	[timem:s3], [sflag:s2] =	dma.local @!p0 [hbm:s0], s1  }
0x9d4: {  	s0 =	simm.s32 @!p0 $0x5  }
0x9d5: {  	_ =	swait.ge @!p0 [sflag:s0], s1  }
0x9d6: {  	s1 =	ssub.s32 @!p0 $0x0, s1;
	[sflag:s0] =	ssyncset.done @!p0 $0x0  }
0x9d7: {  	[sflag:s0] =	ssyncadd.s32 @!p0 s1  }
0x9d8: {  	[bflag:$0x3] =	sbarrier.arrive $0xFFFF  }
0x9d9: {  	_ =	shalt  }

</sc_bundles>
